<compile_context>
chip_gen: v7x
topology: tpu7x:2x2x1
jax: 0.10.2.dev20260603
libtpu: 0.0.44.dev20260713+nightly
codegen_flags: <defaults>
</compile_context>

<pallas_src>
import functools

import jax
import jax.numpy as jnp
from jax import lax
from jax.experimental import pallas as pl
from jax.experimental.pallas import tpu as pltpu
from jax.experimental.pallas import tpu_sc as plsc

N_NODES = 10000
NOUT = 64

NUM_CORES = 2
NUM_SUBCORES = 16
NH = NOUT // NUM_CORES
CHUNK = 128
N_PAD = 10240
ROWS_PER_TILE = N_PAD // NUM_SUBCORES
WB = 128
NBUF = 4


def _dense_z(x, W1, b1, W2):
    def body(x_ref, w1_ref, b1_ref, w2_ref, z_ref):
        m = jnp.dot(w1_ref[...], w2_ref[...], preferred_element_type=jnp.float32)
        v = jnp.dot(b1_ref[...], w2_ref[...], preferred_element_type=jnp.float32)
        res = jnp.dot(x_ref[...], m, preferred_element_type=jnp.float32) + v
        z_ref[0, :N_NODES] = res[:, :NH]
        z_ref[1, :N_NODES] = res[:, NH:]

    return pl.pallas_call(
        body,
        out_shape=jax.ShapeDtypeStruct((NUM_CORES, N_PAD, NH), jnp.float32),
    )(x, W1, b1.reshape(1, -1), W2)


def _sc_segsum(z, src_r, dst_r, w_r, nchunk):
    mesh = plsc.VectorSubcoreMesh(core_axis_name="c", subcore_axis_name="s")
    assert nchunk % NBUF == 0

    @functools.partial(
        pl.kernel,
        out_type=jax.ShapeDtypeStruct((NUM_CORES, N_PAD, NH), jnp.float32),
        mesh=mesh,
        scratch_types=[
            pltpu.VMEM((nchunk, CHUNK), jnp.int32),
            pltpu.VMEM((nchunk, CHUNK), jnp.int32),
            pltpu.VMEM((nchunk, CHUNK), jnp.float32),
            pltpu.VMEM((NBUF, CHUNK, NH), jnp.float32),
            pltpu.VMEM((WB, NH), jnp.float32),
            pltpu.VMEM_SHARED((N_PAD, NH), jnp.float32),
            pltpu.VMEM_SHARED((N_PAD, NH), jnp.float32),
            [pltpu.SemaphoreType.DMA] * NBUF,
            [pltpu.SemaphoreType.DMA] * NBUF,
        ],
        compiler_params=pltpu.CompilerParams(use_tc_tiling_on_sc=False),
    )
    def k(z_hbm, src_hbm, dst_hbm, w_hbm, out_hbm,
          src_v, dst_v, w_v, rows_v, zero_v, acc_sh, z_sh, gsems, ssems):
        cid = lax.axis_index("c")
        sid = lax.axis_index("s")

        @pl.loop(0, WB)
        def _zero_rows(i):
            for g in range(NH // 16):
                zero_v[i, pl.ds(g * 16, 16)] = jnp.zeros((16,), jnp.float32)

        row0 = sid * ROWS_PER_TILE
        for r in range(ROWS_PER_TILE // WB):
            pltpu.sync_copy(zero_v, acc_sh.at[pl.ds(row0 + r * WB, WB)])
        sl0 = pl.ds(row0, ROWS_PER_TILE)
        pltpu.sync_copy(z_hbm.at[cid, sl0], z_sh.at[sl0])
        plsc.subcore_barrier()

        pltpu.sync_copy(src_hbm.at[sid], src_v)
        pltpu.sync_copy(dst_hbm.at[sid], dst_v)
        pltpu.sync_copy(w_hbm.at[sid], w_v)

        for b in range(NBUF - 1):
            pltpu.async_copy(z_sh.at[src_v.at[b]], rows_v.at[b], gsems[b])

        ngroups = nchunk // NBUF

        @pl.loop(0, ngroups)
        def _groups(g):
            for b in range(NBUF):
                j = g * NBUF + b
                buf = rows_v.at[b]
                pltpu.make_async_copy(z_sh.at[src_v.at[j]], buf, gsems[b]).wait()

                @pl.loop(0, CHUNK // 16)
                def _scale(eg):
                    wv = w_v[j, pl.ds(eg * 16, 16)]
                    for l in range(16):
                        ws = wv[l]
                        e = eg * 16 + l
                        for gg in range(NH // 16):
                            sl = pl.ds(gg * 16, 16)
                            buf[e, sl] = buf[e, sl] * ws

                pltpu.async_copy(buf, acc_sh.at[dst_v.at[j]], ssems[b],
                                 add=True)

                jn = j + NBUF - 1
                bn = (b + NBUF - 1) % NBUF

                def _recycle():
                    pltpu.make_async_copy(
                        rows_v.at[bn], acc_sh.at[dst_v.at[jn - NBUF]],
                        ssems[bn]).wait()
                    pltpu.async_copy(z_sh.at[src_v.at[jn]], rows_v.at[bn],
                                     gsems[bn])

                if b == 0:
                    @pl.when(g > 0)
                    def _():
                        _recycle()

                    @pl.when(g == 0)
                    def _():
                        pltpu.async_copy(z_sh.at[src_v.at[jn]],
                                        rows_v.at[bn], gsems[bn])
                else:
                    @pl.when(g < ngroups - 1)
                    def _():
                        _recycle()

        for b in range(NBUF):
            j = nchunk - NBUF + b
            pltpu.make_async_copy(rows_v.at[b], acc_sh.at[dst_v.at[j]],
                                  ssems[b]).wait()
        plsc.subcore_barrier()
        for r in range(ROWS_PER_TILE // WB):
            sl = pl.ds(row0 + r * WB, WB)
            pltpu.sync_copy(acc_sh.at[sl], out_hbm.at[cid, sl])

    return k(z, src_r, dst_r, w_r)


def _combine(acc, b2):
    def body(a_ref, b2_ref, o_ref):
        o_ref[...] = jnp.concatenate(
            [a_ref[0, :N_NODES], a_ref[1, :N_NODES]], axis=1) + b2_ref[...]

    return pl.pallas_call(
        body,
        out_shape=jax.ShapeDtypeStruct((N_NODES, NOUT), jnp.float32),
    )(acc, b2.reshape(1, -1))


def kernel(x, edge_index, edge_weight, W1, b1, W2, b2):
    e = edge_weight.shape[0]
    per_tile = -(-e // (NUM_SUBCORES * CHUNK * NBUF)) * (CHUNK * NBUF)
    pad = per_tile * NUM_SUBCORES - e
    src = edge_index[1].astype(jnp.int32)
    dst = edge_index[0].astype(jnp.int32)
    w = edge_weight.astype(jnp.float32)
    if pad:
        src = jnp.concatenate([src, jnp.zeros((pad,), jnp.int32)])
        dst = jnp.concatenate([dst, jnp.zeros((pad,), jnp.int32)])
        w = jnp.concatenate([w, jnp.zeros((pad,), jnp.float32)])
    nchunk = per_tile // CHUNK
    src_r = src.reshape(NUM_SUBCORES, nchunk, CHUNK)
    dst_r = dst.reshape(NUM_SUBCORES, nchunk, CHUNK)
    w_r = w.reshape(NUM_SUBCORES, nchunk, CHUNK)

    z = _dense_z(x, W1, b1, W2)
    acc = _sc_segsum(z, src_r, dst_r, w_r, nchunk)
    return _combine(acc, b2)

# --- scband reference (transcript-rebuilt; emitter-appended) ---
"""Pipeline reference for scband-scalar-sgc-3135326126432 (READ-ONLY COPY).

The authoritative reference and input builder live on the scoring server;
editing this copy changes nothing except your own understanding.
"""

import jax, jax.numpy as jnp
import numpy as np

N_NODES = 10000
N_EDGES = 320000
NFEAT = 128
NHID = 256
NOUT = 64


def setup_inputs(seed: int = 0) -> dict:
    key = jax.random.key(seed)
    k_x, k_ei, k_ew, k_w1, k_b1, k_w2, k_b2 = jax.random.split(key, 7)
    x = jax.random.normal(k_x, (N_NODES, NFEAT), dtype=jnp.float32)
    edge_index = jax.random.randint(k_ei, (2, N_EDGES), 0, N_NODES, dtype=jnp.int64)
    edge_weight = jax.random.uniform(k_ew, (N_EDGES,), dtype=jnp.float32)
    # Learned params: self.w = Linear(nfeat, nhid); self.linear = Linear(nhid, nout)
    W1 = jax.random.normal(k_w1, (NFEAT, NHID), dtype=jnp.float32) * (1.0 / np.sqrt(NFEAT))
    b1 = jax.random.normal(k_b1, (NHID,), dtype=jnp.float32) * 0.01
    W2 = jax.random.normal(k_w2, (NHID, NOUT), dtype=jnp.float32) * (1.0 / np.sqrt(NHID))
    b2 = jax.random.normal(k_b2, (NOUT,), dtype=jnp.float32) * 0.01
    return {"x": x, "edge_index": edge_index, "edge_weight": edge_weight,
            "W1": W1, "b1": b1, "W2": W2, "b2": b2}


def reference(x, edge_index, edge_weight, W1, b1, W2, b2):
    # x = self.w(x)  -- single Linear since nn_layers == 1
    h = x @ W1 + b1
    # x = torch.spmm(adj_k, x)  -- sparse adj in COO form: adj[dst, src] = edge_weight
    src = edge_index[1]
    dst = edge_index[0]
    msg = h[src] * edge_weight[:, None]
    agg = jax.ops.segment_sum(msg, dst, num_segments=x.shape[0])
    # dropout is identity in eval mode (p=0.0)
    # return self.linear(x)
    out = agg @ W2 + b2
    return out

if __name__ == "__main__":
    import jax
    _d = setup_inputs()
    print(jax.jit(kernel)(*tuple(_d.values())))

</pallas_src>

<mosaic_0001>
#map = affine_map<(d0, d1) -> (0, 0, 0)>
module attributes {stable_mosaic.version = 14 : i64} {
  func.func @k(%arg0: i32, %arg1: i32, %arg2: memref<2x10240x32xf32, #tpu.memory_space<hbm>>, %arg3: memref<16x160x128xi32, #tpu.memory_space<hbm>>, %arg4: memref<16x160x128xi32, #tpu.memory_space<hbm>>, %arg5: memref<16x160x128xf32, #tpu.memory_space<hbm>>, %arg6: memref<2x10240x32xf32, #tpu.memory_space<hbm>>, %arg7: memref<160x128xi32, #tpu.memory_space<vmem>>, %arg8: memref<160x128xi32, #tpu.memory_space<vmem>>, %arg9: memref<160x128xf32, #tpu.memory_space<vmem>>, %arg10: memref<4x128x32xf32, #tpu.memory_space<vmem>>, %arg11: memref<128x32xf32, #tpu.memory_space<vmem>>, %arg12: memref<10240x32xf32, #tpu.memory_space<vmem_shared>>, %arg13: memref<10240x32xf32, #tpu.memory_space<vmem_shared>>, %arg14: memref<!tpu.dma_semaphore, #tpu.memory_space<semaphore_mem>>, %arg15: memref<!tpu.dma_semaphore, #tpu.memory_space<semaphore_mem>>, %arg16: memref<!tpu.dma_semaphore, #tpu.memory_space<semaphore_mem>>, %arg17: memref<!tpu.dma_semaphore, #tpu.memory_space<semaphore_mem>>, %arg18: memref<!tpu.dma_semaphore, #tpu.memory_space<semaphore_mem>>, %arg19: memref<!tpu.dma_semaphore, #tpu.memory_space<semaphore_mem>>, %arg20: memref<!tpu.dma_semaphore, #tpu.memory_space<semaphore_mem>>, %arg21: memref<!tpu.dma_semaphore, #tpu.memory_space<semaphore_mem>>) attributes {dimension_semantics = [#tpu.dimension_semantics<core_parallel>, #tpu.dimension_semantics<subcore_parallel>], iteration_bounds = array<i64: 2, 16>, scalar_prefetch = 0 : i64, scratch_operands = 15 : i64, tpu.core_type = #tpu.core_type<sc_vector_subcore>, window_params = [{transform_indices = #map}, {transform_indices = #map}, {transform_indices = #map}, {transform_indices = #map}, {transform_indices = #map}]} {
    %scan3A = arith.constant 0 : i32
    %scan3A_0 = arith.constant 128 : i32
    %scan3A_1 = arith.addi %scan3A, %scan3A_0 : i32
    %scan3A_2 = arith.constant 1 : i32
    scf.for %scan3A_112 = %scan3A to %scan3A_1 step %scan3A_2  : i32 {
      %mul3A_113 = arith.constant 1 : i32
      %mul3A_114 = arith.muli %scan3A_112, %mul3A_113 : i32
      %add3A_115 = arith.constant 0 : i32
      %add3A_116 = arith.addi %add3A_115, %mul3A_114 : i32
      %broadcast_in_dim3A = arith.constant 0.000000e+00 : f32
      %broadcast_in_dim3A_117 = vector.broadcast %broadcast_in_dim3A : f32 to vector<16xf32>
      %swap3A = arith.index_cast %add3A_116 : i32 to index
      %swap3A_118 = arith.constant 0 : index
      %swap3A_119 = tpu.vector_load %arg11[%swap3A, %swap3A_118] {strides = array<i32>} : memref<128x32xf32, #tpu.memory_space<vmem>>, vector<1x16xf32>,
      %swap3A_120 = vector.shape_cast %swap3A_119 : vector<1x16xf32> to vector<16xf32>
      %swap3A_121 = vector.shape_cast %broadcast_in_dim3A_117 : vector<16xf32> to vector<1x16xf32>
      tpu.vector_store %arg11[%swap3A, %swap3A_118], %swap3A_121 {strides = array<i32>} : memref<128x32xf32, #tpu.memory_space<vmem>>, vector<1x16xf32>,
      %broadcast_in_dim3A_122 = arith.constant 0.000000e+00 : f32
      %broadcast_in_dim3A_123 = vector.broadcast %broadcast_in_dim3A_122 : f32 to vector<16xf32>
      %swap3A_124 = arith.index_cast %add3A_116 : i32 to index
      %swap3A_125 = arith.constant 16 : index
      %swap3A_126 = tpu.vector_load %arg11[%swap3A_124, %swap3A_125] {strides = array<i32>} : memref<128x32xf32, #tpu.memory_space<vmem>>, vector<1x16xf32>,
      %swap3A_127 = vector.shape_cast %swap3A_126 : vector<1x16xf32> to vector<16xf32>
      %swap3A_128 = vector.shape_cast %broadcast_in_dim3A_123 : vector<16xf32> to vector<1x16xf32>
      tpu.vector_store %arg11[%swap3A_124, %swap3A_125], %swap3A_128 {strides = array<i32>} : memref<128x32xf32, #tpu.memory_space<vmem>>, vector<1x16xf32>,
    }
    %scan3A_3 = arith.constant 128 : i32
    %mul3A = arith.constant 640 : i32
    %mul3A_4 = arith.muli %arg1, %mul3A : i32
    %add3A = arith.constant 0 : i32
    %add3A_5 = arith.addi %mul3A_4, %add3A : i32
    "tpu.region"() ({
      %run_scoped3A = tpu.sem_alloc : memref<!tpu.dma_semaphore, #tpu.memory_space<semaphore_mem>>
      %dma_start3A_112 = arith.constant 0 : i32
      %dma_start3A_113 = tpu.memref_slice %arg12[%add3A_5, %dma_start3A_112] : memref<10240x32xf32, #tpu.memory_space<vmem_shared>> -> memref<128x32xf32, #tpu.memory_space<vmem_shared>>
      %dma_start3A_114 = arith.constant 0 : i32
      %dma_start3A_115 = tpu.memref_slice %arg12[%add3A_5, %dma_start3A_114] : memref<10240x32xf32, #tpu.memory_space<vmem_shared>> -> memref<128x32xf32, #tpu.memory_space<vmem_shared>>
      tpu.enqueue_dma source(%arg11 : memref<128x32xf32, #tpu.memory_space<vmem>>) target(%dma_start3A_115 : memref<128x32xf32, #tpu.memory_space<vmem_shared>>) target_semaphore(%run_scoped3A : memref<!tpu.dma_semaphore, #tpu.memory_space<semaphore_mem>>)
      %dma_wait3A_116 = arith.constant 0 : i32
      %dma_wait3A_117 = tpu.memref_slice %arg12[%add3A_5, %dma_wait3A_116] : memref<10240x32xf32, #tpu.memory_space<vmem_shared>> -> memref<128x32xf32, #tpu.memory_space<vmem_shared>>
      %dma_wait3A_118 = arith.constant 0 : i32
      %dma_wait3A_119 = tpu.memref_slice %arg12[%add3A_5, %dma_wait3A_118] : memref<10240x32xf32, #tpu.memory_space<vmem_shared>> -> memref<128x32xf32, #tpu.memory_space<vmem_shared>>
      tpu.wait_dma2 semaphore(%run_scoped3A : memref<!tpu.dma_semaphore, #tpu.memory_space<semaphore_mem>>) src(%arg11 : memref<128x32xf32, #tpu.memory_space<vmem>>) dst(%dma_wait3A_119 : memref<128x32xf32, #tpu.memory_space<vmem_shared>>)
      tpu.yield
    }) : () -> ()
    %add3A_6 = arith.constant 128 : i32
    %add3A_7 = arith.addi %mul3A_4, %add3A_6 : i32
    "tpu.region"() ({
      %run_scoped3A = tpu.sem_alloc : memref<!tpu.dma_semaphore, #tpu.memory_space<semaphore_mem>>
      %dma_start3A_112 = arith.constant 0 : i32
      %dma_start3A_113 = tpu.memref_slice %arg12[%add3A_7, %dma_start3A_112] : memref<10240x32xf32, #tpu.memory_space<vmem_shared>> -> memref<128x32xf32, #tpu.memory_space<vmem_shared>>
      %dma_start3A_114 = arith.constant 0 : i32
      %dma_start3A_115 = tpu.memref_slice %arg12[%add3A_7, %dma_start3A_114] : memref<10240x32xf32, #tpu.memory_space<vmem_shared>> -> memref<128x32xf32, #tpu.memory_space<vmem_shared>>
      tpu.enqueue_dma source(%arg11 : memref<128x32xf32, #tpu.memory_space<vmem>>) target(%dma_start3A_115 : memref<128x32xf32, #tpu.memory_space<vmem_shared>>) target_semaphore(%run_scoped3A : memref<!tpu.dma_semaphore, #tpu.memory_space<semaphore_mem>>)
      %dma_wait3A_116 = arith.constant 0 : i32
      %dma_wait3A_117 = tpu.memref_slice %arg12[%add3A_7, %dma_wait3A_116] : memref<10240x32xf32, #tpu.memory_space<vmem_shared>> -> memref<128x32xf32, #tpu.memory_space<vmem_shared>>
      %dma_wait3A_118 = arith.constant 0 : i32
      %dma_wait3A_119 = tpu.memref_slice %arg12[%add3A_7, %dma_wait3A_118] : memref<10240x32xf32, #tpu.memory_space<vmem_shared>> -> memref<128x32xf32, #tpu.memory_space<vmem_shared>>
      tpu.wait_dma2 semaphore(%run_scoped3A : memref<!tpu.dma_semaphore, #tpu.memory_space<semaphore_mem>>) src(%arg11 : memref<128x32xf32, #tpu.memory_space<vmem>>) dst(%dma_wait3A_119 : memref<128x32xf32, #tpu.memory_space<vmem_shared>>)
      tpu.yield
    }) : () -> ()
    %add3A_8 = arith.constant 256 : i32
    %add3A_9 = arith.addi %mul3A_4, %add3A_8 : i32
    "tpu.region"() ({
      %run_scoped3A = tpu.sem_alloc : memref<!tpu.dma_semaphore, #tpu.memory_space<semaphore_mem>>
      %dma_start3A_112 = arith.constant 0 : i32
      %dma_start3A_113 = tpu.memref_slice %arg12[%add3A_9, %dma_start3A_112] : memref<10240x32xf32, #tpu.memory_space<vmem_shared>> -> memref<128x32xf32, #tpu.memory_space<vmem_shared>>
      %dma_start3A_114 = arith.constant 0 : i32
      %dma_start3A_115 = tpu.memref_slice %arg12[%add3A_9, %dma_start3A_114] : memref<10240x32xf32, #tpu.memory_space<vmem_shared>> -> memref<128x32xf32, #tpu.memory_space<vmem_shared>>
      tpu.enqueue_dma source(%arg11 : memref<128x32xf32, #tpu.memory_space<vmem>>) target(%dma_start3A_115 : memref<128x32xf32, #tpu.memory_space<vmem_shared>>) target_semaphore(%run_scoped3A : memref<!tpu.dma_semaphore, #tpu.memory_space<semaphore_mem>>)
      %dma_wait3A_116 = arith.constant 0 : i32
      %dma_wait3A_117 = tpu.memref_slice %arg12[%add3A_9, %dma_wait3A_116] : memref<10240x32xf32, #tpu.memory_space<vmem_shared>> -> memref<128x32xf32, #tpu.memory_space<vmem_shared>>
      %dma_wait3A_118 = arith.constant 0 : i32
      %dma_wait3A_119 = tpu.memref_slice %arg12[%add3A_9, %dma_wait3A_118] : memref<10240x32xf32, #tpu.memory_space<vmem_shared>> -> memref<128x32xf32, #tpu.memory_space<vmem_shared>>
      tpu.wait_dma2 semaphore(%run_scoped3A : memref<!tpu.dma_semaphore, #tpu.memory_space<semaphore_mem>>) src(%arg11 : memref<128x32xf32, #tpu.memory_space<vmem>>) dst(%dma_wait3A_119 : memref<128x32xf32, #tpu.memory_space<vmem_shared>>)
      tpu.yield
    }) : () -> ()
    %add3A_10 = arith.constant 384 : i32
    %add3A_11 = arith.addi %mul3A_4, %add3A_10 : i32
    "tpu.region"() ({
      %run_scoped3A = tpu.sem_alloc : memref<!tpu.dma_semaphore, #tpu.memory_space<semaphore_mem>>
      %dma_start3A_112 = arith.constant 0 : i32
      %dma_start3A_113 = tpu.memref_slice %arg12[%add3A_11, %dma_start3A_112] : memref<10240x32xf32, #tpu.memory_space<vmem_shared>> -> memref<128x32xf32, #tpu.memory_space<vmem_shared>>
      %dma_start3A_114 = arith.constant 0 : i32
      %dma_start3A_115 = tpu.memref_slice %arg12[%add3A_11, %dma_start3A_114] : memref<10240x32xf32, #tpu.memory_space<vmem_shared>> -> memref<128x32xf32, #tpu.memory_space<vmem_shared>>
      tpu.enqueue_dma source(%arg11 : memref<128x32xf32, #tpu.memory_space<vmem>>) target(%dma_start3A_115 : memref<128x32xf32, #tpu.memory_space<vmem_shared>>) target_semaphore(%run_scoped3A : memref<!tpu.dma_semaphore, #tpu.memory_space<semaphore_mem>>)
      %dma_wait3A_116 = arith.constant 0 : i32
      %dma_wait3A_117 = tpu.memref_slice %arg12[%add3A_11, %dma_wait3A_116] : memref<10240x32xf32, #tpu.memory_space<vmem_shared>> -> memref<128x32xf32, #tpu.memory_space<vmem_shared>>
      %dma_wait3A_118 = arith.constant 0 : i32
      %dma_wait3A_119 = tpu.memref_slice %arg12[%add3A_11, %dma_wait3A_118] : memref<10240x32xf32, #tpu.memory_space<vmem_shared>> -> memref<128x32xf32, #tpu.memory_space<vmem_shared>>
      tpu.wait_dma2 semaphore(%run_scoped3A : memref<!tpu.dma_semaphore, #tpu.memory_space<semaphore_mem>>) src(%arg11 : memref<128x32xf32, #tpu.memory_space<vmem>>) dst(%dma_wait3A_119 : memref<128x32xf32, #tpu.memory_space<vmem_shared>>)
      tpu.yield
    }) : () -> ()
    %add3A_12 = arith.constant 512 : i32
    %add3A_13 = arith.addi %mul3A_4, %add3A_12 : i32
    "tpu.region"() ({
      %run_scoped3A = tpu.sem_alloc : memref<!tpu.dma_semaphore, #tpu.memory_space<semaphore_mem>>
      %dma_start3A_112 = arith.constant 0 : i32
      %dma_start3A_113 = tpu.memref_slice %arg12[%add3A_13, %dma_start3A_112] : memref<10240x32xf32, #tpu.memory_space<vmem_shared>> -> memref<128x32xf32, #tpu.memory_space<vmem_shared>>
      %dma_start3A_114 = arith.constant 0 : i32
      %dma_start3A_115 = tpu.memref_slice %arg12[%add3A_13, %dma_start3A_114] : memref<10240x32xf32, #tpu.memory_space<vmem_shared>> -> memref<128x32xf32, #tpu.memory_space<vmem_shared>>
      tpu.enqueue_dma source(%arg11 : memref<128x32xf32, #tpu.memory_space<vmem>>) target(%dma_start3A_115 : memref<128x32xf32, #tpu.memory_space<vmem_shared>>) target_semaphore(%run_scoped3A : memref<!tpu.dma_semaphore, #tpu.memory_space<semaphore_mem>>)
      %dma_wait3A_116 = arith.constant 0 : i32
      %dma_wait3A_117 = tpu.memref_slice %arg12[%add3A_13, %dma_wait3A_116] : memref<10240x32xf32, #tpu.memory_space<vmem_shared>> -> memref<128x32xf32, #tpu.memory_space<vmem_shared>>
      %dma_wait3A_118 = arith.constant 0 : i32
      %dma_wait3A_119 = tpu.memref_slice %arg12[%add3A_13, %dma_wait3A_118] : memref<10240x32xf32, #tpu.memory_space<vmem_shared>> -> memref<128x32xf32, #tpu.memory_space<vmem_shared>>
      tpu.wait_dma2 semaphore(%run_scoped3A : memref<!tpu.dma_semaphore, #tpu.memory_space<semaphore_mem>>) src(%arg11 : memref<128x32xf32, #tpu.memory_space<vmem>>) dst(%dma_wait3A_119 : memref<128x32xf32, #tpu.memory_space<vmem_shared>>)
      tpu.yield
    }) : () -> ()
    "tpu.region"() ({
      %run_scoped3A = tpu.sem_alloc : memref<!tpu.dma_semaphore, #tpu.memory_space<semaphore_mem>>
      %dma_start3A_112 = arith.constant 0 : i32
      %dma_start3A_113 = tpu.memref_slice %arg13[%mul3A_4, %dma_start3A_112] : memref<10240x32xf32, #tpu.memory_space<vmem_shared>> -> memref<640x32xf32, #tpu.memory_space<vmem_shared>>
      %dma_start3A_114 = arith.constant 0 : i32
      %dma_start3A_115 = tpu.memref_slice %arg2[%arg0, %mul3A_4, %dma_start3A_114] : memref<2x10240x32xf32, #tpu.memory_space<hbm>> -> memref<1x640x32xf32, #tpu.memory_space<hbm>>
      %dma_start3A_116 = tpu.memref_squeeze %dma_start3A_115 : memref<1x640x32xf32, #tpu.memory_space<hbm>> -> memref<640x32xf32, #tpu.memory_space<hbm>>
      tpu.enqueue_dma source(%dma_start3A_116 : memref<640x32xf32, #tpu.memory_space<hbm>>) target(%dma_start3A_113 : memref<640x32xf32, #tpu.memory_space<vmem_shared>>) target_semaphore(%run_scoped3A : memref<!tpu.dma_semaphore, #tpu.memory_space<semaphore_mem>>)
      %dma_wait3A_117 = arith.constant 0 : i32
      %dma_wait3A_118 = tpu.memref_slice %arg13[%mul3A_4, %dma_wait3A_117] : memref<10240x32xf32, #tpu.memory_space<vmem_shared>> -> memref<640x32xf32, #tpu.memory_space<vmem_shared>>
      %dma_wait3A_119 = arith.constant 0 : i32
      %dma_wait3A_120 = tpu.memref_slice %arg2[%arg0, %mul3A_4, %dma_wait3A_119] : memref<2x10240x32xf32, #tpu.memory_space<hbm>> -> memref<1x640x32xf32, #tpu.memory_space<hbm>>
      %dma_wait3A_121 = tpu.memref_squeeze %dma_wait3A_120 : memref<1x640x32xf32, #tpu.memory_space<hbm>> -> memref<640x32xf32, #tpu.memory_space<hbm>>
      tpu.wait_dma2 semaphore(%run_scoped3A : memref<!tpu.dma_semaphore, #tpu.memory_space<semaphore_mem>>) src(%dma_wait3A_121 : memref<640x32xf32, #tpu.memory_space<hbm>>) dst(%dma_wait3A_118 : memref<640x32xf32, #tpu.memory_space<vmem_shared>>)
      tpu.yield
    }) : () -> ()
    %barrier3A = arith.constant 0 : index
    tpu.barrier barrier_id(%barrier3A)
    "tpu.region"() ({
      %run_scoped3A = tpu.sem_alloc : memref<!tpu.dma_semaphore, #tpu.memory_space<semaphore_mem>>
      %dma_start3A_112 = arith.constant 0 : i32
      %dma_start3A_113 = arith.constant 0 : i32
      %dma_start3A_114 = tpu.memref_slice %arg3[%arg1, %dma_start3A_112, %dma_start3A_113] : memref<16x160x128xi32, #tpu.memory_space<hbm>> -> memref<1x160x128xi32, #tpu.memory_space<hbm>>
      %dma_start3A_115 = tpu.memref_squeeze %dma_start3A_114 : memref<1x160x128xi32, #tpu.memory_space<hbm>> -> memref<160x128xi32, #tpu.memory_space<hbm>>
      %dma_start3A_116 = arith.constant 0 : i32
      %dma_start3A_117 = arith.constant 0 : i32
      %dma_start3A_118 = tpu.memref_slice %arg3[%arg1, %dma_start3A_116, %dma_start3A_117] : memref<16x160x128xi32, #tpu.memory_space<hbm>> -> memref<1x160x128xi32, #tpu.memory_space<hbm>>
      %dma_start3A_119 = tpu.memref_squeeze %dma_start3A_118 : memref<1x160x128xi32, #tpu.memory_space<hbm>> -> memref<160x128xi32, #tpu.memory_space<hbm>>
      tpu.enqueue_dma source(%dma_start3A_119 : memref<160x128xi32, #tpu.memory_space<hbm>>) target(%arg7 : memref<160x128xi32, #tpu.memory_space<vmem>>) target_semaphore(%run_scoped3A : memref<!tpu.dma_semaphore, #tpu.memory_space<semaphore_mem>>)
      %dma_wait3A_120 = arith.constant 0 : i32
      %dma_wait3A_121 = arith.constant 0 : i32
      %dma_wait3A_122 = tpu.memref_slice %arg3[%arg1, %dma_wait3A_120, %dma_wait3A_121] : memref<16x160x128xi32, #tpu.memory_space<hbm>> -> memref<1x160x128xi32, #tpu.memory_space<hbm>>
      %dma_wait3A_123 = tpu.memref_squeeze %dma_wait3A_122 : memref<1x160x128xi32, #tpu.memory_space<hbm>> -> memref<160x128xi32, #tpu.memory_space<hbm>>
      %dma_wait3A_124 = arith.constant 0 : i32
      %dma_wait3A_125 = arith.constant 0 : i32
      %dma_wait3A_126 = tpu.memref_slice %arg3[%arg1, %dma_wait3A_124, %dma_wait3A_125] : memref<16x160x128xi32, #tpu.memory_space<hbm>> -> memref<1x160x128xi32, #tpu.memory_space<hbm>>
      %dma_wait3A_127 = tpu.memref_squeeze %dma_wait3A_126 : memref<1x160x128xi32, #tpu.memory_space<hbm>> -> memref<160x128xi32, #tpu.memory_space<hbm>>
      tpu.wait_dma2 semaphore(%run_scoped3A : memref<!tpu.dma_semaphore, #tpu.memory_space<semaphore_mem>>) src(%dma_wait3A_127 : memref<160x128xi32, #tpu.memory_space<hbm>>) dst(%arg7 : memref<160x128xi32, #tpu.memory_space<vmem>>)
      tpu.yield
    }) : () -> ()
    "tpu.region"() ({
      %run_scoped3A = tpu.sem_alloc : memref<!tpu.dma_semaphore, #tpu.memory_space<semaphore_mem>>
      %dma_start3A_112 = arith.constant 0 : i32
      %dma_start3A_113 = arith.constant 0 : i32
      %dma_start3A_114 = tpu.memref_slice %arg4[%arg1, %dma_start3A_112, %dma_start3A_113] : memref<16x160x128xi32, #tpu.memory_space<hbm>> -> memref<1x160x128xi32, #tpu.memory_space<hbm>>
      %dma_start3A_115 = tpu.memref_squeeze %dma_start3A_114 : memref<1x160x128xi32, #tpu.memory_space<hbm>> -> memref<160x128xi32, #tpu.memory_space<hbm>>
      %dma_start3A_116 = arith.constant 0 : i32
      %dma_start3A_117 = arith.constant 0 : i32
      %dma_start3A_118 = tpu.memref_slice %arg4[%arg1, %dma_start3A_116, %dma_start3A_117] : memref<16x160x128xi32, #tpu.memory_space<hbm>> -> memref<1x160x128xi32, #tpu.memory_space<hbm>>
      %dma_start3A_119 = tpu.memref_squeeze %dma_start3A_118 : memref<1x160x128xi32, #tpu.memory_space<hbm>> -> memref<160x128xi32, #tpu.memory_space<hbm>>
      tpu.enqueue_dma source(%dma_start3A_119 : memref<160x128xi32, #tpu.memory_space<hbm>>) target(%arg8 : memref<160x128xi32, #tpu.memory_space<vmem>>) target_semaphore(%run_scoped3A : memref<!tpu.dma_semaphore, #tpu.memory_space<semaphore_mem>>)
      %dma_wait3A_120 = arith.constant 0 : i32
      %dma_wait3A_121 = arith.constant 0 : i32
      %dma_wait3A_122 = tpu.memref_slice %arg4[%arg1, %dma_wait3A_120, %dma_wait3A_121] : memref<16x160x128xi32, #tpu.memory_space<hbm>> -> memref<1x160x128xi32, #tpu.memory_space<hbm>>
      %dma_wait3A_123 = tpu.memref_squeeze %dma_wait3A_122 : memref<1x160x128xi32, #tpu.memory_space<hbm>> -> memref<160x128xi32, #tpu.memory_space<hbm>>
      %dma_wait3A_124 = arith.constant 0 : i32
      %dma_wait3A_125 = arith.constant 0 : i32
      %dma_wait3A_126 = tpu.memref_slice %arg4[%arg1, %dma_wait3A_124, %dma_wait3A_125] : memref<16x160x128xi32, #tpu.memory_space<hbm>> -> memref<1x160x128xi32, #tpu.memory_space<hbm>>
      %dma_wait3A_127 = tpu.memref_squeeze %dma_wait3A_126 : memref<1x160x128xi32, #tpu.memory_space<hbm>> -> memref<160x128xi32, #tpu.memory_space<hbm>>
      tpu.wait_dma2 semaphore(%run_scoped3A : memref<!tpu.dma_semaphore, #tpu.memory_space<semaphore_mem>>) src(%dma_wait3A_127 : memref<160x128xi32, #tpu.memory_space<hbm>>) dst(%arg8 : memref<160x128xi32, #tpu.memory_space<vmem>>)
      tpu.yield
    }) : () -> ()
    "tpu.region"() ({
      %run_scoped3A = tpu.sem_alloc : memref<!tpu.dma_semaphore, #tpu.memory_space<semaphore_mem>>
      %dma_start3A_112 = arith.constant 0 : i32
      %dma_start3A_113 = arith.constant 0 : i32
      %dma_start3A_114 = tpu.memref_slice %arg5[%arg1, %dma_start3A_112, %dma_start3A_113] : memref<16x160x128xf32, #tpu.memory_space<hbm>> -> memref<1x160x128xf32, #tpu.memory_space<hbm>>
      %dma_start3A_115 = tpu.memref_squeeze %dma_start3A_114 : memref<1x160x128xf32, #tpu.memory_space<hbm>> -> memref<160x128xf32, #tpu.memory_space<hbm>>
      %dma_start3A_116 = arith.constant 0 : i32
      %dma_start3A_117 = arith.constant 0 : i32
      %dma_start3A_118 = tpu.memref_slice %arg5[%arg1, %dma_start3A_116, %dma_start3A_117] : memref<16x160x128xf32, #tpu.memory_space<hbm>> -> memref<1x160x128xf32, #tpu.memory_space<hbm>>
      %dma_start3A_119 = tpu.memref_squeeze %dma_start3A_118 : memref<1x160x128xf32, #tpu.memory_space<hbm>> -> memref<160x128xf32, #tpu.memory_space<hbm>>
      tpu.enqueue_dma source(%dma_start3A_119 : memref<160x128xf32, #tpu.memory_space<hbm>>) target(%arg9 : memref<160x128xf32, #tpu.memory_space<vmem>>) target_semaphore(%run_scoped3A : memref<!tpu.dma_semaphore, #tpu.memory_space<semaphore_mem>>)
      %dma_wait3A_120 = arith.constant 0 : i32
      %dma_wait3A_121 = arith.constant 0 : i32
      %dma_wait3A_122 = tpu.memref_slice %arg5[%arg1, %dma_wait3A_120, %dma_wait3A_121] : memref<16x160x128xf32, #tpu.memory_space<hbm>> -> memref<1x160x128xf32, #tpu.memory_space<hbm>>
      %dma_wait3A_123 = tpu.memref_squeeze %dma_wait3A_122 : memref<1x160x128xf32, #tpu.memory_space<hbm>> -> memref<160x128xf32, #tpu.memory_space<hbm>>
      %dma_wait3A_124 = arith.constant 0 : i32
      %dma_wait3A_125 = arith.constant 0 : i32
      %dma_wait3A_126 = tpu.memref_slice %arg5[%arg1, %dma_wait3A_124, %dma_wait3A_125] : memref<16x160x128xf32, #tpu.memory_space<hbm>> -> memref<1x160x128xf32, #tpu.memory_space<hbm>>
      %dma_wait3A_127 = tpu.memref_squeeze %dma_wait3A_126 : memref<1x160x128xf32, #tpu.memory_space<hbm>> -> memref<160x128xf32, #tpu.memory_space<hbm>>
      tpu.wait_dma2 semaphore(%run_scoped3A : memref<!tpu.dma_semaphore, #tpu.memory_space<semaphore_mem>>) src(%dma_wait3A_127 : memref<160x128xf32, #tpu.memory_space<hbm>>) dst(%arg9 : memref<160x128xf32, #tpu.memory_space<vmem>>)
      tpu.yield
    }) : () -> ()
    %dma_start3A = arith.constant 0 : i32
    %dma_start3A_14 = arith.constant 0 : i32
    %dma_start3A_15 = arith.constant 0 : i32
    %dma_start3A_16 = arith.constant 0 : i32
    %dma_start3A_17 = tpu.memref_slice %arg10[%dma_start3A_14, %dma_start3A_15, %dma_start3A_16] : memref<4x128x32xf32, #tpu.memory_space<vmem>> -> memref<1x128x32xf32, #tpu.memory_space<vmem>>
    %dma_start3A_18 = tpu.memref_squeeze %dma_start3A_17 : memref<1x128x32xf32, #tpu.memory_space<vmem>> -> memref<128x32xf32, #tpu.memory_space<vmem>>
    %dma_start3A_19 = arith.constant 0 : i32
    %dma_start3A_20 = tpu.memref_slice %arg7[%dma_start3A, %dma_start3A_19] : memref<160x128xi32, #tpu.memory_space<vmem>> -> memref<1x128xi32, #tpu.memory_space<vmem>>
    %dma_start3A_21 = tpu.memref_squeeze %dma_start3A_20 : memref<1x128xi32, #tpu.memory_space<vmem>> -> memref<128xi32, #tpu.memory_space<vmem>>
    %dma_start3A_22 = arith.constant 0 : i32
    %dma_start3A_23 = arith.constant 0 : i32
    %dma_start3A_24 = tpu.memref_slice %arg13[%dma_start3A_22, %dma_start3A_23] : memref<10240x32xf32, #tpu.memory_space<vmem_shared>> -> memref<10240x32xf32, #tpu.memory_space<vmem_shared>>
    tpu.enqueue_indirect_dma source(%dma_start3A_24 : memref<10240x32xf32, #tpu.memory_space<vmem_shared>>) target(%dma_start3A_18 : memref<128x32xf32, #tpu.memory_space<vmem>>) offsets(%dma_start3A_21 : memref<128xi32, #tpu.memory_space<vmem>>) semaphore(%arg14 : memref<!tpu.dma_semaphore, #tpu.memory_space<semaphore_mem>>)
    %dma_start3A_25 = arith.constant 1 : i32
    %dma_start3A_26 = arith.constant 1 : i32
    %dma_start3A_27 = arith.constant 0 : i32
    %dma_start3A_28 = arith.constant 0 : i32
    %dma_start3A_29 = tpu.memref_slice %arg10[%dma_start3A_26, %dma_start3A_27, %dma_start3A_28] : memref<4x128x32xf32, #tpu.memory_space<vmem>> -> memref<1x128x32xf32, #tpu.memory_space<vmem>>
    %dma_start3A_30 = tpu.memref_squeeze %dma_start3A_29 : memref<1x128x32xf32, #tpu.memory_space<vmem>> -> memref<128x32xf32, #tpu.memory_space<vmem>>
    %dma_start3A_31 = arith.constant 0 : i32
    %dma_start3A_32 = tpu.memref_slice %arg7[%dma_start3A_25, %dma_start3A_31] : memref<160x128xi32, #tpu.memory_space<vmem>> -> memref<1x128xi32, #tpu.memory_space<vmem>>
    %dma_start3A_33 = tpu.memref_squeeze %dma_start3A_32 : memref<1x128xi32, #tpu.memory_space<vmem>> -> memref<128xi32, #tpu.memory_space<vmem>>
    %dma_start3A_34 = arith.constant 0 : i32
    %dma_start3A_35 = arith.constant 0 : i32
    %dma_start3A_36 = tpu.memref_slice %arg13[%dma_start3A_34, %dma_start3A_35] : memref<10240x32xf32, #tpu.memory_space<vmem_shared>> -> memref<10240x32xf32, #tpu.memory_space<vmem_shared>>
    tpu.enqueue_indirect_dma source(%dma_start3A_36 : memref<10240x32xf32, #tpu.memory_space<vmem_shared>>) target(%dma_start3A_30 : memref<128x32xf32, #tpu.memory_space<vmem>>) offsets(%dma_start3A_33 : memref<128xi32, #tpu.memory_space<vmem>>) semaphore(%arg15 : memref<!tpu.dma_semaphore, #tpu.memory_space<semaphore_mem>>)
    %dma_start3A_37 = arith.constant 2 : i32
    %dma_start3A_38 = arith.constant 2 : i32
    %dma_start3A_39 = arith.constant 0 : i32
    %dma_start3A_40 = arith.constant 0 : i32
    %dma_start3A_41 = tpu.memref_slice %arg10[%dma_start3A_38, %dma_start3A_39, %dma_start3A_40] : memref<4x128x32xf32, #tpu.memory_space<vmem>> -> memref<1x128x32xf32, #tpu.memory_space<vmem>>
    %dma_start3A_42 = tpu.memref_squeeze %dma_start3A_41 : memref<1x128x32xf32, #tpu.memory_space<vmem>> -> memref<128x32xf32, #tpu.memory_space<vmem>>
    %dma_start3A_43 = arith.constant 0 : i32
    %dma_start3A_44 = tpu.memref_slice %arg7[%dma_start3A_37, %dma_start3A_43] : memref<160x128xi32, #tpu.memory_space<vmem>> -> memref<1x128xi32, #tpu.memory_space<vmem>>
    %dma_start3A_45 = tpu.memref_squeeze %dma_start3A_44 : memref<1x128xi32, #tpu.memory_space<vmem>> -> memref<128xi32, #tpu.memory_space<vmem>>
    %dma_start3A_46 = arith.constant 0 : i32
    %dma_start3A_47 = arith.constant 0 : i32
    %dma_start3A_48 = tpu.memref_slice %arg13[%dma_start3A_46, %dma_start3A_47] : memref<10240x32xf32, #tpu.memory_space<vmem_shared>> -> memref<10240x32xf32, #tpu.memory_space<vmem_shared>>
    tpu.enqueue_indirect_dma source(%dma_start3A_48 : memref<10240x32xf32, #tpu.memory_space<vmem_shared>>) target(%dma_start3A_42 : memref<128x32xf32, #tpu.memory_space<vmem>>) offsets(%dma_start3A_45 : memref<128xi32, #tpu.memory_space<vmem>>) semaphore(%arg16 : memref<!tpu.dma_semaphore, #tpu.memory_space<semaphore_mem>>)
    %scan3A_49 = arith.constant 0 : i32
    %scan3A_50 = arith.constant 40 : i32
    %scan3A_51 = arith.addi %scan3A_49, %scan3A_50 : i32
    %scan3A_52 = arith.constant 1 : i32
    scf.for %scan3A_112 = %scan3A_49 to %scan3A_51 step %scan3A_52  : i32 {
      %mul3A_113 = arith.constant 1 : i32
      %mul3A_114 = arith.muli %scan3A_112, %mul3A_113 : i32
      %add3A_115 = arith.constant 0 : i32
      %add3A_116 = arith.addi %add3A_115, %mul3A_114 : i32
      %mul3A_117 = arith.constant 4 : i32
      %mul3A_118 = arith.muli %add3A_116, %mul3A_117 : i32
      %add3A_119 = arith.constant 0 : i32
      %add3A_120 = arith.addi %mul3A_118, %add3A_119 : i32
      %dma_wait3A_121 = arith.constant 0 : i32
      %dma_wait3A_122 = arith.constant 0 : i32
      %dma_wait3A_123 = arith.constant 0 : i32
      %dma_wait3A_124 = tpu.memref_slice %arg10[%dma_wait3A_121, %dma_wait3A_122, %dma_wait3A_123] : memref<4x128x32xf32, #tpu.memory_space<vmem>> -> memref<1x128x32xf32, #tpu.memory_space<vmem>>
      %dma_wait3A_125 = tpu.memref_squeeze %dma_wait3A_124 : memref<1x128x32xf32, #tpu.memory_space<vmem>> -> memref<128x32xf32, #tpu.memory_space<vmem>>
      %dma_wait3A_126 = arith.constant 0 : i32
      %dma_wait3A_127 = tpu.memref_slice %arg7[%add3A_120, %dma_wait3A_126] : memref<160x128xi32, #tpu.memory_space<vmem>> -> memref<1x128xi32, #tpu.memory_space<vmem>>
      %dma_wait3A_128 = tpu.memref_squeeze %dma_wait3A_127 : memref<1x128xi32, #tpu.memory_space<vmem>> -> memref<128xi32, #tpu.memory_space<vmem>>
      %dma_wait3A_129 = arith.constant 0 : i32
      %dma_wait3A_130 = arith.constant 0 : i32
      %dma_wait3A_131 = tpu.memref_slice %arg13[%dma_wait3A_129, %dma_wait3A_130] : memref<10240x32xf32, #tpu.memory_space<vmem_shared>> -> memref<10240x32xf32, #tpu.memory_space<vmem_shared>>
      tpu.wait_indirect_dma semaphore(%arg14 : memref<!tpu.dma_semaphore, #tpu.memory_space<semaphore_mem>>) src(%dma_wait3A_131 : memref<10240x32xf32, #tpu.memory_space<vmem_shared>>) dst(%dma_wait3A_125 : memref<128x32xf32, #tpu.memory_space<vmem>>)
      %scan3A_132 = arith.constant 0 : i32
      %scan3A_133 = arith.constant 0 : i32
      %scan3A_134 = arith.constant 8 : i32
      %scan3A_135 = arith.addi %scan3A_133, %scan3A_134 : i32
      %scan3A_136 = arith.constant 1 : i32
      scf.for %scan3A_280 = %scan3A_133 to %scan3A_135 step %scan3A_136  : i32 {
        %mul3A_281 = arith.constant 1 : i32
        %mul3A_282 = arith.muli %scan3A_280, %mul3A_281 : i32
        %add3A_283 = arith.constant 0 : i32
        %add3A_284 = arith.addi %add3A_283, %mul3A_282 : i32
        %mul3A_285 = arith.constant 16 : i32
        %mul3A_286 = arith.muli %add3A_284, %mul3A_285 : i32
        %get3A = arith.index_cast %add3A_120 : i32 to index
        %get3A_287 = arith.index_cast %mul3A_286 : i32 to index
        %get3A_288 = tpu.vector_load %arg9[%get3A, %get3A_287] {strides = array<i32>} : memref<160x128xf32, #tpu.memory_space<vmem>>, vector<1x16xf32>,
        %get3A_289 = vector.shape_cast %get3A_288 : vector<1x16xf32> to vector<16xf32>
        %slice3A = vector.extract_strided_slice %get3A_289 {offsets = [0], sizes = [1], strides = [1]} : vector<16xf32> to vector<1xf32>
        %squeeze3A = vector.extract %slice3A[0] : f32 from vector<1xf32>
        %mul3A_290 = arith.constant 16 : i32
        %mul3A_291 = arith.muli %add3A_284, %mul3A_290 : i32
        %add3A_292 = arith.constant 0 : i32
        %add3A_293 = arith.addi %mul3A_291, %add3A_292 : i32
        %get3A_294 = arith.constant 0 : i32
        %get3A_295 = arith.constant 0 : i32
        %get3A_296 = tpu.memref_slice %arg10[%scan3A_132, %get3A_294, %get3A_295] : memref<4x128x32xf32, #tpu.memory_space<vmem>> -> memref<1x128x32xf32, #tpu.memory_space<vmem>>
        %get3A_297 = tpu.memref_squeeze %get3A_296 : memref<1x128x32xf32, #tpu.memory_space<vmem>> -> memref<128x32xf32, #tpu.memory_space<vmem>>
        %get3A_298 = arith.index_cast %add3A_293 : i32 to index
        %get3A_299 = arith.constant 0 : index
        %get3A_300 = tpu.vector_load %get3A_297[%get3A_298, %get3A_299] {strides = array<i32>} : memref<128x32xf32, #tpu.memory_space<vmem>>, vector<1x16xf32>,
        %get3A_301 = vector.shape_cast %get3A_300 : vector<1x16xf32> to vector<16xf32>
        %mul3A_302 = vector.broadcast %squeeze3A : f32 to vector<16xf32>
        %mul3A_303 = arith.mulf %get3A_301, %mul3A_302 : vector<16xf32>
        %swap3A = arith.constant 0 : i32
        %swap3A_304 = arith.constant 0 : i32
        %swap3A_305 = tpu.memref_slice %arg10[%scan3A_132, %swap3A, %swap3A_304] : memref<4x128x32xf32, #tpu.memory_space<vmem>> -> memref<1x128x32xf32, #tpu.memory_space<vmem>>
        %swap3A_306 = tpu.memref_squeeze %swap3A_305 : memref<1x128x32xf32, #tpu.memory_space<vmem>> -> memref<128x32xf32, #tpu.memory_space<vmem>>
        %swap3A_307 = arith.index_cast %add3A_293 : i32 to index
        %swap3A_308 = arith.constant 0 : index
        %swap3A_309 = tpu.vector_load %swap3A_306[%swap3A_307, %swap3A_308] {strides = array<i32>} : memref<128x32xf32, #tpu.memory_space<vmem>>, vector<1x16xf32>,
        %swap3A_310 = vector.shape_cast %swap3A_309 : vector<1x16xf32> to vector<16xf32>
        %swap3A_311 = vector.shape_cast %mul3A_303 : vector<16xf32> to vector<1x16xf32>
        tpu.vector_store %swap3A_306[%swap3A_307, %swap3A_308], %swap3A_311 {strides = array<i32>} : memref<128x32xf32, #tpu.memory_space<vmem>>, vector<1x16xf32>,
        %get3A_312 = arith.constant 0 : i32
        %get3A_313 = arith.constant 0 : i32
        %get3A_314 = tpu.memref_slice %arg10[%scan3A_132, %get3A_312, %get3A_313] : memref<4x128x32xf32, #tpu.memory_space<vmem>> -> memref<1x128x32xf32, #tpu.memory_space<vmem>>
        %get3A_315 = tpu.memref_squeeze %get3A_314 : memref<1x128x32xf32, #tpu.memory_space<vmem>> -> memref<128x32xf32, #tpu.memory_space<vmem>>
        %get3A_316 = arith.index_cast %add3A_293 : i32 to index
        %get3A_317 = arith.constant 16 : index
        %get3A_318 = tpu.vector_load %get3A_315[%get3A_316, %get3A_317] {strides = array<i32>} : memref<128x32xf32, #tpu.memory_space<vmem>>, vector<1x16xf32>,
        %get3A_319 = vector.shape_cast %get3A_318 : vector<1x16xf32> to vector<16xf32>
        %mul3A_320 = vector.broadcast %squeeze3A : f32 to vector<16xf32>
        %mul3A_321 = arith.mulf %get3A_319, %mul3A_320 : vector<16xf32>
        %swap3A_322 = arith.constant 0 : i32
        %swap3A_323 = arith.constant 0 : i32
        %swap3A_324 = tpu.memref_slice %arg10[%scan3A_132, %swap3A_322, %swap3A_323] : memref<4x128x32xf32, #tpu.memory_space<vmem>> -> memref<1x128x32xf32, #tpu.memory_space<vmem>>
        %swap3A_325 = tpu.memref_squeeze %swap3A_324 : memref<1x128x32xf32, #tpu.memory_space<vmem>> -> memref<128x32xf32, #tpu.memory_space<vmem>>
        %swap3A_326 = arith.index_cast %add3A_293 : i32 to index
        %swap3A_327 = arith.constant 16 : index
        %swap3A_328 = tpu.vector_load %swap3A_325[%swap3A_326, %swap3A_327] {strides = array<i32>} : memref<128x32xf32, #tpu.memory_space<vmem>>, vector<1x16xf32>,
        %swap3A_329 = vector.shape_cast %swap3A_328 : vector<1x16xf32> to vector<16xf32>
        %swap3A_330 = vector.shape_cast %mul3A_321 : vector<16xf32> to vector<1x16xf32>
        tpu.vector_store %swap3A_325[%swap3A_326, %swap3A_327], %swap3A_330 {strides = array<i32>} : memref<128x32xf32, #tpu.memory_space<vmem>>, vector<1x16xf32>,
        %slice3A_331 = vector.extract_strided_slice %get3A_289 {offsets = [1], sizes = [1], strides = [1]} : vector<16xf32> to vector<1xf32>
        %squeeze3A_332 = vector.extract %slice3A_331[0] : f32 from vector<1xf32>
        %mul3A_333 = arith.constant 16 : i32
        %mul3A_334 = arith.muli %add3A_284, %mul3A_333 : i32
        %add3A_335 = arith.constant 1 : i32
        %add3A_336 = arith.addi %mul3A_334, %add3A_335 : i32
        %get3A_337 = arith.constant 0 : i32
        %get3A_338 = arith.constant 0 : i32
        %get3A_339 = tpu.memref_slice %arg10[%scan3A_132, %get3A_337, %get3A_338] : memref<4x128x32xf32, #tpu.memory_space<vmem>> -> memref<1x128x32xf32, #tpu.memory_space<vmem>>
        %get3A_340 = tpu.memref_squeeze %get3A_339 : memref<1x128x32xf32, #tpu.memory_space<vmem>> -> memref<128x32xf32, #tpu.memory_space<vmem>>
        %get3A_341 = arith.index_cast %add3A_336 : i32 to index
        %get3A_342 = arith.constant 0 : index
        %get3A_343 = tpu.vector_load %get3A_340[%get3A_341, %get3A_342] {strides = array<i32>} : memref<128x32xf32, #tpu.memory_space<vmem>>, vector<1x16xf32>,
        %get3A_344 = vector.shape_cast %get3A_343 : vector<1x16xf32> to vector<16xf32>
        %mul3A_345 = vector.broadcast %squeeze3A_332 : f32 to vector<16xf32>
        %mul3A_346 = arith.mulf %get3A_344, %mul3A_345 : vector<16xf32>
        %swap3A_347 = arith.constant 0 : i32
        %swap3A_348 = arith.constant 0 : i32
        %swap3A_349 = tpu.memref_slice %arg10[%scan3A_132, %swap3A_347, %swap3A_348] : memref<4x128x32xf32, #tpu.memory_space<vmem>> -> memref<1x128x32xf32, #tpu.memory_space<vmem>>
        %swap3A_350 = tpu.memref_squeeze %swap3A_349 : memref<1x128x32xf32, #tpu.memory_space<vmem>> -> memref<128x32xf32, #tpu.memory_space<vmem>>
        %swap3A_351 = arith.index_cast %add3A_336 : i32 to index
        %swap3A_352 = arith.constant 0 : index
        %swap3A_353 = tpu.vector_load %swap3A_350[%swap3A_351, %swap3A_352] {strides = array<i32>} : memref<128x32xf32, #tpu.memory_space<vmem>>, vector<1x16xf32>,
        %swap3A_354 = vector.shape_cast %swap3A_353 : vector<1x16xf32> to vector<16xf32>
        %swap3A_355 = vector.shape_cast %mul3A_346 : vector<16xf32> to vector<1x16xf32>
        tpu.vector_store %swap3A_350[%swap3A_351, %swap3A_352], %swap3A_355 {strides = array<i32>} : memref<128x32xf32, #tpu.memory_space<vmem>>, vector<1x16xf32>,
        %get3A_356 = arith.constant 0 : i32
        %get3A_357 = arith.constant 0 : i32
        %get3A_358 = tpu.memref_slice %arg10[%scan3A_132, %get3A_356, %get3A_357] : memref<4x128x32xf32, #tpu.memory_space<vmem>> -> memref<1x128x32xf32, #tpu.memory_space<vmem>>
        %get3A_359 = tpu.memref_squeeze %get3A_358 : memref<1x128x32xf32, #tpu.memory_space<vmem>> -> memref<128x32xf32, #tpu.memory_space<vmem>>
        %get3A_360 = arith.index_cast %add3A_336 : i32 to index
        %get3A_361 = arith.constant 16 : index
        %get3A_362 = tpu.vector_load %get3A_359[%get3A_360, %get3A_361] {strides = array<i32>} : memref<128x32xf32, #tpu.memory_space<vmem>>, vector<1x16xf32>,
        %get3A_363 = vector.shape_cast %get3A_362 : vector<1x16xf32> to vector<16xf32>
        %mul3A_364 = vector.broadcast %squeeze3A_332 : f32 to vector<16xf32>
        %mul3A_365 = arith.mulf %get3A_363, %mul3A_364 : vector<16xf32>
        %swap3A_366 = arith.constant 0 : i32
        %swap3A_367 = arith.constant 0 : i32
        %swap3A_368 = tpu.memref_slice %arg10[%scan3A_132, %swap3A_366, %swap3A_367] : memref<4x128x32xf32, #tpu.memory_space<vmem>> -> memref<1x128x32xf32, #tpu.memory_space<vmem>>
        %swap3A_369 = tpu.memref_squeeze %swap3A_368 : memref<1x128x32xf32, #tpu.memory_space<vmem>> -> memref<128x32xf32, #tpu.memory_space<vmem>>
        %swap3A_370 = arith.index_cast %add3A_336 : i32 to index
        %swap3A_371 = arith.constant 16 : index
        %swap3A_372 = tpu.vector_load %swap3A_369[%swap3A_370, %swap3A_371] {strides = array<i32>} : memref<128x32xf32, #tpu.memory_space<vmem>>, vector<1x16xf32>,
        %swap3A_373 = vector.shape_cast %swap3A_372 : vector<1x16xf32> to vector<16xf32>
        %swap3A_374 = vector.shape_cast %mul3A_365 : vector<16xf32> to vector<1x16xf32>
        tpu.vector_store %swap3A_369[%swap3A_370, %swap3A_371], %swap3A_374 {strides = array<i32>} : memref<128x32xf32, #tpu.memory_space<vmem>>, vector<1x16xf32>,
        %slice3A_375 = vector.extract_strided_slice %get3A_289 {offsets = [2], sizes = [1], strides = [1]} : vector<16xf32> to vector<1xf32>
        %squeeze3A_376 = vector.extract %slice3A_375[0] : f32 from vector<1xf32>
        %mul3A_377 = arith.constant 16 : i32
        %mul3A_378 = arith.muli %add3A_284, %mul3A_377 : i32
        %add3A_379 = arith.constant 2 : i32
        %add3A_380 = arith.addi %mul3A_378, %add3A_379 : i32
        %get3A_381 = arith.constant 0 : i32
        %get3A_382 = arith.constant 0 : i32
        %get3A_383 = tpu.memref_slice %arg10[%scan3A_132, %get3A_381, %get3A_382] : memref<4x128x32xf32, #tpu.memory_space<vmem>> -> memref<1x128x32xf32, #tpu.memory_space<vmem>>
        %get3A_384 = tpu.memref_squeeze %get3A_383 : memref<1x128x32xf32, #tpu.memory_space<vmem>> -> memref<128x32xf32, #tpu.memory_space<vmem>>
        %get3A_385 = arith.index_cast %add3A_380 : i32 to index
        %get3A_386 = arith.constant 0 : index
        %get3A_387 = tpu.vector_load %get3A_384[%get3A_385, %get3A_386] {strides = array<i32>} : memref<128x32xf32, #tpu.memory_space<vmem>>, vector<1x16xf32>,
        %get3A_388 = vector.shape_cast %get3A_387 : vector<1x16xf32> to vector<16xf32>
        %mul3A_389 = vector.broadcast %squeeze3A_376 : f32 to vector<16xf32>
        %mul3A_390 = arith.mulf %get3A_388, %mul3A_389 : vector<16xf32>
        %swap3A_391 = arith.constant 0 : i32
        %swap3A_392 = arith.constant 0 : i32
        %swap3A_393 = tpu.memref_slice %arg10[%scan3A_132, %swap3A_391, %swap3A_392] : memref<4x128x32xf32, #tpu.memory_space<vmem>> -> memref<1x128x32xf32, #tpu.memory_space<vmem>>
        %swap3A_394 = tpu.memref_squeeze %swap3A_393 : memref<1x128x32xf32, #tpu.memory_space<vmem>> -> memref<128x32xf32, #tpu.memory_space<vmem>>
        %swap3A_395 = arith.index_cast %add3A_380 : i32 to index
        %swap3A_396 = arith.constant 0 : index
        %swap3A_397 = tpu.vector_load %swap3A_394[%swap3A_395, %swap3A_396] {strides = array<i32>} : memref<128x32xf32, #tpu.memory_space<vmem>>, vector<1x16xf32>,
        %swap3A_398 = vector.shape_cast %swap3A_397 : vector<1x16xf32> to vector<16xf32>
        %swap3A_399 = vector.shape_cast %mul3A_390 : vector<16xf32> to vector<1x16xf32>
        tpu.vector_store %swap3A_394[%swap3A_395, %swap3A_396], %swap3A_399 {strides = array<i32>} : memref<128x32xf32, #tpu.memory_space<vmem>>, vector<1x16xf32>,
        %get3A_400 = arith.constant 0 : i32
        %get3A_401 = arith.constant 0 : i32
        %get3A_402 = tpu.memref_slice %arg10[%scan3A_132, %get3A_400, %get3A_401] : memref<4x128x32xf32, #tpu.memory_space<vmem>> -> memref<1x128x32xf32, #tpu.memory_space<vmem>>
        %get3A_403 = tpu.memref_squeeze %get3A_402 : memref<1x128x32xf32, #tpu.memory_space<vmem>> -> memref<128x32xf32, #tpu.memory_space<vmem>>
        %get3A_404 = arith.index_cast %add3A_380 : i32 to index
        %get3A_405 = arith.constant 16 : index
        %get3A_406 = tpu.vector_load %get3A_403[%get3A_404, %get3A_405] {strides = array<i32>} : memref<128x32xf32, #tpu.memory_space<vmem>>, vector<1x16xf32>,
        %get3A_407 = vector.shape_cast %get3A_406 : vector<1x16xf32> to vector<16xf32>
        %mul3A_408 = vector.broadcast %squeeze3A_376 : f32 to vector<16xf32>
        %mul3A_409 = arith.mulf %get3A_407, %mul3A_408 : vector<16xf32>
        %swap3A_410 = arith.constant 0 : i32
        %swap3A_411 = arith.constant 0 : i32
        %swap3A_412 = tpu.memref_slice %arg10[%scan3A_132, %swap3A_410, %swap3A_411] : memref<4x128x32xf32, #tpu.memory_space<vmem>> -> memref<1x128x32xf32, #tpu.memory_space<vmem>>
        %swap3A_413 = tpu.memref_squeeze %swap3A_412 : memref<1x128x32xf32, #tpu.memory_space<vmem>> -> memref<128x32xf32, #tpu.memory_space<vmem>>
        %swap3A_414 = arith.index_cast %add3A_380 : i32 to index
        %swap3A_415 = arith.constant 16 : index
        %swap3A_416 = tpu.vector_load %swap3A_413[%swap3A_414, %swap3A_415] {strides = array<i32>} : memref<128x32xf32, #tpu.memory_space<vmem>>, vector<1x16xf32>,
        %swap3A_417 = vector.shape_cast %swap3A_416 : vector<1x16xf32> to vector<16xf32>
        %swap3A_418 = vector.shape_cast %mul3A_409 : vector<16xf32> to vector<1x16xf32>
        tpu.vector_store %swap3A_413[%swap3A_414, %swap3A_415], %swap3A_418 {strides = array<i32>} : memref<128x32xf32, #tpu.memory_space<vmem>>, vector<1x16xf32>,
        %slice3A_419 = vector.extract_strided_slice %get3A_289 {offsets = [3], sizes = [1], strides = [1]} : vector<16xf32> to vector<1xf32>
        %squeeze3A_420 = vector.extract %slice3A_419[0] : f32 from vector<1xf32>
        %mul3A_421 = arith.constant 16 : i32
        %mul3A_422 = arith.muli %add3A_284, %mul3A_421 : i32
        %add3A_423 = arith.constant 3 : i32
        %add3A_424 = arith.addi %mul3A_422, %add3A_423 : i32
        %get3A_425 = arith.constant 0 : i32
        %get3A_426 = arith.constant 0 : i32
        %get3A_427 = tpu.memref_slice %arg10[%scan3A_132, %get3A_425, %get3A_426] : memref<4x128x32xf32, #tpu.memory_space<vmem>> -> memref<1x128x32xf32, #tpu.memory_space<vmem>>
        %get3A_428 = tpu.memref_squeeze %get3A_427 : memref<1x128x32xf32, #tpu.memory_space<vmem>> -> memref<128x32xf32, #tpu.memory_space<vmem>>
        %get3A_429 = arith.index_cast %add3A_424 : i32 to index
        %get3A_430 = arith.constant 0 : index
        %get3A_431 = tpu.vector_load %get3A_428[%get3A_429, %get3A_430] {strides = array<i32>} : memref<128x32xf32, #tpu.memory_space<vmem>>, vector<1x16xf32>,
        %get3A_432 = vector.shape_cast %get3A_431 : vector<1x16xf32> to vector<16xf32>
        %mul3A_433 = vector.broadcast %squeeze3A_420 : f32 to vector<16xf32>
        %mul3A_434 = arith.mulf %get3A_432, %mul3A_433 : vector<16xf32>
        %swap3A_435 = arith.constant 0 : i32
        %swap3A_436 = arith.constant 0 : i32
        %swap3A_437 = tpu.memref_slice %arg10[%scan3A_132, %swap3A_435, %swap3A_436] : memref<4x128x32xf32, #tpu.memory_space<vmem>> -> memref<1x128x32xf32, #tpu.memory_space<vmem>>
        %swap3A_438 = tpu.memref_squeeze %swap3A_437 : memref<1x128x32xf32, #tpu.memory_space<vmem>> -> memref<128x32xf32, #tpu.memory_space<vmem>>
        %swap3A_439 = arith.index_cast %add3A_424 : i32 to index
        %swap3A_440 = arith.constant 0 : index
        %swap3A_441 = tpu.vector_load %swap3A_438[%swap3A_439, %swap3A_440] {strides = array<i32>} : memref<128x32xf32, #tpu.memory_space<vmem>>, vector<1x16xf32>,
        %swap3A_442 = vector.shape_cast %swap3A_441 : vector<1x16xf32> to vector<16xf32>
        %swap3A_443 = vector.shape_cast %mul3A_434 : vector<16xf32> to vector<1x16xf32>
        tpu.vector_store %swap3A_438[%swap3A_439, %swap3A_440], %swap3A_443 {strides = array<i32>} : memref<128x32xf32, #tpu.memory_space<vmem>>, vector<1x16xf32>,
        %get3A_444 = arith.constant 0 : i32
        %get3A_445 = arith.constant 0 : i32
        %get3A_446 = tpu.memref_slice %arg10[%scan3A_132, %get3A_444, %get3A_445] : memref<4x128x32xf32, #tpu.memory_space<vmem>> -> memref<1x128x32xf32, #tpu.memory_space<vmem>>
        %get3A_447 = tpu.memref_squeeze %get3A_446 : memref<1x128x32xf32, #tpu.memory_space<vmem>> -> memref<128x32xf32, #tpu.memory_space<vmem>>
        %get3A_448 = arith.index_cast %add3A_424 : i32 to index
        %get3A_449 = arith.constant 16 : index
        %get3A_450 = tpu.vector_load %get3A_447[%get3A_448, %get3A_449] {strides = array<i32>} : memref<128x32xf32, #tpu.memory_space<vmem>>, vector<1x16xf32>,
        %get3A_451 = vector.shape_cast %get3A_450 : vector<1x16xf32> to vector<16xf32>
        %mul3A_452 = vector.broadcast %squeeze3A_420 : f32 to vector<16xf32>
        %mul3A_453 = arith.mulf %get3A_451, %mul3A_452 : vector<16xf32>
        %swap3A_454 = arith.constant 0 : i32
        %swap3A_455 = arith.constant 0 : i32
        %swap3A_456 = tpu.memref_slice %arg10[%scan3A_132, %swap3A_454, %swap3A_455] : memref<4x128x32xf32, #tpu.memory_space<vmem>> -> memref<1x128x32xf32, #tpu.memory_space<vmem>>
        %swap3A_457 = tpu.memref_squeeze %swap3A_456 : memref<1x128x32xf32, #tpu.memory_space<vmem>> -> memref<128x32xf32, #tpu.memory_space<vmem>>
        %swap3A_458 = arith.index_cast %add3A_424 : i32 to index
        %swap3A_459 = arith.constant 16 : index
        %swap3A_460 = tpu.vector_load %swap3A_457[%swap3A_458, %swap3A_459] {strides = array<i32>} : memref<128x32xf32, #tpu.memory_space<vmem>>, vector<1x16xf32>,
        %swap3A_461 = vector.shape_cast %swap3A_460 : vector<1x16xf32> to vector<16xf32>
        %swap3A_462 = vector.shape_cast %mul3A_453 : vector<16xf32> to vector<1x16xf32>
        tpu.vector_store %swap3A_457[%swap3A_458, %swap3A_459], %swap3A_462 {strides = array<i32>} : memref<128x32xf32, #tpu.memory_space<vmem>>, vector<1x16xf32>,
        %slice3A_463 = vector.extract_strided_slice %get3A_289 {offsets = [4], sizes = [1], strides = [1]} : vector<16xf32> to vector<1xf32>
        %squeeze3A_464 = vector.extract %slice3A_463[0] : f32 from vector<1xf32>
        %mul3A_465 = arith.constant 16 : i32
        %mul3A_466 = arith.muli %add3A_284, %mul3A_465 : i32
        %add3A_467 = arith.constant 4 : i32
        %add3A_468 = arith.addi %mul3A_466, %add3A_467 : i32
        %get3A_469 = arith.constant 0 : i32
        %get3A_470 = arith.constant 0 : i32
        %get3A_471 = tpu.memref_slice %arg10[%scan3A_132, %get3A_469, %get3A_470] : memref<4x128x32xf32, #tpu.memory_space<vmem>> -> memref<1x128x32xf32, #tpu.memory_space<vmem>>
        %get3A_472 = tpu.memref_squeeze %get3A_471 : memref<1x128x32xf32, #tpu.memory_space<vmem>> -> memref<128x32xf32, #tpu.memory_space<vmem>>
        %get3A_473 = arith.index_cast %add3A_468 : i32 to index
        %get3A_474 = arith.constant 0 : index
        %get3A_475 = tpu.vector_load %get3A_472[%get3A_473, %get3A_474] {strides = array<i32>} : memref<128x32xf32, #tpu.memory_space<vmem>>, vector<1x16xf32>,
        %get3A_476 = vector.shape_cast %get3A_475 : vector<1x16xf32> to vector<16xf32>
        %mul3A_477 = vector.broadcast %squeeze3A_464 : f32 to vector<16xf32>
        %mul3A_478 = arith.mulf %get3A_476, %mul3A_477 : vector<16xf32>
        %swap3A_479 = arith.constant 0 : i32
        %swap3A_480 = arith.constant 0 : i32
        %swap3A_481 = tpu.memref_slice %arg10[%scan3A_132, %swap3A_479, %swap3A_480] : memref<4x128x32xf32, #tpu.memory_space<vmem>> -> memref<1x128x32xf32, #tpu.memory_space<vmem>>
        %swap3A_482 = tpu.memref_squeeze %swap3A_481 : memref<1x128x32xf32, #tpu.memory_space<vmem>> -> memref<128x32xf32, #tpu.memory_space<vmem>>
        %swap3A_483 = arith.index_cast %add3A_468 : i32 to index
        %swap3A_484 = arith.constant 0 : index
        %swap3A_485 = tpu.vector_load %swap3A_482[%swap3A_483, %swap3A_484] {strides = array<i32>} : memref<128x32xf32, #tpu.memory_space<vmem>>, vector<1x16xf32>,
        %swap3A_486 = vector.shape_cast %swap3A_485 : vector<1x16xf32> to vector<16xf32>
        %swap3A_487 = vector.shape_cast %mul3A_478 : vector<16xf32> to vector<1x16xf32>
        tpu.vector_store %swap3A_482[%swap3A_483, %swap3A_484], %swap3A_487 {strides = array<i32>} : memref<128x32xf32, #tpu.memory_space<vmem>>, vector<1x16xf32>,
        %get3A_488 = arith.constant 0 : i32
        %get3A_489 = arith.constant 0 : i32
        %get3A_490 = tpu.memref_slice %arg10[%scan3A_132, %get3A_488, %get3A_489] : memref<4x128x32xf32, #tpu.memory_space<vmem>> -> memref<1x128x32xf32, #tpu.memory_space<vmem>>
        %get3A_491 = tpu.memref_squeeze %get3A_490 : memref<1x128x32xf32, #tpu.memory_space<vmem>> -> memref<128x32xf32, #tpu.memory_space<vmem>>
        %get3A_492 = arith.index_cast %add3A_468 : i32 to index
        %get3A_493 = arith.constant 16 : index
        %get3A_494 = tpu.vector_load %get3A_491[%get3A_492, %get3A_493] {strides = array<i32>} : memref<128x32xf32, #tpu.memory_space<vmem>>, vector<1x16xf32>,
        %get3A_495 = vector.shape_cast %get3A_494 : vector<1x16xf32> to vector<16xf32>
        %mul3A_496 = vector.broadcast %squeeze3A_464 : f32 to vector<16xf32>
        %mul3A_497 = arith.mulf %get3A_495, %mul3A_496 : vector<16xf32>
        %swap3A_498 = arith.constant 0 : i32
        %swap3A_499 = arith.constant 0 : i32
        %swap3A_500 = tpu.memref_slice %arg10[%scan3A_132, %swap3A_498, %swap3A_499] : memref<4x128x32xf32, #tpu.memory_space<vmem>> -> memref<1x128x32xf32, #tpu.memory_space<vmem>>
        %swap3A_501 = tpu.memref_squeeze %swap3A_500 : memref<1x128x32xf32, #tpu.memory_space<vmem>> -> memref<128x32xf32, #tpu.memory_space<vmem>>
        %swap3A_502 = arith.index_cast %add3A_468 : i32 to index
        %swap3A_503 = arith.constant 16 : index
        %swap3A_504 = tpu.vector_load %swap3A_501[%swap3A_502, %swap3A_503] {strides = array<i32>} : memref<128x32xf32, #tpu.memory_space<vmem>>, vector<1x16xf32>,
        %swap3A_505 = vector.shape_cast %swap3A_504 : vector<1x16xf32> to vector<16xf32>
        %swap3A_506 = vector.shape_cast %mul3A_497 : vector<16xf32> to vector<1x16xf32>
        tpu.vector_store %swap3A_501[%swap3A_502, %swap3A_503], %swap3A_506 {strides = array<i32>} : memref<128x32xf32, #tpu.memory_space<vmem>>, vector<1x16xf32>,
        %slice3A_507 = vector.extract_strided_slice %get3A_289 {offsets = [5], sizes = [1], strides = [1]} : vector<16xf32> to vector<1xf32>
        %squeeze3A_508 = vector.extract %slice3A_507[0] : f32 from vector<1xf32>
        %mul3A_509 = arith.constant 16 : i32
        %mul3A_510 = arith.muli %add3A_284, %mul3A_509 : i32
        %add3A_511 = arith.constant 5 : i32
        %add3A_512 = arith.addi %mul3A_510, %add3A_511 : i32
        %get3A_513 = arith.constant 0 : i32
        %get3A_514 = arith.constant 0 : i32
        %get3A_515 = tpu.memref_slice %arg10[%scan3A_132, %get3A_513, %get3A_514] : memref<4x128x32xf32, #tpu.memory_space<vmem>> -> memref<1x128x32xf32, #tpu.memory_space<vmem>>
        %get3A_516 = tpu.memref_squeeze %get3A_515 : memref<1x128x32xf32, #tpu.memory_space<vmem>> -> memref<128x32xf32, #tpu.memory_space<vmem>>
        %get3A_517 = arith.index_cast %add3A_512 : i32 to index
        %get3A_518 = arith.constant 0 : index
        %get3A_519 = tpu.vector_load %get3A_516[%get3A_517, %get3A_518] {strides = array<i32>} : memref<128x32xf32, #tpu.memory_space<vmem>>, vector<1x16xf32>,
        %get3A_520 = vector.shape_cast %get3A_519 : vector<1x16xf32> to vector<16xf32>
        %mul3A_521 = vector.broadcast %squeeze3A_508 : f32 to vector<16xf32>
        %mul3A_522 = arith.mulf %get3A_520, %mul3A_521 : vector<16xf32>
        %swap3A_523 = arith.constant 0 : i32
        %swap3A_524 = arith.constant 0 : i32
        %swap3A_525 = tpu.memref_slice %arg10[%scan3A_132, %swap3A_523, %swap3A_524] : memref<4x128x32xf32, #tpu.memory_space<vmem>> -> memref<1x128x32xf32, #tpu.memory_space<vmem>>
        %swap3A_526 = tpu.memref_squeeze %swap3A_525 : memref<1x128x32xf32, #tpu.memory_space<vmem>> -> memref<128x32xf32, #tpu.memory_space<vmem>>
        %swap3A_527 = arith.index_cast %add3A_512 : i32 to index
        %swap3A_528 = arith.constant 0 : index
        %swap3A_529 = tpu.vector_load %swap3A_526[%swap3A_527, %swap3A_528] {strides = array<i32>} : memref<128x32xf32, #tpu.memory_space<vmem>>, vector<1x16xf32>,
        %swap3A_530 = vector.shape_cast %swap3A_529 : vector<1x16xf32> to vector<16xf32>
        %swap3A_531 = vector.shape_cast %mul3A_522 : vector<16xf32> to vector<1x16xf32>
        tpu.vector_store %swap3A_526[%swap3A_527, %swap3A_528], %swap3A_531 {strides = array<i32>} : memref<128x32xf32, #tpu.memory_space<vmem>>, vector<1x16xf32>,
        %get3A_532 = arith.constant 0 : i32
        %get3A_533 = arith.constant 0 : i32
        %get3A_534 = tpu.memref_slice %arg10[%scan3A_132, %get3A_532, %get3A_533] : memref<4x128x32xf32, #tpu.memory_space<vmem>> -> memref<1x128x32xf32, #tpu.memory_space<vmem>>
        %get3A_535 = tpu.memref_squeeze %get3A_534 : memref<1x128x32xf32, #tpu.memory_space<vmem>> -> memref<128x32xf32, #tpu.memory_space<vmem>>
        %get3A_536 = arith.index_cast %add3A_512 : i32 to index
        %get3A_537 = arith.constant 16 : index
        %get3A_538 = tpu.vector_load %get3A_535[%get3A_536, %get3A_537] {strides = array<i32>} : memref<128x32xf32, #tpu.memory_space<vmem>>, vector<1x16xf32>,
        %get3A_539 = vector.shape_cast %get3A_538 : vector<1x16xf32> to vector<16xf32>
        %mul3A_540 = vector.broadcast %squeeze3A_508 : f32 to vector<16xf32>
        %mul3A_541 = arith.mulf %get3A_539, %mul3A_540 : vector<16xf32>
        %swap3A_542 = arith.constant 0 : i32
        %swap3A_543 = arith.constant 0 : i32
        %swap3A_544 = tpu.memref_slice %arg10[%scan3A_132, %swap3A_542, %swap3A_543] : memref<4x128x32xf32, #tpu.memory_space<vmem>> -> memref<1x128x32xf32, #tpu.memory_space<vmem>>
        %swap3A_545 = tpu.memref_squeeze %swap3A_544 : memref<1x128x32xf32, #tpu.memory_space<vmem>> -> memref<128x32xf32, #tpu.memory_space<vmem>>
        %swap3A_546 = arith.index_cast %add3A_512 : i32 to index
        %swap3A_547 = arith.constant 16 : index
        %swap3A_548 = tpu.vector_load %swap3A_545[%swap3A_546, %swap3A_547] {strides = array<i32>} : memref<128x32xf32, #tpu.memory_space<vmem>>, vector<1x16xf32>,
        %swap3A_549 = vector.shape_cast %swap3A_548 : vector<1x16xf32> to vector<16xf32>
        %swap3A_550 = vector.shape_cast %mul3A_541 : vector<16xf32> to vector<1x16xf32>
        tpu.vector_store %swap3A_545[%swap3A_546, %swap3A_547], %swap3A_550 {strides = array<i32>} : memref<128x32xf32, #tpu.memory_space<vmem>>, vector<1x16xf32>,
        %slice3A_551 = vector.extract_strided_slice %get3A_289 {offsets = [6], sizes = [1], strides = [1]} : vector<16xf32> to vector<1xf32>
        %squeeze3A_552 = vector.extract %slice3A_551[0] : f32 from vector<1xf32>
        %mul3A_553 = arith.constant 16 : i32
        %mul3A_554 = arith.muli %add3A_284, %mul3A_553 : i32
        %add3A_555 = arith.constant 6 : i32
        %add3A_556 = arith.addi %mul3A_554, %add3A_555 : i32
        %get3A_557 = arith.constant 0 : i32
        %get3A_558 = arith.constant 0 : i32
        %get3A_559 = tpu.memref_slice %arg10[%scan3A_132, %get3A_557, %get3A_558] : memref<4x128x32xf32, #tpu.memory_space<vmem>> -> memref<1x128x32xf32, #tpu.memory_space<vmem>>
        %get3A_560 = tpu.memref_squeeze %get3A_559 : memref<1x128x32xf32, #tpu.memory_space<vmem>> -> memref<128x32xf32, #tpu.memory_space<vmem>>
        %get3A_561 = arith.index_cast %add3A_556 : i32 to index
        %get3A_562 = arith.constant 0 : index
        %get3A_563 = tpu.vector_load %get3A_560[%get3A_561, %get3A_562] {strides = array<i32>} : memref<128x32xf32, #tpu.memory_space<vmem>>, vector<1x16xf32>,
        %get3A_564 = vector.shape_cast %get3A_563 : vector<1x16xf32> to vector<16xf32>
        %mul3A_565 = vector.broadcast %squeeze3A_552 : f32 to vector<16xf32>
        %mul3A_566 = arith.mulf %get3A_564, %mul3A_565 : vector<16xf32>
        %swap3A_567 = arith.constant 0 : i32
        %swap3A_568 = arith.constant 0 : i32
        %swap3A_569 = tpu.memref_slice %arg10[%scan3A_132, %swap3A_567, %swap3A_568] : memref<4x128x32xf32, #tpu.memory_space<vmem>> -> memref<1x128x32xf32, #tpu.memory_space<vmem>>
        %swap3A_570 = tpu.memref_squeeze %swap3A_569 : memref<1x128x32xf32, #tpu.memory_space<vmem>> -> memref<128x32xf32, #tpu.memory_space<vmem>>
        %swap3A_571 = arith.index_cast %add3A_556 : i32 to index
        %swap3A_572 = arith.constant 0 : index
        %swap3A_573 = tpu.vector_load %swap3A_570[%swap3A_571, %swap3A_572] {strides = array<i32>} : memref<128x32xf32, #tpu.memory_space<vmem>>, vector<1x16xf32>,
        %swap3A_574 = vector.shape_cast %swap3A_573 : vector<1x16xf32> to vector<16xf32>
        %swap3A_575 = vector.shape_cast %mul3A_566 : vector<16xf32> to vector<1x16xf32>
        tpu.vector_store %swap3A_570[%swap3A_571, %swap3A_572], %swap3A_575 {strides = array<i32>} : memref<128x32xf32, #tpu.memory_space<vmem>>, vector<1x16xf32>,
        %get3A_576 = arith.constant 0 : i32
        %get3A_577 = arith.constant 0 : i32
        %get3A_578 = tpu.memref_slice %arg10[%scan3A_132, %get3A_576, %get3A_577] : memref<4x128x32xf32, #tpu.memory_space<vmem>> -> memref<1x128x32xf32, #tpu.memory_space<vmem>>
        %get3A_579 = tpu.memref_squeeze %get3A_578 : memref<1x128x32xf32, #tpu.memory_space<vmem>> -> memref<128x32xf32, #tpu.memory_space<vmem>>
        %get3A_580 = arith.index_cast %add3A_556 : i32 to index
        %get3A_581 = arith.constant 16 : index
        %get3A_582 = tpu.vector_load %get3A_579[%get3A_580, %get3A_581] {strides = array<i32>} : memref<128x32xf32, #tpu.memory_space<vmem>>, vector<1x16xf32>,
        %get3A_583 = vector.shape_cast %get3A_582 : vector<1x16xf32> to vector<16xf32>
        %mul3A_584 = vector.broadcast %squeeze3A_552 : f32 to vector<16xf32>
        %mul3A_585 = arith.mulf %get3A_583, %mul3A_584 : vector<16xf32>
        %swap3A_586 = arith.constant 0 : i32
        %swap3A_587 = arith.constant 0 : i32
        %swap3A_588 = tpu.memref_slice %arg10[%scan3A_132, %swap3A_586, %swap3A_587] : memref<4x128x32xf32, #tpu.memory_space<vmem>> -> memref<1x128x32xf32, #tpu.memory_space<vmem>>
        %swap3A_589 = tpu.memref_squeeze %swap3A_588 : memref<1x128x32xf32, #tpu.memory_space<vmem>> -> memref<128x32xf32, #tpu.memory_space<vmem>>
        %swap3A_590 = arith.index_cast %add3A_556 : i32 to index
        %swap3A_591 = arith.constant 16 : index
        %swap3A_592 = tpu.vector_load %swap3A_589[%swap3A_590, %swap3A_591] {strides = array<i32>} : memref<128x32xf32, #tpu.memory_space<vmem>>, vector<1x16xf32>,
        %swap3A_593 = vector.shape_cast %swap3A_592 : vector<1x16xf32> to vector<16xf32>
        %swap3A_594 = vector.shape_cast %mul3A_585 : vector<16xf32> to vector<1x16xf32>
        tpu.vector_store %swap3A_589[%swap3A_590, %swap3A_591], %swap3A_594 {strides = array<i32>} : memref<128x32xf32, #tpu.memory_space<vmem>>, vector<1x16xf32>,
        %slice3A_595 = vector.extract_strided_slice %get3A_289 {offsets = [7], sizes = [1], strides = [1]} : vector<16xf32> to vector<1xf32>
        %squeeze3A_596 = vector.extract %slice3A_595[0] : f32 from vector<1xf32>
        %mul3A_597 = arith.constant 16 : i32
        %mul3A_598 = arith.muli %add3A_284, %mul3A_597 : i32
        %add3A_599 = arith.constant 7 : i32
        %add3A_600 = arith.addi %mul3A_598, %add3A_599 : i32
        %get3A_601 = arith.constant 0 : i32
        %get3A_602 = arith.constant 0 : i32
        %get3A_603 = tpu.memref_slice %arg10[%scan3A_132, %get3A_601, %get3A_602] : memref<4x128x32xf32, #tpu.memory_space<vmem>> -> memref<1x128x32xf32, #tpu.memory_space<vmem>>
        %get3A_604 = tpu.memref_squeeze %get3A_603 : memref<1x128x32xf32, #tpu.memory_space<vmem>> -> memref<128x32xf32, #tpu.memory_space<vmem>>
        %get3A_605 = arith.index_cast %add3A_600 : i32 to index
        %get3A_606 = arith.constant 0 : index
        %get3A_607 = tpu.vector_load %get3A_604[%get3A_605, %get3A_606] {strides = array<i32>} : memref<128x32xf32, #tpu.memory_space<vmem>>, vector<1x16xf32>,
        %get3A_608 = vector.shape_cast %get3A_607 : vector<1x16xf32> to vector<16xf32>
        %mul3A_609 = vector.broadcast %squeeze3A_596 : f32 to vector<16xf32>
        %mul3A_610 = arith.mulf %get3A_608, %mul3A_609 : vector<16xf32>
        %swap3A_611 = arith.constant 0 : i32
        %swap3A_612 = arith.constant 0 : i32
        %swap3A_613 = tpu.memref_slice %arg10[%scan3A_132, %swap3A_611, %swap3A_612] : memref<4x128x32xf32, #tpu.memory_space<vmem>> -> memref<1x128x32xf32, #tpu.memory_space<vmem>>
        %swap3A_614 = tpu.memref_squeeze %swap3A_613 : memref<1x128x32xf32, #tpu.memory_space<vmem>> -> memref<128x32xf32, #tpu.memory_space<vmem>>
        %swap3A_615 = arith.index_cast %add3A_600 : i32 to index
        %swap3A_616 = arith.constant 0 : index
        %swap3A_617 = tpu.vector_load %swap3A_614[%swap3A_615, %swap3A_616] {strides = array<i32>} : memref<128x32xf32, #tpu.memory_space<vmem>>, vector<1x16xf32>,
        %swap3A_618 = vector.shape_cast %swap3A_617 : vector<1x16xf32> to vector<16xf32>
        %swap3A_619 = vector.shape_cast %mul3A_610 : vector<16xf32> to vector<1x16xf32>
        tpu.vector_store %swap3A_614[%swap3A_615, %swap3A_616], %swap3A_619 {strides = array<i32>} : memref<128x32xf32, #tpu.memory_space<vmem>>, vector<1x16xf32>,
        %get3A_620 = arith.constant 0 : i32
        %get3A_621 = arith.constant 0 : i32
        %get3A_622 = tpu.memref_slice %arg10[%scan3A_132, %get3A_620, %get3A_621] : memref<4x128x32xf32, #tpu.memory_space<vmem>> -> memref<1x128x32xf32, #tpu.memory_space<vmem>>
        %get3A_623 = tpu.memref_squeeze %get3A_622 : memref<1x128x32xf32, #tpu.memory_space<vmem>> -> memref<128x32xf32, #tpu.memory_space<vmem>>
        %get3A_624 = arith.index_cast %add3A_600 : i32 to index
        %get3A_625 = arith.constant 16 : index
        %get3A_626 = tpu.vector_load %get3A_623[%get3A_624, %get3A_625] {strides = array<i32>} : memref<128x32xf32, #tpu.memory_space<vmem>>, vector<1x16xf32>,
        %get3A_627 = vector.shape_cast %get3A_626 : vector<1x16xf32> to vector<16xf32>
        %mul3A_628 = vector.broadcast %squeeze3A_596 : f32 to vector<16xf32>
        %mul3A_629 = arith.mulf %get3A_627, %mul3A_628 : vector<16xf32>
        %swap3A_630 = arith.constant 0 : i32
        %swap3A_631 = arith.constant 0 : i32
        %swap3A_632 = tpu.memref_slice %arg10[%scan3A_132, %swap3A_630, %swap3A_631] : memref<4x128x32xf32, #tpu.memory_space<vmem>> -> memref<1x128x32xf32, #tpu.memory_space<vmem>>
        %swap3A_633 = tpu.memref_squeeze %swap3A_632 : memref<1x128x32xf32, #tpu.memory_space<vmem>> -> memref<128x32xf32, #tpu.memory_space<vmem>>
        %swap3A_634 = arith.index_cast %add3A_600 : i32 to index
        %swap3A_635 = arith.constant 16 : index
        %swap3A_636 = tpu.vector_load %swap3A_633[%swap3A_634, %swap3A_635] {strides = array<i32>} : memref<128x32xf32, #tpu.memory_space<vmem>>, vector<1x16xf32>,
        %swap3A_637 = vector.shape_cast %swap3A_636 : vector<1x16xf32> to vector<16xf32>
        %swap3A_638 = vector.shape_cast %mul3A_629 : vector<16xf32> to vector<1x16xf32>
        tpu.vector_store %swap3A_633[%swap3A_634, %swap3A_635], %swap3A_638 {strides = array<i32>} : memref<128x32xf32, #tpu.memory_space<vmem>>, vector<1x16xf32>,
        %slice3A_639 = vector.extract_strided_slice %get3A_289 {offsets = [8], sizes = [1], strides = [1]} : vector<16xf32> to vector<1xf32>
        %squeeze3A_640 = vector.extract %slice3A_639[0] : f32 from vector<1xf32>
        %mul3A_641 = arith.constant 16 : i32
        %mul3A_642 = arith.muli %add3A_284, %mul3A_641 : i32
        %add3A_643 = arith.constant 8 : i32
        %add3A_644 = arith.addi %mul3A_642, %add3A_643 : i32
        %get3A_645 = arith.constant 0 : i32
        %get3A_646 = arith.constant 0 : i32
        %get3A_647 = tpu.memref_slice %arg10[%scan3A_132, %get3A_645, %get3A_646] : memref<4x128x32xf32, #tpu.memory_space<vmem>> -> memref<1x128x32xf32, #tpu.memory_space<vmem>>
        %get3A_648 = tpu.memref_squeeze %get3A_647 : memref<1x128x32xf32, #tpu.memory_space<vmem>> -> memref<128x32xf32, #tpu.memory_space<vmem>>
        %get3A_649 = arith.index_cast %add3A_644 : i32 to index
        %get3A_650 = arith.constant 0 : index
        %get3A_651 = tpu.vector_load %get3A_648[%get3A_649, %get3A_650] {strides = array<i32>} : memref<128x32xf32, #tpu.memory_space<vmem>>, vector<1x16xf32>,
        %get3A_652 = vector.shape_cast %get3A_651 : vector<1x16xf32> to vector<16xf32>
        %mul3A_653 = vector.broadcast %squeeze3A_640 : f32 to vector<16xf32>
        %mul3A_654 = arith.mulf %get3A_652, %mul3A_653 : vector<16xf32>
        %swap3A_655 = arith.constant 0 : i32
        %swap3A_656 = arith.constant 0 : i32
        %swap3A_657 = tpu.memref_slice %arg10[%scan3A_132, %swap3A_655, %swap3A_656] : memref<4x128x32xf32, #tpu.memory_space<vmem>> -> memref<1x128x32xf32, #tpu.memory_space<vmem>>
        %swap3A_658 = tpu.memref_squeeze %swap3A_657 : memref<1x128x32xf32, #tpu.memory_space<vmem>> -> memref<128x32xf32, #tpu.memory_space<vmem>>
        %swap3A_659 = arith.index_cast %add3A_644 : i32 to index
        %swap3A_660 = arith.constant 0 : index
        %swap3A_661 = tpu.vector_load %swap3A_658[%swap3A_659, %swap3A_660] {strides = array<i32>} : memref<128x32xf32, #tpu.memory_space<vmem>>, vector<1x16xf32>,
        %swap3A_662 = vector.shape_cast %swap3A_661 : vector<1x16xf32> to vector<16xf32>
        %swap3A_663 = vector.shape_cast %mul3A_654 : vector<16xf32> to vector<1x16xf32>
        tpu.vector_store %swap3A_658[%swap3A_659, %swap3A_660], %swap3A_663 {strides = array<i32>} : memref<128x32xf32, #tpu.memory_space<vmem>>, vector<1x16xf32>,
        %get3A_664 = arith.constant 0 : i32
        %get3A_665 = arith.constant 0 : i32
        %get3A_666 = tpu.memref_slice %arg10[%scan3A_132, %get3A_664, %get3A_665] : memref<4x128x32xf32, #tpu.memory_space<vmem>> -> memref<1x128x32xf32, #tpu.memory_space<vmem>>
        %get3A_667 = tpu.memref_squeeze %get3A_666 : memref<1x128x32xf32, #tpu.memory_space<vmem>> -> memref<128x32xf32, #tpu.memory_space<vmem>>
        %get3A_668 = arith.index_cast %add3A_644 : i32 to index
        %get3A_669 = arith.constant 16 : index
        %get3A_670 = tpu.vector_load %get3A_667[%get3A_668, %get3A_669] {strides = array<i32>} : memref<128x32xf32, #tpu.memory_space<vmem>>, vector<1x16xf32>,
        %get3A_671 = vector.shape_cast %get3A_670 : vector<1x16xf32> to vector<16xf32>
        %mul3A_672 = vector.broadcast %squeeze3A_640 : f32 to vector<16xf32>
        %mul3A_673 = arith.mulf %get3A_671, %mul3A_672 : vector<16xf32>
        %swap3A_674 = arith.constant 0 : i32
        %swap3A_675 = arith.constant 0 : i32
        %swap3A_676 = tpu.memref_slice %arg10[%scan3A_132, %swap3A_674, %swap3A_675] : memref<4x128x32xf32, #tpu.memory_space<vmem>> -> memref<1x128x32xf32, #tpu.memory_space<vmem>>
        %swap3A_677 = tpu.memref_squeeze %swap3A_676 : memref<1x128x32xf32, #tpu.memory_space<vmem>> -> memref<128x32xf32, #tpu.memory_space<vmem>>
        %swap3A_678 = arith.index_cast %add3A_644 : i32 to index
        %swap3A_679 = arith.constant 16 : index
        %swap3A_680 = tpu.vector_load %swap3A_677[%swap3A_678, %swap3A_679] {strides = array<i32>} : memref<128x32xf32, #tpu.memory_space<vmem>>, vector<1x16xf32>,
        %swap3A_681 = vector.shape_cast %swap3A_680 : vector<1x16xf32> to vector<16xf32>
        %swap3A_682 = vector.shape_cast %mul3A_673 : vector<16xf32> to vector<1x16xf32>
        tpu.vector_store %swap3A_677[%swap3A_678, %swap3A_679], %swap3A_682 {strides = array<i32>} : memref<128x32xf32, #tpu.memory_space<vmem>>, vector<1x16xf32>,
        %slice3A_683 = vector.extract_strided_slice %get3A_289 {offsets = [9], sizes = [1], strides = [1]} : vector<16xf32> to vector<1xf32>
        %squeeze3A_684 = vector.extract %slice3A_683[0] : f32 from vector<1xf32>
        %mul3A_685 = arith.constant 16 : i32
        %mul3A_686 = arith.muli %add3A_284, %mul3A_685 : i32
        %add3A_687 = arith.constant 9 : i32
        %add3A_688 = arith.addi %mul3A_686, %add3A_687 : i32
        %get3A_689 = arith.constant 0 : i32
        %get3A_690 = arith.constant 0 : i32
        %get3A_691 = tpu.memref_slice %arg10[%scan3A_132, %get3A_689, %get3A_690] : memref<4x128x32xf32, #tpu.memory_space<vmem>> -> memref<1x128x32xf32, #tpu.memory_space<vmem>>
        %get3A_692 = tpu.memref_squeeze %get3A_691 : memref<1x128x32xf32, #tpu.memory_space<vmem>> -> memref<128x32xf32, #tpu.memory_space<vmem>>
        %get3A_693 = arith.index_cast %add3A_688 : i32 to index
        %get3A_694 = arith.constant 0 : index
        %get3A_695 = tpu.vector_load %get3A_692[%get3A_693, %get3A_694] {strides = array<i32>} : memref<128x32xf32, #tpu.memory_space<vmem>>, vector<1x16xf32>,
        %get3A_696 = vector.shape_cast %get3A_695 : vector<1x16xf32> to vector<16xf32>
        %mul3A_697 = vector.broadcast %squeeze3A_684 : f32 to vector<16xf32>
        %mul3A_698 = arith.mulf %get3A_696, %mul3A_697 : vector<16xf32>
        %swap3A_699 = arith.constant 0 : i32
        %swap3A_700 = arith.constant 0 : i32
        %swap3A_701 = tpu.memref_slice %arg10[%scan3A_132, %swap3A_699, %swap3A_700] : memref<4x128x32xf32, #tpu.memory_space<vmem>> -> memref<1x128x32xf32, #tpu.memory_space<vmem>>
        %swap3A_702 = tpu.memref_squeeze %swap3A_701 : memref<1x128x32xf32, #tpu.memory_space<vmem>> -> memref<128x32xf32, #tpu.memory_space<vmem>>
        %swap3A_703 = arith.index_cast %add3A_688 : i32 to index
        %swap3A_704 = arith.constant 0 : index
        %swap3A_705 = tpu.vector_load %swap3A_702[%swap3A_703, %swap3A_704] {strides = array<i32>} : memref<128x32xf32, #tpu.memory_space<vmem>>, vector<1x16xf32>,
        %swap3A_706 = vector.shape_cast %swap3A_705 : vector<1x16xf32> to vector<16xf32>
        %swap3A_707 = vector.shape_cast %mul3A_698 : vector<16xf32> to vector<1x16xf32>
        tpu.vector_store %swap3A_702[%swap3A_703, %swap3A_704], %swap3A_707 {strides = array<i32>} : memref<128x32xf32, #tpu.memory_space<vmem>>, vector<1x16xf32>,
        %get3A_708 = arith.constant 0 : i32
        %get3A_709 = arith.constant 0 : i32
        %get3A_710 = tpu.memref_slice %arg10[%scan3A_132, %get3A_708, %get3A_709] : memref<4x128x32xf32, #tpu.memory_space<vmem>> -> memref<1x128x32xf32, #tpu.memory_space<vmem>>
        %get3A_711 = tpu.memref_squeeze %get3A_710 : memref<1x128x32xf32, #tpu.memory_space<vmem>> -> memref<128x32xf32, #tpu.memory_space<vmem>>
        %get3A_712 = arith.index_cast %add3A_688 : i32 to index
        %get3A_713 = arith.constant 16 : index
        %get3A_714 = tpu.vector_load %get3A_711[%get3A_712, %get3A_713] {strides = array<i32>} : memref<128x32xf32, #tpu.memory_space<vmem>>, vector<1x16xf32>,
        %get3A_715 = vector.shape_cast %get3A_714 : vector<1x16xf32> to vector<16xf32>
        %mul3A_716 = vector.broadcast %squeeze3A_684 : f32 to vector<16xf32>
        %mul3A_717 = arith.mulf %get3A_715, %mul3A_716 : vector<16xf32>
        %swap3A_718 = arith.constant 0 : i32
        %swap3A_719 = arith.constant 0 : i32
        %swap3A_720 = tpu.memref_slice %arg10[%scan3A_132, %swap3A_718, %swap3A_719] : memref<4x128x32xf32, #tpu.memory_space<vmem>> -> memref<1x128x32xf32, #tpu.memory_space<vmem>>
        %swap3A_721 = tpu.memref_squeeze %swap3A_720 : memref<1x128x32xf32, #tpu.memory_space<vmem>> -> memref<128x32xf32, #tpu.memory_space<vmem>>
        %swap3A_722 = arith.index_cast %add3A_688 : i32 to index
        %swap3A_723 = arith.constant 16 : index
        %swap3A_724 = tpu.vector_load %swap3A_721[%swap3A_722, %swap3A_723] {strides = array<i32>} : memref<128x32xf32, #tpu.memory_space<vmem>>, vector<1x16xf32>,
        %swap3A_725 = vector.shape_cast %swap3A_724 : vector<1x16xf32> to vector<16xf32>
        %swap3A_726 = vector.shape_cast %mul3A_717 : vector<16xf32> to vector<1x16xf32>
        tpu.vector_store %swap3A_721[%swap3A_722, %swap3A_723], %swap3A_726 {strides = array<i32>} : memref<128x32xf32, #tpu.memory_space<vmem>>, vector<1x16xf32>,
        %slice3A_727 = vector.extract_strided_slice %get3A_289 {offsets = [10], sizes = [1], strides = [1]} : vector<16xf32> to vector<1xf32>
        %squeeze3A_728 = vector.extract %slice3A_727[0] : f32 from vector<1xf32>
        %mul3A_729 = arith.constant 16 : i32
        %mul3A_730 = arith.muli %add3A_284, %mul3A_729 : i32
        %add3A_731 = arith.constant 10 : i32
        %add3A_732 = arith.addi %mul3A_730, %add3A_731 : i32
        %get3A_733 = arith.constant 0 : i32
        %get3A_734 = arith.constant 0 : i32
        %get3A_735 = tpu.memref_slice %arg10[%scan3A_132, %get3A_733, %get3A_734] : memref<4x128x32xf32, #tpu.memory_space<vmem>> -> memref<1x128x32xf32, #tpu.memory_space<vmem>>
        %get3A_736 = tpu.memref_squeeze %get3A_735 : memref<1x128x32xf32, #tpu.memory_space<vmem>> -> memref<128x32xf32, #tpu.memory_space<vmem>>
        %get3A_737 = arith.index_cast %add3A_732 : i32 to index
        %get3A_738 = arith.constant 0 : index
        %get3A_739 = tpu.vector_load %get3A_736[%get3A_737, %get3A_738] {strides = array<i32>} : memref<128x32xf32, #tpu.memory_space<vmem>>, vector<1x16xf32>,
        %get3A_740 = vector.shape_cast %get3A_739 : vector<1x16xf32> to vector<16xf32>
        %mul3A_741 = vector.broadcast %squeeze3A_728 : f32 to vector<16xf32>
        %mul3A_742 = arith.mulf %get3A_740, %mul3A_741 : vector<16xf32>
        %swap3A_743 = arith.constant 0 : i32
        %swap3A_744 = arith.constant 0 : i32
        %swap3A_745 = tpu.memref_slice %arg10[%scan3A_132, %swap3A_743, %swap3A_744] : memref<4x128x32xf32, #tpu.memory_space<vmem>> -> memref<1x128x32xf32, #tpu.memory_space<vmem>>
        %swap3A_746 = tpu.memref_squeeze %swap3A_745 : memref<1x128x32xf32, #tpu.memory_space<vmem>> -> memref<128x32xf32, #tpu.memory_space<vmem>>
        %swap3A_747 = arith.index_cast %add3A_732 : i32 to index
        %swap3A_748 = arith.constant 0 : index
        %swap3A_749 = tpu.vector_load %swap3A_746[%swap3A_747, %swap3A_748] {strides = array<i32>} : memref<128x32xf32, #tpu.memory_space<vmem>>, vector<1x16xf32>,
        %swap3A_750 = vector.shape_cast %swap3A_749 : vector<1x16xf32> to vector<16xf32>
        %swap3A_751 = vector.shape_cast %mul3A_742 : vector<16xf32> to vector<1x16xf32>
        tpu.vector_store %swap3A_746[%swap3A_747, %swap3A_748], %swap3A_751 {strides = array<i32>} : memref<128x32xf32, #tpu.memory_space<vmem>>, vector<1x16xf32>,
        %get3A_752 = arith.constant 0 : i32
        %get3A_753 = arith.constant 0 : i32
        %get3A_754 = tpu.memref_slice %arg10[%scan3A_132, %get3A_752, %get3A_753] : memref<4x128x32xf32, #tpu.memory_space<vmem>> -> memref<1x128x32xf32, #tpu.memory_space<vmem>>
        %get3A_755 = tpu.memref_squeeze %get3A_754 : memref<1x128x32xf32, #tpu.memory_space<vmem>> -> memref<128x32xf32, #tpu.memory_space<vmem>>
        %get3A_756 = arith.index_cast %add3A_732 : i32 to index
        %get3A_757 = arith.constant 16 : index
        %get3A_758 = tpu.vector_load %get3A_755[%get3A_756, %get3A_757] {strides = array<i32>} : memref<128x32xf32, #tpu.memory_space<vmem>>, vector<1x16xf32>,
        %get3A_759 = vector.shape_cast %get3A_758 : vector<1x16xf32> to vector<16xf32>
        %mul3A_760 = vector.broadcast %squeeze3A_728 : f32 to vector<16xf32>
        %mul3A_761 = arith.mulf %get3A_759, %mul3A_760 : vector<16xf32>
        %swap3A_762 = arith.constant 0 : i32
        %swap3A_763 = arith.constant 0 : i32
        %swap3A_764 = tpu.memref_slice %arg10[%scan3A_132, %swap3A_762, %swap3A_763] : memref<4x128x32xf32, #tpu.memory_space<vmem>> -> memref<1x128x32xf32, #tpu.memory_space<vmem>>
        %swap3A_765 = tpu.memref_squeeze %swap3A_764 : memref<1x128x32xf32, #tpu.memory_space<vmem>> -> memref<128x32xf32, #tpu.memory_space<vmem>>
        %swap3A_766 = arith.index_cast %add3A_732 : i32 to index
        %swap3A_767 = arith.constant 16 : index
        %swap3A_768 = tpu.vector_load %swap3A_765[%swap3A_766, %swap3A_767] {strides = array<i32>} : memref<128x32xf32, #tpu.memory_space<vmem>>, vector<1x16xf32>,
        %swap3A_769 = vector.shape_cast %swap3A_768 : vector<1x16xf32> to vector<16xf32>
        %swap3A_770 = vector.shape_cast %mul3A_761 : vector<16xf32> to vector<1x16xf32>
        tpu.vector_store %swap3A_765[%swap3A_766, %swap3A_767], %swap3A_770 {strides = array<i32>} : memref<128x32xf32, #tpu.memory_space<vmem>>, vector<1x16xf32>,
        %slice3A_771 = vector.extract_strided_slice %get3A_289 {offsets = [11], sizes = [1], strides = [1]} : vector<16xf32> to vector<1xf32>
        %squeeze3A_772 = vector.extract %slice3A_771[0] : f32 from vector<1xf32>
        %mul3A_773 = arith.constant 16 : i32
        %mul3A_774 = arith.muli %add3A_284, %mul3A_773 : i32
        %add3A_775 = arith.constant 11 : i32
        %add3A_776 = arith.addi %mul3A_774, %add3A_775 : i32
        %get3A_777 = arith.constant 0 : i32
        %get3A_778 = arith.constant 0 : i32
        %get3A_779 = tpu.memref_slice %arg10[%scan3A_132, %get3A_777, %get3A_778] : memref<4x128x32xf32, #tpu.memory_space<vmem>> -> memref<1x128x32xf32, #tpu.memory_space<vmem>>
        %get3A_780 = tpu.memref_squeeze %get3A_779 : memref<1x128x32xf32, #tpu.memory_space<vmem>> -> memref<128x32xf32, #tpu.memory_space<vmem>>
        %get3A_781 = arith.index_cast %add3A_776 : i32 to index
        %get3A_782 = arith.constant 0 : index
        %get3A_783 = tpu.vector_load %get3A_780[%get3A_781, %get3A_782] {strides = array<i32>} : memref<128x32xf32, #tpu.memory_space<vmem>>, vector<1x16xf32>,
        %get3A_784 = vector.shape_cast %get3A_783 : vector<1x16xf32> to vector<16xf32>
        %mul3A_785 = vector.broadcast %squeeze3A_772 : f32 to vector<16xf32>
        %mul3A_786 = arith.mulf %get3A_784, %mul3A_785 : vector<16xf32>
        %swap3A_787 = arith.constant 0 : i32
        %swap3A_788 = arith.constant 0 : i32
        %swap3A_789 = tpu.memref_slice %arg10[%scan3A_132, %swap3A_787, %swap3A_788] : memref<4x128x32xf32, #tpu.memory_space<vmem>> -> memref<1x128x32xf32, #tpu.memory_space<vmem>>
        %swap3A_790 = tpu.memref_squeeze %swap3A_789 : memref<1x128x32xf32, #tpu.memory_space<vmem>> -> memref<128x32xf32, #tpu.memory_space<vmem>>
        %swap3A_791 = arith.index_cast %add3A_776 : i32 to index
        %swap3A_792 = arith.constant 0 : index
        %swap3A_793 = tpu.vector_load %swap3A_790[%swap3A_791, %swap3A_792] {strides = array<i32>} : memref<128x32xf32, #tpu.memory_space<vmem>>, vector<1x16xf32>,
        %swap3A_794 = vector.shape_cast %swap3A_793 : vector<1x16xf32> to vector<16xf32>
        %swap3A_795 = vector.shape_cast %mul3A_786 : vector<16xf32> to vector<1x16xf32>
        tpu.vector_store %swap3A_790[%swap3A_791, %swap3A_792], %swap3A_795 {strides = array<i32>} : memref<128x32xf32, #tpu.memory_space<vmem>>, vector<1x16xf32>,
        %get3A_796 = arith.constant 0 : i32
        %get3A_797 = arith.constant 0 : i32
        %get3A_798 = tpu.memref_slice %arg10[%scan3A_132, %get3A_796, %get3A_797] : memref<4x128x32xf32, #tpu.memory_space<vmem>> -> memref<1x128x32xf32, #tpu.memory_space<vmem>>
        %get3A_799 = tpu.memref_squeeze %get3A_798 : memref<1x128x32xf32, #tpu.memory_space<vmem>> -> memref<128x32xf32, #tpu.memory_space<vmem>>
        %get3A_800 = arith.index_cast %add3A_776 : i32 to index
        %get3A_801 = arith.constant 16 : index
        %get3A_802 = tpu.vector_load %get3A_799[%get3A_800, %get3A_801] {strides = array<i32>} : memref<128x32xf32, #tpu.memory_space<vmem>>, vector<1x16xf32>,
        %get3A_803 = vector.shape_cast %get3A_802 : vector<1x16xf32> to vector<16xf32>
        %mul3A_804 = vector.broadcast %squeeze3A_772 : f32 to vector<16xf32>
        %mul3A_805 = arith.mulf %get3A_803, %mul3A_804 : vector<16xf32>
        %swap3A_806 = arith.constant 0 : i32
        %swap3A_807 = arith.constant 0 : i32
        %swap3A_808 = tpu.memref_slice %arg10[%scan3A_132, %swap3A_806, %swap3A_807] : memref<4x128x32xf32, #tpu.memory_space<vmem>> -> memref<1x128x32xf32, #tpu.memory_space<vmem>>
        %swap3A_809 = tpu.memref_squeeze %swap3A_808 : memref<1x128x32xf32, #tpu.memory_space<vmem>> -> memref<128x32xf32, #tpu.memory_space<vmem>>
        %swap3A_810 = arith.index_cast %add3A_776 : i32 to index
        %swap3A_811 = arith.constant 16 : index
        %swap3A_812 = tpu.vector_load %swap3A_809[%swap3A_810, %swap3A_811] {strides = array<i32>} : memref<128x32xf32, #tpu.memory_space<vmem>>, vector<1x16xf32>,
        %swap3A_813 = vector.shape_cast %swap3A_812 : vector<1x16xf32> to vector<16xf32>
        %swap3A_814 = vector.shape_cast %mul3A_805 : vector<16xf32> to vector<1x16xf32>
        tpu.vector_store %swap3A_809[%swap3A_810, %swap3A_811], %swap3A_814 {strides = array<i32>} : memref<128x32xf32, #tpu.memory_space<vmem>>, vector<1x16xf32>,
        %slice3A_815 = vector.extract_strided_slice %get3A_289 {offsets = [12], sizes = [1], strides = [1]} : vector<16xf32> to vector<1xf32>
        %squeeze3A_816 = vector.extract %slice3A_815[0] : f32 from vector<1xf32>
        %mul3A_817 = arith.constant 16 : i32
        %mul3A_818 = arith.muli %add3A_284, %mul3A_817 : i32
        %add3A_819 = arith.constant 12 : i32
        %add3A_820 = arith.addi %mul3A_818, %add3A_819 : i32
        %get3A_821 = arith.constant 0 : i32
        %get3A_822 = arith.constant 0 : i32
        %get3A_823 = tpu.memref_slice %arg10[%scan3A_132, %get3A_821, %get3A_822] : memref<4x128x32xf32, #tpu.memory_space<vmem>> -> memref<1x128x32xf32, #tpu.memory_space<vmem>>
        %get3A_824 = tpu.memref_squeeze %get3A_823 : memref<1x128x32xf32, #tpu.memory_space<vmem>> -> memref<128x32xf32, #tpu.memory_space<vmem>>
        %get3A_825 = arith.index_cast %add3A_820 : i32 to index
        %get3A_826 = arith.constant 0 : index
        %get3A_827 = tpu.vector_load %get3A_824[%get3A_825, %get3A_826] {strides = array<i32>} : memref<128x32xf32, #tpu.memory_space<vmem>>, vector<1x16xf32>,
        %get3A_828 = vector.shape_cast %get3A_827 : vector<1x16xf32> to vector<16xf32>
        %mul3A_829 = vector.broadcast %squeeze3A_816 : f32 to vector<16xf32>
        %mul3A_830 = arith.mulf %get3A_828, %mul3A_829 : vector<16xf32>
        %swap3A_831 = arith.constant 0 : i32
        %swap3A_832 = arith.constant 0 : i32
        %swap3A_833 = tpu.memref_slice %arg10[%scan3A_132, %swap3A_831, %swap3A_832] : memref<4x128x32xf32, #tpu.memory_space<vmem>> -> memref<1x128x32xf32, #tpu.memory_space<vmem>>
        %swap3A_834 = tpu.memref_squeeze %swap3A_833 : memref<1x128x32xf32, #tpu.memory_space<vmem>> -> memref<128x32xf32, #tpu.memory_space<vmem>>
        %swap3A_835 = arith.index_cast %add3A_820 : i32 to index
        %swap3A_836 = arith.constant 0 : index
        %swap3A_837 = tpu.vector_load %swap3A_834[%swap3A_835, %swap3A_836] {strides = array<i32>} : memref<128x32xf32, #tpu.memory_space<vmem>>, vector<1x16xf32>,
        %swap3A_838 = vector.shape_cast %swap3A_837 : vector<1x16xf32> to vector<16xf32>
        %swap3A_839 = vector.shape_cast %mul3A_830 : vector<16xf32> to vector<1x16xf32>
        tpu.vector_store %swap3A_834[%swap3A_835, %swap3A_836], %swap3A_839 {strides = array<i32>} : memref<128x32xf32, #tpu.memory_space<vmem>>, vector<1x16xf32>,
        %get3A_840 = arith.constant 0 : i32
        %get3A_841 = arith.constant 0 : i32
        %get3A_842 = tpu.memref_slice %arg10[%scan3A_132, %get3A_840, %get3A_841] : memref<4x128x32xf32, #tpu.memory_space<vmem>> -> memref<1x128x32xf32, #tpu.memory_space<vmem>>
        %get3A_843 = tpu.memref_squeeze %get3A_842 : memref<1x128x32xf32, #tpu.memory_space<vmem>> -> memref<128x32xf32, #tpu.memory_space<vmem>>
        %get3A_844 = arith.index_cast %add3A_820 : i32 to index
        %get3A_845 = arith.constant 16 : index
        %get3A_846 = tpu.vector_load %get3A_843[%get3A_844, %get3A_845] {strides = array<i32>} : memref<128x32xf32, #tpu.memory_space<vmem>>, vector<1x16xf32>,
        %get3A_847 = vector.shape_cast %get3A_846 : vector<1x16xf32> to vector<16xf32>
        %mul3A_848 = vector.broadcast %squeeze3A_816 : f32 to vector<16xf32>
        %mul3A_849 = arith.mulf %get3A_847, %mul3A_848 : vector<16xf32>
        %swap3A_850 = arith.constant 0 : i32
        %swap3A_851 = arith.constant 0 : i32
        %swap3A_852 = tpu.memref_slice %arg10[%scan3A_132, %swap3A_850, %swap3A_851] : memref<4x128x32xf32, #tpu.memory_space<vmem>> -> memref<1x128x32xf32, #tpu.memory_space<vmem>>
        %swap3A_853 = tpu.memref_squeeze %swap3A_852 : memref<1x128x32xf32, #tpu.memory_space<vmem>> -> memref<128x32xf32, #tpu.memory_space<vmem>>
        %swap3A_854 = arith.index_cast %add3A_820 : i32 to index
        %swap3A_855 = arith.constant 16 : index
        %swap3A_856 = tpu.vector_load %swap3A_853[%swap3A_854, %swap3A_855] {strides = array<i32>} : memref<128x32xf32, #tpu.memory_space<vmem>>, vector<1x16xf32>,
        %swap3A_857 = vector.shape_cast %swap3A_856 : vector<1x16xf32> to vector<16xf32>
        %swap3A_858 = vector.shape_cast %mul3A_849 : vector<16xf32> to vector<1x16xf32>
        tpu.vector_store %swap3A_853[%swap3A_854, %swap3A_855], %swap3A_858 {strides = array<i32>} : memref<128x32xf32, #tpu.memory_space<vmem>>, vector<1x16xf32>,
        %slice3A_859 = vector.extract_strided_slice %get3A_289 {offsets = [13], sizes = [1], strides = [1]} : vector<16xf32> to vector<1xf32>
        %squeeze3A_860 = vector.extract %slice3A_859[0] : f32 from vector<1xf32>
        %mul3A_861 = arith.constant 16 : i32
        %mul3A_862 = arith.muli %add3A_284, %mul3A_861 : i32
        %add3A_863 = arith.constant 13 : i32
        %add3A_864 = arith.addi %mul3A_862, %add3A_863 : i32
        %get3A_865 = arith.constant 0 : i32
        %get3A_866 = arith.constant 0 : i32
        %get3A_867 = tpu.memref_slice %arg10[%scan3A_132, %get3A_865, %get3A_866] : memref<4x128x32xf32, #tpu.memory_space<vmem>> -> memref<1x128x32xf32, #tpu.memory_space<vmem>>
        %get3A_868 = tpu.memref_squeeze %get3A_867 : memref<1x128x32xf32, #tpu.memory_space<vmem>> -> memref<128x32xf32, #tpu.memory_space<vmem>>
        %get3A_869 = arith.index_cast %add3A_864 : i32 to index
        %get3A_870 = arith.constant 0 : index
        %get3A_871 = tpu.vector_load %get3A_868[%get3A_869, %get3A_870] {strides = array<i32>} : memref<128x32xf32, #tpu.memory_space<vmem>>, vector<1x16xf32>,
        %get3A_872 = vector.shape_cast %get3A_871 : vector<1x16xf32> to vector<16xf32>
        %mul3A_873 = vector.broadcast %squeeze3A_860 : f32 to vector<16xf32>
        %mul3A_874 = arith.mulf %get3A_872, %mul3A_873 : vector<16xf32>
        %swap3A_875 = arith.constant 0 : i32
        %swap3A_876 = arith.constant 0 : i32
        %swap3A_877 = tpu.memref_slice %arg10[%scan3A_132, %swap3A_875, %swap3A_876] : memref<4x128x32xf32, #tpu.memory_space<vmem>> -> memref<1x128x32xf32, #tpu.memory_space<vmem>>
        %swap3A_878 = tpu.memref_squeeze %swap3A_877 : memref<1x128x32xf32, #tpu.memory_space<vmem>> -> memref<128x32xf32, #tpu.memory_space<vmem>>
        %swap3A_879 = arith.index_cast %add3A_864 : i32 to index
        %swap3A_880 = arith.constant 0 : index
        %swap3A_881 = tpu.vector_load %swap3A_878[%swap3A_879, %swap3A_880] {strides = array<i32>} : memref<128x32xf32, #tpu.memory_space<vmem>>, vector<1x16xf32>,
        %swap3A_882 = vector.shape_cast %swap3A_881 : vector<1x16xf32> to vector<16xf32>
        %swap3A_883 = vector.shape_cast %mul3A_874 : vector<16xf32> to vector<1x16xf32>
        tpu.vector_store %swap3A_878[%swap3A_879, %swap3A_880], %swap3A_883 {strides = array<i32>} : memref<128x32xf32, #tpu.memory_space<vmem>>, vector<1x16xf32>,
        %get3A_884 = arith.constant 0 : i32
        %get3A_885 = arith.constant 0 : i32
        %get3A_886 = tpu.memref_slice %arg10[%scan3A_132, %get3A_884, %get3A_885] : memref<4x128x32xf32, #tpu.memory_space<vmem>> -> memref<1x128x32xf32, #tpu.memory_space<vmem>>
        %get3A_887 = tpu.memref_squeeze %get3A_886 : memref<1x128x32xf32, #tpu.memory_space<vmem>> -> memref<128x32xf32, #tpu.memory_space<vmem>>
        %get3A_888 = arith.index_cast %add3A_864 : i32 to index
        %get3A_889 = arith.constant 16 : index
        %get3A_890 = tpu.vector_load %get3A_887[%get3A_888, %get3A_889] {strides = array<i32>} : memref<128x32xf32, #tpu.memory_space<vmem>>, vector<1x16xf32>,
        %get3A_891 = vector.shape_cast %get3A_890 : vector<1x16xf32> to vector<16xf32>
        %mul3A_892 = vector.broadcast %squeeze3A_860 : f32 to vector<16xf32>
        %mul3A_893 = arith.mulf %get3A_891, %mul3A_892 : vector<16xf32>
        %swap3A_894 = arith.constant 0 : i32
        %swap3A_895 = arith.constant 0 : i32
        %swap3A_896 = tpu.memref_slice %arg10[%scan3A_132, %swap3A_894, %swap3A_895] : memref<4x128x32xf32, #tpu.memory_space<vmem>> -> memref<1x128x32xf32, #tpu.memory_space<vmem>>
        %swap3A_897 = tpu.memref_squeeze %swap3A_896 : memref<1x128x32xf32, #tpu.memory_space<vmem>> -> memref<128x32xf32, #tpu.memory_space<vmem>>
        %swap3A_898 = arith.index_cast %add3A_864 : i32 to index
        %swap3A_899 = arith.constant 16 : index
        %swap3A_900 = tpu.vector_load %swap3A_897[%swap3A_898, %swap3A_899] {strides = array<i32>} : memref<128x32xf32, #tpu.memory_space<vmem>>, vector<1x16xf32>,
        %swap3A_901 = vector.shape_cast %swap3A_900 : vector<1x16xf32> to vector<16xf32>
        %swap3A_902 = vector.shape_cast %mul3A_893 : vector<16xf32> to vector<1x16xf32>
        tpu.vector_store %swap3A_897[%swap3A_898, %swap3A_899], %swap3A_902 {strides = array<i32>} : memref<128x32xf32, #tpu.memory_space<vmem>>, vector<1x16xf32>,
        %slice3A_903 = vector.extract_strided_slice %get3A_289 {offsets = [14], sizes = [1], strides = [1]} : vector<16xf32> to vector<1xf32>
        %squeeze3A_904 = vector.extract %slice3A_903[0] : f32 from vector<1xf32>
        %mul3A_905 = arith.constant 16 : i32
        %mul3A_906 = arith.muli %add3A_284, %mul3A_905 : i32
        %add3A_907 = arith.constant 14 : i32
        %add3A_908 = arith.addi %mul3A_906, %add3A_907 : i32
        %get3A_909 = arith.constant 0 : i32
        %get3A_910 = arith.constant 0 : i32
        %get3A_911 = tpu.memref_slice %arg10[%scan3A_132, %get3A_909, %get3A_910] : memref<4x128x32xf32, #tpu.memory_space<vmem>> -> memref<1x128x32xf32, #tpu.memory_space<vmem>>
        %get3A_912 = tpu.memref_squeeze %get3A_911 : memref<1x128x32xf32, #tpu.memory_space<vmem>> -> memref<128x32xf32, #tpu.memory_space<vmem>>
        %get3A_913 = arith.index_cast %add3A_908 : i32 to index
        %get3A_914 = arith.constant 0 : index
        %get3A_915 = tpu.vector_load %get3A_912[%get3A_913, %get3A_914] {strides = array<i32>} : memref<128x32xf32, #tpu.memory_space<vmem>>, vector<1x16xf32>,
        %get3A_916 = vector.shape_cast %get3A_915 : vector<1x16xf32> to vector<16xf32>
        %mul3A_917 = vector.broadcast %squeeze3A_904 : f32 to vector<16xf32>
        %mul3A_918 = arith.mulf %get3A_916, %mul3A_917 : vector<16xf32>
        %swap3A_919 = arith.constant 0 : i32
        %swap3A_920 = arith.constant 0 : i32
        %swap3A_921 = tpu.memref_slice %arg10[%scan3A_132, %swap3A_919, %swap3A_920] : memref<4x128x32xf32, #tpu.memory_space<vmem>> -> memref<1x128x32xf32, #tpu.memory_space<vmem>>
        %swap3A_922 = tpu.memref_squeeze %swap3A_921 : memref<1x128x32xf32, #tpu.memory_space<vmem>> -> memref<128x32xf32, #tpu.memory_space<vmem>>
        %swap3A_923 = arith.index_cast %add3A_908 : i32 to index
        %swap3A_924 = arith.constant 0 : index
        %swap3A_925 = tpu.vector_load %swap3A_922[%swap3A_923, %swap3A_924] {strides = array<i32>} : memref<128x32xf32, #tpu.memory_space<vmem>>, vector<1x16xf32>,
        %swap3A_926 = vector.shape_cast %swap3A_925 : vector<1x16xf32> to vector<16xf32>
        %swap3A_927 = vector.shape_cast %mul3A_918 : vector<16xf32> to vector<1x16xf32>
        tpu.vector_store %swap3A_922[%swap3A_923, %swap3A_924], %swap3A_927 {strides = array<i32>} : memref<128x32xf32, #tpu.memory_space<vmem>>, vector<1x16xf32>,
        %get3A_928 = arith.constant 0 : i32
        %get3A_929 = arith.constant 0 : i32
        %get3A_930 = tpu.memref_slice %arg10[%scan3A_132, %get3A_928, %get3A_929] : memref<4x128x32xf32, #tpu.memory_space<vmem>> -> memref<1x128x32xf32, #tpu.memory_space<vmem>>
        %get3A_931 = tpu.memref_squeeze %get3A_930 : memref<1x128x32xf32, #tpu.memory_space<vmem>> -> memref<128x32xf32, #tpu.memory_space<vmem>>
        %get3A_932 = arith.index_cast %add3A_908 : i32 to index
        %get3A_933 = arith.constant 16 : index
        %get3A_934 = tpu.vector_load %get3A_931[%get3A_932, %get3A_933] {strides = array<i32>} : memref<128x32xf32, #tpu.memory_space<vmem>>, vector<1x16xf32>,
        %get3A_935 = vector.shape_cast %get3A_934 : vector<1x16xf32> to vector<16xf32>
        %mul3A_936 = vector.broadcast %squeeze3A_904 : f32 to vector<16xf32>
        %mul3A_937 = arith.mulf %get3A_935, %mul3A_936 : vector<16xf32>
        %swap3A_938 = arith.constant 0 : i32
        %swap3A_939 = arith.constant 0 : i32
        %swap3A_940 = tpu.memref_slice %arg10[%scan3A_132, %swap3A_938, %swap3A_939] : memref<4x128x32xf32, #tpu.memory_space<vmem>> -> memref<1x128x32xf32, #tpu.memory_space<vmem>>
        %swap3A_941 = tpu.memref_squeeze %swap3A_940 : memref<1x128x32xf32, #tpu.memory_space<vmem>> -> memref<128x32xf32, #tpu.memory_space<vmem>>
        %swap3A_942 = arith.index_cast %add3A_908 : i32 to index
        %swap3A_943 = arith.constant 16 : index
        %swap3A_944 = tpu.vector_load %swap3A_941[%swap3A_942, %swap3A_943] {strides = array<i32>} : memref<128x32xf32, #tpu.memory_space<vmem>>, vector<1x16xf32>,
        %swap3A_945 = vector.shape_cast %swap3A_944 : vector<1x16xf32> to vector<16xf32>
        %swap3A_946 = vector.shape_cast %mul3A_937 : vector<16xf32> to vector<1x16xf32>
        tpu.vector_store %swap3A_941[%swap3A_942, %swap3A_943], %swap3A_946 {strides = array<i32>} : memref<128x32xf32, #tpu.memory_space<vmem>>, vector<1x16xf32>,
        %slice3A_947 = vector.extract_strided_slice %get3A_289 {offsets = [15], sizes = [1], strides = [1]} : vector<16xf32> to vector<1xf32>
        %squeeze3A_948 = vector.extract %slice3A_947[0] : f32 from vector<1xf32>
        %mul3A_949 = arith.constant 16 : i32
        %mul3A_950 = arith.muli %add3A_284, %mul3A_949 : i32
        %add3A_951 = arith.constant 15 : i32
        %add3A_952 = arith.addi %mul3A_950, %add3A_951 : i32
        %get3A_953 = arith.constant 0 : i32
        %get3A_954 = arith.constant 0 : i32
        %get3A_955 = tpu.memref_slice %arg10[%scan3A_132, %get3A_953, %get3A_954] : memref<4x128x32xf32, #tpu.memory_space<vmem>> -> memref<1x128x32xf32, #tpu.memory_space<vmem>>
        %get3A_956 = tpu.memref_squeeze %get3A_955 : memref<1x128x32xf32, #tpu.memory_space<vmem>> -> memref<128x32xf32, #tpu.memory_space<vmem>>
        %get3A_957 = arith.index_cast %add3A_952 : i32 to index
        %get3A_958 = arith.constant 0 : index
        %get3A_959 = tpu.vector_load %get3A_956[%get3A_957, %get3A_958] {strides = array<i32>} : memref<128x32xf32, #tpu.memory_space<vmem>>, vector<1x16xf32>,
        %get3A_960 = vector.shape_cast %get3A_959 : vector<1x16xf32> to vector<16xf32>
        %mul3A_961 = vector.broadcast %squeeze3A_948 : f32 to vector<16xf32>
        %mul3A_962 = arith.mulf %get3A_960, %mul3A_961 : vector<16xf32>
        %swap3A_963 = arith.constant 0 : i32
        %swap3A_964 = arith.constant 0 : i32
        %swap3A_965 = tpu.memref_slice %arg10[%scan3A_132, %swap3A_963, %swap3A_964] : memref<4x128x32xf32, #tpu.memory_space<vmem>> -> memref<1x128x32xf32, #tpu.memory_space<vmem>>
        %swap3A_966 = tpu.memref_squeeze %swap3A_965 : memref<1x128x32xf32, #tpu.memory_space<vmem>> -> memref<128x32xf32, #tpu.memory_space<vmem>>
        %swap3A_967 = arith.index_cast %add3A_952 : i32 to index
        %swap3A_968 = arith.constant 0 : index
        %swap3A_969 = tpu.vector_load %swap3A_966[%swap3A_967, %swap3A_968] {strides = array<i32>} : memref<128x32xf32, #tpu.memory_space<vmem>>, vector<1x16xf32>,
        %swap3A_970 = vector.shape_cast %swap3A_969 : vector<1x16xf32> to vector<16xf32>
        %swap3A_971 = vector.shape_cast %mul3A_962 : vector<16xf32> to vector<1x16xf32>
        tpu.vector_store %swap3A_966[%swap3A_967, %swap3A_968], %swap3A_971 {strides = array<i32>} : memref<128x32xf32, #tpu.memory_space<vmem>>, vector<1x16xf32>,
        %get3A_972 = arith.constant 0 : i32
        %get3A_973 = arith.constant 0 : i32
        %get3A_974 = tpu.memref_slice %arg10[%scan3A_132, %get3A_972, %get3A_973] : memref<4x128x32xf32, #tpu.memory_space<vmem>> -> memref<1x128x32xf32, #tpu.memory_space<vmem>>
        %get3A_975 = tpu.memref_squeeze %get3A_974 : memref<1x128x32xf32, #tpu.memory_space<vmem>> -> memref<128x32xf32, #tpu.memory_space<vmem>>
        %get3A_976 = arith.index_cast %add3A_952 : i32 to index
        %get3A_977 = arith.constant 16 : index
        %get3A_978 = tpu.vector_load %get3A_975[%get3A_976, %get3A_977] {strides = array<i32>} : memref<128x32xf32, #tpu.memory_space<vmem>>, vector<1x16xf32>,
        %get3A_979 = vector.shape_cast %get3A_978 : vector<1x16xf32> to vector<16xf32>
        %mul3A_980 = vector.broadcast %squeeze3A_948 : f32 to vector<16xf32>
        %mul3A_981 = arith.mulf %get3A_979, %mul3A_980 : vector<16xf32>
        %swap3A_982 = arith.constant 0 : i32
        %swap3A_983 = arith.constant 0 : i32
        %swap3A_984 = tpu.memref_slice %arg10[%scan3A_132, %swap3A_982, %swap3A_983] : memref<4x128x32xf32, #tpu.memory_space<vmem>> -> memref<1x128x32xf32, #tpu.memory_space<vmem>>
        %swap3A_985 = tpu.memref_squeeze %swap3A_984 : memref<1x128x32xf32, #tpu.memory_space<vmem>> -> memref<128x32xf32, #tpu.memory_space<vmem>>
        %swap3A_986 = arith.index_cast %add3A_952 : i32 to index
        %swap3A_987 = arith.constant 16 : index
        %swap3A_988 = tpu.vector_load %swap3A_985[%swap3A_986, %swap3A_987] {strides = array<i32>} : memref<128x32xf32, #tpu.memory_space<vmem>>, vector<1x16xf32>,
        %swap3A_989 = vector.shape_cast %swap3A_988 : vector<1x16xf32> to vector<16xf32>
        %swap3A_990 = vector.shape_cast %mul3A_981 : vector<16xf32> to vector<1x16xf32>
        tpu.vector_store %swap3A_985[%swap3A_986, %swap3A_987], %swap3A_990 {strides = array<i32>} : memref<128x32xf32, #tpu.memory_space<vmem>>, vector<1x16xf32>,
      }
      %scan3A_137 = arith.constant 8 : i32
      %dma_start3A_138 = arith.constant 0 : i32
      %dma_start3A_139 = arith.constant 0 : i32
      %dma_start3A_140 = arith.constant 0 : i32
      %dma_start3A_141 = tpu.memref_slice %arg10[%dma_start3A_138, %dma_start3A_139, %dma_start3A_140] : memref<4x128x32xf32, #tpu.memory_space<vmem>> -> memref<1x128x32xf32, #tpu.memory_space<vmem>>
      %dma_start3A_142 = tpu.memref_squeeze %dma_start3A_141 : memref<1x128x32xf32, #tpu.memory_space<vmem>> -> memref<128x32xf32, #tpu.memory_space<vmem>>
      %dma_start3A_143 = arith.constant 0 : i32
      %dma_start3A_144 = tpu.memref_slice %arg8[%add3A_120, %dma_start3A_143] : memref<160x128xi32, #tpu.memory_space<vmem>> -> memref<1x128xi32, #tpu.memory_space<vmem>>
      %dma_start3A_145 = tpu.memref_squeeze %dma_start3A_144 : memref<1x128xi32, #tpu.memory_space<vmem>> -> memref<128xi32, #tpu.memory_space<vmem>>
      %dma_start3A_146 = arith.constant 0 : i32
      %dma_start3A_147 = arith.constant 0 : i32
      %dma_start3A_148 = tpu.memref_slice %arg12[%dma_start3A_146, %dma_start3A_147] : memref<10240x32xf32, #tpu.memory_space<vmem_shared>> -> memref<10240x32xf32, #tpu.memory_space<vmem_shared>>
      tpu.enqueue_indirect_dma source(%dma_start3A_142 : memref<128x32xf32, #tpu.memory_space<vmem>>) target(%dma_start3A_148 : memref<10240x32xf32, #tpu.memory_space<vmem_shared>>) offsets(%dma_start3A_145 : memref<128xi32, #tpu.memory_space<vmem>>) semaphore(%arg18 : memref<!tpu.dma_semaphore, #tpu.memory_space<semaphore_mem>>) {add = true}
      %add3A_149 = arith.constant 4 : i32
      %add3A_150 = arith.addi %add3A_120, %add3A_149 : i32
      %sub3A = arith.constant 1 : i32
      %sub3A_151 = arith.subi %add3A_150, %sub3A : i32
      %gt3A = arith.constant 0 : i32
      %gt3A_152 = arith.cmpi sgt, %add3A_116, %gt3A : i32
      %convert_element_type3A = arith.extui %gt3A_152 : i1 to i32
      %cond3A = arith.constant 0 : i32
      %cond3A_153 = arith.cmpi ne, %convert_element_type3A, %cond3A : i32
      scf.if %cond3A_153 {
        %sub3A_280 = arith.constant 4 : i32
        %sub3A_281 = arith.subi %sub3A_151, %sub3A_280 : i32
        %dma_wait3A_282 = arith.constant 3 : i32
        %dma_wait3A_283 = arith.constant 0 : i32
        %dma_wait3A_284 = arith.constant 0 : i32
        %dma_wait3A_285 = tpu.memref_slice %arg10[%dma_wait3A_282, %dma_wait3A_283, %dma_wait3A_284] : memref<4x128x32xf32, #tpu.memory_space<vmem>> -> memref<1x128x32xf32, #tpu.memory_space<vmem>>
        %dma_wait3A_286 = tpu.memref_squeeze %dma_wait3A_285 : memref<1x128x32xf32, #tpu.memory_space<vmem>> -> memref<128x32xf32, #tpu.memory_space<vmem>>
        %dma_wait3A_287 = arith.constant 0 : i32
        %dma_wait3A_288 = tpu.memref_slice %arg8[%sub3A_281, %dma_wait3A_287] : memref<160x128xi32, #tpu.memory_space<vmem>> -> memref<1x128xi32, #tpu.memory_space<vmem>>
        %dma_wait3A_289 = tpu.memref_squeeze %dma_wait3A_288 : memref<1x128xi32, #tpu.memory_space<vmem>> -> memref<128xi32, #tpu.memory_space<vmem>>
        %dma_wait3A_290 = arith.constant 0 : i32
        %dma_wait3A_291 = arith.constant 0 : i32
        %dma_wait3A_292 = tpu.memref_slice %arg12[%dma_wait3A_290, %dma_wait3A_291] : memref<10240x32xf32, #tpu.memory_space<vmem_shared>> -> memref<10240x32xf32, #tpu.memory_space<vmem_shared>>
        tpu.wait_indirect_dma semaphore(%arg21 : memref<!tpu.dma_semaphore, #tpu.memory_space<semaphore_mem>>) src(%dma_wait3A_286 : memref<128x32xf32, #tpu.memory_space<vmem>>) dst(%dma_wait3A_292 : memref<10240x32xf32, #tpu.memory_space<vmem_shared>>)
        %dma_start3A_293 = arith.constant 3 : i32
        %dma_start3A_294 = arith.constant 0 : i32
        %dma_start3A_295 = arith.constant 0 : i32
        %dma_start3A_296 = tpu.memref_slice %arg10[%dma_start3A_293, %dma_start3A_294, %dma_start3A_295] : memref<4x128x32xf32, #tpu.memory_space<vmem>> -> memref<1x128x32xf32, #tpu.memory_space<vmem>>
        %dma_start3A_297 = tpu.memref_squeeze %dma_start3A_296 : memref<1x128x32xf32, #tpu.memory_space<vmem>> -> memref<128x32xf32, #tpu.memory_space<vmem>>
        %dma_start3A_298 = arith.constant 0 : i32
        %dma_start3A_299 = tpu.memref_slice %arg7[%sub3A_151, %dma_start3A_298] : memref<160x128xi32, #tpu.memory_space<vmem>> -> memref<1x128xi32, #tpu.memory_space<vmem>>
        %dma_start3A_300 = tpu.memref_squeeze %dma_start3A_299 : memref<1x128xi32, #tpu.memory_space<vmem>> -> memref<128xi32, #tpu.memory_space<vmem>>
        %dma_start3A_301 = arith.constant 0 : i32
        %dma_start3A_302 = arith.constant 0 : i32
        %dma_start3A_303 = tpu.memref_slice %arg13[%dma_start3A_301, %dma_start3A_302] : memref<10240x32xf32, #tpu.memory_space<vmem_shared>> -> memref<10240x32xf32, #tpu.memory_space<vmem_shared>>
        tpu.enqueue_indirect_dma source(%dma_start3A_303 : memref<10240x32xf32, #tpu.memory_space<vmem_shared>>) target(%dma_start3A_297 : memref<128x32xf32, #tpu.memory_space<vmem>>) offsets(%dma_start3A_300 : memref<128xi32, #tpu.memory_space<vmem>>) semaphore(%arg17 : memref<!tpu.dma_semaphore, #tpu.memory_space<semaphore_mem>>)
      } else {
      }
      %eq3A = arith.constant 0 : i32
      %eq3A_154 = arith.cmpi eq, %add3A_116, %eq3A : i32
      %convert_element_type3A_155 = arith.extui %eq3A_154 : i1 to i32
      %cond3A_156 = arith.constant 0 : i32
      %cond3A_157 = arith.cmpi ne, %convert_element_type3A_155, %cond3A_156 : i32
      scf.if %cond3A_157 {
        %dma_start3A_280 = arith.constant 3 : i32
        %dma_start3A_281 = arith.constant 0 : i32
        %dma_start3A_282 = arith.constant 0 : i32
        %dma_start3A_283 = tpu.memref_slice %arg10[%dma_start3A_280, %dma_start3A_281, %dma_start3A_282] : memref<4x128x32xf32, #tpu.memory_space<vmem>> -> memref<1x128x32xf32, #tpu.memory_space<vmem>>
        %dma_start3A_284 = tpu.memref_squeeze %dma_start3A_283 : memref<1x128x32xf32, #tpu.memory_space<vmem>> -> memref<128x32xf32, #tpu.memory_space<vmem>>
        %dma_start3A_285 = arith.constant 0 : i32
        %dma_start3A_286 = tpu.memref_slice %arg7[%sub3A_151, %dma_start3A_285] : memref<160x128xi32, #tpu.memory_space<vmem>> -> memref<1x128xi32, #tpu.memory_space<vmem>>
        %dma_start3A_287 = tpu.memref_squeeze %dma_start3A_286 : memref<1x128xi32, #tpu.memory_space<vmem>> -> memref<128xi32, #tpu.memory_space<vmem>>
        %dma_start3A_288 = arith.constant 0 : i32
        %dma_start3A_289 = arith.constant 0 : i32
        %dma_start3A_290 = tpu.memref_slice %arg13[%dma_start3A_288, %dma_start3A_289] : memref<10240x32xf32, #tpu.memory_space<vmem_shared>> -> memref<10240x32xf32, #tpu.memory_space<vmem_shared>>
        tpu.enqueue_indirect_dma source(%dma_start3A_290 : memref<10240x32xf32, #tpu.memory_space<vmem_shared>>) target(%dma_start3A_284 : memref<128x32xf32, #tpu.memory_space<vmem>>) offsets(%dma_start3A_287 : memref<128xi32, #tpu.memory_space<vmem>>) semaphore(%arg17 : memref<!tpu.dma_semaphore, #tpu.memory_space<semaphore_mem>>)
      } else {
      }
      %mul3A_158 = arith.constant 4 : i32
      %mul3A_159 = arith.muli %add3A_116, %mul3A_158 : i32
      %add3A_160 = arith.constant 1 : i32
      %add3A_161 = arith.addi %mul3A_159, %add3A_160 : i32
      %dma_wait3A_162 = arith.constant 1 : i32
      %dma_wait3A_163 = arith.constant 0 : i32
      %dma_wait3A_164 = arith.constant 0 : i32
      %dma_wait3A_165 = tpu.memref_slice %arg10[%dma_wait3A_162, %dma_wait3A_163, %dma_wait3A_164] : memref<4x128x32xf32, #tpu.memory_space<vmem>> -> memref<1x128x32xf32, #tpu.memory_space<vmem>>
      %dma_wait3A_166 = tpu.memref_squeeze %dma_wait3A_165 : memref<1x128x32xf32, #tpu.memory_space<vmem>> -> memref<128x32xf32, #tpu.memory_space<vmem>>
      %dma_wait3A_167 = arith.constant 0 : i32
      %dma_wait3A_168 = tpu.memref_slice %arg7[%add3A_161, %dma_wait3A_167] : memref<160x128xi32, #tpu.memory_space<vmem>> -> memref<1x128xi32, #tpu.memory_space<vmem>>
      %dma_wait3A_169 = tpu.memref_squeeze %dma_wait3A_168 : memref<1x128xi32, #tpu.memory_space<vmem>> -> memref<128xi32, #tpu.memory_space<vmem>>
      %dma_wait3A_170 = arith.constant 0 : i32
      %dma_wait3A_171 = arith.constant 0 : i32
      %dma_wait3A_172 = tpu.memref_slice %arg13[%dma_wait3A_170, %dma_wait3A_171] : memref<10240x32xf32, #tpu.memory_space<vmem_shared>> -> memref<10240x32xf32, #tpu.memory_space<vmem_shared>>
      tpu.wait_indirect_dma semaphore(%arg15 : memref<!tpu.dma_semaphore, #tpu.memory_space<semaphore_mem>>) src(%dma_wait3A_172 : memref<10240x32xf32, #tpu.memory_space<vmem_shared>>) dst(%dma_wait3A_166 : memref<128x32xf32, #tpu.memory_space<vmem>>)
      %scan3A_173 = arith.constant 1 : i32
      %scan3A_174 = arith.constant 0 : i32
      %scan3A_175 = arith.constant 8 : i32
      %scan3A_176 = arith.addi %scan3A_174, %scan3A_175 : i32
      %scan3A_177 = arith.constant 1 : i32
      scf.for %scan3A_280 = %scan3A_174 to %scan3A_176 step %scan3A_177  : i32 {
        %mul3A_281 = arith.constant 1 : i32
        %mul3A_282 = arith.muli %scan3A_280, %mul3A_281 : i32
        %add3A_283 = arith.constant 0 : i32
        %add3A_284 = arith.addi %add3A_283, %mul3A_282 : i32
        %mul3A_285 = arith.constant 16 : i32
        %mul3A_286 = arith.muli %add3A_284, %mul3A_285 : i32
        %get3A = arith.index_cast %add3A_161 : i32 to index
        %get3A_287 = arith.index_cast %mul3A_286 : i32 to index
        %get3A_288 = tpu.vector_load %arg9[%get3A, %get3A_287] {strides = array<i32>} : memref<160x128xf32, #tpu.memory_space<vmem>>, vector<1x16xf32>,
        %get3A_289 = vector.shape_cast %get3A_288 : vector<1x16xf32> to vector<16xf32>
        %slice3A = vector.extract_strided_slice %get3A_289 {offsets = [0], sizes = [1], strides = [1]} : vector<16xf32> to vector<1xf32>
        %squeeze3A = vector.extract %slice3A[0] : f32 from vector<1xf32>
        %mul3A_290 = arith.constant 16 : i32
        %mul3A_291 = arith.muli %add3A_284, %mul3A_290 : i32
        %add3A_292 = arith.constant 0 : i32
        %add3A_293 = arith.addi %mul3A_291, %add3A_292 : i32
        %get3A_294 = arith.constant 0 : i32
        %get3A_295 = arith.constant 0 : i32
        %get3A_296 = tpu.memref_slice %arg10[%scan3A_173, %get3A_294, %get3A_295] : memref<4x128x32xf32, #tpu.memory_space<vmem>> -> memref<1x128x32xf32, #tpu.memory_space<vmem>>
        %get3A_297 = tpu.memref_squeeze %get3A_296 : memref<1x128x32xf32, #tpu.memory_space<vmem>> -> memref<128x32xf32, #tpu.memory_space<vmem>>
        %get3A_298 = arith.index_cast %add3A_293 : i32 to index
        %get3A_299 = arith.constant 0 : index
        %get3A_300 = tpu.vector_load %get3A_297[%get3A_298, %get3A_299] {strides = array<i32>} : memref<128x32xf32, #tpu.memory_space<vmem>>, vector<1x16xf32>,
        %get3A_301 = vector.shape_cast %get3A_300 : vector<1x16xf32> to vector<16xf32>
        %mul3A_302 = vector.broadcast %squeeze3A : f32 to vector<16xf32>
        %mul3A_303 = arith.mulf %get3A_301, %mul3A_302 : vector<16xf32>
        %swap3A = arith.constant 0 : i32
        %swap3A_304 = arith.constant 0 : i32
        %swap3A_305 = tpu.memref_slice %arg10[%scan3A_173, %swap3A, %swap3A_304] : memref<4x128x32xf32, #tpu.memory_space<vmem>> -> memref<1x128x32xf32, #tpu.memory_space<vmem>>
        %swap3A_306 = tpu.memref_squeeze %swap3A_305 : memref<1x128x32xf32, #tpu.memory_space<vmem>> -> memref<128x32xf32, #tpu.memory_space<vmem>>
        %swap3A_307 = arith.index_cast %add3A_293 : i32 to index
        %swap3A_308 = arith.constant 0 : index
        %swap3A_309 = tpu.vector_load %swap3A_306[%swap3A_307, %swap3A_308] {strides = array<i32>} : memref<128x32xf32, #tpu.memory_space<vmem>>, vector<1x16xf32>,
        %swap3A_310 = vector.shape_cast %swap3A_309 : vector<1x16xf32> to vector<16xf32>
        %swap3A_311 = vector.shape_cast %mul3A_303 : vector<16xf32> to vector<1x16xf32>
        tpu.vector_store %swap3A_306[%swap3A_307, %swap3A_308], %swap3A_311 {strides = array<i32>} : memref<128x32xf32, #tpu.memory_space<vmem>>, vector<1x16xf32>,
        %get3A_312 = arith.constant 0 : i32
        %get3A_313 = arith.constant 0 : i32
        %get3A_314 = tpu.memref_slice %arg10[%scan3A_173, %get3A_312, %get3A_313] : memref<4x128x32xf32, #tpu.memory_space<vmem>> -> memref<1x128x32xf32, #tpu.memory_space<vmem>>
        %get3A_315 = tpu.memref_squeeze %get3A_314 : memref<1x128x32xf32, #tpu.memory_space<vmem>> -> memref<128x32xf32, #tpu.memory_space<vmem>>
        %get3A_316 = arith.index_cast %add3A_293 : i32 to index
        %get3A_317 = arith.constant 16 : index
        %get3A_318 = tpu.vector_load %get3A_315[%get3A_316, %get3A_317] {strides = array<i32>} : memref<128x32xf32, #tpu.memory_space<vmem>>, vector<1x16xf32>,
        %get3A_319 = vector.shape_cast %get3A_318 : vector<1x16xf32> to vector<16xf32>
        %mul3A_320 = vector.broadcast %squeeze3A : f32 to vector<16xf32>
        %mul3A_321 = arith.mulf %get3A_319, %mul3A_320 : vector<16xf32>
        %swap3A_322 = arith.constant 0 : i32
        %swap3A_323 = arith.constant 0 : i32
        %swap3A_324 = tpu.memref_slice %arg10[%scan3A_173, %swap3A_322, %swap3A_323] : memref<4x128x32xf32, #tpu.memory_space<vmem>> -> memref<1x128x32xf32, #tpu.memory_space<vmem>>
        %swap3A_325 = tpu.memref_squeeze %swap3A_324 : memref<1x128x32xf32, #tpu.memory_space<vmem>> -> memref<128x32xf32, #tpu.memory_space<vmem>>
        %swap3A_326 = arith.index_cast %add3A_293 : i32 to index
        %swap3A_327 = arith.constant 16 : index
        %swap3A_328 = tpu.vector_load %swap3A_325[%swap3A_326, %swap3A_327] {strides = array<i32>} : memref<128x32xf32, #tpu.memory_space<vmem>>, vector<1x16xf32>,
        %swap3A_329 = vector.shape_cast %swap3A_328 : vector<1x16xf32> to vector<16xf32>
        %swap3A_330 = vector.shape_cast %mul3A_321 : vector<16xf32> to vector<1x16xf32>
        tpu.vector_store %swap3A_325[%swap3A_326, %swap3A_327], %swap3A_330 {strides = array<i32>} : memref<128x32xf32, #tpu.memory_space<vmem>>, vector<1x16xf32>,
        %slice3A_331 = vector.extract_strided_slice %get3A_289 {offsets = [1], sizes = [1], strides = [1]} : vector<16xf32> to vector<1xf32>
        %squeeze3A_332 = vector.extract %slice3A_331[0] : f32 from vector<1xf32>
        %mul3A_333 = arith.constant 16 : i32
        %mul3A_334 = arith.muli %add3A_284, %mul3A_333 : i32
        %add3A_335 = arith.constant 1 : i32
        %add3A_336 = arith.addi %mul3A_334, %add3A_335 : i32
        %get3A_337 = arith.constant 0 : i32
        %get3A_338 = arith.constant 0 : i32
        %get3A_339 = tpu.memref_slice %arg10[%scan3A_173, %get3A_337, %get3A_338] : memref<4x128x32xf32, #tpu.memory_space<vmem>> -> memref<1x128x32xf32, #tpu.memory_space<vmem>>
        %get3A_340 = tpu.memref_squeeze %get3A_339 : memref<1x128x32xf32, #tpu.memory_space<vmem>> -> memref<128x32xf32, #tpu.memory_space<vmem>>
        %get3A_341 = arith.index_cast %add3A_336 : i32 to index
        %get3A_342 = arith.constant 0 : index
        %get3A_343 = tpu.vector_load %get3A_340[%get3A_341, %get3A_342] {strides = array<i32>} : memref<128x32xf32, #tpu.memory_space<vmem>>, vector<1x16xf32>,
        %get3A_344 = vector.shape_cast %get3A_343 : vector<1x16xf32> to vector<16xf32>
        %mul3A_345 = vector.broadcast %squeeze3A_332 : f32 to vector<16xf32>
        %mul3A_346 = arith.mulf %get3A_344, %mul3A_345 : vector<16xf32>
        %swap3A_347 = arith.constant 0 : i32
        %swap3A_348 = arith.constant 0 : i32
        %swap3A_349 = tpu.memref_slice %arg10[%scan3A_173, %swap3A_347, %swap3A_348] : memref<4x128x32xf32, #tpu.memory_space<vmem>> -> memref<1x128x32xf32, #tpu.memory_space<vmem>>
        %swap3A_350 = tpu.memref_squeeze %swap3A_349 : memref<1x128x32xf32, #tpu.memory_space<vmem>> -> memref<128x32xf32, #tpu.memory_space<vmem>>
        %swap3A_351 = arith.index_cast %add3A_336 : i32 to index
        %swap3A_352 = arith.constant 0 : index
        %swap3A_353 = tpu.vector_load %swap3A_350[%swap3A_351, %swap3A_352] {strides = array<i32>} : memref<128x32xf32, #tpu.memory_space<vmem>>, vector<1x16xf32>,
        %swap3A_354 = vector.shape_cast %swap3A_353 : vector<1x16xf32> to vector<16xf32>
        %swap3A_355 = vector.shape_cast %mul3A_346 : vector<16xf32> to vector<1x16xf32>
        tpu.vector_store %swap3A_350[%swap3A_351, %swap3A_352], %swap3A_355 {strides = array<i32>} : memref<128x32xf32, #tpu.memory_space<vmem>>, vector<1x16xf32>,
        %get3A_356 = arith.constant 0 : i32
        %get3A_357 = arith.constant 0 : i32
        %get3A_358 = tpu.memref_slice %arg10[%scan3A_173, %get3A_356, %get3A_357] : memref<4x128x32xf32, #tpu.memory_space<vmem>> -> memref<1x128x32xf32, #tpu.memory_space<vmem>>
        %get3A_359 = tpu.memref_squeeze %get3A_358 : memref<1x128x32xf32, #tpu.memory_space<vmem>> -> memref<128x32xf32, #tpu.memory_space<vmem>>
        %get3A_360 = arith.index_cast %add3A_336 : i32 to index
        %get3A_361 = arith.constant 16 : index
        %get3A_362 = tpu.vector_load %get3A_359[%get3A_360, %get3A_361] {strides = array<i32>} : memref<128x32xf32, #tpu.memory_space<vmem>>, vector<1x16xf32>,
        %get3A_363 = vector.shape_cast %get3A_362 : vector<1x16xf32> to vector<16xf32>
        %mul3A_364 = vector.broadcast %squeeze3A_332 : f32 to vector<16xf32>
        %mul3A_365 = arith.mulf %get3A_363, %mul3A_364 : vector<16xf32>
        %swap3A_366 = arith.constant 0 : i32
        %swap3A_367 = arith.constant 0 : i32
        %swap3A_368 = tpu.memref_slice %arg10[%scan3A_173, %swap3A_366, %swap3A_367] : memref<4x128x32xf32, #tpu.memory_space<vmem>> -> memref<1x128x32xf32, #tpu.memory_space<vmem>>
        %swap3A_369 = tpu.memref_squeeze %swap3A_368 : memref<1x128x32xf32, #tpu.memory_space<vmem>> -> memref<128x32xf32, #tpu.memory_space<vmem>>
        %swap3A_370 = arith.index_cast %add3A_336 : i32 to index
        %swap3A_371 = arith.constant 16 : index
        %swap3A_372 = tpu.vector_load %swap3A_369[%swap3A_370, %swap3A_371] {strides = array<i32>} : memref<128x32xf32, #tpu.memory_space<vmem>>, vector<1x16xf32>,
        %swap3A_373 = vector.shape_cast %swap3A_372 : vector<1x16xf32> to vector<16xf32>
        %swap3A_374 = vector.shape_cast %mul3A_365 : vector<16xf32> to vector<1x16xf32>
        tpu.vector_store %swap3A_369[%swap3A_370, %swap3A_371], %swap3A_374 {strides = array<i32>} : memref<128x32xf32, #tpu.memory_space<vmem>>, vector<1x16xf32>,
        %slice3A_375 = vector.extract_strided_slice %get3A_289 {offsets = [2], sizes = [1], strides = [1]} : vector<16xf32> to vector<1xf32>
        %squeeze3A_376 = vector.extract %slice3A_375[0] : f32 from vector<1xf32>
        %mul3A_377 = arith.constant 16 : i32
        %mul3A_378 = arith.muli %add3A_284, %mul3A_377 : i32
        %add3A_379 = arith.constant 2 : i32
        %add3A_380 = arith.addi %mul3A_378, %add3A_379 : i32
        %get3A_381 = arith.constant 0 : i32
        %get3A_382 = arith.constant 0 : i32
        %get3A_383 = tpu.memref_slice %arg10[%scan3A_173, %get3A_381, %get3A_382] : memref<4x128x32xf32, #tpu.memory_space<vmem>> -> memref<1x128x32xf32, #tpu.memory_space<vmem>>
        %get3A_384 = tpu.memref_squeeze %get3A_383 : memref<1x128x32xf32, #tpu.memory_space<vmem>> -> memref<128x32xf32, #tpu.memory_space<vmem>>
        %get3A_385 = arith.index_cast %add3A_380 : i32 to index
        %get3A_386 = arith.constant 0 : index
        %get3A_387 = tpu.vector_load %get3A_384[%get3A_385, %get3A_386] {strides = array<i32>} : memref<128x32xf32, #tpu.memory_space<vmem>>, vector<1x16xf32>,
        %get3A_388 = vector.shape_cast %get3A_387 : vector<1x16xf32> to vector<16xf32>
        %mul3A_389 = vector.broadcast %squeeze3A_376 : f32 to vector<16xf32>
        %mul3A_390 = arith.mulf %get3A_388, %mul3A_389 : vector<16xf32>
        %swap3A_391 = arith.constant 0 : i32
        %swap3A_392 = arith.constant 0 : i32
        %swap3A_393 = tpu.memref_slice %arg10[%scan3A_173, %swap3A_391, %swap3A_392] : memref<4x128x32xf32, #tpu.memory_space<vmem>> -> memref<1x128x32xf32, #tpu.memory_space<vmem>>
        %swap3A_394 = tpu.memref_squeeze %swap3A_393 : memref<1x128x32xf32, #tpu.memory_space<vmem>> -> memref<128x32xf32, #tpu.memory_space<vmem>>
        %swap3A_395 = arith.index_cast %add3A_380 : i32 to index
        %swap3A_396 = arith.constant 0 : index
        %swap3A_397 = tpu.vector_load %swap3A_394[%swap3A_395, %swap3A_396] {strides = array<i32>} : memref<128x32xf32, #tpu.memory_space<vmem>>, vector<1x16xf32>,
        %swap3A_398 = vector.shape_cast %swap3A_397 : vector<1x16xf32> to vector<16xf32>
        %swap3A_399 = vector.shape_cast %mul3A_390 : vector<16xf32> to vector<1x16xf32>
        tpu.vector_store %swap3A_394[%swap3A_395, %swap3A_396], %swap3A_399 {strides = array<i32>} : memref<128x32xf32, #tpu.memory_space<vmem>>, vector<1x16xf32>,
        %get3A_400 = arith.constant 0 : i32
        %get3A_401 = arith.constant 0 : i32
        %get3A_402 = tpu.memref_slice %arg10[%scan3A_173, %get3A_400, %get3A_401] : memref<4x128x32xf32, #tpu.memory_space<vmem>> -> memref<1x128x32xf32, #tpu.memory_space<vmem>>
        %get3A_403 = tpu.memref_squeeze %get3A_402 : memref<1x128x32xf32, #tpu.memory_space<vmem>> -> memref<128x32xf32, #tpu.memory_space<vmem>>
        %get3A_404 = arith.index_cast %add3A_380 : i32 to index
        %get3A_405 = arith.constant 16 : index
        %get3A_406 = tpu.vector_load %get3A_403[%get3A_404, %get3A_405] {strides = array<i32>} : memref<128x32xf32, #tpu.memory_space<vmem>>, vector<1x16xf32>,
        %get3A_407 = vector.shape_cast %get3A_406 : vector<1x16xf32> to vector<16xf32>
        %mul3A_408 = vector.broadcast %squeeze3A_376 : f32 to vector<16xf32>
        %mul3A_409 = arith.mulf %get3A_407, %mul3A_408 : vector<16xf32>
        %swap3A_410 = arith.constant 0 : i32
        %swap3A_411 = arith.constant 0 : i32
        %swap3A_412 = tpu.memref_slice %arg10[%scan3A_173, %swap3A_410, %swap3A_411] : memref<4x128x32xf32, #tpu.memory_space<vmem>> -> memref<1x128x32xf32, #tpu.memory_space<vmem>>
        %swap3A_413 = tpu.memref_squeeze %swap3A_412 : memref<1x128x32xf32, #tpu.memory_space<vmem>> -> memref<128x32xf32, #tpu.memory_space<vmem>>
        %swap3A_414 = arith.index_cast %add3A_380 : i32 to index
        %swap3A_415 = arith.constant 16 : index
        %swap3A_416 = tpu.vector_load %swap3A_413[%swap3A_414, %swap3A_415] {strides = array<i32>} : memref<128x32xf32, #tpu.memory_space<vmem>>, vector<1x16xf32>,
        %swap3A_417 = vector.shape_cast %swap3A_416 : vector<1x16xf32> to vector<16xf32>
        %swap3A_418 = vector.shape_cast %mul3A_409 : vector<16xf32> to vector<1x16xf32>
        tpu.vector_store %swap3A_413[%swap3A_414, %swap3A_415], %swap3A_418 {strides = array<i32>} : memref<128x32xf32, #tpu.memory_space<vmem>>, vector<1x16xf32>,
        %slice3A_419 = vector.extract_strided_slice %get3A_289 {offsets = [3], sizes = [1], strides = [1]} : vector<16xf32> to vector<1xf32>
        %squeeze3A_420 = vector.extract %slice3A_419[0] : f32 from vector<1xf32>
        %mul3A_421 = arith.constant 16 : i32
        %mul3A_422 = arith.muli %add3A_284, %mul3A_421 : i32
        %add3A_423 = arith.constant 3 : i32
        %add3A_424 = arith.addi %mul3A_422, %add3A_423 : i32
        %get3A_425 = arith.constant 0 : i32
        %get3A_426 = arith.constant 0 : i32
        %get3A_427 = tpu.memref_slice %arg10[%scan3A_173, %get3A_425, %get3A_426] : memref<4x128x32xf32, #tpu.memory_space<vmem>> -> memref<1x128x32xf32, #tpu.memory_space<vmem>>
        %get3A_428 = tpu.memref_squeeze %get3A_427 : memref<1x128x32xf32, #tpu.memory_space<vmem>> -> memref<128x32xf32, #tpu.memory_space<vmem>>
        %get3A_429 = arith.index_cast %add3A_424 : i32 to index
        %get3A_430 = arith.constant 0 : index
        %get3A_431 = tpu.vector_load %get3A_428[%get3A_429, %get3A_430] {strides = array<i32>} : memref<128x32xf32, #tpu.memory_space<vmem>>, vector<1x16xf32>,
        %get3A_432 = vector.shape_cast %get3A_431 : vector<1x16xf32> to vector<16xf32>
        %mul3A_433 = vector.broadcast %squeeze3A_420 : f32 to vector<16xf32>
        %mul3A_434 = arith.mulf %get3A_432, %mul3A_433 : vector<16xf32>
        %swap3A_435 = arith.constant 0 : i32
        %swap3A_436 = arith.constant 0 : i32
        %swap3A_437 = tpu.memref_slice %arg10[%scan3A_173, %swap3A_435, %swap3A_436] : memref<4x128x32xf32, #tpu.memory_space<vmem>> -> memref<1x128x32xf32, #tpu.memory_space<vmem>>
        %swap3A_438 = tpu.memref_squeeze %swap3A_437 : memref<1x128x32xf32, #tpu.memory_space<vmem>> -> memref<128x32xf32, #tpu.memory_space<vmem>>
        %swap3A_439 = arith.index_cast %add3A_424 : i32 to index
        %swap3A_440 = arith.constant 0 : index
        %swap3A_441 = tpu.vector_load %swap3A_438[%swap3A_439, %swap3A_440] {strides = array<i32>} : memref<128x32xf32, #tpu.memory_space<vmem>>, vector<1x16xf32>,
        %swap3A_442 = vector.shape_cast %swap3A_441 : vector<1x16xf32> to vector<16xf32>
        %swap3A_443 = vector.shape_cast %mul3A_434 : vector<16xf32> to vector<1x16xf32>
        tpu.vector_store %swap3A_438[%swap3A_439, %swap3A_440], %swap3A_443 {strides = array<i32>} : memref<128x32xf32, #tpu.memory_space<vmem>>, vector<1x16xf32>,
        %get3A_444 = arith.constant 0 : i32
        %get3A_445 = arith.constant 0 : i32
        %get3A_446 = tpu.memref_slice %arg10[%scan3A_173, %get3A_444, %get3A_445] : memref<4x128x32xf32, #tpu.memory_space<vmem>> -> memref<1x128x32xf32, #tpu.memory_space<vmem>>
        %get3A_447 = tpu.memref_squeeze %get3A_446 : memref<1x128x32xf32, #tpu.memory_space<vmem>> -> memref<128x32xf32, #tpu.memory_space<vmem>>
        %get3A_448 = arith.index_cast %add3A_424 : i32 to index
        %get3A_449 = arith.constant 16 : index
        %get3A_450 = tpu.vector_load %get3A_447[%get3A_448, %get3A_449] {strides = array<i32>} : memref<128x32xf32, #tpu.memory_space<vmem>>, vector<1x16xf32>,
        %get3A_451 = vector.shape_cast %get3A_450 : vector<1x16xf32> to vector<16xf32>
        %mul3A_452 = vector.broadcast %squeeze3A_420 : f32 to vector<16xf32>
        %mul3A_453 = arith.mulf %get3A_451, %mul3A_452 : vector<16xf32>
        %swap3A_454 = arith.constant 0 : i32
        %swap3A_455 = arith.constant 0 : i32
        %swap3A_456 = tpu.memref_slice %arg10[%scan3A_173, %swap3A_454, %swap3A_455] : memref<4x128x32xf32, #tpu.memory_space<vmem>> -> memref<1x128x32xf32, #tpu.memory_space<vmem>>
        %swap3A_457 = tpu.memref_squeeze %swap3A_456 : memref<1x128x32xf32, #tpu.memory_space<vmem>> -> memref<128x32xf32, #tpu.memory_space<vmem>>
        %swap3A_458 = arith.index_cast %add3A_424 : i32 to index
        %swap3A_459 = arith.constant 16 : index
        %swap3A_460 = tpu.vector_load %swap3A_457[%swap3A_458, %swap3A_459] {strides = array<i32>} : memref<128x32xf32, #tpu.memory_space<vmem>>, vector<1x16xf32>,
        %swap3A_461 = vector.shape_cast %swap3A_460 : vector<1x16xf32> to vector<16xf32>
        %swap3A_462 = vector.shape_cast %mul3A_453 : vector<16xf32> to vector<1x16xf32>
        tpu.vector_store %swap3A_457[%swap3A_458, %swap3A_459], %swap3A_462 {strides = array<i32>} : memref<128x32xf32, #tpu.memory_space<vmem>>, vector<1x16xf32>,
        %slice3A_463 = vector.extract_strided_slice %get3A_289 {offsets = [4], sizes = [1], strides = [1]} : vector<16xf32> to vector<1xf32>
        %squeeze3A_464 = vector.extract %slice3A_463[0] : f32 from vector<1xf32>
        %mul3A_465 = arith.constant 16 : i32
        %mul3A_466 = arith.muli %add3A_284, %mul3A_465 : i32
        %add3A_467 = arith.constant 4 : i32
        %add3A_468 = arith.addi %mul3A_466, %add3A_467 : i32
        %get3A_469 = arith.constant 0 : i32
        %get3A_470 = arith.constant 0 : i32
        %get3A_471 = tpu.memref_slice %arg10[%scan3A_173, %get3A_469, %get3A_470] : memref<4x128x32xf32, #tpu.memory_space<vmem>> -> memref<1x128x32xf32, #tpu.memory_space<vmem>>
        %get3A_472 = tpu.memref_squeeze %get3A_471 : memref<1x128x32xf32, #tpu.memory_space<vmem>> -> memref<128x32xf32, #tpu.memory_space<vmem>>
        %get3A_473 = arith.index_cast %add3A_468 : i32 to index
        %get3A_474 = arith.constant 0 : index
        %get3A_475 = tpu.vector_load %get3A_472[%get3A_473, %get3A_474] {strides = array<i32>} : memref<128x32xf32, #tpu.memory_space<vmem>>, vector<1x16xf32>,
        %get3A_476 = vector.shape_cast %get3A_475 : vector<1x16xf32> to vector<16xf32>
        %mul3A_477 = vector.broadcast %squeeze3A_464 : f32 to vector<16xf32>
        %mul3A_478 = arith.mulf %get3A_476, %mul3A_477 : vector<16xf32>
        %swap3A_479 = arith.constant 0 : i32
        %swap3A_480 = arith.constant 0 : i32
        %swap3A_481 = tpu.memref_slice %arg10[%scan3A_173, %swap3A_479, %swap3A_480] : memref<4x128x32xf32, #tpu.memory_space<vmem>> -> memref<1x128x32xf32, #tpu.memory_space<vmem>>
        %swap3A_482 = tpu.memref_squeeze %swap3A_481 : memref<1x128x32xf32, #tpu.memory_space<vmem>> -> memref<128x32xf32, #tpu.memory_space<vmem>>
        %swap3A_483 = arith.index_cast %add3A_468 : i32 to index
        %swap3A_484 = arith.constant 0 : index
        %swap3A_485 = tpu.vector_load %swap3A_482[%swap3A_483, %swap3A_484] {strides = array<i32>} : memref<128x32xf32, #tpu.memory_space<vmem>>, vector<1x16xf32>,
        %swap3A_486 = vector.shape_cast %swap3A_485 : vector<1x16xf32> to vector<16xf32>
        %swap3A_487 = vector.shape_cast %mul3A_478 : vector<16xf32> to vector<1x16xf32>
        tpu.vector_store %swap3A_482[%swap3A_483, %swap3A_484], %swap3A_487 {strides = array<i32>} : memref<128x32xf32, #tpu.memory_space<vmem>>, vector<1x16xf32>,
        %get3A_488 = arith.constant 0 : i32
        %get3A_489 = arith.constant 0 : i32
        %get3A_490 = tpu.memref_slice %arg10[%scan3A_173, %get3A_488, %get3A_489] : memref<4x128x32xf32, #tpu.memory_space<vmem>> -> memref<1x128x32xf32, #tpu.memory_space<vmem>>
        %get3A_491 = tpu.memref_squeeze %get3A_490 : memref<1x128x32xf32, #tpu.memory_space<vmem>> -> memref<128x32xf32, #tpu.memory_space<vmem>>
        %get3A_492 = arith.index_cast %add3A_468 : i32 to index
        %get3A_493 = arith.constant 16 : index
        %get3A_494 = tpu.vector_load %get3A_491[%get3A_492, %get3A_493] {strides = array<i32>} : memref<128x32xf32, #tpu.memory_space<vmem>>, vector<1x16xf32>,
        %get3A_495 = vector.shape_cast %get3A_494 : vector<1x16xf32> to vector<16xf32>
        %mul3A_496 = vector.broadcast %squeeze3A_464 : f32 to vector<16xf32>
        %mul3A_497 = arith.mulf %get3A_495, %mul3A_496 : vector<16xf32>
        %swap3A_498 = arith.constant 0 : i32
        %swap3A_499 = arith.constant 0 : i32
        %swap3A_500 = tpu.memref_slice %arg10[%scan3A_173, %swap3A_498, %swap3A_499] : memref<4x128x32xf32, #tpu.memory_space<vmem>> -> memref<1x128x32xf32, #tpu.memory_space<vmem>>
        %swap3A_501 = tpu.memref_squeeze %swap3A_500 : memref<1x128x32xf32, #tpu.memory_space<vmem>> -> memref<128x32xf32, #tpu.memory_space<vmem>>
        %swap3A_502 = arith.index_cast %add3A_468 : i32 to index
        %swap3A_503 = arith.constant 16 : index
        %swap3A_504 = tpu.vector_load %swap3A_501[%swap3A_502, %swap3A_503] {strides = array<i32>} : memref<128x32xf32, #tpu.memory_space<vmem>>, vector<1x16xf32>,
        %swap3A_505 = vector.shape_cast %swap3A_504 : vector<1x16xf32> to vector<16xf32>
        %swap3A_506 = vector.shape_cast %mul3A_497 : vector<16xf32> to vector<1x16xf32>
        tpu.vector_store %swap3A_501[%swap3A_502, %swap3A_503], %swap3A_506 {strides = array<i32>} : memref<128x32xf32, #tpu.memory_space<vmem>>, vector<1x16xf32>,
        %slice3A_507 = vector.extract_strided_slice %get3A_289 {offsets = [5], sizes = [1], strides = [1]} : vector<16xf32> to vector<1xf32>
        %squeeze3A_508 = vector.extract %slice3A_507[0] : f32 from vector<1xf32>
        %mul3A_509 = arith.constant 16 : i32
        %mul3A_510 = arith.muli %add3A_284, %mul3A_509 : i32
        %add3A_511 = arith.constant 5 : i32
        %add3A_512 = arith.addi %mul3A_510, %add3A_511 : i32
        %get3A_513 = arith.constant 0 : i32
        %get3A_514 = arith.constant 0 : i32
        %get3A_515 = tpu.memref_slice %arg10[%scan3A_173, %get3A_513, %get3A_514] : memref<4x128x32xf32, #tpu.memory_space<vmem>> -> memref<1x128x32xf32, #tpu.memory_space<vmem>>
        %get3A_516 = tpu.memref_squeeze %get3A_515 : memref<1x128x32xf32, #tpu.memory_space<vmem>> -> memref<128x32xf32, #tpu.memory_space<vmem>>
        %get3A_517 = arith.index_cast %add3A_512 : i32 to index
        %get3A_518 = arith.constant 0 : index
        %get3A_519 = tpu.vector_load %get3A_516[%get3A_517, %get3A_518] {strides = array<i32>} : memref<128x32xf32, #tpu.memory_space<vmem>>, vector<1x16xf32>,
        %get3A_520 = vector.shape_cast %get3A_519 : vector<1x16xf32> to vector<16xf32>
        %mul3A_521 = vector.broadcast %squeeze3A_508 : f32 to vector<16xf32>
        %mul3A_522 = arith.mulf %get3A_520, %mul3A_521 : vector<16xf32>
        %swap3A_523 = arith.constant 0 : i32
        %swap3A_524 = arith.constant 0 : i32
        %swap3A_525 = tpu.memref_slice %arg10[%scan3A_173, %swap3A_523, %swap3A_524] : memref<4x128x32xf32, #tpu.memory_space<vmem>> -> memref<1x128x32xf32, #tpu.memory_space<vmem>>
        %swap3A_526 = tpu.memref_squeeze %swap3A_525 : memref<1x128x32xf32, #tpu.memory_space<vmem>> -> memref<128x32xf32, #tpu.memory_space<vmem>>
        %swap3A_527 = arith.index_cast %add3A_512 : i32 to index
        %swap3A_528 = arith.constant 0 : index
        %swap3A_529 = tpu.vector_load %swap3A_526[%swap3A_527, %swap3A_528] {strides = array<i32>} : memref<128x32xf32, #tpu.memory_space<vmem>>, vector<1x16xf32>,
        %swap3A_530 = vector.shape_cast %swap3A_529 : vector<1x16xf32> to vector<16xf32>
        %swap3A_531 = vector.shape_cast %mul3A_522 : vector<16xf32> to vector<1x16xf32>
        tpu.vector_store %swap3A_526[%swap3A_527, %swap3A_528], %swap3A_531 {strides = array<i32>} : memref<128x32xf32, #tpu.memory_space<vmem>>, vector<1x16xf32>,
        %get3A_532 = arith.constant 0 : i32
        %get3A_533 = arith.constant 0 : i32
        %get3A_534 = tpu.memref_slice %arg10[%scan3A_173, %get3A_532, %get3A_533] : memref<4x128x32xf32, #tpu.memory_space<vmem>> -> memref<1x128x32xf32, #tpu.memory_space<vmem>>
        %get3A_535 = tpu.memref_squeeze %get3A_534 : memref<1x128x32xf32, #tpu.memory_space<vmem>> -> memref<128x32xf32, #tpu.memory_space<vmem>>
        %get3A_536 = arith.index_cast %add3A_512 : i32 to index
        %get3A_537 = arith.constant 16 : index
        %get3A_538 = tpu.vector_load %get3A_535[%get3A_536, %get3A_537] {strides = array<i32>} : memref<128x32xf32, #tpu.memory_space<vmem>>, vector<1x16xf32>,
        %get3A_539 = vector.shape_cast %get3A_538 : vector<1x16xf32> to vector<16xf32>
        %mul3A_540 = vector.broadcast %squeeze3A_508 : f32 to vector<16xf32>
        %mul3A_541 = arith.mulf %get3A_539, %mul3A_540 : vector<16xf32>
        %swap3A_542 = arith.constant 0 : i32
        %swap3A_543 = arith.constant 0 : i32
        %swap3A_544 = tpu.memref_slice %arg10[%scan3A_173, %swap3A_542, %swap3A_543] : memref<4x128x32xf32, #tpu.memory_space<vmem>> -> memref<1x128x32xf32, #tpu.memory_space<vmem>>
        %swap3A_545 = tpu.memref_squeeze %swap3A_544 : memref<1x128x32xf32, #tpu.memory_space<vmem>> -> memref<128x32xf32, #tpu.memory_space<vmem>>
        %swap3A_546 = arith.index_cast %add3A_512 : i32 to index
        %swap3A_547 = arith.constant 16 : index
        %swap3A_548 = tpu.vector_load %swap3A_545[%swap3A_546, %swap3A_547] {strides = array<i32>} : memref<128x32xf32, #tpu.memory_space<vmem>>, vector<1x16xf32>,
        %swap3A_549 = vector.shape_cast %swap3A_548 : vector<1x16xf32> to vector<16xf32>
        %swap3A_550 = vector.shape_cast %mul3A_541 : vector<16xf32> to vector<1x16xf32>
        tpu.vector_store %swap3A_545[%swap3A_546, %swap3A_547], %swap3A_550 {strides = array<i32>} : memref<128x32xf32, #tpu.memory_space<vmem>>, vector<1x16xf32>,
        %slice3A_551 = vector.extract_strided_slice %get3A_289 {offsets = [6], sizes = [1], strides = [1]} : vector<16xf32> to vector<1xf32>
        %squeeze3A_552 = vector.extract %slice3A_551[0] : f32 from vector<1xf32>
        %mul3A_553 = arith.constant 16 : i32
        %mul3A_554 = arith.muli %add3A_284, %mul3A_553 : i32
        %add3A_555 = arith.constant 6 : i32
        %add3A_556 = arith.addi %mul3A_554, %add3A_555 : i32
        %get3A_557 = arith.constant 0 : i32
        %get3A_558 = arith.constant 0 : i32
        %get3A_559 = tpu.memref_slice %arg10[%scan3A_173, %get3A_557, %get3A_558] : memref<4x128x32xf32, #tpu.memory_space<vmem>> -> memref<1x128x32xf32, #tpu.memory_space<vmem>>
        %get3A_560 = tpu.memref_squeeze %get3A_559 : memref<1x128x32xf32, #tpu.memory_space<vmem>> -> memref<128x32xf32, #tpu.memory_space<vmem>>
        %get3A_561 = arith.index_cast %add3A_556 : i32 to index
        %get3A_562 = arith.constant 0 : index
        %get3A_563 = tpu.vector_load %get3A_560[%get3A_561, %get3A_562] {strides = array<i32>} : memref<128x32xf32, #tpu.memory_space<vmem>>, vector<1x16xf32>,
        %get3A_564 = vector.shape_cast %get3A_563 : vector<1x16xf32> to vector<16xf32>
        %mul3A_565 = vector.broadcast %squeeze3A_552 : f32 to vector<16xf32>
        %mul3A_566 = arith.mulf %get3A_564, %mul3A_565 : vector<16xf32>
        %swap3A_567 = arith.constant 0 : i32
        %swap3A_568 = arith.constant 0 : i32
        %swap3A_569 = tpu.memref_slice %arg10[%scan3A_173, %swap3A_567, %swap3A_568] : memref<4x128x32xf32, #tpu.memory_space<vmem>> -> memref<1x128x32xf32, #tpu.memory_space<vmem>>
        %swap3A_570 = tpu.memref_squeeze %swap3A_569 : memref<1x128x32xf32, #tpu.memory_space<vmem>> -> memref<128x32xf32, #tpu.memory_space<vmem>>
        %swap3A_571 = arith.index_cast %add3A_556 : i32 to index
        %swap3A_572 = arith.constant 0 : index
        %swap3A_573 = tpu.vector_load %swap3A_570[%swap3A_571, %swap3A_572] {strides = array<i32>} : memref<128x32xf32, #tpu.memory_space<vmem>>, vector<1x16xf32>,
        %swap3A_574 = vector.shape_cast %swap3A_573 : vector<1x16xf32> to vector<16xf32>
        %swap3A_575 = vector.shape_cast %mul3A_566 : vector<16xf32> to vector<1x16xf32>
        tpu.vector_store %swap3A_570[%swap3A_571, %swap3A_572], %swap3A_575 {strides = array<i32>} : memref<128x32xf32, #tpu.memory_space<vmem>>, vector<1x16xf32>,
        %get3A_576 = arith.constant 0 : i32
        %get3A_577 = arith.constant 0 : i32
        %get3A_578 = tpu.memref_slice %arg10[%scan3A_173, %get3A_576, %get3A_577] : memref<4x128x32xf32, #tpu.memory_space<vmem>> -> memref<1x128x32xf32, #tpu.memory_space<vmem>>
        %get3A_579 = tpu.memref_squeeze %get3A_578 : memref<1x128x32xf32, #tpu.memory_space<vmem>> -> memref<128x32xf32, #tpu.memory_space<vmem>>
        %get3A_580 = arith.index_cast %add3A_556 : i32 to index
        %get3A_581 = arith.constant 16 : index
        %get3A_582 = tpu.vector_load %get3A_579[%get3A_580, %get3A_581] {strides = array<i32>} : memref<128x32xf32, #tpu.memory_space<vmem>>, vector<1x16xf32>,
        %get3A_583 = vector.shape_cast %get3A_582 : vector<1x16xf32> to vector<16xf32>
        %mul3A_584 = vector.broadcast %squeeze3A_552 : f32 to vector<16xf32>
        %mul3A_585 = arith.mulf %get3A_583, %mul3A_584 : vector<16xf32>
        %swap3A_586 = arith.constant 0 : i32
        %swap3A_587 = arith.constant 0 : i32
        %swap3A_588 = tpu.memref_slice %arg10[%scan3A_173, %swap3A_586, %swap3A_587] : memref<4x128x32xf32, #tpu.memory_space<vmem>> -> memref<1x128x32xf32, #tpu.memory_space<vmem>>
        %swap3A_589 = tpu.memref_squeeze %swap3A_588 : memref<1x128x32xf32, #tpu.memory_space<vmem>> -> memref<128x32xf32, #tpu.memory_space<vmem>>
        %swap3A_590 = arith.index_cast %add3A_556 : i32 to index
        %swap3A_591 = arith.constant 16 : index
        %swap3A_592 = tpu.vector_load %swap3A_589[%swap3A_590, %swap3A_591] {strides = array<i32>} : memref<128x32xf32, #tpu.memory_space<vmem>>, vector<1x16xf32>,
        %swap3A_593 = vector.shape_cast %swap3A_592 : vector<1x16xf32> to vector<16xf32>
        %swap3A_594 = vector.shape_cast %mul3A_585 : vector<16xf32> to vector<1x16xf32>
        tpu.vector_store %swap3A_589[%swap3A_590, %swap3A_591], %swap3A_594 {strides = array<i32>} : memref<128x32xf32, #tpu.memory_space<vmem>>, vector<1x16xf32>,
        %slice3A_595 = vector.extract_strided_slice %get3A_289 {offsets = [7], sizes = [1], strides = [1]} : vector<16xf32> to vector<1xf32>
        %squeeze3A_596 = vector.extract %slice3A_595[0] : f32 from vector<1xf32>
        %mul3A_597 = arith.constant 16 : i32
        %mul3A_598 = arith.muli %add3A_284, %mul3A_597 : i32
        %add3A_599 = arith.constant 7 : i32
        %add3A_600 = arith.addi %mul3A_598, %add3A_599 : i32
        %get3A_601 = arith.constant 0 : i32
        %get3A_602 = arith.constant 0 : i32
        %get3A_603 = tpu.memref_slice %arg10[%scan3A_173, %get3A_601, %get3A_602] : memref<4x128x32xf32, #tpu.memory_space<vmem>> -> memref<1x128x32xf32, #tpu.memory_space<vmem>>
        %get3A_604 = tpu.memref_squeeze %get3A_603 : memref<1x128x32xf32, #tpu.memory_space<vmem>> -> memref<128x32xf32, #tpu.memory_space<vmem>>
        %get3A_605 = arith.index_cast %add3A_600 : i32 to index
        %get3A_606 = arith.constant 0 : index
        %get3A_607 = tpu.vector_load %get3A_604[%get3A_605, %get3A_606] {strides = array<i32>} : memref<128x32xf32, #tpu.memory_space<vmem>>, vector<1x16xf32>,
        %get3A_608 = vector.shape_cast %get3A_607 : vector<1x16xf32> to vector<16xf32>
        %mul3A_609 = vector.broadcast %squeeze3A_596 : f32 to vector<16xf32>
        %mul3A_610 = arith.mulf %get3A_608, %mul3A_609 : vector<16xf32>
        %swap3A_611 = arith.constant 0 : i32
        %swap3A_612 = arith.constant 0 : i32
        %swap3A_613 = tpu.memref_slice %arg10[%scan3A_173, %swap3A_611, %swap3A_612] : memref<4x128x32xf32, #tpu.memory_space<vmem>> -> memref<1x128x32xf32, #tpu.memory_space<vmem>>
        %swap3A_614 = tpu.memref_squeeze %swap3A_613 : memref<1x128x32xf32, #tpu.memory_space<vmem>> -> memref<128x32xf32, #tpu.memory_space<vmem>>
        %swap3A_615 = arith.index_cast %add3A_600 : i32 to index
        %swap3A_616 = arith.constant 0 : index
        %swap3A_617 = tpu.vector_load %swap3A_614[%swap3A_615, %swap3A_616] {strides = array<i32>} : memref<128x32xf32, #tpu.memory_space<vmem>>, vector<1x16xf32>,
        %swap3A_618 = vector.shape_cast %swap3A_617 : vector<1x16xf32> to vector<16xf32>
        %swap3A_619 = vector.shape_cast %mul3A_610 : vector<16xf32> to vector<1x16xf32>
        tpu.vector_store %swap3A_614[%swap3A_615, %swap3A_616], %swap3A_619 {strides = array<i32>} : memref<128x32xf32, #tpu.memory_space<vmem>>, vector<1x16xf32>,
        %get3A_620 = arith.constant 0 : i32
        %get3A_621 = arith.constant 0 : i32
        %get3A_622 = tpu.memref_slice %arg10[%scan3A_173, %get3A_620, %get3A_621] : memref<4x128x32xf32, #tpu.memory_space<vmem>> -> memref<1x128x32xf32, #tpu.memory_space<vmem>>
        %get3A_623 = tpu.memref_squeeze %get3A_622 : memref<1x128x32xf32, #tpu.memory_space<vmem>> -> memref<128x32xf32, #tpu.memory_space<vmem>>
        %get3A_624 = arith.index_cast %add3A_600 : i32 to index
        %get3A_625 = arith.constant 16 : index
        %get3A_626 = tpu.vector_load %get3A_623[%get3A_624, %get3A_625] {strides = array<i32>} : memref<128x32xf32, #tpu.memory_space<vmem>>, vector<1x16xf32>,
        %get3A_627 = vector.shape_cast %get3A_626 : vector<1x16xf32> to vector<16xf32>
        %mul3A_628 = vector.broadcast %squeeze3A_596 : f32 to vector<16xf32>
        %mul3A_629 = arith.mulf %get3A_627, %mul3A_628 : vector<16xf32>
        %swap3A_630 = arith.constant 0 : i32
        %swap3A_631 = arith.constant 0 : i32
        %swap3A_632 = tpu.memref_slice %arg10[%scan3A_173, %swap3A_630, %swap3A_631] : memref<4x128x32xf32, #tpu.memory_space<vmem>> -> memref<1x128x32xf32, #tpu.memory_space<vmem>>
        %swap3A_633 = tpu.memref_squeeze %swap3A_632 : memref<1x128x32xf32, #tpu.memory_space<vmem>> -> memref<128x32xf32, #tpu.memory_space<vmem>>
        %swap3A_634 = arith.index_cast %add3A_600 : i32 to index
        %swap3A_635 = arith.constant 16 : index
        %swap3A_636 = tpu.vector_load %swap3A_633[%swap3A_634, %swap3A_635] {strides = array<i32>} : memref<128x32xf32, #tpu.memory_space<vmem>>, vector<1x16xf32>,
        %swap3A_637 = vector.shape_cast %swap3A_636 : vector<1x16xf32> to vector<16xf32>
        %swap3A_638 = vector.shape_cast %mul3A_629 : vector<16xf32> to vector<1x16xf32>
        tpu.vector_store %swap3A_633[%swap3A_634, %swap3A_635], %swap3A_638 {strides = array<i32>} : memref<128x32xf32, #tpu.memory_space<vmem>>, vector<1x16xf32>,
        %slice3A_639 = vector.extract_strided_slice %get3A_289 {offsets = [8], sizes = [1], strides = [1]} : vector<16xf32> to vector<1xf32>
        %squeeze3A_640 = vector.extract %slice3A_639[0] : f32 from vector<1xf32>
        %mul3A_641 = arith.constant 16 : i32
        %mul3A_642 = arith.muli %add3A_284, %mul3A_641 : i32
        %add3A_643 = arith.constant 8 : i32
        %add3A_644 = arith.addi %mul3A_642, %add3A_643 : i32
        %get3A_645 = arith.constant 0 : i32
        %get3A_646 = arith.constant 0 : i32
        %get3A_647 = tpu.memref_slice %arg10[%scan3A_173, %get3A_645, %get3A_646] : memref<4x128x32xf32, #tpu.memory_space<vmem>> -> memref<1x128x32xf32, #tpu.memory_space<vmem>>
        %get3A_648 = tpu.memref_squeeze %get3A_647 : memref<1x128x32xf32, #tpu.memory_space<vmem>> -> memref<128x32xf32, #tpu.memory_space<vmem>>
        %get3A_649 = arith.index_cast %add3A_644 : i32 to index
        %get3A_650 = arith.constant 0 : index
        %get3A_651 = tpu.vector_load %get3A_648[%get3A_649, %get3A_650] {strides = array<i32>} : memref<128x32xf32, #tpu.memory_space<vmem>>, vector<1x16xf32>,
        %get3A_652 = vector.shape_cast %get3A_651 : vector<1x16xf32> to vector<16xf32>
        %mul3A_653 = vector.broadcast %squeeze3A_640 : f32 to vector<16xf32>
        %mul3A_654 = arith.mulf %get3A_652, %mul3A_653 : vector<16xf32>
        %swap3A_655 = arith.constant 0 : i32
        %swap3A_656 = arith.constant 0 : i32
        %swap3A_657 = tpu.memref_slice %arg10[%scan3A_173, %swap3A_655, %swap3A_656] : memref<4x128x32xf32, #tpu.memory_space<vmem>> -> memref<1x128x32xf32, #tpu.memory_space<vmem>>
        %swap3A_658 = tpu.memref_squeeze %swap3A_657 : memref<1x128x32xf32, #tpu.memory_space<vmem>> -> memref<128x32xf32, #tpu.memory_space<vmem>>
        %swap3A_659 = arith.index_cast %add3A_644 : i32 to index
        %swap3A_660 = arith.constant 0 : index
        %swap3A_661 = tpu.vector_load %swap3A_658[%swap3A_659, %swap3A_660] {strides = array<i32>} : memref<128x32xf32, #tpu.memory_space<vmem>>, vector<1x16xf32>,
        %swap3A_662 = vector.shape_cast %swap3A_661 : vector<1x16xf32> to vector<16xf32>
        %swap3A_663 = vector.shape_cast %mul3A_654 : vector<16xf32> to vector<1x16xf32>
        tpu.vector_store %swap3A_658[%swap3A_659, %swap3A_660], %swap3A_663 {strides = array<i32>} : memref<128x32xf32, #tpu.memory_space<vmem>>, vector<1x16xf32>,
        %get3A_664 = arith.constant 0 : i32
        %get3A_665 = arith.constant 0 : i32
        %get3A_666 = tpu.memref_slice %arg10[%scan3A_173, %get3A_664, %get3A_665] : memref<4x128x32xf32, #tpu.memory_space<vmem>> -> memref<1x128x32xf32, #tpu.memory_space<vmem>>
        %get3A_667 = tpu.memref_squeeze %get3A_666 : memref<1x128x32xf32, #tpu.memory_space<vmem>> -> memref<128x32xf32, #tpu.memory_space<vmem>>
        %get3A_668 = arith.index_cast %add3A_644 : i32 to index
        %get3A_669 = arith.constant 16 : index
        %get3A_670 = tpu.vector_load %get3A_667[%get3A_668, %get3A_669] {strides = array<i32>} : memref<128x32xf32, #tpu.memory_space<vmem>>, vector<1x16xf32>,
        %get3A_671 = vector.shape_cast %get3A_670 : vector<1x16xf32> to vector<16xf32>
        %mul3A_672 = vector.broadcast %squeeze3A_640 : f32 to vector<16xf32>
        %mul3A_673 = arith.mulf %get3A_671, %mul3A_672 : vector<16xf32>
        %swap3A_674 = arith.constant 0 : i32
        %swap3A_675 = arith.constant 0 : i32
        %swap3A_676 = tpu.memref_slice %arg10[%scan3A_173, %swap3A_674, %swap3A_675] : memref<4x128x32xf32, #tpu.memory_space<vmem>> -> memref<1x128x32xf32, #tpu.memory_space<vmem>>
        %swap3A_677 = tpu.memref_squeeze %swap3A_676 : memref<1x128x32xf32, #tpu.memory_space<vmem>> -> memref<128x32xf32, #tpu.memory_space<vmem>>
        %swap3A_678 = arith.index_cast %add3A_644 : i32 to index
        %swap3A_679 = arith.constant 16 : index
        %swap3A_680 = tpu.vector_load %swap3A_677[%swap3A_678, %swap3A_679] {strides = array<i32>} : memref<128x32xf32, #tpu.memory_space<vmem>>, vector<1x16xf32>,
        %swap3A_681 = vector.shape_cast %swap3A_680 : vector<1x16xf32> to vector<16xf32>
        %swap3A_682 = vector.shape_cast %mul3A_673 : vector<16xf32> to vector<1x16xf32>
        tpu.vector_store %swap3A_677[%swap3A_678, %swap3A_679], %swap3A_682 {strides = array<i32>} : memref<128x32xf32, #tpu.memory_space<vmem>>, vector<1x16xf32>,
        %slice3A_683 = vector.extract_strided_slice %get3A_289 {offsets = [9], sizes = [1], strides = [1]} : vector<16xf32> to vector<1xf32>
        %squeeze3A_684 = vector.extract %slice3A_683[0] : f32 from vector<1xf32>
        %mul3A_685 = arith.constant 16 : i32
        %mul3A_686 = arith.muli %add3A_284, %mul3A_685 : i32
        %add3A_687 = arith.constant 9 : i32
        %add3A_688 = arith.addi %mul3A_686, %add3A_687 : i32
        %get3A_689 = arith.constant 0 : i32
        %get3A_690 = arith.constant 0 : i32
        %get3A_691 = tpu.memref_slice %arg10[%scan3A_173, %get3A_689, %get3A_690] : memref<4x128x32xf32, #tpu.memory_space<vmem>> -> memref<1x128x32xf32, #tpu.memory_space<vmem>>
        %get3A_692 = tpu.memref_squeeze %get3A_691 : memref<1x128x32xf32, #tpu.memory_space<vmem>> -> memref<128x32xf32, #tpu.memory_space<vmem>>
        %get3A_693 = arith.index_cast %add3A_688 : i32 to index
        %get3A_694 = arith.constant 0 : index
        %get3A_695 = tpu.vector_load %get3A_692[%get3A_693, %get3A_694] {strides = array<i32>} : memref<128x32xf32, #tpu.memory_space<vmem>>, vector<1x16xf32>,
        %get3A_696 = vector.shape_cast %get3A_695 : vector<1x16xf32> to vector<16xf32>
        %mul3A_697 = vector.broadcast %squeeze3A_684 : f32 to vector<16xf32>
        %mul3A_698 = arith.mulf %get3A_696, %mul3A_697 : vector<16xf32>
        %swap3A_699 = arith.constant 0 : i32
        %swap3A_700 = arith.constant 0 : i32
        %swap3A_701 = tpu.memref_slice %arg10[%scan3A_173, %swap3A_699, %swap3A_700] : memref<4x128x32xf32, #tpu.memory_space<vmem>> -> memref<1x128x32xf32, #tpu.memory_space<vmem>>
        %swap3A_702 = tpu.memref_squeeze %swap3A_701 : memref<1x128x32xf32, #tpu.memory_space<vmem>> -> memref<128x32xf32, #tpu.memory_space<vmem>>
        %swap3A_703 = arith.index_cast %add3A_688 : i32 to index
        %swap3A_704 = arith.constant 0 : index
        %swap3A_705 = tpu.vector_load %swap3A_702[%swap3A_703, %swap3A_704] {strides = array<i32>} : memref<128x32xf32, #tpu.memory_space<vmem>>, vector<1x16xf32>,
        %swap3A_706 = vector.shape_cast %swap3A_705 : vector<1x16xf32> to vector<16xf32>
        %swap3A_707 = vector.shape_cast %mul3A_698 : vector<16xf32> to vector<1x16xf32>
        tpu.vector_store %swap3A_702[%swap3A_703, %swap3A_704], %swap3A_707 {strides = array<i32>} : memref<128x32xf32, #tpu.memory_space<vmem>>, vector<1x16xf32>,
        %get3A_708 = arith.constant 0 : i32
        %get3A_709 = arith.constant 0 : i32
        %get3A_710 = tpu.memref_slice %arg10[%scan3A_173, %get3A_708, %get3A_709] : memref<4x128x32xf32, #tpu.memory_space<vmem>> -> memref<1x128x32xf32, #tpu.memory_space<vmem>>
        %get3A_711 = tpu.memref_squeeze %get3A_710 : memref<1x128x32xf32, #tpu.memory_space<vmem>> -> memref<128x32xf32, #tpu.memory_space<vmem>>
        %get3A_712 = arith.index_cast %add3A_688 : i32 to index
        %get3A_713 = arith.constant 16 : index
        %get3A_714 = tpu.vector_load %get3A_711[%get3A_712, %get3A_713] {strides = array<i32>} : memref<128x32xf32, #tpu.memory_space<vmem>>, vector<1x16xf32>,
        %get3A_715 = vector.shape_cast %get3A_714 : vector<1x16xf32> to vector<16xf32>
        %mul3A_716 = vector.broadcast %squeeze3A_684 : f32 to vector<16xf32>
        %mul3A_717 = arith.mulf %get3A_715, %mul3A_716 : vector<16xf32>
        %swap3A_718 = arith.constant 0 : i32
        %swap3A_719 = arith.constant 0 : i32
        %swap3A_720 = tpu.memref_slice %arg10[%scan3A_173, %swap3A_718, %swap3A_719] : memref<4x128x32xf32, #tpu.memory_space<vmem>> -> memref<1x128x32xf32, #tpu.memory_space<vmem>>
        %swap3A_721 = tpu.memref_squeeze %swap3A_720 : memref<1x128x32xf32, #tpu.memory_space<vmem>> -> memref<128x32xf32, #tpu.memory_space<vmem>>
        %swap3A_722 = arith.index_cast %add3A_688 : i32 to index
        %swap3A_723 = arith.constant 16 : index
        %swap3A_724 = tpu.vector_load %swap3A_721[%swap3A_722, %swap3A_723] {strides = array<i32>} : memref<128x32xf32, #tpu.memory_space<vmem>>, vector<1x16xf32>,
        %swap3A_725 = vector.shape_cast %swap3A_724 : vector<1x16xf32> to vector<16xf32>
        %swap3A_726 = vector.shape_cast %mul3A_717 : vector<16xf32> to vector<1x16xf32>
        tpu.vector_store %swap3A_721[%swap3A_722, %swap3A_723], %swap3A_726 {strides = array<i32>} : memref<128x32xf32, #tpu.memory_space<vmem>>, vector<1x16xf32>,
        %slice3A_727 = vector.extract_strided_slice %get3A_289 {offsets = [10], sizes = [1], strides = [1]} : vector<16xf32> to vector<1xf32>
        %squeeze3A_728 = vector.extract %slice3A_727[0] : f32 from vector<1xf32>
        %mul3A_729 = arith.constant 16 : i32
        %mul3A_730 = arith.muli %add3A_284, %mul3A_729 : i32
        %add3A_731 = arith.constant 10 : i32
        %add3A_732 = arith.addi %mul3A_730, %add3A_731 : i32
        %get3A_733 = arith.constant 0 : i32
        %get3A_734 = arith.constant 0 : i32
        %get3A_735 = tpu.memref_slice %arg10[%scan3A_173, %get3A_733, %get3A_734] : memref<4x128x32xf32, #tpu.memory_space<vmem>> -> memref<1x128x32xf32, #tpu.memory_space<vmem>>
        %get3A_736 = tpu.memref_squeeze %get3A_735 : memref<1x128x32xf32, #tpu.memory_space<vmem>> -> memref<128x32xf32, #tpu.memory_space<vmem>>
        %get3A_737 = arith.index_cast %add3A_732 : i32 to index
        %get3A_738 = arith.constant 0 : index
        %get3A_739 = tpu.vector_load %get3A_736[%get3A_737, %get3A_738] {strides = array<i32>} : memref<128x32xf32, #tpu.memory_space<vmem>>, vector<1x16xf32>,
        %get3A_740 = vector.shape_cast %get3A_739 : vector<1x16xf32> to vector<16xf32>
        %mul3A_741 = vector.broadcast %squeeze3A_728 : f32 to vector<16xf32>
        %mul3A_742 = arith.mulf %get3A_740, %mul3A_741 : vector<16xf32>
        %swap3A_743 = arith.constant 0 : i32
        %swap3A_744 = arith.constant 0 : i32
        %swap3A_745 = tpu.memref_slice %arg10[%scan3A_173, %swap3A_743, %swap3A_744] : memref<4x128x32xf32, #tpu.memory_space<vmem>> -> memref<1x128x32xf32, #tpu.memory_space<vmem>>
        %swap3A_746 = tpu.memref_squeeze %swap3A_745 : memref<1x128x32xf32, #tpu.memory_space<vmem>> -> memref<128x32xf32, #tpu.memory_space<vmem>>
        %swap3A_747 = arith.index_cast %add3A_732 : i32 to index
        %swap3A_748 = arith.constant 0 : index
        %swap3A_749 = tpu.vector_load %swap3A_746[%swap3A_747, %swap3A_748] {strides = array<i32>} : memref<128x32xf32, #tpu.memory_space<vmem>>, vector<1x16xf32>,
        %swap3A_750 = vector.shape_cast %swap3A_749 : vector<1x16xf32> to vector<16xf32>
        %swap3A_751 = vector.shape_cast %mul3A_742 : vector<16xf32> to vector<1x16xf32>
        tpu.vector_store %swap3A_746[%swap3A_747, %swap3A_748], %swap3A_751 {strides = array<i32>} : memref<128x32xf32, #tpu.memory_space<vmem>>, vector<1x16xf32>,
        %get3A_752 = arith.constant 0 : i32
        %get3A_753 = arith.constant 0 : i32
        %get3A_754 = tpu.memref_slice %arg10[%scan3A_173, %get3A_752, %get3A_753] : memref<4x128x32xf32, #tpu.memory_space<vmem>> -> memref<1x128x32xf32, #tpu.memory_space<vmem>>
        %get3A_755 = tpu.memref_squeeze %get3A_754 : memref<1x128x32xf32, #tpu.memory_space<vmem>> -> memref<128x32xf32, #tpu.memory_space<vmem>>
        %get3A_756 = arith.index_cast %add3A_732 : i32 to index
        %get3A_757 = arith.constant 16 : index
        %get3A_758 = tpu.vector_load %get3A_755[%get3A_756, %get3A_757] {strides = array<i32>} : memref<128x32xf32, #tpu.memory_space<vmem>>, vector<1x16xf32>,
        %get3A_759 = vector.shape_cast %get3A_758 : vector<1x16xf32> to vector<16xf32>
        %mul3A_760 = vector.broadcast %squeeze3A_728 : f32 to vector<16xf32>
        %mul3A_761 = arith.mulf %get3A_759, %mul3A_760 : vector<16xf32>
        %swap3A_762 = arith.constant 0 : i32
        %swap3A_763 = arith.constant 0 : i32
        %swap3A_764 = tpu.memref_slice %arg10[%scan3A_173, %swap3A_762, %swap3A_763] : memref<4x128x32xf32, #tpu.memory_space<vmem>> -> memref<1x128x32xf32, #tpu.memory_space<vmem>>
        %swap3A_765 = tpu.memref_squeeze %swap3A_764 : memref<1x128x32xf32, #tpu.memory_space<vmem>> -> memref<128x32xf32, #tpu.memory_space<vmem>>
        %swap3A_766 = arith.index_cast %add3A_732 : i32 to index
        %swap3A_767 = arith.constant 16 : index
        %swap3A_768 = tpu.vector_load %swap3A_765[%swap3A_766, %swap3A_767] {strides = array<i32>} : memref<128x32xf32, #tpu.memory_space<vmem>>, vector<1x16xf32>,
        %swap3A_769 = vector.shape_cast %swap3A_768 : vector<1x16xf32> to vector<16xf32>
        %swap3A_770 = vector.shape_cast %mul3A_761 : vector<16xf32> to vector<1x16xf32>
        tpu.vector_store %swap3A_765[%swap3A_766, %swap3A_767], %swap3A_770 {strides = array<i32>} : memref<128x32xf32, #tpu.memory_space<vmem>>, vector<1x16xf32>,
        %slice3A_771 = vector.extract_strided_slice %get3A_289 {offsets = [11], sizes = [1], strides = [1]} : vector<16xf32> to vector<1xf32>
        %squeeze3A_772 = vector.extract %slice3A_771[0] : f32 from vector<1xf32>
        %mul3A_773 = arith.constant 16 : i32
        %mul3A_774 = arith.muli %add3A_284, %mul3A_773 : i32
        %add3A_775 = arith.constant 11 : i32
        %add3A_776 = arith.addi %mul3A_774, %add3A_775 : i32
        %get3A_777 = arith.constant 0 : i32
        %get3A_778 = arith.constant 0 : i32
        %get3A_779 = tpu.memref_slice %arg10[%scan3A_173, %get3A_777, %get3A_778] : memref<4x128x32xf32, #tpu.memory_space<vmem>> -> memref<1x128x32xf32, #tpu.memory_space<vmem>>
        %get3A_780 = tpu.memref_squeeze %get3A_779 : memref<1x128x32xf32, #tpu.memory_space<vmem>> -> memref<128x32xf32, #tpu.memory_space<vmem>>
        %get3A_781 = arith.index_cast %add3A_776 : i32 to index
        %get3A_782 = arith.constant 0 : index
        %get3A_783 = tpu.vector_load %get3A_780[%get3A_781, %get3A_782] {strides = array<i32>} : memref<128x32xf32, #tpu.memory_space<vmem>>, vector<1x16xf32>,
        %get3A_784 = vector.shape_cast %get3A_783 : vector<1x16xf32> to vector<16xf32>
        %mul3A_785 = vector.broadcast %squeeze3A_772 : f32 to vector<16xf32>
        %mul3A_786 = arith.mulf %get3A_784, %mul3A_785 : vector<16xf32>
        %swap3A_787 = arith.constant 0 : i32
        %swap3A_788 = arith.constant 0 : i32
        %swap3A_789 = tpu.memref_slice %arg10[%scan3A_173, %swap3A_787, %swap3A_788] : memref<4x128x32xf32, #tpu.memory_space<vmem>> -> memref<1x128x32xf32, #tpu.memory_space<vmem>>
        %swap3A_790 = tpu.memref_squeeze %swap3A_789 : memref<1x128x32xf32, #tpu.memory_space<vmem>> -> memref<128x32xf32, #tpu.memory_space<vmem>>
        %swap3A_791 = arith.index_cast %add3A_776 : i32 to index
        %swap3A_792 = arith.constant 0 : index
        %swap3A_793 = tpu.vector_load %swap3A_790[%swap3A_791, %swap3A_792] {strides = array<i32>} : memref<128x32xf32, #tpu.memory_space<vmem>>, vector<1x16xf32>,
        %swap3A_794 = vector.shape_cast %swap3A_793 : vector<1x16xf32> to vector<16xf32>
        %swap3A_795 = vector.shape_cast %mul3A_786 : vector<16xf32> to vector<1x16xf32>
        tpu.vector_store %swap3A_790[%swap3A_791, %swap3A_792], %swap3A_795 {strides = array<i32>} : memref<128x32xf32, #tpu.memory_space<vmem>>, vector<1x16xf32>,
        %get3A_796 = arith.constant 0 : i32
        %get3A_797 = arith.constant 0 : i32
        %get3A_798 = tpu.memref_slice %arg10[%scan3A_173, %get3A_796, %get3A_797] : memref<4x128x32xf32, #tpu.memory_space<vmem>> -> memref<1x128x32xf32, #tpu.memory_space<vmem>>
        %get3A_799 = tpu.memref_squeeze %get3A_798 : memref<1x128x32xf32, #tpu.memory_space<vmem>> -> memref<128x32xf32, #tpu.memory_space<vmem>>
        %get3A_800 = arith.index_cast %add3A_776 : i32 to index
        %get3A_801 = arith.constant 16 : index
        %get3A_802 = tpu.vector_load %get3A_799[%get3A_800, %get3A_801] {strides = array<i32>} : memref<128x32xf32, #tpu.memory_space<vmem>>, vector<1x16xf32>,
        %get3A_803 = vector.shape_cast %get3A_802 : vector<1x16xf32> to vector<16xf32>
        %mul3A_804 = vector.broadcast %squeeze3A_772 : f32 to vector<16xf32>
        %mul3A_805 = arith.mulf %get3A_803, %mul3A_804 : vector<16xf32>
        %swap3A_806 = arith.constant 0 : i32
        %swap3A_807 = arith.constant 0 : i32
        %swap3A_808 = tpu.memref_slice %arg10[%scan3A_173, %swap3A_806, %swap3A_807] : memref<4x128x32xf32, #tpu.memory_space<vmem>> -> memref<1x128x32xf32, #tpu.memory_space<vmem>>
        %swap3A_809 = tpu.memref_squeeze %swap3A_808 : memref<1x128x32xf32, #tpu.memory_space<vmem>> -> memref<128x32xf32, #tpu.memory_space<vmem>>
        %swap3A_810 = arith.index_cast %add3A_776 : i32 to index
        %swap3A_811 = arith.constant 16 : index
        %swap3A_812 = tpu.vector_load %swap3A_809[%swap3A_810, %swap3A_811] {strides = array<i32>} : memref<128x32xf32, #tpu.memory_space<vmem>>, vector<1x16xf32>,
        %swap3A_813 = vector.shape_cast %swap3A_812 : vector<1x16xf32> to vector<16xf32>
        %swap3A_814 = vector.shape_cast %mul3A_805 : vector<16xf32> to vector<1x16xf32>
        tpu.vector_store %swap3A_809[%swap3A_810, %swap3A_811], %swap3A_814 {strides = array<i32>} : memref<128x32xf32, #tpu.memory_space<vmem>>, vector<1x16xf32>,
        %slice3A_815 = vector.extract_strided_slice %get3A_289 {offsets = [12], sizes = [1], strides = [1]} : vector<16xf32> to vector<1xf32>
        %squeeze3A_816 = vector.extract %slice3A_815[0] : f32 from vector<1xf32>
        %mul3A_817 = arith.constant 16 : i32
        %mul3A_818 = arith.muli %add3A_284, %mul3A_817 : i32
        %add3A_819 = arith.constant 12 : i32
        %add3A_820 = arith.addi %mul3A_818, %add3A_819 : i32
        %get3A_821 = arith.constant 0 : i32
        %get3A_822 = arith.constant 0 : i32
        %get3A_823 = tpu.memref_slice %arg10[%scan3A_173, %get3A_821, %get3A_822] : memref<4x128x32xf32, #tpu.memory_space<vmem>> -> memref<1x128x32xf32, #tpu.memory_space<vmem>>
        %get3A_824 = tpu.memref_squeeze %get3A_823 : memref<1x128x32xf32, #tpu.memory_space<vmem>> -> memref<128x32xf32, #tpu.memory_space<vmem>>
        %get3A_825 = arith.index_cast %add3A_820 : i32 to index
        %get3A_826 = arith.constant 0 : index
        %get3A_827 = tpu.vector_load %get3A_824[%get3A_825, %get3A_826] {strides = array<i32>} : memref<128x32xf32, #tpu.memory_space<vmem>>, vector<1x16xf32>,
        %get3A_828 = vector.shape_cast %get3A_827 : vector<1x16xf32> to vector<16xf32>
        %mul3A_829 = vector.broadcast %squeeze3A_816 : f32 to vector<16xf32>
        %mul3A_830 = arith.mulf %get3A_828, %mul3A_829 : vector<16xf32>
        %swap3A_831 = arith.constant 0 : i32
        %swap3A_832 = arith.constant 0 : i32
        %swap3A_833 = tpu.memref_slice %arg10[%scan3A_173, %swap3A_831, %swap3A_832] : memref<4x128x32xf32, #tpu.memory_space<vmem>> -> memref<1x128x32xf32, #tpu.memory_space<vmem>>
        %swap3A_834 = tpu.memref_squeeze %swap3A_833 : memref<1x128x32xf32, #tpu.memory_space<vmem>> -> memref<128x32xf32, #tpu.memory_space<vmem>>
        %swap3A_835 = arith.index_cast %add3A_820 : i32 to index
        %swap3A_836 = arith.constant 0 : index
        %swap3A_837 = tpu.vector_load %swap3A_834[%swap3A_835, %swap3A_836] {strides = array<i32>} : memref<128x32xf32, #tpu.memory_space<vmem>>, vector<1x16xf32>,
        %swap3A_838 = vector.shape_cast %swap3A_837 : vector<1x16xf32> to vector<16xf32>
        %swap3A_839 = vector.shape_cast %mul3A_830 : vector<16xf32> to vector<1x16xf32>
        tpu.vector_store %swap3A_834[%swap3A_835, %swap3A_836], %swap3A_839 {strides = array<i32>} : memref<128x32xf32, #tpu.memory_space<vmem>>, vector<1x16xf32>,
        %get3A_840 = arith.constant 0 : i32
        %get3A_841 = arith.constant 0 : i32
        %get3A_842 = tpu.memref_slice %arg10[%scan3A_173, %get3A_840, %get3A_841] : memref<4x128x32xf32, #tpu.memory_space<vmem>> -> memref<1x128x32xf32, #tpu.memory_space<vmem>>
        %get3A_843 = tpu.memref_squeeze %get3A_842 : memref<1x128x32xf32, #tpu.memory_space<vmem>> -> memref<128x32xf32, #tpu.memory_space<vmem>>
        %get3A_844 = arith.index_cast %add3A_820 : i32 to index
        %get3A_845 = arith.constant 16 : index
        %get3A_846 = tpu.vector_load %get3A_843[%get3A_844, %get3A_845] {strides = array<i32>} : memref<128x32xf32, #tpu.memory_space<vmem>>, vector<1x16xf32>,
        %get3A_847 = vector.shape_cast %get3A_846 : vector<1x16xf32> to vector<16xf32>
        %mul3A_848 = vector.broadcast %squeeze3A_816 : f32 to vector<16xf32>
        %mul3A_849 = arith.mulf %get3A_847, %mul3A_848 : vector<16xf32>
        %swap3A_850 = arith.constant 0 : i32
        %swap3A_851 = arith.constant 0 : i32
        %swap3A_852 = tpu.memref_slice %arg10[%scan3A_173, %swap3A_850, %swap3A_851] : memref<4x128x32xf32, #tpu.memory_space<vmem>> -> memref<1x128x32xf32, #tpu.memory_space<vmem>>
        %swap3A_853 = tpu.memref_squeeze %swap3A_852 : memref<1x128x32xf32, #tpu.memory_space<vmem>> -> memref<128x32xf32, #tpu.memory_space<vmem>>
        %swap3A_854 = arith.index_cast %add3A_820 : i32 to index
        %swap3A_855 = arith.constant 16 : index
        %swap3A_856 = tpu.vector_load %swap3A_853[%swap3A_854, %swap3A_855] {strides = array<i32>} : memref<128x32xf32, #tpu.memory_space<vmem>>, vector<1x16xf32>,
        %swap3A_857 = vector.shape_cast %swap3A_856 : vector<1x16xf32> to vector<16xf32>
        %swap3A_858 = vector.shape_cast %mul3A_849 : vector<16xf32> to vector<1x16xf32>
        tpu.vector_store %swap3A_853[%swap3A_854, %swap3A_855], %swap3A_858 {strides = array<i32>} : memref<128x32xf32, #tpu.memory_space<vmem>>, vector<1x16xf32>,
        %slice3A_859 = vector.extract_strided_slice %get3A_289 {offsets = [13], sizes = [1], strides = [1]} : vector<16xf32> to vector<1xf32>
        %squeeze3A_860 = vector.extract %slice3A_859[0] : f32 from vector<1xf32>
        %mul3A_861 = arith.constant 16 : i32
        %mul3A_862 = arith.muli %add3A_284, %mul3A_861 : i32
        %add3A_863 = arith.constant 13 : i32
        %add3A_864 = arith.addi %mul3A_862, %add3A_863 : i32
        %get3A_865 = arith.constant 0 : i32
        %get3A_866 = arith.constant 0 : i32
        %get3A_867 = tpu.memref_slice %arg10[%scan3A_173, %get3A_865, %get3A_866] : memref<4x128x32xf32, #tpu.memory_space<vmem>> -> memref<1x128x32xf32, #tpu.memory_space<vmem>>
        %get3A_868 = tpu.memref_squeeze %get3A_867 : memref<1x128x32xf32, #tpu.memory_space<vmem>> -> memref<128x32xf32, #tpu.memory_space<vmem>>
        %get3A_869 = arith.index_cast %add3A_864 : i32 to index
        %get3A_870 = arith.constant 0 : index
        %get3A_871 = tpu.vector_load %get3A_868[%get3A_869, %get3A_870] {strides = array<i32>} : memref<128x32xf32, #tpu.memory_space<vmem>>, vector<1x16xf32>,
        %get3A_872 = vector.shape_cast %get3A_871 : vector<1x16xf32> to vector<16xf32>
        %mul3A_873 = vector.broadcast %squeeze3A_860 : f32 to vector<16xf32>
        %mul3A_874 = arith.mulf %get3A_872, %mul3A_873 : vector<16xf32>
        %swap3A_875 = arith.constant 0 : i32
        %swap3A_876 = arith.constant 0 : i32
        %swap3A_877 = tpu.memref_slice %arg10[%scan3A_173, %swap3A_875, %swap3A_876] : memref<4x128x32xf32, #tpu.memory_space<vmem>> -> memref<1x128x32xf32, #tpu.memory_space<vmem>>
        %swap3A_878 = tpu.memref_squeeze %swap3A_877 : memref<1x128x32xf32, #tpu.memory_space<vmem>> -> memref<128x32xf32, #tpu.memory_space<vmem>>
        %swap3A_879 = arith.index_cast %add3A_864 : i32 to index
        %swap3A_880 = arith.constant 0 : index
        %swap3A_881 = tpu.vector_load %swap3A_878[%swap3A_879, %swap3A_880] {strides = array<i32>} : memref<128x32xf32, #tpu.memory_space<vmem>>, vector<1x16xf32>,
        %swap3A_882 = vector.shape_cast %swap3A_881 : vector<1x16xf32> to vector<16xf32>
        %swap3A_883 = vector.shape_cast %mul3A_874 : vector<16xf32> to vector<1x16xf32>
        tpu.vector_store %swap3A_878[%swap3A_879, %swap3A_880], %swap3A_883 {strides = array<i32>} : memref<128x32xf32, #tpu.memory_space<vmem>>, vector<1x16xf32>,
        %get3A_884 = arith.constant 0 : i32
        %get3A_885 = arith.constant 0 : i32
        %get3A_886 = tpu.memref_slice %arg10[%scan3A_173, %get3A_884, %get3A_885] : memref<4x128x32xf32, #tpu.memory_space<vmem>> -> memref<1x128x32xf32, #tpu.memory_space<vmem>>
        %get3A_887 = tpu.memref_squeeze %get3A_886 : memref<1x128x32xf32, #tpu.memory_space<vmem>> -> memref<128x32xf32, #tpu.memory_space<vmem>>
        %get3A_888 = arith.index_cast %add3A_864 : i32 to index
        %get3A_889 = arith.constant 16 : index
        %get3A_890 = tpu.vector_load %get3A_887[%get3A_888, %get3A_889] {strides = array<i32>} : memref<128x32xf32, #tpu.memory_space<vmem>>, vector<1x16xf32>,
        %get3A_891 = vector.shape_cast %get3A_890 : vector<1x16xf32> to vector<16xf32>
        %mul3A_892 = vector.broadcast %squeeze3A_860 : f32 to vector<16xf32>
        %mul3A_893 = arith.mulf %get3A_891, %mul3A_892 : vector<16xf32>
        %swap3A_894 = arith.constant 0 : i32
        %swap3A_895 = arith.constant 0 : i32
        %swap3A_896 = tpu.memref_slice %arg10[%scan3A_173, %swap3A_894, %swap3A_895] : memref<4x128x32xf32, #tpu.memory_space<vmem>> -> memref<1x128x32xf32, #tpu.memory_space<vmem>>
        %swap3A_897 = tpu.memref_squeeze %swap3A_896 : memref<1x128x32xf32, #tpu.memory_space<vmem>> -> memref<128x32xf32, #tpu.memory_space<vmem>>
        %swap3A_898 = arith.index_cast %add3A_864 : i32 to index
        %swap3A_899 = arith.constant 16 : index
        %swap3A_900 = tpu.vector_load %swap3A_897[%swap3A_898, %swap3A_899] {strides = array<i32>} : memref<128x32xf32, #tpu.memory_space<vmem>>, vector<1x16xf32>,
        %swap3A_901 = vector.shape_cast %swap3A_900 : vector<1x16xf32> to vector<16xf32>
        %swap3A_902 = vector.shape_cast %mul3A_893 : vector<16xf32> to vector<1x16xf32>
        tpu.vector_store %swap3A_897[%swap3A_898, %swap3A_899], %swap3A_902 {strides = array<i32>} : memref<128x32xf32, #tpu.memory_space<vmem>>, vector<1x16xf32>,
        %slice3A_903 = vector.extract_strided_slice %get3A_289 {offsets = [14], sizes = [1], strides = [1]} : vector<16xf32> to vector<1xf32>
        %squeeze3A_904 = vector.extract %slice3A_903[0] : f32 from vector<1xf32>
        %mul3A_905 = arith.constant 16 : i32
        %mul3A_906 = arith.muli %add3A_284, %mul3A_905 : i32
        %add3A_907 = arith.constant 14 : i32
        %add3A_908 = arith.addi %mul3A_906, %add3A_907 : i32
        %get3A_909 = arith.constant 0 : i32
        %get3A_910 = arith.constant 0 : i32
        %get3A_911 = tpu.memref_slice %arg10[%scan3A_173, %get3A_909, %get3A_910] : memref<4x128x32xf32, #tpu.memory_space<vmem>> -> memref<1x128x32xf32, #tpu.memory_space<vmem>>
        %get3A_912 = tpu.memref_squeeze %get3A_911 : memref<1x128x32xf32, #tpu.memory_space<vmem>> -> memref<128x32xf32, #tpu.memory_space<vmem>>
        %get3A_913 = arith.index_cast %add3A_908 : i32 to index
        %get3A_914 = arith.constant 0 : index
        %get3A_915 = tpu.vector_load %get3A_912[%get3A_913, %get3A_914] {strides = array<i32>} : memref<128x32xf32, #tpu.memory_space<vmem>>, vector<1x16xf32>,
        %get3A_916 = vector.shape_cast %get3A_915 : vector<1x16xf32> to vector<16xf32>
        %mul3A_917 = vector.broadcast %squeeze3A_904 : f32 to vector<16xf32>
        %mul3A_918 = arith.mulf %get3A_916, %mul3A_917 : vector<16xf32>
        %swap3A_919 = arith.constant 0 : i32
        %swap3A_920 = arith.constant 0 : i32
        %swap3A_921 = tpu.memref_slice %arg10[%scan3A_173, %swap3A_919, %swap3A_920] : memref<4x128x32xf32, #tpu.memory_space<vmem>> -> memref<1x128x32xf32, #tpu.memory_space<vmem>>
        %swap3A_922 = tpu.memref_squeeze %swap3A_921 : memref<1x128x32xf32, #tpu.memory_space<vmem>> -> memref<128x32xf32, #tpu.memory_space<vmem>>
        %swap3A_923 = arith.index_cast %add3A_908 : i32 to index
        %swap3A_924 = arith.constant 0 : index
        %swap3A_925 = tpu.vector_load %swap3A_922[%swap3A_923, %swap3A_924] {strides = array<i32>} : memref<128x32xf32, #tpu.memory_space<vmem>>, vector<1x16xf32>,
        %swap3A_926 = vector.shape_cast %swap3A_925 : vector<1x16xf32> to vector<16xf32>
        %swap3A_927 = vector.shape_cast %mul3A_918 : vector<16xf32> to vector<1x16xf32>
        tpu.vector_store %swap3A_922[%swap3A_923, %swap3A_924], %swap3A_927 {strides = array<i32>} : memref<128x32xf32, #tpu.memory_space<vmem>>, vector<1x16xf32>,
        %get3A_928 = arith.constant 0 : i32
        %get3A_929 = arith.constant 0 : i32
        %get3A_930 = tpu.memref_slice %arg10[%scan3A_173, %get3A_928, %get3A_929] : memref<4x128x32xf32, #tpu.memory_space<vmem>> -> memref<1x128x32xf32, #tpu.memory_space<vmem>>
        %get3A_931 = tpu.memref_squeeze %get3A_930 : memref<1x128x32xf32, #tpu.memory_space<vmem>> -> memref<128x32xf32, #tpu.memory_space<vmem>>
        %get3A_932 = arith.index_cast %add3A_908 : i32 to index
        %get3A_933 = arith.constant 16 : index
        %get3A_934 = tpu.vector_load %get3A_931[%get3A_932, %get3A_933] {strides = array<i32>} : memref<128x32xf32, #tpu.memory_space<vmem>>, vector<1x16xf32>,
        %get3A_935 = vector.shape_cast %get3A_934 : vector<1x16xf32> to vector<16xf32>
        %mul3A_936 = vector.broadcast %squeeze3A_904 : f32 to vector<16xf32>
        %mul3A_937 = arith.mulf %get3A_935, %mul3A_936 : vector<16xf32>
        %swap3A_938 = arith.constant 0 : i32
        %swap3A_939 = arith.constant 0 : i32
        %swap3A_940 = tpu.memref_slice %arg10[%scan3A_173, %swap3A_938, %swap3A_939] : memref<4x128x32xf32, #tpu.memory_space<vmem>> -> memref<1x128x32xf32, #tpu.memory_space<vmem>>
        %swap3A_941 = tpu.memref_squeeze %swap3A_940 : memref<1x128x32xf32, #tpu.memory_space<vmem>> -> memref<128x32xf32, #tpu.memory_space<vmem>>
        %swap3A_942 = arith.index_cast %add3A_908 : i32 to index
        %swap3A_943 = arith.constant 16 : index
        %swap3A_944 = tpu.vector_load %swap3A_941[%swap3A_942, %swap3A_943] {strides = array<i32>} : memref<128x32xf32, #tpu.memory_space<vmem>>, vector<1x16xf32>,
        %swap3A_945 = vector.shape_cast %swap3A_944 : vector<1x16xf32> to vector<16xf32>
        %swap3A_946 = vector.shape_cast %mul3A_937 : vector<16xf32> to vector<1x16xf32>
        tpu.vector_store %swap3A_941[%swap3A_942, %swap3A_943], %swap3A_946 {strides = array<i32>} : memref<128x32xf32, #tpu.memory_space<vmem>>, vector<1x16xf32>,
        %slice3A_947 = vector.extract_strided_slice %get3A_289 {offsets = [15], sizes = [1], strides = [1]} : vector<16xf32> to vector<1xf32>
        %squeeze3A_948 = vector.extract %slice3A_947[0] : f32 from vector<1xf32>
        %mul3A_949 = arith.constant 16 : i32
        %mul3A_950 = arith.muli %add3A_284, %mul3A_949 : i32
        %add3A_951 = arith.constant 15 : i32
        %add3A_952 = arith.addi %mul3A_950, %add3A_951 : i32
        %get3A_953 = arith.constant 0 : i32
        %get3A_954 = arith.constant 0 : i32
        %get3A_955 = tpu.memref_slice %arg10[%scan3A_173, %get3A_953, %get3A_954] : memref<4x128x32xf32, #tpu.memory_space<vmem>> -> memref<1x128x32xf32, #tpu.memory_space<vmem>>
        %get3A_956 = tpu.memref_squeeze %get3A_955 : memref<1x128x32xf32, #tpu.memory_space<vmem>> -> memref<128x32xf32, #tpu.memory_space<vmem>>
        %get3A_957 = arith.index_cast %add3A_952 : i32 to index
        %get3A_958 = arith.constant 0 : index
        %get3A_959 = tpu.vector_load %get3A_956[%get3A_957, %get3A_958] {strides = array<i32>} : memref<128x32xf32, #tpu.memory_space<vmem>>, vector<1x16xf32>,
        %get3A_960 = vector.shape_cast %get3A_959 : vector<1x16xf32> to vector<16xf32>
        %mul3A_961 = vector.broadcast %squeeze3A_948 : f32 to vector<16xf32>
        %mul3A_962 = arith.mulf %get3A_960, %mul3A_961 : vector<16xf32>
        %swap3A_963 = arith.constant 0 : i32
        %swap3A_964 = arith.constant 0 : i32
        %swap3A_965 = tpu.memref_slice %arg10[%scan3A_173, %swap3A_963, %swap3A_964] : memref<4x128x32xf32, #tpu.memory_space<vmem>> -> memref<1x128x32xf32, #tpu.memory_space<vmem>>
        %swap3A_966 = tpu.memref_squeeze %swap3A_965 : memref<1x128x32xf32, #tpu.memory_space<vmem>> -> memref<128x32xf32, #tpu.memory_space<vmem>>
        %swap3A_967 = arith.index_cast %add3A_952 : i32 to index
        %swap3A_968 = arith.constant 0 : index
        %swap3A_969 = tpu.vector_load %swap3A_966[%swap3A_967, %swap3A_968] {strides = array<i32>} : memref<128x32xf32, #tpu.memory_space<vmem>>, vector<1x16xf32>,
        %swap3A_970 = vector.shape_cast %swap3A_969 : vector<1x16xf32> to vector<16xf32>
        %swap3A_971 = vector.shape_cast %mul3A_962 : vector<16xf32> to vector<1x16xf32>
        tpu.vector_store %swap3A_966[%swap3A_967, %swap3A_968], %swap3A_971 {strides = array<i32>} : memref<128x32xf32, #tpu.memory_space<vmem>>, vector<1x16xf32>,
        %get3A_972 = arith.constant 0 : i32
        %get3A_973 = arith.constant 0 : i32
        %get3A_974 = tpu.memref_slice %arg10[%scan3A_173, %get3A_972, %get3A_973] : memref<4x128x32xf32, #tpu.memory_space<vmem>> -> memref<1x128x32xf32, #tpu.memory_space<vmem>>
        %get3A_975 = tpu.memref_squeeze %get3A_974 : memref<1x128x32xf32, #tpu.memory_space<vmem>> -> memref<128x32xf32, #tpu.memory_space<vmem>>
        %get3A_976 = arith.index_cast %add3A_952 : i32 to index
        %get3A_977 = arith.constant 16 : index
        %get3A_978 = tpu.vector_load %get3A_975[%get3A_976, %get3A_977] {strides = array<i32>} : memref<128x32xf32, #tpu.memory_space<vmem>>, vector<1x16xf32>,
        %get3A_979 = vector.shape_cast %get3A_978 : vector<1x16xf32> to vector<16xf32>
        %mul3A_980 = vector.broadcast %squeeze3A_948 : f32 to vector<16xf32>
        %mul3A_981 = arith.mulf %get3A_979, %mul3A_980 : vector<16xf32>
        %swap3A_982 = arith.constant 0 : i32
        %swap3A_983 = arith.constant 0 : i32
        %swap3A_984 = tpu.memref_slice %arg10[%scan3A_173, %swap3A_982, %swap3A_983] : memref<4x128x32xf32, #tpu.memory_space<vmem>> -> memref<1x128x32xf32, #tpu.memory_space<vmem>>
        %swap3A_985 = tpu.memref_squeeze %swap3A_984 : memref<1x128x32xf32, #tpu.memory_space<vmem>> -> memref<128x32xf32, #tpu.memory_space<vmem>>
        %swap3A_986 = arith.index_cast %add3A_952 : i32 to index
        %swap3A_987 = arith.constant 16 : index
        %swap3A_988 = tpu.vector_load %swap3A_985[%swap3A_986, %swap3A_987] {strides = array<i32>} : memref<128x32xf32, #tpu.memory_space<vmem>>, vector<1x16xf32>,
        %swap3A_989 = vector.shape_cast %swap3A_988 : vector<1x16xf32> to vector<16xf32>
        %swap3A_990 = vector.shape_cast %mul3A_981 : vector<16xf32> to vector<1x16xf32>
        tpu.vector_store %swap3A_985[%swap3A_986, %swap3A_987], %swap3A_990 {strides = array<i32>} : memref<128x32xf32, #tpu.memory_space<vmem>>, vector<1x16xf32>,
      }
      %scan3A_178 = arith.constant 8 : i32
      %dma_start3A_179 = arith.constant 1 : i32
      %dma_start3A_180 = arith.constant 0 : i32
      %dma_start3A_181 = arith.constant 0 : i32
      %dma_start3A_182 = tpu.memref_slice %arg10[%dma_start3A_179, %dma_start3A_180, %dma_start3A_181] : memref<4x128x32xf32, #tpu.memory_space<vmem>> -> memref<1x128x32xf32, #tpu.memory_space<vmem>>
      %dma_start3A_183 = tpu.memref_squeeze %dma_start3A_182 : memref<1x128x32xf32, #tpu.memory_space<vmem>> -> memref<128x32xf32, #tpu.memory_space<vmem>>
      %dma_start3A_184 = arith.constant 0 : i32
      %dma_start3A_185 = tpu.memref_slice %arg8[%add3A_161, %dma_start3A_184] : memref<160x128xi32, #tpu.memory_space<vmem>> -> memref<1x128xi32, #tpu.memory_space<vmem>>
      %dma_start3A_186 = tpu.memref_squeeze %dma_start3A_185 : memref<1x128xi32, #tpu.memory_space<vmem>> -> memref<128xi32, #tpu.memory_space<vmem>>
      %dma_start3A_187 = arith.constant 0 : i32
      %dma_start3A_188 = arith.constant 0 : i32
      %dma_start3A_189 = tpu.memref_slice %arg12[%dma_start3A_187, %dma_start3A_188] : memref<10240x32xf32, #tpu.memory_space<vmem_shared>> -> memref<10240x32xf32, #tpu.memory_space<vmem_shared>>
      tpu.enqueue_indirect_dma source(%dma_start3A_183 : memref<128x32xf32, #tpu.memory_space<vmem>>) target(%dma_start3A_189 : memref<10240x32xf32, #tpu.memory_space<vmem_shared>>) offsets(%dma_start3A_186 : memref<128xi32, #tpu.memory_space<vmem>>) semaphore(%arg19 : memref<!tpu.dma_semaphore, #tpu.memory_space<semaphore_mem>>) {add = true}
      %add3A_190 = arith.constant 4 : i32
      %add3A_191 = arith.addi %add3A_161, %add3A_190 : i32
      %sub3A_192 = arith.constant 1 : i32
      %sub3A_193 = arith.subi %add3A_191, %sub3A_192 : i32
      %lt3A = arith.constant 39 : i32
      %lt3A_194 = arith.cmpi slt, %add3A_116, %lt3A : i32
      %convert_element_type3A_195 = arith.extui %lt3A_194 : i1 to i32
      %cond3A_196 = arith.constant 0 : i32
      %cond3A_197 = arith.cmpi ne, %convert_element_type3A_195, %cond3A_196 : i32
      scf.if %cond3A_197 {
        %sub3A_280 = arith.constant 4 : i32
        %sub3A_281 = arith.subi %sub3A_193, %sub3A_280 : i32
        %dma_wait3A_282 = arith.constant 0 : i32
        %dma_wait3A_283 = arith.constant 0 : i32
        %dma_wait3A_284 = arith.constant 0 : i32
        %dma_wait3A_285 = tpu.memref_slice %arg10[%dma_wait3A_282, %dma_wait3A_283, %dma_wait3A_284] : memref<4x128x32xf32, #tpu.memory_space<vmem>> -> memref<1x128x32xf32, #tpu.memory_space<vmem>>
        %dma_wait3A_286 = tpu.memref_squeeze %dma_wait3A_285 : memref<1x128x32xf32, #tpu.memory_space<vmem>> -> memref<128x32xf32, #tpu.memory_space<vmem>>
        %dma_wait3A_287 = arith.constant 0 : i32
        %dma_wait3A_288 = tpu.memref_slice %arg8[%sub3A_281, %dma_wait3A_287] : memref<160x128xi32, #tpu.memory_space<vmem>> -> memref<1x128xi32, #tpu.memory_space<vmem>>
        %dma_wait3A_289 = tpu.memref_squeeze %dma_wait3A_288 : memref<1x128xi32, #tpu.memory_space<vmem>> -> memref<128xi32, #tpu.memory_space<vmem>>
        %dma_wait3A_290 = arith.constant 0 : i32
        %dma_wait3A_291 = arith.constant 0 : i32
        %dma_wait3A_292 = tpu.memref_slice %arg12[%dma_wait3A_290, %dma_wait3A_291] : memref<10240x32xf32, #tpu.memory_space<vmem_shared>> -> memref<10240x32xf32, #tpu.memory_space<vmem_shared>>
        tpu.wait_indirect_dma semaphore(%arg18 : memref<!tpu.dma_semaphore, #tpu.memory_space<semaphore_mem>>) src(%dma_wait3A_286 : memref<128x32xf32, #tpu.memory_space<vmem>>) dst(%dma_wait3A_292 : memref<10240x32xf32, #tpu.memory_space<vmem_shared>>)
        %dma_start3A_293 = arith.constant 0 : i32
        %dma_start3A_294 = arith.constant 0 : i32
        %dma_start3A_295 = arith.constant 0 : i32
        %dma_start3A_296 = tpu.memref_slice %arg10[%dma_start3A_293, %dma_start3A_294, %dma_start3A_295] : memref<4x128x32xf32, #tpu.memory_space<vmem>> -> memref<1x128x32xf32, #tpu.memory_space<vmem>>
        %dma_start3A_297 = tpu.memref_squeeze %dma_start3A_296 : memref<1x128x32xf32, #tpu.memory_space<vmem>> -> memref<128x32xf32, #tpu.memory_space<vmem>>
        %dma_start3A_298 = arith.constant 0 : i32
        %dma_start3A_299 = tpu.memref_slice %arg7[%sub3A_193, %dma_start3A_298] : memref<160x128xi32, #tpu.memory_space<vmem>> -> memref<1x128xi32, #tpu.memory_space<vmem>>
        %dma_start3A_300 = tpu.memref_squeeze %dma_start3A_299 : memref<1x128xi32, #tpu.memory_space<vmem>> -> memref<128xi32, #tpu.memory_space<vmem>>
        %dma_start3A_301 = arith.constant 0 : i32
        %dma_start3A_302 = arith.constant 0 : i32
        %dma_start3A_303 = tpu.memref_slice %arg13[%dma_start3A_301, %dma_start3A_302] : memref<10240x32xf32, #tpu.memory_space<vmem_shared>> -> memref<10240x32xf32, #tpu.memory_space<vmem_shared>>
        tpu.enqueue_indirect_dma source(%dma_start3A_303 : memref<10240x32xf32, #tpu.memory_space<vmem_shared>>) target(%dma_start3A_297 : memref<128x32xf32, #tpu.memory_space<vmem>>) offsets(%dma_start3A_300 : memref<128xi32, #tpu.memory_space<vmem>>) semaphore(%arg14 : memref<!tpu.dma_semaphore, #tpu.memory_space<semaphore_mem>>)
      } else {
      }
      %mul3A_198 = arith.constant 4 : i32
      %mul3A_199 = arith.muli %add3A_116, %mul3A_198 : i32
      %add3A_200 = arith.constant 2 : i32
      %add3A_201 = arith.addi %mul3A_199, %add3A_200 : i32
      %dma_wait3A_202 = arith.constant 2 : i32
      %dma_wait3A_203 = arith.constant 0 : i32
      %dma_wait3A_204 = arith.constant 0 : i32
      %dma_wait3A_205 = tpu.memref_slice %arg10[%dma_wait3A_202, %dma_wait3A_203, %dma_wait3A_204] : memref<4x128x32xf32, #tpu.memory_space<vmem>> -> memref<1x128x32xf32, #tpu.memory_space<vmem>>
      %dma_wait3A_206 = tpu.memref_squeeze %dma_wait3A_205 : memref<1x128x32xf32, #tpu.memory_space<vmem>> -> memref<128x32xf32, #tpu.memory_space<vmem>>
      %dma_wait3A_207 = arith.constant 0 : i32
      %dma_wait3A_208 = tpu.memref_slice %arg7[%add3A_201, %dma_wait3A_207] : memref<160x128xi32, #tpu.memory_space<vmem>> -> memref<1x128xi32, #tpu.memory_space<vmem>>
      %dma_wait3A_209 = tpu.memref_squeeze %dma_wait3A_208 : memref<1x128xi32, #tpu.memory_space<vmem>> -> memref<128xi32, #tpu.memory_space<vmem>>
      %dma_wait3A_210 = arith.constant 0 : i32
      %dma_wait3A_211 = arith.constant 0 : i32
      %dma_wait3A_212 = tpu.memref_slice %arg13[%dma_wait3A_210, %dma_wait3A_211] : memref<10240x32xf32, #tpu.memory_space<vmem_shared>> -> memref<10240x32xf32, #tpu.memory_space<vmem_shared>>
      tpu.wait_indirect_dma semaphore(%arg16 : memref<!tpu.dma_semaphore, #tpu.memory_space<semaphore_mem>>) src(%dma_wait3A_212 : memref<10240x32xf32, #tpu.memory_space<vmem_shared>>) dst(%dma_wait3A_206 : memref<128x32xf32, #tpu.memory_space<vmem>>)
      %scan3A_213 = arith.constant 2 : i32
      %scan3A_214 = arith.constant 0 : i32
      %scan3A_215 = arith.constant 8 : i32
      %scan3A_216 = arith.addi %scan3A_214, %scan3A_215 : i32
      %scan3A_217 = arith.constant 1 : i32
      scf.for %scan3A_280 = %scan3A_214 to %scan3A_216 step %scan3A_217  : i32 {
        %mul3A_281 = arith.constant 1 : i32
        %mul3A_282 = arith.muli %scan3A_280, %mul3A_281 : i32
        %add3A_283 = arith.constant 0 : i32
        %add3A_284 = arith.addi %add3A_283, %mul3A_282 : i32
        %mul3A_285 = arith.constant 16 : i32
        %mul3A_286 = arith.muli %add3A_284, %mul3A_285 : i32
        %get3A = arith.index_cast %add3A_201 : i32 to index
        %get3A_287 = arith.index_cast %mul3A_286 : i32 to index
        %get3A_288 = tpu.vector_load %arg9[%get3A, %get3A_287] {strides = array<i32>} : memref<160x128xf32, #tpu.memory_space<vmem>>, vector<1x16xf32>,
        %get3A_289 = vector.shape_cast %get3A_288 : vector<1x16xf32> to vector<16xf32>
        %slice3A = vector.extract_strided_slice %get3A_289 {offsets = [0], sizes = [1], strides = [1]} : vector<16xf32> to vector<1xf32>
        %squeeze3A = vector.extract %slice3A[0] : f32 from vector<1xf32>
        %mul3A_290 = arith.constant 16 : i32
        %mul3A_291 = arith.muli %add3A_284, %mul3A_290 : i32
        %add3A_292 = arith.constant 0 : i32
        %add3A_293 = arith.addi %mul3A_291, %add3A_292 : i32
        %get3A_294 = arith.constant 0 : i32
        %get3A_295 = arith.constant 0 : i32
        %get3A_296 = tpu.memref_slice %arg10[%scan3A_213, %get3A_294, %get3A_295] : memref<4x128x32xf32, #tpu.memory_space<vmem>> -> memref<1x128x32xf32, #tpu.memory_space<vmem>>
        %get3A_297 = tpu.memref_squeeze %get3A_296 : memref<1x128x32xf32, #tpu.memory_space<vmem>> -> memref<128x32xf32, #tpu.memory_space<vmem>>
        %get3A_298 = arith.index_cast %add3A_293 : i32 to index
        %get3A_299 = arith.constant 0 : index
        %get3A_300 = tpu.vector_load %get3A_297[%get3A_298, %get3A_299] {strides = array<i32>} : memref<128x32xf32, #tpu.memory_space<vmem>>, vector<1x16xf32>,
        %get3A_301 = vector.shape_cast %get3A_300 : vector<1x16xf32> to vector<16xf32>
        %mul3A_302 = vector.broadcast %squeeze3A : f32 to vector<16xf32>
        %mul3A_303 = arith.mulf %get3A_301, %mul3A_302 : vector<16xf32>
        %swap3A = arith.constant 0 : i32
        %swap3A_304 = arith.constant 0 : i32
        %swap3A_305 = tpu.memref_slice %arg10[%scan3A_213, %swap3A, %swap3A_304] : memref<4x128x32xf32, #tpu.memory_space<vmem>> -> memref<1x128x32xf32, #tpu.memory_space<vmem>>
        %swap3A_306 = tpu.memref_squeeze %swap3A_305 : memref<1x128x32xf32, #tpu.memory_space<vmem>> -> memref<128x32xf32, #tpu.memory_space<vmem>>
        %swap3A_307 = arith.index_cast %add3A_293 : i32 to index
        %swap3A_308 = arith.constant 0 : index
        %swap3A_309 = tpu.vector_load %swap3A_306[%swap3A_307, %swap3A_308] {strides = array<i32>} : memref<128x32xf32, #tpu.memory_space<vmem>>, vector<1x16xf32>,
        %swap3A_310 = vector.shape_cast %swap3A_309 : vector<1x16xf32> to vector<16xf32>
        %swap3A_311 = vector.shape_cast %mul3A_303 : vector<16xf32> to vector<1x16xf32>
        tpu.vector_store %swap3A_306[%swap3A_307, %swap3A_308], %swap3A_311 {strides = array<i32>} : memref<128x32xf32, #tpu.memory_space<vmem>>, vector<1x16xf32>,
        %get3A_312 = arith.constant 0 : i32
        %get3A_313 = arith.constant 0 : i32
        %get3A_314 = tpu.memref_slice %arg10[%scan3A_213, %get3A_312, %get3A_313] : memref<4x128x32xf32, #tpu.memory_space<vmem>> -> memref<1x128x32xf32, #tpu.memory_space<vmem>>
        %get3A_315 = tpu.memref_squeeze %get3A_314 : memref<1x128x32xf32, #tpu.memory_space<vmem>> -> memref<128x32xf32, #tpu.memory_space<vmem>>
        %get3A_316 = arith.index_cast %add3A_293 : i32 to index
        %get3A_317 = arith.constant 16 : index
        %get3A_318 = tpu.vector_load %get3A_315[%get3A_316, %get3A_317] {strides = array<i32>} : memref<128x32xf32, #tpu.memory_space<vmem>>, vector<1x16xf32>,
        %get3A_319 = vector.shape_cast %get3A_318 : vector<1x16xf32> to vector<16xf32>
        %mul3A_320 = vector.broadcast %squeeze3A : f32 to vector<16xf32>
        %mul3A_321 = arith.mulf %get3A_319, %mul3A_320 : vector<16xf32>
        %swap3A_322 = arith.constant 0 : i32
        %swap3A_323 = arith.constant 0 : i32
        %swap3A_324 = tpu.memref_slice %arg10[%scan3A_213, %swap3A_322, %swap3A_323] : memref<4x128x32xf32, #tpu.memory_space<vmem>> -> memref<1x128x32xf32, #tpu.memory_space<vmem>>
        %swap3A_325 = tpu.memref_squeeze %swap3A_324 : memref<1x128x32xf32, #tpu.memory_space<vmem>> -> memref<128x32xf32, #tpu.memory_space<vmem>>
        %swap3A_326 = arith.index_cast %add3A_293 : i32 to index
        %swap3A_327 = arith.constant 16 : index
        %swap3A_328 = tpu.vector_load %swap3A_325[%swap3A_326, %swap3A_327] {strides = array<i32>} : memref<128x32xf32, #tpu.memory_space<vmem>>, vector<1x16xf32>,
        %swap3A_329 = vector.shape_cast %swap3A_328 : vector<1x16xf32> to vector<16xf32>
        %swap3A_330 = vector.shape_cast %mul3A_321 : vector<16xf32> to vector<1x16xf32>
        tpu.vector_store %swap3A_325[%swap3A_326, %swap3A_327], %swap3A_330 {strides = array<i32>} : memref<128x32xf32, #tpu.memory_space<vmem>>, vector<1x16xf32>,
        %slice3A_331 = vector.extract_strided_slice %get3A_289 {offsets = [1], sizes = [1], strides = [1]} : vector<16xf32> to vector<1xf32>
        %squeeze3A_332 = vector.extract %slice3A_331[0] : f32 from vector<1xf32>
        %mul3A_333 = arith.constant 16 : i32
        %mul3A_334 = arith.muli %add3A_284, %mul3A_333 : i32
        %add3A_335 = arith.constant 1 : i32
        %add3A_336 = arith.addi %mul3A_334, %add3A_335 : i32
        %get3A_337 = arith.constant 0 : i32
        %get3A_338 = arith.constant 0 : i32
        %get3A_339 = tpu.memref_slice %arg10[%scan3A_213, %get3A_337, %get3A_338] : memref<4x128x32xf32, #tpu.memory_space<vmem>> -> memref<1x128x32xf32, #tpu.memory_space<vmem>>
        %get3A_340 = tpu.memref_squeeze %get3A_339 : memref<1x128x32xf32, #tpu.memory_space<vmem>> -> memref<128x32xf32, #tpu.memory_space<vmem>>
        %get3A_341 = arith.index_cast %add3A_336 : i32 to index
        %get3A_342 = arith.constant 0 : index
        %get3A_343 = tpu.vector_load %get3A_340[%get3A_341, %get3A_342] {strides = array<i32>} : memref<128x32xf32, #tpu.memory_space<vmem>>, vector<1x16xf32>,
        %get3A_344 = vector.shape_cast %get3A_343 : vector<1x16xf32> to vector<16xf32>
        %mul3A_345 = vector.broadcast %squeeze3A_332 : f32 to vector<16xf32>
        %mul3A_346 = arith.mulf %get3A_344, %mul3A_345 : vector<16xf32>
        %swap3A_347 = arith.constant 0 : i32
        %swap3A_348 = arith.constant 0 : i32
        %swap3A_349 = tpu.memref_slice %arg10[%scan3A_213, %swap3A_347, %swap3A_348] : memref<4x128x32xf32, #tpu.memory_space<vmem>> -> memref<1x128x32xf32, #tpu.memory_space<vmem>>
        %swap3A_350 = tpu.memref_squeeze %swap3A_349 : memref<1x128x32xf32, #tpu.memory_space<vmem>> -> memref<128x32xf32, #tpu.memory_space<vmem>>
        %swap3A_351 = arith.index_cast %add3A_336 : i32 to index
        %swap3A_352 = arith.constant 0 : index
        %swap3A_353 = tpu.vector_load %swap3A_350[%swap3A_351, %swap3A_352] {strides = array<i32>} : memref<128x32xf32, #tpu.memory_space<vmem>>, vector<1x16xf32>,
        %swap3A_354 = vector.shape_cast %swap3A_353 : vector<1x16xf32> to vector<16xf32>
        %swap3A_355 = vector.shape_cast %mul3A_346 : vector<16xf32> to vector<1x16xf32>
        tpu.vector_store %swap3A_350[%swap3A_351, %swap3A_352], %swap3A_355 {strides = array<i32>} : memref<128x32xf32, #tpu.memory_space<vmem>>, vector<1x16xf32>,
        %get3A_356 = arith.constant 0 : i32
        %get3A_357 = arith.constant 0 : i32
        %get3A_358 = tpu.memref_slice %arg10[%scan3A_213, %get3A_356, %get3A_357] : memref<4x128x32xf32, #tpu.memory_space<vmem>> -> memref<1x128x32xf32, #tpu.memory_space<vmem>>
        %get3A_359 = tpu.memref_squeeze %get3A_358 : memref<1x128x32xf32, #tpu.memory_space<vmem>> -> memref<128x32xf32, #tpu.memory_space<vmem>>
        %get3A_360 = arith.index_cast %add3A_336 : i32 to index
        %get3A_361 = arith.constant 16 : index
        %get3A_362 = tpu.vector_load %get3A_359[%get3A_360, %get3A_361] {strides = array<i32>} : memref<128x32xf32, #tpu.memory_space<vmem>>, vector<1x16xf32>,
        %get3A_363 = vector.shape_cast %get3A_362 : vector<1x16xf32> to vector<16xf32>
        %mul3A_364 = vector.broadcast %squeeze3A_332 : f32 to vector<16xf32>
        %mul3A_365 = arith.mulf %get3A_363, %mul3A_364 : vector<16xf32>
        %swap3A_366 = arith.constant 0 : i32
        %swap3A_367 = arith.constant 0 : i32
        %swap3A_368 = tpu.memref_slice %arg10[%scan3A_213, %swap3A_366, %swap3A_367] : memref<4x128x32xf32, #tpu.memory_space<vmem>> -> memref<1x128x32xf32, #tpu.memory_space<vmem>>
        %swap3A_369 = tpu.memref_squeeze %swap3A_368 : memref<1x128x32xf32, #tpu.memory_space<vmem>> -> memref<128x32xf32, #tpu.memory_space<vmem>>
        %swap3A_370 = arith.index_cast %add3A_336 : i32 to index
        %swap3A_371 = arith.constant 16 : index
        %swap3A_372 = tpu.vector_load %swap3A_369[%swap3A_370, %swap3A_371] {strides = array<i32>} : memref<128x32xf32, #tpu.memory_space<vmem>>, vector<1x16xf32>,
        %swap3A_373 = vector.shape_cast %swap3A_372 : vector<1x16xf32> to vector<16xf32>
        %swap3A_374 = vector.shape_cast %mul3A_365 : vector<16xf32> to vector<1x16xf32>
        tpu.vector_store %swap3A_369[%swap3A_370, %swap3A_371], %swap3A_374 {strides = array<i32>} : memref<128x32xf32, #tpu.memory_space<vmem>>, vector<1x16xf32>,
        %slice3A_375 = vector.extract_strided_slice %get3A_289 {offsets = [2], sizes = [1], strides = [1]} : vector<16xf32> to vector<1xf32>
        %squeeze3A_376 = vector.extract %slice3A_375[0] : f32 from vector<1xf32>
        %mul3A_377 = arith.constant 16 : i32
        %mul3A_378 = arith.muli %add3A_284, %mul3A_377 : i32
        %add3A_379 = arith.constant 2 : i32
        %add3A_380 = arith.addi %mul3A_378, %add3A_379 : i32
        %get3A_381 = arith.constant 0 : i32
        %get3A_382 = arith.constant 0 : i32
        %get3A_383 = tpu.memref_slice %arg10[%scan3A_213, %get3A_381, %get3A_382] : memref<4x128x32xf32, #tpu.memory_space<vmem>> -> memref<1x128x32xf32, #tpu.memory_space<vmem>>
        %get3A_384 = tpu.memref_squeeze %get3A_383 : memref<1x128x32xf32, #tpu.memory_space<vmem>> -> memref<128x32xf32, #tpu.memory_space<vmem>>
        %get3A_385 = arith.index_cast %add3A_380 : i32 to index
        %get3A_386 = arith.constant 0 : index
        %get3A_387 = tpu.vector_load %get3A_384[%get3A_385, %get3A_386] {strides = array<i32>} : memref<128x32xf32, #tpu.memory_space<vmem>>, vector<1x16xf32>,
        %get3A_388 = vector.shape_cast %get3A_387 : vector<1x16xf32> to vector<16xf32>
        %mul3A_389 = vector.broadcast %squeeze3A_376 : f32 to vector<16xf32>
        %mul3A_390 = arith.mulf %get3A_388, %mul3A_389 : vector<16xf32>
        %swap3A_391 = arith.constant 0 : i32
        %swap3A_392 = arith.constant 0 : i32
        %swap3A_393 = tpu.memref_slice %arg10[%scan3A_213, %swap3A_391, %swap3A_392] : memref<4x128x32xf32, #tpu.memory_space<vmem>> -> memref<1x128x32xf32, #tpu.memory_space<vmem>>
        %swap3A_394 = tpu.memref_squeeze %swap3A_393 : memref<1x128x32xf32, #tpu.memory_space<vmem>> -> memref<128x32xf32, #tpu.memory_space<vmem>>
        %swap3A_395 = arith.index_cast %add3A_380 : i32 to index
        %swap3A_396 = arith.constant 0 : index
        %swap3A_397 = tpu.vector_load %swap3A_394[%swap3A_395, %swap3A_396] {strides = array<i32>} : memref<128x32xf32, #tpu.memory_space<vmem>>, vector<1x16xf32>,
        %swap3A_398 = vector.shape_cast %swap3A_397 : vector<1x16xf32> to vector<16xf32>
        %swap3A_399 = vector.shape_cast %mul3A_390 : vector<16xf32> to vector<1x16xf32>
        tpu.vector_store %swap3A_394[%swap3A_395, %swap3A_396], %swap3A_399 {strides = array<i32>} : memref<128x32xf32, #tpu.memory_space<vmem>>, vector<1x16xf32>,
        %get3A_400 = arith.constant 0 : i32
        %get3A_401 = arith.constant 0 : i32
        %get3A_402 = tpu.memref_slice %arg10[%scan3A_213, %get3A_400, %get3A_401] : memref<4x128x32xf32, #tpu.memory_space<vmem>> -> memref<1x128x32xf32, #tpu.memory_space<vmem>>
        %get3A_403 = tpu.memref_squeeze %get3A_402 : memref<1x128x32xf32, #tpu.memory_space<vmem>> -> memref<128x32xf32, #tpu.memory_space<vmem>>
        %get3A_404 = arith.index_cast %add3A_380 : i32 to index
        %get3A_405 = arith.constant 16 : index
        %get3A_406 = tpu.vector_load %get3A_403[%get3A_404, %get3A_405] {strides = array<i32>} : memref<128x32xf32, #tpu.memory_space<vmem>>, vector<1x16xf32>,
        %get3A_407 = vector.shape_cast %get3A_406 : vector<1x16xf32> to vector<16xf32>
        %mul3A_408 = vector.broadcast %squeeze3A_376 : f32 to vector<16xf32>
        %mul3A_409 = arith.mulf %get3A_407, %mul3A_408 : vector<16xf32>
        %swap3A_410 = arith.constant 0 : i32
        %swap3A_411 = arith.constant 0 : i32
        %swap3A_412 = tpu.memref_slice %arg10[%scan3A_213, %swap3A_410, %swap3A_411] : memref<4x128x32xf32, #tpu.memory_space<vmem>> -> memref<1x128x32xf32, #tpu.memory_space<vmem>>
        %swap3A_413 = tpu.memref_squeeze %swap3A_412 : memref<1x128x32xf32, #tpu.memory_space<vmem>> -> memref<128x32xf32, #tpu.memory_space<vmem>>
        %swap3A_414 = arith.index_cast %add3A_380 : i32 to index
        %swap3A_415 = arith.constant 16 : index
        %swap3A_416 = tpu.vector_load %swap3A_413[%swap3A_414, %swap3A_415] {strides = array<i32>} : memref<128x32xf32, #tpu.memory_space<vmem>>, vector<1x16xf32>,
        %swap3A_417 = vector.shape_cast %swap3A_416 : vector<1x16xf32> to vector<16xf32>
        %swap3A_418 = vector.shape_cast %mul3A_409 : vector<16xf32> to vector<1x16xf32>
        tpu.vector_store %swap3A_413[%swap3A_414, %swap3A_415], %swap3A_418 {strides = array<i32>} : memref<128x32xf32, #tpu.memory_space<vmem>>, vector<1x16xf32>,
        %slice3A_419 = vector.extract_strided_slice %get3A_289 {offsets = [3], sizes = [1], strides = [1]} : vector<16xf32> to vector<1xf32>
        %squeeze3A_420 = vector.extract %slice3A_419[0] : f32 from vector<1xf32>
        %mul3A_421 = arith.constant 16 : i32
        %mul3A_422 = arith.muli %add3A_284, %mul3A_421 : i32
        %add3A_423 = arith.constant 3 : i32
        %add3A_424 = arith.addi %mul3A_422, %add3A_423 : i32
        %get3A_425 = arith.constant 0 : i32
        %get3A_426 = arith.constant 0 : i32
        %get3A_427 = tpu.memref_slice %arg10[%scan3A_213, %get3A_425, %get3A_426] : memref<4x128x32xf32, #tpu.memory_space<vmem>> -> memref<1x128x32xf32, #tpu.memory_space<vmem>>
        %get3A_428 = tpu.memref_squeeze %get3A_427 : memref<1x128x32xf32, #tpu.memory_space<vmem>> -> memref<128x32xf32, #tpu.memory_space<vmem>>
        %get3A_429 = arith.index_cast %add3A_424 : i32 to index
        %get3A_430 = arith.constant 0 : index
        %get3A_431 = tpu.vector_load %get3A_428[%get3A_429, %get3A_430] {strides = array<i32>} : memref<128x32xf32, #tpu.memory_space<vmem>>, vector<1x16xf32>,
        %get3A_432 = vector.shape_cast %get3A_431 : vector<1x16xf32> to vector<16xf32>
        %mul3A_433 = vector.broadcast %squeeze3A_420 : f32 to vector<16xf32>
        %mul3A_434 = arith.mulf %get3A_432, %mul3A_433 : vector<16xf32>
        %swap3A_435 = arith.constant 0 : i32
        %swap3A_436 = arith.constant 0 : i32
        %swap3A_437 = tpu.memref_slice %arg10[%scan3A_213, %swap3A_435, %swap3A_436] : memref<4x128x32xf32, #tpu.memory_space<vmem>> -> memref<1x128x32xf32, #tpu.memory_space<vmem>>
        %swap3A_438 = tpu.memref_squeeze %swap3A_437 : memref<1x128x32xf32, #tpu.memory_space<vmem>> -> memref<128x32xf32, #tpu.memory_space<vmem>>
        %swap3A_439 = arith.index_cast %add3A_424 : i32 to index
        %swap3A_440 = arith.constant 0 : index
        %swap3A_441 = tpu.vector_load %swap3A_438[%swap3A_439, %swap3A_440] {strides = array<i32>} : memref<128x32xf32, #tpu.memory_space<vmem>>, vector<1x16xf32>,
        %swap3A_442 = vector.shape_cast %swap3A_441 : vector<1x16xf32> to vector<16xf32>
        %swap3A_443 = vector.shape_cast %mul3A_434 : vector<16xf32> to vector<1x16xf32>
        tpu.vector_store %swap3A_438[%swap3A_439, %swap3A_440], %swap3A_443 {strides = array<i32>} : memref<128x32xf32, #tpu.memory_space<vmem>>, vector<1x16xf32>,
        %get3A_444 = arith.constant 0 : i32
        %get3A_445 = arith.constant 0 : i32
        %get3A_446 = tpu.memref_slice %arg10[%scan3A_213, %get3A_444, %get3A_445] : memref<4x128x32xf32, #tpu.memory_space<vmem>> -> memref<1x128x32xf32, #tpu.memory_space<vmem>>
        %get3A_447 = tpu.memref_squeeze %get3A_446 : memref<1x128x32xf32, #tpu.memory_space<vmem>> -> memref<128x32xf32, #tpu.memory_space<vmem>>
        %get3A_448 = arith.index_cast %add3A_424 : i32 to index
        %get3A_449 = arith.constant 16 : index
        %get3A_450 = tpu.vector_load %get3A_447[%get3A_448, %get3A_449] {strides = array<i32>} : memref<128x32xf32, #tpu.memory_space<vmem>>, vector<1x16xf32>,
        %get3A_451 = vector.shape_cast %get3A_450 : vector<1x16xf32> to vector<16xf32>
        %mul3A_452 = vector.broadcast %squeeze3A_420 : f32 to vector<16xf32>
        %mul3A_453 = arith.mulf %get3A_451, %mul3A_452 : vector<16xf32>
        %swap3A_454 = arith.constant 0 : i32
        %swap3A_455 = arith.constant 0 : i32
        %swap3A_456 = tpu.memref_slice %arg10[%scan3A_213, %swap3A_454, %swap3A_455] : memref<4x128x32xf32, #tpu.memory_space<vmem>> -> memref<1x128x32xf32, #tpu.memory_space<vmem>>
        %swap3A_457 = tpu.memref_squeeze %swap3A_456 : memref<1x128x32xf32, #tpu.memory_space<vmem>> -> memref<128x32xf32, #tpu.memory_space<vmem>>
        %swap3A_458 = arith.index_cast %add3A_424 : i32 to index
        %swap3A_459 = arith.constant 16 : index
        %swap3A_460 = tpu.vector_load %swap3A_457[%swap3A_458, %swap3A_459] {strides = array<i32>} : memref<128x32xf32, #tpu.memory_space<vmem>>, vector<1x16xf32>,
        %swap3A_461 = vector.shape_cast %swap3A_460 : vector<1x16xf32> to vector<16xf32>
        %swap3A_462 = vector.shape_cast %mul3A_453 : vector<16xf32> to vector<1x16xf32>
        tpu.vector_store %swap3A_457[%swap3A_458, %swap3A_459], %swap3A_462 {strides = array<i32>} : memref<128x32xf32, #tpu.memory_space<vmem>>, vector<1x16xf32>,
        %slice3A_463 = vector.extract_strided_slice %get3A_289 {offsets = [4], sizes = [1], strides = [1]} : vector<16xf32> to vector<1xf32>
        %squeeze3A_464 = vector.extract %slice3A_463[0] : f32 from vector<1xf32>
        %mul3A_465 = arith.constant 16 : i32
        %mul3A_466 = arith.muli %add3A_284, %mul3A_465 : i32
        %add3A_467 = arith.constant 4 : i32
        %add3A_468 = arith.addi %mul3A_466, %add3A_467 : i32
        %get3A_469 = arith.constant 0 : i32
        %get3A_470 = arith.constant 0 : i32
        %get3A_471 = tpu.memref_slice %arg10[%scan3A_213, %get3A_469, %get3A_470] : memref<4x128x32xf32, #tpu.memory_space<vmem>> -> memref<1x128x32xf32, #tpu.memory_space<vmem>>
        %get3A_472 = tpu.memref_squeeze %get3A_471 : memref<1x128x32xf32, #tpu.memory_space<vmem>> -> memref<128x32xf32, #tpu.memory_space<vmem>>
        %get3A_473 = arith.index_cast %add3A_468 : i32 to index
        %get3A_474 = arith.constant 0 : index
        %get3A_475 = tpu.vector_load %get3A_472[%get3A_473, %get3A_474] {strides = array<i32>} : memref<128x32xf32, #tpu.memory_space<vmem>>, vector<1x16xf32>,
        %get3A_476 = vector.shape_cast %get3A_475 : vector<1x16xf32> to vector<16xf32>
        %mul3A_477 = vector.broadcast %squeeze3A_464 : f32 to vector<16xf32>
        %mul3A_478 = arith.mulf %get3A_476, %mul3A_477 : vector<16xf32>
        %swap3A_479 = arith.constant 0 : i32
        %swap3A_480 = arith.constant 0 : i32
        %swap3A_481 = tpu.memref_slice %arg10[%scan3A_213, %swap3A_479, %swap3A_480] : memref<4x128x32xf32, #tpu.memory_space<vmem>> -> memref<1x128x32xf32, #tpu.memory_space<vmem>>
        %swap3A_482 = tpu.memref_squeeze %swap3A_481 : memref<1x128x32xf32, #tpu.memory_space<vmem>> -> memref<128x32xf32, #tpu.memory_space<vmem>>
        %swap3A_483 = arith.index_cast %add3A_468 : i32 to index
        %swap3A_484 = arith.constant 0 : index
        %swap3A_485 = tpu.vector_load %swap3A_482[%swap3A_483, %swap3A_484] {strides = array<i32>} : memref<128x32xf32, #tpu.memory_space<vmem>>, vector<1x16xf32>,
        %swap3A_486 = vector.shape_cast %swap3A_485 : vector<1x16xf32> to vector<16xf32>
        %swap3A_487 = vector.shape_cast %mul3A_478 : vector<16xf32> to vector<1x16xf32>
        tpu.vector_store %swap3A_482[%swap3A_483, %swap3A_484], %swap3A_487 {strides = array<i32>} : memref<128x32xf32, #tpu.memory_space<vmem>>, vector<1x16xf32>,
        %get3A_488 = arith.constant 0 : i32
        %get3A_489 = arith.constant 0 : i32
        %get3A_490 = tpu.memref_slice %arg10[%scan3A_213, %get3A_488, %get3A_489] : memref<4x128x32xf32, #tpu.memory_space<vmem>> -> memref<1x128x32xf32, #tpu.memory_space<vmem>>
        %get3A_491 = tpu.memref_squeeze %get3A_490 : memref<1x128x32xf32, #tpu.memory_space<vmem>> -> memref<128x32xf32, #tpu.memory_space<vmem>>
        %get3A_492 = arith.index_cast %add3A_468 : i32 to index
        %get3A_493 = arith.constant 16 : index
        %get3A_494 = tpu.vector_load %get3A_491[%get3A_492, %get3A_493] {strides = array<i32>} : memref<128x32xf32, #tpu.memory_space<vmem>>, vector<1x16xf32>,
        %get3A_495 = vector.shape_cast %get3A_494 : vector<1x16xf32> to vector<16xf32>
        %mul3A_496 = vector.broadcast %squeeze3A_464 : f32 to vector<16xf32>
        %mul3A_497 = arith.mulf %get3A_495, %mul3A_496 : vector<16xf32>
        %swap3A_498 = arith.constant 0 : i32
        %swap3A_499 = arith.constant 0 : i32
        %swap3A_500 = tpu.memref_slice %arg10[%scan3A_213, %swap3A_498, %swap3A_499] : memref<4x128x32xf32, #tpu.memory_space<vmem>> -> memref<1x128x32xf32, #tpu.memory_space<vmem>>
        %swap3A_501 = tpu.memref_squeeze %swap3A_500 : memref<1x128x32xf32, #tpu.memory_space<vmem>> -> memref<128x32xf32, #tpu.memory_space<vmem>>
        %swap3A_502 = arith.index_cast %add3A_468 : i32 to index
        %swap3A_503 = arith.constant 16 : index
        %swap3A_504 = tpu.vector_load %swap3A_501[%swap3A_502, %swap3A_503] {strides = array<i32>} : memref<128x32xf32, #tpu.memory_space<vmem>>, vector<1x16xf32>,
        %swap3A_505 = vector.shape_cast %swap3A_504 : vector<1x16xf32> to vector<16xf32>
        %swap3A_506 = vector.shape_cast %mul3A_497 : vector<16xf32> to vector<1x16xf32>
        tpu.vector_store %swap3A_501[%swap3A_502, %swap3A_503], %swap3A_506 {strides = array<i32>} : memref<128x32xf32, #tpu.memory_space<vmem>>, vector<1x16xf32>,
        %slice3A_507 = vector.extract_strided_slice %get3A_289 {offsets = [5], sizes = [1], strides = [1]} : vector<16xf32> to vector<1xf32>
        %squeeze3A_508 = vector.extract %slice3A_507[0] : f32 from vector<1xf32>
        %mul3A_509 = arith.constant 16 : i32
        %mul3A_510 = arith.muli %add3A_284, %mul3A_509 : i32
        %add3A_511 = arith.constant 5 : i32
        %add3A_512 = arith.addi %mul3A_510, %add3A_511 : i32
        %get3A_513 = arith.constant 0 : i32
        %get3A_514 = arith.constant 0 : i32
        %get3A_515 = tpu.memref_slice %arg10[%scan3A_213, %get3A_513, %get3A_514] : memref<4x128x32xf32, #tpu.memory_space<vmem>> -> memref<1x128x32xf32, #tpu.memory_space<vmem>>
        %get3A_516 = tpu.memref_squeeze %get3A_515 : memref<1x128x32xf32, #tpu.memory_space<vmem>> -> memref<128x32xf32, #tpu.memory_space<vmem>>
        %get3A_517 = arith.index_cast %add3A_512 : i32 to index
        %get3A_518 = arith.constant 0 : index
        %get3A_519 = tpu.vector_load %get3A_516[%get3A_517, %get3A_518] {strides = array<i32>} : memref<128x32xf32, #tpu.memory_space<vmem>>, vector<1x16xf32>,
        %get3A_520 = vector.shape_cast %get3A_519 : vector<1x16xf32> to vector<16xf32>
        %mul3A_521 = vector.broadcast %squeeze3A_508 : f32 to vector<16xf32>
        %mul3A_522 = arith.mulf %get3A_520, %mul3A_521 : vector<16xf32>
        %swap3A_523 = arith.constant 0 : i32
        %swap3A_524 = arith.constant 0 : i32
        %swap3A_525 = tpu.memref_slice %arg10[%scan3A_213, %swap3A_523, %swap3A_524] : memref<4x128x32xf32, #tpu.memory_space<vmem>> -> memref<1x128x32xf32, #tpu.memory_space<vmem>>
        %swap3A_526 = tpu.memref_squeeze %swap3A_525 : memref<1x128x32xf32, #tpu.memory_space<vmem>> -> memref<128x32xf32, #tpu.memory_space<vmem>>
        %swap3A_527 = arith.index_cast %add3A_512 : i32 to index
        %swap3A_528 = arith.constant 0 : index
        %swap3A_529 = tpu.vector_load %swap3A_526[%swap3A_527, %swap3A_528] {strides = array<i32>} : memref<128x32xf32, #tpu.memory_space<vmem>>, vector<1x16xf32>,
        %swap3A_530 = vector.shape_cast %swap3A_529 : vector<1x16xf32> to vector<16xf32>
        %swap3A_531 = vector.shape_cast %mul3A_522 : vector<16xf32> to vector<1x16xf32>
        tpu.vector_store %swap3A_526[%swap3A_527, %swap3A_528], %swap3A_531 {strides = array<i32>} : memref<128x32xf32, #tpu.memory_space<vmem>>, vector<1x16xf32>,
        %get3A_532 = arith.constant 0 : i32
        %get3A_533 = arith.constant 0 : i32
        %get3A_534 = tpu.memref_slice %arg10[%scan3A_213, %get3A_532, %get3A_533] : memref<4x128x32xf32, #tpu.memory_space<vmem>> -> memref<1x128x32xf32, #tpu.memory_space<vmem>>
        %get3A_535 = tpu.memref_squeeze %get3A_534 : memref<1x128x32xf32, #tpu.memory_space<vmem>> -> memref<128x32xf32, #tpu.memory_space<vmem>>
        %get3A_536 = arith.index_cast %add3A_512 : i32 to index
        %get3A_537 = arith.constant 16 : index
        %get3A_538 = tpu.vector_load %get3A_535[%get3A_536, %get3A_537] {strides = array<i32>} : memref<128x32xf32, #tpu.memory_space<vmem>>, vector<1x16xf32>,
        %get3A_539 = vector.shape_cast %get3A_538 : vector<1x16xf32> to vector<16xf32>
        %mul3A_540 = vector.broadcast %squeeze3A_508 : f32 to vector<16xf32>
        %mul3A_541 = arith.mulf %get3A_539, %mul3A_540 : vector<16xf32>
        %swap3A_542 = arith.constant 0 : i32
        %swap3A_543 = arith.constant 0 : i32
        %swap3A_544 = tpu.memref_slice %arg10[%scan3A_213, %swap3A_542, %swap3A_543] : memref<4x128x32xf32, #tpu.memory_space<vmem>> -> memref<1x128x32xf32, #tpu.memory_space<vmem>>
        %swap3A_545 = tpu.memref_squeeze %swap3A_544 : memref<1x128x32xf32, #tpu.memory_space<vmem>> -> memref<128x32xf32, #tpu.memory_space<vmem>>
        %swap3A_546 = arith.index_cast %add3A_512 : i32 to index
        %swap3A_547 = arith.constant 16 : index
        %swap3A_548 = tpu.vector_load %swap3A_545[%swap3A_546, %swap3A_547] {strides = array<i32>} : memref<128x32xf32, #tpu.memory_space<vmem>>, vector<1x16xf32>,
        %swap3A_549 = vector.shape_cast %swap3A_548 : vector<1x16xf32> to vector<16xf32>
        %swap3A_550 = vector.shape_cast %mul3A_541 : vector<16xf32> to vector<1x16xf32>
        tpu.vector_store %swap3A_545[%swap3A_546, %swap3A_547], %swap3A_550 {strides = array<i32>} : memref<128x32xf32, #tpu.memory_space<vmem>>, vector<1x16xf32>,
        %slice3A_551 = vector.extract_strided_slice %get3A_289 {offsets = [6], sizes = [1], strides = [1]} : vector<16xf32> to vector<1xf32>
        %squeeze3A_552 = vector.extract %slice3A_551[0] : f32 from vector<1xf32>
        %mul3A_553 = arith.constant 16 : i32
        %mul3A_554 = arith.muli %add3A_284, %mul3A_553 : i32
        %add3A_555 = arith.constant 6 : i32
        %add3A_556 = arith.addi %mul3A_554, %add3A_555 : i32
        %get3A_557 = arith.constant 0 : i32
        %get3A_558 = arith.constant 0 : i32
        %get3A_559 = tpu.memref_slice %arg10[%scan3A_213, %get3A_557, %get3A_558] : memref<4x128x32xf32, #tpu.memory_space<vmem>> -> memref<1x128x32xf32, #tpu.memory_space<vmem>>
        %get3A_560 = tpu.memref_squeeze %get3A_559 : memref<1x128x32xf32, #tpu.memory_space<vmem>> -> memref<128x32xf32, #tpu.memory_space<vmem>>
        %get3A_561 = arith.index_cast %add3A_556 : i32 to index
        %get3A_562 = arith.constant 0 : index
        %get3A_563 = tpu.vector_load %get3A_560[%get3A_561, %get3A_562] {strides = array<i32>} : memref<128x32xf32, #tpu.memory_space<vmem>>, vector<1x16xf32>,
        %get3A_564 = vector.shape_cast %get3A_563 : vector<1x16xf32> to vector<16xf32>
        %mul3A_565 = vector.broadcast %squeeze3A_552 : f32 to vector<16xf32>
        %mul3A_566 = arith.mulf %get3A_564, %mul3A_565 : vector<16xf32>
        %swap3A_567 = arith.constant 0 : i32
        %swap3A_568 = arith.constant 0 : i32
        %swap3A_569 = tpu.memref_slice %arg10[%scan3A_213, %swap3A_567, %swap3A_568] : memref<4x128x32xf32, #tpu.memory_space<vmem>> -> memref<1x128x32xf32, #tpu.memory_space<vmem>>
        %swap3A_570 = tpu.memref_squeeze %swap3A_569 : memref<1x128x32xf32, #tpu.memory_space<vmem>> -> memref<128x32xf32, #tpu.memory_space<vmem>>
        %swap3A_571 = arith.index_cast %add3A_556 : i32 to index
        %swap3A_572 = arith.constant 0 : index
        %swap3A_573 = tpu.vector_load %swap3A_570[%swap3A_571, %swap3A_572] {strides = array<i32>} : memref<128x32xf32, #tpu.memory_space<vmem>>, vector<1x16xf32>,
        %swap3A_574 = vector.shape_cast %swap3A_573 : vector<1x16xf32> to vector<16xf32>
        %swap3A_575 = vector.shape_cast %mul3A_566 : vector<16xf32> to vector<1x16xf32>
        tpu.vector_store %swap3A_570[%swap3A_571, %swap3A_572], %swap3A_575 {strides = array<i32>} : memref<128x32xf32, #tpu.memory_space<vmem>>, vector<1x16xf32>,
        %get3A_576 = arith.constant 0 : i32
        %get3A_577 = arith.constant 0 : i32
        %get3A_578 = tpu.memref_slice %arg10[%scan3A_213, %get3A_576, %get3A_577] : memref<4x128x32xf32, #tpu.memory_space<vmem>> -> memref<1x128x32xf32, #tpu.memory_space<vmem>>
        %get3A_579 = tpu.memref_squeeze %get3A_578 : memref<1x128x32xf32, #tpu.memory_space<vmem>> -> memref<128x32xf32, #tpu.memory_space<vmem>>
        %get3A_580 = arith.index_cast %add3A_556 : i32 to index
        %get3A_581 = arith.constant 16 : index
        %get3A_582 = tpu.vector_load %get3A_579[%get3A_580, %get3A_581] {strides = array<i32>} : memref<128x32xf32, #tpu.memory_space<vmem>>, vector<1x16xf32>,
        %get3A_583 = vector.shape_cast %get3A_582 : vector<1x16xf32> to vector<16xf32>
        %mul3A_584 = vector.broadcast %squeeze3A_552 : f32 to vector<16xf32>
        %mul3A_585 = arith.mulf %get3A_583, %mul3A_584 : vector<16xf32>
        %swap3A_586 = arith.constant 0 : i32
        %swap3A_587 = arith.constant 0 : i32
        %swap3A_588 = tpu.memref_slice %arg10[%scan3A_213, %swap3A_586, %swap3A_587] : memref<4x128x32xf32, #tpu.memory_space<vmem>> -> memref<1x128x32xf32, #tpu.memory_space<vmem>>
        %swap3A_589 = tpu.memref_squeeze %swap3A_588 : memref<1x128x32xf32, #tpu.memory_space<vmem>> -> memref<128x32xf32, #tpu.memory_space<vmem>>
        %swap3A_590 = arith.index_cast %add3A_556 : i32 to index
        %swap3A_591 = arith.constant 16 : index
        %swap3A_592 = tpu.vector_load %swap3A_589[%swap3A_590, %swap3A_591] {strides = array<i32>} : memref<128x32xf32, #tpu.memory_space<vmem>>, vector<1x16xf32>,
        %swap3A_593 = vector.shape_cast %swap3A_592 : vector<1x16xf32> to vector<16xf32>
        %swap3A_594 = vector.shape_cast %mul3A_585 : vector<16xf32> to vector<1x16xf32>
        tpu.vector_store %swap3A_589[%swap3A_590, %swap3A_591], %swap3A_594 {strides = array<i32>} : memref<128x32xf32, #tpu.memory_space<vmem>>, vector<1x16xf32>,
        %slice3A_595 = vector.extract_strided_slice %get3A_289 {offsets = [7], sizes = [1], strides = [1]} : vector<16xf32> to vector<1xf32>
        %squeeze3A_596 = vector.extract %slice3A_595[0] : f32 from vector<1xf32>
        %mul3A_597 = arith.constant 16 : i32
        %mul3A_598 = arith.muli %add3A_284, %mul3A_597 : i32
        %add3A_599 = arith.constant 7 : i32
        %add3A_600 = arith.addi %mul3A_598, %add3A_599 : i32
        %get3A_601 = arith.constant 0 : i32
        %get3A_602 = arith.constant 0 : i32
        %get3A_603 = tpu.memref_slice %arg10[%scan3A_213, %get3A_601, %get3A_602] : memref<4x128x32xf32, #tpu.memory_space<vmem>> -> memref<1x128x32xf32, #tpu.memory_space<vmem>>
        %get3A_604 = tpu.memref_squeeze %get3A_603 : memref<1x128x32xf32, #tpu.memory_space<vmem>> -> memref<128x32xf32, #tpu.memory_space<vmem>>
        %get3A_605 = arith.index_cast %add3A_600 : i32 to index
        %get3A_606 = arith.constant 0 : index
        %get3A_607 = tpu.vector_load %get3A_604[%get3A_605, %get3A_606] {strides = array<i32>} : memref<128x32xf32, #tpu.memory_space<vmem>>, vector<1x16xf32>,
        %get3A_608 = vector.shape_cast %get3A_607 : vector<1x16xf32> to vector<16xf32>
        %mul3A_609 = vector.broadcast %squeeze3A_596 : f32 to vector<16xf32>
        %mul3A_610 = arith.mulf %get3A_608, %mul3A_609 : vector<16xf32>
        %swap3A_611 = arith.constant 0 : i32
        %swap3A_612 = arith.constant 0 : i32
        %swap3A_613 = tpu.memref_slice %arg10[%scan3A_213, %swap3A_611, %swap3A_612] : memref<4x128x32xf32, #tpu.memory_space<vmem>> -> memref<1x128x32xf32, #tpu.memory_space<vmem>>
        %swap3A_614 = tpu.memref_squeeze %swap3A_613 : memref<1x128x32xf32, #tpu.memory_space<vmem>> -> memref<128x32xf32, #tpu.memory_space<vmem>>
        %swap3A_615 = arith.index_cast %add3A_600 : i32 to index
        %swap3A_616 = arith.constant 0 : index
        %swap3A_617 = tpu.vector_load %swap3A_614[%swap3A_615, %swap3A_616] {strides = array<i32>} : memref<128x32xf32, #tpu.memory_space<vmem>>, vector<1x16xf32>,
        %swap3A_618 = vector.shape_cast %swap3A_617 : vector<1x16xf32> to vector<16xf32>
        %swap3A_619 = vector.shape_cast %mul3A_610 : vector<16xf32> to vector<1x16xf32>
        tpu.vector_store %swap3A_614[%swap3A_615, %swap3A_616], %swap3A_619 {strides = array<i32>} : memref<128x32xf32, #tpu.memory_space<vmem>>, vector<1x16xf32>,
        %get3A_620 = arith.constant 0 : i32
        %get3A_621 = arith.constant 0 : i32
        %get3A_622 = tpu.memref_slice %arg10[%scan3A_213, %get3A_620, %get3A_621] : memref<4x128x32xf32, #tpu.memory_space<vmem>> -> memref<1x128x32xf32, #tpu.memory_space<vmem>>
        %get3A_623 = tpu.memref_squeeze %get3A_622 : memref<1x128x32xf32, #tpu.memory_space<vmem>> -> memref<128x32xf32, #tpu.memory_space<vmem>>
        %get3A_624 = arith.index_cast %add3A_600 : i32 to index
        %get3A_625 = arith.constant 16 : index
        %get3A_626 = tpu.vector_load %get3A_623[%get3A_624, %get3A_625] {strides = array<i32>} : memref<128x32xf32, #tpu.memory_space<vmem>>, vector<1x16xf32>,
        %get3A_627 = vector.shape_cast %get3A_626 : vector<1x16xf32> to vector<16xf32>
        %mul3A_628 = vector.broadcast %squeeze3A_596 : f32 to vector<16xf32>
        %mul3A_629 = arith.mulf %get3A_627, %mul3A_628 : vector<16xf32>
        %swap3A_630 = arith.constant 0 : i32
        %swap3A_631 = arith.constant 0 : i32
        %swap3A_632 = tpu.memref_slice %arg10[%scan3A_213, %swap3A_630, %swap3A_631] : memref<4x128x32xf32, #tpu.memory_space<vmem>> -> memref<1x128x32xf32, #tpu.memory_space<vmem>>
        %swap3A_633 = tpu.memref_squeeze %swap3A_632 : memref<1x128x32xf32, #tpu.memory_space<vmem>> -> memref<128x32xf32, #tpu.memory_space<vmem>>
        %swap3A_634 = arith.index_cast %add3A_600 : i32 to index
        %swap3A_635 = arith.constant 16 : index
        %swap3A_636 = tpu.vector_load %swap3A_633[%swap3A_634, %swap3A_635] {strides = array<i32>} : memref<128x32xf32, #tpu.memory_space<vmem>>, vector<1x16xf32>,
        %swap3A_637 = vector.shape_cast %swap3A_636 : vector<1x16xf32> to vector<16xf32>
        %swap3A_638 = vector.shape_cast %mul3A_629 : vector<16xf32> to vector<1x16xf32>
        tpu.vector_store %swap3A_633[%swap3A_634, %swap3A_635], %swap3A_638 {strides = array<i32>} : memref<128x32xf32, #tpu.memory_space<vmem>>, vector<1x16xf32>,
        %slice3A_639 = vector.extract_strided_slice %get3A_289 {offsets = [8], sizes = [1], strides = [1]} : vector<16xf32> to vector<1xf32>
        %squeeze3A_640 = vector.extract %slice3A_639[0] : f32 from vector<1xf32>
        %mul3A_641 = arith.constant 16 : i32
        %mul3A_642 = arith.muli %add3A_284, %mul3A_641 : i32
        %add3A_643 = arith.constant 8 : i32
        %add3A_644 = arith.addi %mul3A_642, %add3A_643 : i32
        %get3A_645 = arith.constant 0 : i32
        %get3A_646 = arith.constant 0 : i32
        %get3A_647 = tpu.memref_slice %arg10[%scan3A_213, %get3A_645, %get3A_646] : memref<4x128x32xf32, #tpu.memory_space<vmem>> -> memref<1x128x32xf32, #tpu.memory_space<vmem>>
        %get3A_648 = tpu.memref_squeeze %get3A_647 : memref<1x128x32xf32, #tpu.memory_space<vmem>> -> memref<128x32xf32, #tpu.memory_space<vmem>>
        %get3A_649 = arith.index_cast %add3A_644 : i32 to index
        %get3A_650 = arith.constant 0 : index
        %get3A_651 = tpu.vector_load %get3A_648[%get3A_649, %get3A_650] {strides = array<i32>} : memref<128x32xf32, #tpu.memory_space<vmem>>, vector<1x16xf32>,
        %get3A_652 = vector.shape_cast %get3A_651 : vector<1x16xf32> to vector<16xf32>
        %mul3A_653 = vector.broadcast %squeeze3A_640 : f32 to vector<16xf32>
        %mul3A_654 = arith.mulf %get3A_652, %mul3A_653 : vector<16xf32>
        %swap3A_655 = arith.constant 0 : i32
        %swap3A_656 = arith.constant 0 : i32
        %swap3A_657 = tpu.memref_slice %arg10[%scan3A_213, %swap3A_655, %swap3A_656] : memref<4x128x32xf32, #tpu.memory_space<vmem>> -> memref<1x128x32xf32, #tpu.memory_space<vmem>>
        %swap3A_658 = tpu.memref_squeeze %swap3A_657 : memref<1x128x32xf32, #tpu.memory_space<vmem>> -> memref<128x32xf32, #tpu.memory_space<vmem>>
        %swap3A_659 = arith.index_cast %add3A_644 : i32 to index
        %swap3A_660 = arith.constant 0 : index
        %swap3A_661 = tpu.vector_load %swap3A_658[%swap3A_659, %swap3A_660] {strides = array<i32>} : memref<128x32xf32, #tpu.memory_space<vmem>>, vector<1x16xf32>,
        %swap3A_662 = vector.shape_cast %swap3A_661 : vector<1x16xf32> to vector<16xf32>
        %swap3A_663 = vector.shape_cast %mul3A_654 : vector<16xf32> to vector<1x16xf32>
        tpu.vector_store %swap3A_658[%swap3A_659, %swap3A_660], %swap3A_663 {strides = array<i32>} : memref<128x32xf32, #tpu.memory_space<vmem>>, vector<1x16xf32>,
        %get3A_664 = arith.constant 0 : i32
        %get3A_665 = arith.constant 0 : i32
        %get3A_666 = tpu.memref_slice %arg10[%scan3A_213, %get3A_664, %get3A_665] : memref<4x128x32xf32, #tpu.memory_space<vmem>> -> memref<1x128x32xf32, #tpu.memory_space<vmem>>
        %get3A_667 = tpu.memref_squeeze %get3A_666 : memref<1x128x32xf32, #tpu.memory_space<vmem>> -> memref<128x32xf32, #tpu.memory_space<vmem>>
        %get3A_668 = arith.index_cast %add3A_644 : i32 to index
        %get3A_669 = arith.constant 16 : index
        %get3A_670 = tpu.vector_load %get3A_667[%get3A_668, %get3A_669] {strides = array<i32>} : memref<128x32xf32, #tpu.memory_space<vmem>>, vector<1x16xf32>,
        %get3A_671 = vector.shape_cast %get3A_670 : vector<1x16xf32> to vector<16xf32>
        %mul3A_672 = vector.broadcast %squeeze3A_640 : f32 to vector<16xf32>
        %mul3A_673 = arith.mulf %get3A_671, %mul3A_672 : vector<16xf32>
        %swap3A_674 = arith.constant 0 : i32
        %swap3A_675 = arith.constant 0 : i32
        %swap3A_676 = tpu.memref_slice %arg10[%scan3A_213, %swap3A_674, %swap3A_675] : memref<4x128x32xf32, #tpu.memory_space<vmem>> -> memref<1x128x32xf32, #tpu.memory_space<vmem>>
        %swap3A_677 = tpu.memref_squeeze %swap3A_676 : memref<1x128x32xf32, #tpu.memory_space<vmem>> -> memref<128x32xf32, #tpu.memory_space<vmem>>
        %swap3A_678 = arith.index_cast %add3A_644 : i32 to index
        %swap3A_679 = arith.constant 16 : index
        %swap3A_680 = tpu.vector_load %swap3A_677[%swap3A_678, %swap3A_679] {strides = array<i32>} : memref<128x32xf32, #tpu.memory_space<vmem>>, vector<1x16xf32>,
        %swap3A_681 = vector.shape_cast %swap3A_680 : vector<1x16xf32> to vector<16xf32>
        %swap3A_682 = vector.shape_cast %mul3A_673 : vector<16xf32> to vector<1x16xf32>
        tpu.vector_store %swap3A_677[%swap3A_678, %swap3A_679], %swap3A_682 {strides = array<i32>} : memref<128x32xf32, #tpu.memory_space<vmem>>, vector<1x16xf32>,
        %slice3A_683 = vector.extract_strided_slice %get3A_289 {offsets = [9], sizes = [1], strides = [1]} : vector<16xf32> to vector<1xf32>
        %squeeze3A_684 = vector.extract %slice3A_683[0] : f32 from vector<1xf32>
        %mul3A_685 = arith.constant 16 : i32
        %mul3A_686 = arith.muli %add3A_284, %mul3A_685 : i32
        %add3A_687 = arith.constant 9 : i32
        %add3A_688 = arith.addi %mul3A_686, %add3A_687 : i32
        %get3A_689 = arith.constant 0 : i32
        %get3A_690 = arith.constant 0 : i32
        %get3A_691 = tpu.memref_slice %arg10[%scan3A_213, %get3A_689, %get3A_690] : memref<4x128x32xf32, #tpu.memory_space<vmem>> -> memref<1x128x32xf32, #tpu.memory_space<vmem>>
        %get3A_692 = tpu.memref_squeeze %get3A_691 : memref<1x128x32xf32, #tpu.memory_space<vmem>> -> memref<128x32xf32, #tpu.memory_space<vmem>>
        %get3A_693 = arith.index_cast %add3A_688 : i32 to index
        %get3A_694 = arith.constant 0 : index
        %get3A_695 = tpu.vector_load %get3A_692[%get3A_693, %get3A_694] {strides = array<i32>} : memref<128x32xf32, #tpu.memory_space<vmem>>, vector<1x16xf32>,
        %get3A_696 = vector.shape_cast %get3A_695 : vector<1x16xf32> to vector<16xf32>
        %mul3A_697 = vector.broadcast %squeeze3A_684 : f32 to vector<16xf32>
        %mul3A_698 = arith.mulf %get3A_696, %mul3A_697 : vector<16xf32>
        %swap3A_699 = arith.constant 0 : i32
        %swap3A_700 = arith.constant 0 : i32
        %swap3A_701 = tpu.memref_slice %arg10[%scan3A_213, %swap3A_699, %swap3A_700] : memref<4x128x32xf32, #tpu.memory_space<vmem>> -> memref<1x128x32xf32, #tpu.memory_space<vmem>>
        %swap3A_702 = tpu.memref_squeeze %swap3A_701 : memref<1x128x32xf32, #tpu.memory_space<vmem>> -> memref<128x32xf32, #tpu.memory_space<vmem>>
        %swap3A_703 = arith.index_cast %add3A_688 : i32 to index
        %swap3A_704 = arith.constant 0 : index
        %swap3A_705 = tpu.vector_load %swap3A_702[%swap3A_703, %swap3A_704] {strides = array<i32>} : memref<128x32xf32, #tpu.memory_space<vmem>>, vector<1x16xf32>,
        %swap3A_706 = vector.shape_cast %swap3A_705 : vector<1x16xf32> to vector<16xf32>
        %swap3A_707 = vector.shape_cast %mul3A_698 : vector<16xf32> to vector<1x16xf32>
        tpu.vector_store %swap3A_702[%swap3A_703, %swap3A_704], %swap3A_707 {strides = array<i32>} : memref<128x32xf32, #tpu.memory_space<vmem>>, vector<1x16xf32>,
        %get3A_708 = arith.constant 0 : i32
        %get3A_709 = arith.constant 0 : i32
        %get3A_710 = tpu.memref_slice %arg10[%scan3A_213, %get3A_708, %get3A_709] : memref<4x128x32xf32, #tpu.memory_space<vmem>> -> memref<1x128x32xf32, #tpu.memory_space<vmem>>
        %get3A_711 = tpu.memref_squeeze %get3A_710 : memref<1x128x32xf32, #tpu.memory_space<vmem>> -> memref<128x32xf32, #tpu.memory_space<vmem>>
        %get3A_712 = arith.index_cast %add3A_688 : i32 to index
        %get3A_713 = arith.constant 16 : index
        %get3A_714 = tpu.vector_load %get3A_711[%get3A_712, %get3A_713] {strides = array<i32>} : memref<128x32xf32, #tpu.memory_space<vmem>>, vector<1x16xf32>,
        %get3A_715 = vector.shape_cast %get3A_714 : vector<1x16xf32> to vector<16xf32>
        %mul3A_716 = vector.broadcast %squeeze3A_684 : f32 to vector<16xf32>
        %mul3A_717 = arith.mulf %get3A_715, %mul3A_716 : vector<16xf32>
        %swap3A_718 = arith.constant 0 : i32
        %swap3A_719 = arith.constant 0 : i32
        %swap3A_720 = tpu.memref_slice %arg10[%scan3A_213, %swap3A_718, %swap3A_719] : memref<4x128x32xf32, #tpu.memory_space<vmem>> -> memref<1x128x32xf32, #tpu.memory_space<vmem>>
        %swap3A_721 = tpu.memref_squeeze %swap3A_720 : memref<1x128x32xf32, #tpu.memory_space<vmem>> -> memref<128x32xf32, #tpu.memory_space<vmem>>
        %swap3A_722 = arith.index_cast %add3A_688 : i32 to index
        %swap3A_723 = arith.constant 16 : index
        %swap3A_724 = tpu.vector_load %swap3A_721[%swap3A_722, %swap3A_723] {strides = array<i32>} : memref<128x32xf32, #tpu.memory_space<vmem>>, vector<1x16xf32>,
        %swap3A_725 = vector.shape_cast %swap3A_724 : vector<1x16xf32> to vector<16xf32>
        %swap3A_726 = vector.shape_cast %mul3A_717 : vector<16xf32> to vector<1x16xf32>
        tpu.vector_store %swap3A_721[%swap3A_722, %swap3A_723], %swap3A_726 {strides = array<i32>} : memref<128x32xf32, #tpu.memory_space<vmem>>, vector<1x16xf32>,
        %slice3A_727 = vector.extract_strided_slice %get3A_289 {offsets = [10], sizes = [1], strides = [1]} : vector<16xf32> to vector<1xf32>
        %squeeze3A_728 = vector.extract %slice3A_727[0] : f32 from vector<1xf32>
        %mul3A_729 = arith.constant 16 : i32
        %mul3A_730 = arith.muli %add3A_284, %mul3A_729 : i32
        %add3A_731 = arith.constant 10 : i32
        %add3A_732 = arith.addi %mul3A_730, %add3A_731 : i32
        %get3A_733 = arith.constant 0 : i32
        %get3A_734 = arith.constant 0 : i32
        %get3A_735 = tpu.memref_slice %arg10[%scan3A_213, %get3A_733, %get3A_734] : memref<4x128x32xf32, #tpu.memory_space<vmem>> -> memref<1x128x32xf32, #tpu.memory_space<vmem>>
        %get3A_736 = tpu.memref_squeeze %get3A_735 : memref<1x128x32xf32, #tpu.memory_space<vmem>> -> memref<128x32xf32, #tpu.memory_space<vmem>>
        %get3A_737 = arith.index_cast %add3A_732 : i32 to index
        %get3A_738 = arith.constant 0 : index
        %get3A_739 = tpu.vector_load %get3A_736[%get3A_737, %get3A_738] {strides = array<i32>} : memref<128x32xf32, #tpu.memory_space<vmem>>, vector<1x16xf32>,
        %get3A_740 = vector.shape_cast %get3A_739 : vector<1x16xf32> to vector<16xf32>
        %mul3A_741 = vector.broadcast %squeeze3A_728 : f32 to vector<16xf32>
        %mul3A_742 = arith.mulf %get3A_740, %mul3A_741 : vector<16xf32>
        %swap3A_743 = arith.constant 0 : i32
        %swap3A_744 = arith.constant 0 : i32
        %swap3A_745 = tpu.memref_slice %arg10[%scan3A_213, %swap3A_743, %swap3A_744] : memref<4x128x32xf32, #tpu.memory_space<vmem>> -> memref<1x128x32xf32, #tpu.memory_space<vmem>>
        %swap3A_746 = tpu.memref_squeeze %swap3A_745 : memref<1x128x32xf32, #tpu.memory_space<vmem>> -> memref<128x32xf32, #tpu.memory_space<vmem>>
        %swap3A_747 = arith.index_cast %add3A_732 : i32 to index
        %swap3A_748 = arith.constant 0 : index
        %swap3A_749 = tpu.vector_load %swap3A_746[%swap3A_747, %swap3A_748] {strides = array<i32>} : memref<128x32xf32, #tpu.memory_space<vmem>>, vector<1x16xf32>,
        %swap3A_750 = vector.shape_cast %swap3A_749 : vector<1x16xf32> to vector<16xf32>
        %swap3A_751 = vector.shape_cast %mul3A_742 : vector<16xf32> to vector<1x16xf32>
        tpu.vector_store %swap3A_746[%swap3A_747, %swap3A_748], %swap3A_751 {strides = array<i32>} : memref<128x32xf32, #tpu.memory_space<vmem>>, vector<1x16xf32>,
        %get3A_752 = arith.constant 0 : i32
        %get3A_753 = arith.constant 0 : i32
        %get3A_754 = tpu.memref_slice %arg10[%scan3A_213, %get3A_752, %get3A_753] : memref<4x128x32xf32, #tpu.memory_space<vmem>> -> memref<1x128x32xf32, #tpu.memory_space<vmem>>
        %get3A_755 = tpu.memref_squeeze %get3A_754 : memref<1x128x32xf32, #tpu.memory_space<vmem>> -> memref<128x32xf32, #tpu.memory_space<vmem>>
        %get3A_756 = arith.index_cast %add3A_732 : i32 to index
        %get3A_757 = arith.constant 16 : index
        %get3A_758 = tpu.vector_load %get3A_755[%get3A_756, %get3A_757] {strides = array<i32>} : memref<128x32xf32, #tpu.memory_space<vmem>>, vector<1x16xf32>,
        %get3A_759 = vector.shape_cast %get3A_758 : vector<1x16xf32> to vector<16xf32>
        %mul3A_760 = vector.broadcast %squeeze3A_728 : f32 to vector<16xf32>
        %mul3A_761 = arith.mulf %get3A_759, %mul3A_760 : vector<16xf32>
        %swap3A_762 = arith.constant 0 : i32
        %swap3A_763 = arith.constant 0 : i32
        %swap3A_764 = tpu.memref_slice %arg10[%scan3A_213, %swap3A_762, %swap3A_763] : memref<4x128x32xf32, #tpu.memory_space<vmem>> -> memref<1x128x32xf32, #tpu.memory_space<vmem>>
        %swap3A_765 = tpu.memref_squeeze %swap3A_764 : memref<1x128x32xf32, #tpu.memory_space<vmem>> -> memref<128x32xf32, #tpu.memory_space<vmem>>
        %swap3A_766 = arith.index_cast %add3A_732 : i32 to index
        %swap3A_767 = arith.constant 16 : index
        %swap3A_768 = tpu.vector_load %swap3A_765[%swap3A_766, %swap3A_767] {strides = array<i32>} : memref<128x32xf32, #tpu.memory_space<vmem>>, vector<1x16xf32>,
        %swap3A_769 = vector.shape_cast %swap3A_768 : vector<1x16xf32> to vector<16xf32>
        %swap3A_770 = vector.shape_cast %mul3A_761 : vector<16xf32> to vector<1x16xf32>
        tpu.vector_store %swap3A_765[%swap3A_766, %swap3A_767], %swap3A_770 {strides = array<i32>} : memref<128x32xf32, #tpu.memory_space<vmem>>, vector<1x16xf32>,
        %slice3A_771 = vector.extract_strided_slice %get3A_289 {offsets = [11], sizes = [1], strides = [1]} : vector<16xf32> to vector<1xf32>
        %squeeze3A_772 = vector.extract %slice3A_771[0] : f32 from vector<1xf32>
        %mul3A_773 = arith.constant 16 : i32
        %mul3A_774 = arith.muli %add3A_284, %mul3A_773 : i32
        %add3A_775 = arith.constant 11 : i32
        %add3A_776 = arith.addi %mul3A_774, %add3A_775 : i32
        %get3A_777 = arith.constant 0 : i32
        %get3A_778 = arith.constant 0 : i32
        %get3A_779 = tpu.memref_slice %arg10[%scan3A_213, %get3A_777, %get3A_778] : memref<4x128x32xf32, #tpu.memory_space<vmem>> -> memref<1x128x32xf32, #tpu.memory_space<vmem>>
        %get3A_780 = tpu.memref_squeeze %get3A_779 : memref<1x128x32xf32, #tpu.memory_space<vmem>> -> memref<128x32xf32, #tpu.memory_space<vmem>>
        %get3A_781 = arith.index_cast %add3A_776 : i32 to index
        %get3A_782 = arith.constant 0 : index
        %get3A_783 = tpu.vector_load %get3A_780[%get3A_781, %get3A_782] {strides = array<i32>} : memref<128x32xf32, #tpu.memory_space<vmem>>, vector<1x16xf32>,
        %get3A_784 = vector.shape_cast %get3A_783 : vector<1x16xf32> to vector<16xf32>
        %mul3A_785 = vector.broadcast %squeeze3A_772 : f32 to vector<16xf32>
        %mul3A_786 = arith.mulf %get3A_784, %mul3A_785 : vector<16xf32>
        %swap3A_787 = arith.constant 0 : i32
        %swap3A_788 = arith.constant 0 : i32
        %swap3A_789 = tpu.memref_slice %arg10[%scan3A_213, %swap3A_787, %swap3A_788] : memref<4x128x32xf32, #tpu.memory_space<vmem>> -> memref<1x128x32xf32, #tpu.memory_space<vmem>>
        %swap3A_790 = tpu.memref_squeeze %swap3A_789 : memref<1x128x32xf32, #tpu.memory_space<vmem>> -> memref<128x32xf32, #tpu.memory_space<vmem>>
        %swap3A_791 = arith.index_cast %add3A_776 : i32 to index
        %swap3A_792 = arith.constant 0 : index
        %swap3A_793 = tpu.vector_load %swap3A_790[%swap3A_791, %swap3A_792] {strides = array<i32>} : memref<128x32xf32, #tpu.memory_space<vmem>>, vector<1x16xf32>,
        %swap3A_794 = vector.shape_cast %swap3A_793 : vector<1x16xf32> to vector<16xf32>
        %swap3A_795 = vector.shape_cast %mul3A_786 : vector<16xf32> to vector<1x16xf32>
        tpu.vector_store %swap3A_790[%swap3A_791, %swap3A_792], %swap3A_795 {strides = array<i32>} : memref<128x32xf32, #tpu.memory_space<vmem>>, vector<1x16xf32>,
        %get3A_796 = arith.constant 0 : i32
        %get3A_797 = arith.constant 0 : i32
        %get3A_798 = tpu.memref_slice %arg10[%scan3A_213, %get3A_796, %get3A_797] : memref<4x128x32xf32, #tpu.memory_space<vmem>> -> memref<1x128x32xf32, #tpu.memory_space<vmem>>
        %get3A_799 = tpu.memref_squeeze %get3A_798 : memref<1x128x32xf32, #tpu.memory_space<vmem>> -> memref<128x32xf32, #tpu.memory_space<vmem>>
        %get3A_800 = arith.index_cast %add3A_776 : i32 to index
        %get3A_801 = arith.constant 16 : index
        %get3A_802 = tpu.vector_load %get3A_799[%get3A_800, %get3A_801] {strides = array<i32>} : memref<128x32xf32, #tpu.memory_space<vmem>>, vector<1x16xf32>,
        %get3A_803 = vector.shape_cast %get3A_802 : vector<1x16xf32> to vector<16xf32>
        %mul3A_804 = vector.broadcast %squeeze3A_772 : f32 to vector<16xf32>
        %mul3A_805 = arith.mulf %get3A_803, %mul3A_804 : vector<16xf32>
        %swap3A_806 = arith.constant 0 : i32
        %swap3A_807 = arith.constant 0 : i32
        %swap3A_808 = tpu.memref_slice %arg10[%scan3A_213, %swap3A_806, %swap3A_807] : memref<4x128x32xf32, #tpu.memory_space<vmem>> -> memref<1x128x32xf32, #tpu.memory_space<vmem>>
        %swap3A_809 = tpu.memref_squeeze %swap3A_808 : memref<1x128x32xf32, #tpu.memory_space<vmem>> -> memref<128x32xf32, #tpu.memory_space<vmem>>
        %swap3A_810 = arith.index_cast %add3A_776 : i32 to index
        %swap3A_811 = arith.constant 16 : index
        %swap3A_812 = tpu.vector_load %swap3A_809[%swap3A_810, %swap3A_811] {strides = array<i32>} : memref<128x32xf32, #tpu.memory_space<vmem>>, vector<1x16xf32>,
        %swap3A_813 = vector.shape_cast %swap3A_812 : vector<1x16xf32> to vector<16xf32>
        %swap3A_814 = vector.shape_cast %mul3A_805 : vector<16xf32> to vector<1x16xf32>
        tpu.vector_store %swap3A_809[%swap3A_810, %swap3A_811], %swap3A_814 {strides = array<i32>} : memref<128x32xf32, #tpu.memory_space<vmem>>, vector<1x16xf32>,
        %slice3A_815 = vector.extract_strided_slice %get3A_289 {offsets = [12], sizes = [1], strides = [1]} : vector<16xf32> to vector<1xf32>
        %squeeze3A_816 = vector.extract %slice3A_815[0] : f32 from vector<1xf32>
        %mul3A_817 = arith.constant 16 : i32
        %mul3A_818 = arith.muli %add3A_284, %mul3A_817 : i32
        %add3A_819 = arith.constant 12 : i32
        %add3A_820 = arith.addi %mul3A_818, %add3A_819 : i32
        %get3A_821 = arith.constant 0 : i32
        %get3A_822 = arith.constant 0 : i32
        %get3A_823 = tpu.memref_slice %arg10[%scan3A_213, %get3A_821, %get3A_822] : memref<4x128x32xf32, #tpu.memory_space<vmem>> -> memref<1x128x32xf32, #tpu.memory_space<vmem>>
        %get3A_824 = tpu.memref_squeeze %get3A_823 : memref<1x128x32xf32, #tpu.memory_space<vmem>> -> memref<128x32xf32, #tpu.memory_space<vmem>>
        %get3A_825 = arith.index_cast %add3A_820 : i32 to index
        %get3A_826 = arith.constant 0 : index
        %get3A_827 = tpu.vector_load %get3A_824[%get3A_825, %get3A_826] {strides = array<i32>} : memref<128x32xf32, #tpu.memory_space<vmem>>, vector<1x16xf32>,
        %get3A_828 = vector.shape_cast %get3A_827 : vector<1x16xf32> to vector<16xf32>
        %mul3A_829 = vector.broadcast %squeeze3A_816 : f32 to vector<16xf32>
        %mul3A_830 = arith.mulf %get3A_828, %mul3A_829 : vector<16xf32>
        %swap3A_831 = arith.constant 0 : i32
        %swap3A_832 = arith.constant 0 : i32
        %swap3A_833 = tpu.memref_slice %arg10[%scan3A_213, %swap3A_831, %swap3A_832] : memref<4x128x32xf32, #tpu.memory_space<vmem>> -> memref<1x128x32xf32, #tpu.memory_space<vmem>>
        %swap3A_834 = tpu.memref_squeeze %swap3A_833 : memref<1x128x32xf32, #tpu.memory_space<vmem>> -> memref<128x32xf32, #tpu.memory_space<vmem>>
        %swap3A_835 = arith.index_cast %add3A_820 : i32 to index
        %swap3A_836 = arith.constant 0 : index
        %swap3A_837 = tpu.vector_load %swap3A_834[%swap3A_835, %swap3A_836] {strides = array<i32>} : memref<128x32xf32, #tpu.memory_space<vmem>>, vector<1x16xf32>,
        %swap3A_838 = vector.shape_cast %swap3A_837 : vector<1x16xf32> to vector<16xf32>
        %swap3A_839 = vector.shape_cast %mul3A_830 : vector<16xf32> to vector<1x16xf32>
        tpu.vector_store %swap3A_834[%swap3A_835, %swap3A_836], %swap3A_839 {strides = array<i32>} : memref<128x32xf32, #tpu.memory_space<vmem>>, vector<1x16xf32>,
        %get3A_840 = arith.constant 0 : i32
        %get3A_841 = arith.constant 0 : i32
        %get3A_842 = tpu.memref_slice %arg10[%scan3A_213, %get3A_840, %get3A_841] : memref<4x128x32xf32, #tpu.memory_space<vmem>> -> memref<1x128x32xf32, #tpu.memory_space<vmem>>
        %get3A_843 = tpu.memref_squeeze %get3A_842 : memref<1x128x32xf32, #tpu.memory_space<vmem>> -> memref<128x32xf32, #tpu.memory_space<vmem>>
        %get3A_844 = arith.index_cast %add3A_820 : i32 to index
        %get3A_845 = arith.constant 16 : index
        %get3A_846 = tpu.vector_load %get3A_843[%get3A_844, %get3A_845] {strides = array<i32>} : memref<128x32xf32, #tpu.memory_space<vmem>>, vector<1x16xf32>,
        %get3A_847 = vector.shape_cast %get3A_846 : vector<1x16xf32> to vector<16xf32>
        %mul3A_848 = vector.broadcast %squeeze3A_816 : f32 to vector<16xf32>
        %mul3A_849 = arith.mulf %get3A_847, %mul3A_848 : vector<16xf32>
        %swap3A_850 = arith.constant 0 : i32
        %swap3A_851 = arith.constant 0 : i32
        %swap3A_852 = tpu.memref_slice %arg10[%scan3A_213, %swap3A_850, %swap3A_851] : memref<4x128x32xf32, #tpu.memory_space<vmem>> -> memref<1x128x32xf32, #tpu.memory_space<vmem>>
        %swap3A_853 = tpu.memref_squeeze %swap3A_852 : memref<1x128x32xf32, #tpu.memory_space<vmem>> -> memref<128x32xf32, #tpu.memory_space<vmem>>
        %swap3A_854 = arith.index_cast %add3A_820 : i32 to index
        %swap3A_855 = arith.constant 16 : index
        %swap3A_856 = tpu.vector_load %swap3A_853[%swap3A_854, %swap3A_855] {strides = array<i32>} : memref<128x32xf32, #tpu.memory_space<vmem>>, vector<1x16xf32>,
        %swap3A_857 = vector.shape_cast %swap3A_856 : vector<1x16xf32> to vector<16xf32>
        %swap3A_858 = vector.shape_cast %mul3A_849 : vector<16xf32> to vector<1x16xf32>
        tpu.vector_store %swap3A_853[%swap3A_854, %swap3A_855], %swap3A_858 {strides = array<i32>} : memref<128x32xf32, #tpu.memory_space<vmem>>, vector<1x16xf32>,
        %slice3A_859 = vector.extract_strided_slice %get3A_289 {offsets = [13], sizes = [1], strides = [1]} : vector<16xf32> to vector<1xf32>
        %squeeze3A_860 = vector.extract %slice3A_859[0] : f32 from vector<1xf32>
        %mul3A_861 = arith.constant 16 : i32
        %mul3A_862 = arith.muli %add3A_284, %mul3A_861 : i32
        %add3A_863 = arith.constant 13 : i32
        %add3A_864 = arith.addi %mul3A_862, %add3A_863 : i32
        %get3A_865 = arith.constant 0 : i32
        %get3A_866 = arith.constant 0 : i32
        %get3A_867 = tpu.memref_slice %arg10[%scan3A_213, %get3A_865, %get3A_866] : memref<4x128x32xf32, #tpu.memory_space<vmem>> -> memref<1x128x32xf32, #tpu.memory_space<vmem>>
        %get3A_868 = tpu.memref_squeeze %get3A_867 : memref<1x128x32xf32, #tpu.memory_space<vmem>> -> memref<128x32xf32, #tpu.memory_space<vmem>>
        %get3A_869 = arith.index_cast %add3A_864 : i32 to index
        %get3A_870 = arith.constant 0 : index
        %get3A_871 = tpu.vector_load %get3A_868[%get3A_869, %get3A_870] {strides = array<i32>} : memref<128x32xf32, #tpu.memory_space<vmem>>, vector<1x16xf32>,
        %get3A_872 = vector.shape_cast %get3A_871 : vector<1x16xf32> to vector<16xf32>
        %mul3A_873 = vector.broadcast %squeeze3A_860 : f32 to vector<16xf32>
        %mul3A_874 = arith.mulf %get3A_872, %mul3A_873 : vector<16xf32>
        %swap3A_875 = arith.constant 0 : i32
        %swap3A_876 = arith.constant 0 : i32
        %swap3A_877 = tpu.memref_slice %arg10[%scan3A_213, %swap3A_875, %swap3A_876] : memref<4x128x32xf32, #tpu.memory_space<vmem>> -> memref<1x128x32xf32, #tpu.memory_space<vmem>>
        %swap3A_878 = tpu.memref_squeeze %swap3A_877 : memref<1x128x32xf32, #tpu.memory_space<vmem>> -> memref<128x32xf32, #tpu.memory_space<vmem>>
        %swap3A_879 = arith.index_cast %add3A_864 : i32 to index
        %swap3A_880 = arith.constant 0 : index
        %swap3A_881 = tpu.vector_load %swap3A_878[%swap3A_879, %swap3A_880] {strides = array<i32>} : memref<128x32xf32, #tpu.memory_space<vmem>>, vector<1x16xf32>,
        %swap3A_882 = vector.shape_cast %swap3A_881 : vector<1x16xf32> to vector<16xf32>
        %swap3A_883 = vector.shape_cast %mul3A_874 : vector<16xf32> to vector<1x16xf32>
        tpu.vector_store %swap3A_878[%swap3A_879, %swap3A_880], %swap3A_883 {strides = array<i32>} : memref<128x32xf32, #tpu.memory_space<vmem>>, vector<1x16xf32>,
        %get3A_884 = arith.constant 0 : i32
        %get3A_885 = arith.constant 0 : i32
        %get3A_886 = tpu.memref_slice %arg10[%scan3A_213, %get3A_884, %get3A_885] : memref<4x128x32xf32, #tpu.memory_space<vmem>> -> memref<1x128x32xf32, #tpu.memory_space<vmem>>
        %get3A_887 = tpu.memref_squeeze %get3A_886 : memref<1x128x32xf32, #tpu.memory_space<vmem>> -> memref<128x32xf32, #tpu.memory_space<vmem>>
        %get3A_888 = arith.index_cast %add3A_864 : i32 to index
        %get3A_889 = arith.constant 16 : index
        %get3A_890 = tpu.vector_load %get3A_887[%get3A_888, %get3A_889] {strides = array<i32>} : memref<128x32xf32, #tpu.memory_space<vmem>>, vector<1x16xf32>,
        %get3A_891 = vector.shape_cast %get3A_890 : vector<1x16xf32> to vector<16xf32>
        %mul3A_892 = vector.broadcast %squeeze3A_860 : f32 to vector<16xf32>
        %mul3A_893 = arith.mulf %get3A_891, %mul3A_892 : vector<16xf32>
        %swap3A_894 = arith.constant 0 : i32
        %swap3A_895 = arith.constant 0 : i32
        %swap3A_896 = tpu.memref_slice %arg10[%scan3A_213, %swap3A_894, %swap3A_895] : memref<4x128x32xf32, #tpu.memory_space<vmem>> -> memref<1x128x32xf32, #tpu.memory_space<vmem>>
        %swap3A_897 = tpu.memref_squeeze %swap3A_896 : memref<1x128x32xf32, #tpu.memory_space<vmem>> -> memref<128x32xf32, #tpu.memory_space<vmem>>
        %swap3A_898 = arith.index_cast %add3A_864 : i32 to index
        %swap3A_899 = arith.constant 16 : index
        %swap3A_900 = tpu.vector_load %swap3A_897[%swap3A_898, %swap3A_899] {strides = array<i32>} : memref<128x32xf32, #tpu.memory_space<vmem>>, vector<1x16xf32>,
        %swap3A_901 = vector.shape_cast %swap3A_900 : vector<1x16xf32> to vector<16xf32>
        %swap3A_902 = vector.shape_cast %mul3A_893 : vector<16xf32> to vector<1x16xf32>
        tpu.vector_store %swap3A_897[%swap3A_898, %swap3A_899], %swap3A_902 {strides = array<i32>} : memref<128x32xf32, #tpu.memory_space<vmem>>, vector<1x16xf32>,
        %slice3A_903 = vector.extract_strided_slice %get3A_289 {offsets = [14], sizes = [1], strides = [1]} : vector<16xf32> to vector<1xf32>
        %squeeze3A_904 = vector.extract %slice3A_903[0] : f32 from vector<1xf32>
        %mul3A_905 = arith.constant 16 : i32
        %mul3A_906 = arith.muli %add3A_284, %mul3A_905 : i32
        %add3A_907 = arith.constant 14 : i32
        %add3A_908 = arith.addi %mul3A_906, %add3A_907 : i32
        %get3A_909 = arith.constant 0 : i32
        %get3A_910 = arith.constant 0 : i32
        %get3A_911 = tpu.memref_slice %arg10[%scan3A_213, %get3A_909, %get3A_910] : memref<4x128x32xf32, #tpu.memory_space<vmem>> -> memref<1x128x32xf32, #tpu.memory_space<vmem>>
        %get3A_912 = tpu.memref_squeeze %get3A_911 : memref<1x128x32xf32, #tpu.memory_space<vmem>> -> memref<128x32xf32, #tpu.memory_space<vmem>>
        %get3A_913 = arith.index_cast %add3A_908 : i32 to index
        %get3A_914 = arith.constant 0 : index
        %get3A_915 = tpu.vector_load %get3A_912[%get3A_913, %get3A_914] {strides = array<i32>} : memref<128x32xf32, #tpu.memory_space<vmem>>, vector<1x16xf32>,
        %get3A_916 = vector.shape_cast %get3A_915 : vector<1x16xf32> to vector<16xf32>
        %mul3A_917 = vector.broadcast %squeeze3A_904 : f32 to vector<16xf32>
        %mul3A_918 = arith.mulf %get3A_916, %mul3A_917 : vector<16xf32>
        %swap3A_919 = arith.constant 0 : i32
        %swap3A_920 = arith.constant 0 : i32
        %swap3A_921 = tpu.memref_slice %arg10[%scan3A_213, %swap3A_919, %swap3A_920] : memref<4x128x32xf32, #tpu.memory_space<vmem>> -> memref<1x128x32xf32, #tpu.memory_space<vmem>>
        %swap3A_922 = tpu.memref_squeeze %swap3A_921 : memref<1x128x32xf32, #tpu.memory_space<vmem>> -> memref<128x32xf32, #tpu.memory_space<vmem>>
        %swap3A_923 = arith.index_cast %add3A_908 : i32 to index
        %swap3A_924 = arith.constant 0 : index
        %swap3A_925 = tpu.vector_load %swap3A_922[%swap3A_923, %swap3A_924] {strides = array<i32>} : memref<128x32xf32, #tpu.memory_space<vmem>>, vector<1x16xf32>,
        %swap3A_926 = vector.shape_cast %swap3A_925 : vector<1x16xf32> to vector<16xf32>
        %swap3A_927 = vector.shape_cast %mul3A_918 : vector<16xf32> to vector<1x16xf32>
        tpu.vector_store %swap3A_922[%swap3A_923, %swap3A_924], %swap3A_927 {strides = array<i32>} : memref<128x32xf32, #tpu.memory_space<vmem>>, vector<1x16xf32>,
        %get3A_928 = arith.constant 0 : i32
        %get3A_929 = arith.constant 0 : i32
        %get3A_930 = tpu.memref_slice %arg10[%scan3A_213, %get3A_928, %get3A_929] : memref<4x128x32xf32, #tpu.memory_space<vmem>> -> memref<1x128x32xf32, #tpu.memory_space<vmem>>
        %get3A_931 = tpu.memref_squeeze %get3A_930 : memref<1x128x32xf32, #tpu.memory_space<vmem>> -> memref<128x32xf32, #tpu.memory_space<vmem>>
        %get3A_932 = arith.index_cast %add3A_908 : i32 to index
        %get3A_933 = arith.constant 16 : index
        %get3A_934 = tpu.vector_load %get3A_931[%get3A_932, %get3A_933] {strides = array<i32>} : memref<128x32xf32, #tpu.memory_space<vmem>>, vector<1x16xf32>,
        %get3A_935 = vector.shape_cast %get3A_934 : vector<1x16xf32> to vector<16xf32>
        %mul3A_936 = vector.broadcast %squeeze3A_904 : f32 to vector<16xf32>
        %mul3A_937 = arith.mulf %get3A_935, %mul3A_936 : vector<16xf32>
        %swap3A_938 = arith.constant 0 : i32
        %swap3A_939 = arith.constant 0 : i32
        %swap3A_940 = tpu.memref_slice %arg10[%scan3A_213, %swap3A_938, %swap3A_939] : memref<4x128x32xf32, #tpu.memory_space<vmem>> -> memref<1x128x32xf32, #tpu.memory_space<vmem>>
        %swap3A_941 = tpu.memref_squeeze %swap3A_940 : memref<1x128x32xf32, #tpu.memory_space<vmem>> -> memref<128x32xf32, #tpu.memory_space<vmem>>
        %swap3A_942 = arith.index_cast %add3A_908 : i32 to index
        %swap3A_943 = arith.constant 16 : index
        %swap3A_944 = tpu.vector_load %swap3A_941[%swap3A_942, %swap3A_943] {strides = array<i32>} : memref<128x32xf32, #tpu.memory_space<vmem>>, vector<1x16xf32>,
        %swap3A_945 = vector.shape_cast %swap3A_944 : vector<1x16xf32> to vector<16xf32>
        %swap3A_946 = vector.shape_cast %mul3A_937 : vector<16xf32> to vector<1x16xf32>
        tpu.vector_store %swap3A_941[%swap3A_942, %swap3A_943], %swap3A_946 {strides = array<i32>} : memref<128x32xf32, #tpu.memory_space<vmem>>, vector<1x16xf32>,
        %slice3A_947 = vector.extract_strided_slice %get3A_289 {offsets = [15], sizes = [1], strides = [1]} : vector<16xf32> to vector<1xf32>
        %squeeze3A_948 = vector.extract %slice3A_947[0] : f32 from vector<1xf32>
        %mul3A_949 = arith.constant 16 : i32
        %mul3A_950 = arith.muli %add3A_284, %mul3A_949 : i32
        %add3A_951 = arith.constant 15 : i32
        %add3A_952 = arith.addi %mul3A_950, %add3A_951 : i32
        %get3A_953 = arith.constant 0 : i32
        %get3A_954 = arith.constant 0 : i32
        %get3A_955 = tpu.memref_slice %arg10[%scan3A_213, %get3A_953, %get3A_954] : memref<4x128x32xf32, #tpu.memory_space<vmem>> -> memref<1x128x32xf32, #tpu.memory_space<vmem>>
        %get3A_956 = tpu.memref_squeeze %get3A_955 : memref<1x128x32xf32, #tpu.memory_space<vmem>> -> memref<128x32xf32, #tpu.memory_space<vmem>>
        %get3A_957 = arith.index_cast %add3A_952 : i32 to index
        %get3A_958 = arith.constant 0 : index
        %get3A_959 = tpu.vector_load %get3A_956[%get3A_957, %get3A_958] {strides = array<i32>} : memref<128x32xf32, #tpu.memory_space<vmem>>, vector<1x16xf32>,
        %get3A_960 = vector.shape_cast %get3A_959 : vector<1x16xf32> to vector<16xf32>
        %mul3A_961 = vector.broadcast %squeeze3A_948 : f32 to vector<16xf32>
        %mul3A_962 = arith.mulf %get3A_960, %mul3A_961 : vector<16xf32>
        %swap3A_963 = arith.constant 0 : i32
        %swap3A_964 = arith.constant 0 : i32
        %swap3A_965 = tpu.memref_slice %arg10[%scan3A_213, %swap3A_963, %swap3A_964] : memref<4x128x32xf32, #tpu.memory_space<vmem>> -> memref<1x128x32xf32, #tpu.memory_space<vmem>>
        %swap3A_966 = tpu.memref_squeeze %swap3A_965 : memref<1x128x32xf32, #tpu.memory_space<vmem>> -> memref<128x32xf32, #tpu.memory_space<vmem>>
        %swap3A_967 = arith.index_cast %add3A_952 : i32 to index
        %swap3A_968 = arith.constant 0 : index
        %swap3A_969 = tpu.vector_load %swap3A_966[%swap3A_967, %swap3A_968] {strides = array<i32>} : memref<128x32xf32, #tpu.memory_space<vmem>>, vector<1x16xf32>,
        %swap3A_970 = vector.shape_cast %swap3A_969 : vector<1x16xf32> to vector<16xf32>
        %swap3A_971 = vector.shape_cast %mul3A_962 : vector<16xf32> to vector<1x16xf32>
        tpu.vector_store %swap3A_966[%swap3A_967, %swap3A_968], %swap3A_971 {strides = array<i32>} : memref<128x32xf32, #tpu.memory_space<vmem>>, vector<1x16xf32>,
        %get3A_972 = arith.constant 0 : i32
        %get3A_973 = arith.constant 0 : i32
        %get3A_974 = tpu.memref_slice %arg10[%scan3A_213, %get3A_972, %get3A_973] : memref<4x128x32xf32, #tpu.memory_space<vmem>> -> memref<1x128x32xf32, #tpu.memory_space<vmem>>
        %get3A_975 = tpu.memref_squeeze %get3A_974 : memref<1x128x32xf32, #tpu.memory_space<vmem>> -> memref<128x32xf32, #tpu.memory_space<vmem>>
        %get3A_976 = arith.index_cast %add3A_952 : i32 to index
        %get3A_977 = arith.constant 16 : index
        %get3A_978 = tpu.vector_load %get3A_975[%get3A_976, %get3A_977] {strides = array<i32>} : memref<128x32xf32, #tpu.memory_space<vmem>>, vector<1x16xf32>,
        %get3A_979 = vector.shape_cast %get3A_978 : vector<1x16xf32> to vector<16xf32>
        %mul3A_980 = vector.broadcast %squeeze3A_948 : f32 to vector<16xf32>
        %mul3A_981 = arith.mulf %get3A_979, %mul3A_980 : vector<16xf32>
        %swap3A_982 = arith.constant 0 : i32
        %swap3A_983 = arith.constant 0 : i32
        %swap3A_984 = tpu.memref_slice %arg10[%scan3A_213, %swap3A_982, %swap3A_983] : memref<4x128x32xf32, #tpu.memory_space<vmem>> -> memref<1x128x32xf32, #tpu.memory_space<vmem>>
        %swap3A_985 = tpu.memref_squeeze %swap3A_984 : memref<1x128x32xf32, #tpu.memory_space<vmem>> -> memref<128x32xf32, #tpu.memory_space<vmem>>
        %swap3A_986 = arith.index_cast %add3A_952 : i32 to index
        %swap3A_987 = arith.constant 16 : index
        %swap3A_988 = tpu.vector_load %swap3A_985[%swap3A_986, %swap3A_987] {strides = array<i32>} : memref<128x32xf32, #tpu.memory_space<vmem>>, vector<1x16xf32>,
        %swap3A_989 = vector.shape_cast %swap3A_988 : vector<1x16xf32> to vector<16xf32>
        %swap3A_990 = vector.shape_cast %mul3A_981 : vector<16xf32> to vector<1x16xf32>
        tpu.vector_store %swap3A_985[%swap3A_986, %swap3A_987], %swap3A_990 {strides = array<i32>} : memref<128x32xf32, #tpu.memory_space<vmem>>, vector<1x16xf32>,
      }
      %scan3A_218 = arith.constant 8 : i32
      %dma_start3A_219 = arith.constant 2 : i32
      %dma_start3A_220 = arith.constant 0 : i32
      %dma_start3A_221 = arith.constant 0 : i32
      %dma_start3A_222 = tpu.memref_slice %arg10[%dma_start3A_219, %dma_start3A_220, %dma_start3A_221] : memref<4x128x32xf32, #tpu.memory_space<vmem>> -> memref<1x128x32xf32, #tpu.memory_space<vmem>>
      %dma_start3A_223 = tpu.memref_squeeze %dma_start3A_222 : memref<1x128x32xf32, #tpu.memory_space<vmem>> -> memref<128x32xf32, #tpu.memory_space<vmem>>
      %dma_start3A_224 = arith.constant 0 : i32
      %dma_start3A_225 = tpu.memref_slice %arg8[%add3A_201, %dma_start3A_224] : memref<160x128xi32, #tpu.memory_space<vmem>> -> memref<1x128xi32, #tpu.memory_space<vmem>>
      %dma_start3A_226 = tpu.memref_squeeze %dma_start3A_225 : memref<1x128xi32, #tpu.memory_space<vmem>> -> memref<128xi32, #tpu.memory_space<vmem>>
      %dma_start3A_227 = arith.constant 0 : i32
      %dma_start3A_228 = arith.constant 0 : i32
      %dma_start3A_229 = tpu.memref_slice %arg12[%dma_start3A_227, %dma_start3A_228] : memref<10240x32xf32, #tpu.memory_space<vmem_shared>> -> memref<10240x32xf32, #tpu.memory_space<vmem_shared>>
      tpu.enqueue_indirect_dma source(%dma_start3A_223 : memref<128x32xf32, #tpu.memory_space<vmem>>) target(%dma_start3A_229 : memref<10240x32xf32, #tpu.memory_space<vmem_shared>>) offsets(%dma_start3A_226 : memref<128xi32, #tpu.memory_space<vmem>>) semaphore(%arg20 : memref<!tpu.dma_semaphore, #tpu.memory_space<semaphore_mem>>) {add = true}
      %add3A_230 = arith.constant 4 : i32
      %add3A_231 = arith.addi %add3A_201, %add3A_230 : i32
      %sub3A_232 = arith.constant 1 : i32
      %sub3A_233 = arith.subi %add3A_231, %sub3A_232 : i32
      %lt3A_234 = arith.constant 39 : i32
      %lt3A_235 = arith.cmpi slt, %add3A_116, %lt3A_234 : i32
      %convert_element_type3A_236 = arith.extui %lt3A_235 : i1 to i32
      %cond3A_237 = arith.constant 0 : i32
      %cond3A_238 = arith.cmpi ne, %convert_element_type3A_236, %cond3A_237 : i32
      scf.if %cond3A_238 {
        %sub3A_280 = arith.constant 4 : i32
        %sub3A_281 = arith.subi %sub3A_233, %sub3A_280 : i32
        %dma_wait3A_282 = arith.constant 1 : i32
        %dma_wait3A_283 = arith.constant 0 : i32
        %dma_wait3A_284 = arith.constant 0 : i32
        %dma_wait3A_285 = tpu.memref_slice %arg10[%dma_wait3A_282, %dma_wait3A_283, %dma_wait3A_284] : memref<4x128x32xf32, #tpu.memory_space<vmem>> -> memref<1x128x32xf32, #tpu.memory_space<vmem>>
        %dma_wait3A_286 = tpu.memref_squeeze %dma_wait3A_285 : memref<1x128x32xf32, #tpu.memory_space<vmem>> -> memref<128x32xf32, #tpu.memory_space<vmem>>
        %dma_wait3A_287 = arith.constant 0 : i32
        %dma_wait3A_288 = tpu.memref_slice %arg8[%sub3A_281, %dma_wait3A_287] : memref<160x128xi32, #tpu.memory_space<vmem>> -> memref<1x128xi32, #tpu.memory_space<vmem>>
        %dma_wait3A_289 = tpu.memref_squeeze %dma_wait3A_288 : memref<1x128xi32, #tpu.memory_space<vmem>> -> memref<128xi32, #tpu.memory_space<vmem>>
        %dma_wait3A_290 = arith.constant 0 : i32
        %dma_wait3A_291 = arith.constant 0 : i32
        %dma_wait3A_292 = tpu.memref_slice %arg12[%dma_wait3A_290, %dma_wait3A_291] : memref<10240x32xf32, #tpu.memory_space<vmem_shared>> -> memref<10240x32xf32, #tpu.memory_space<vmem_shared>>
        tpu.wait_indirect_dma semaphore(%arg19 : memref<!tpu.dma_semaphore, #tpu.memory_space<semaphore_mem>>) src(%dma_wait3A_286 : memref<128x32xf32, #tpu.memory_space<vmem>>) dst(%dma_wait3A_292 : memref<10240x32xf32, #tpu.memory_space<vmem_shared>>)
        %dma_start3A_293 = arith.constant 1 : i32
        %dma_start3A_294 = arith.constant 0 : i32
        %dma_start3A_295 = arith.constant 0 : i32
        %dma_start3A_296 = tpu.memref_slice %arg10[%dma_start3A_293, %dma_start3A_294, %dma_start3A_295] : memref<4x128x32xf32, #tpu.memory_space<vmem>> -> memref<1x128x32xf32, #tpu.memory_space<vmem>>
        %dma_start3A_297 = tpu.memref_squeeze %dma_start3A_296 : memref<1x128x32xf32, #tpu.memory_space<vmem>> -> memref<128x32xf32, #tpu.memory_space<vmem>>
        %dma_start3A_298 = arith.constant 0 : i32
        %dma_start3A_299 = tpu.memref_slice %arg7[%sub3A_233, %dma_start3A_298] : memref<160x128xi32, #tpu.memory_space<vmem>> -> memref<1x128xi32, #tpu.memory_space<vmem>>
        %dma_start3A_300 = tpu.memref_squeeze %dma_start3A_299 : memref<1x128xi32, #tpu.memory_space<vmem>> -> memref<128xi32, #tpu.memory_space<vmem>>
        %dma_start3A_301 = arith.constant 0 : i32
        %dma_start3A_302 = arith.constant 0 : i32
        %dma_start3A_303 = tpu.memref_slice %arg13[%dma_start3A_301, %dma_start3A_302] : memref<10240x32xf32, #tpu.memory_space<vmem_shared>> -> memref<10240x32xf32, #tpu.memory_space<vmem_shared>>
        tpu.enqueue_indirect_dma source(%dma_start3A_303 : memref<10240x32xf32, #tpu.memory_space<vmem_shared>>) target(%dma_start3A_297 : memref<128x32xf32, #tpu.memory_space<vmem>>) offsets(%dma_start3A_300 : memref<128xi32, #tpu.memory_space<vmem>>) semaphore(%arg15 : memref<!tpu.dma_semaphore, #tpu.memory_space<semaphore_mem>>)
      } else {
      }
      %mul3A_239 = arith.constant 4 : i32
      %mul3A_240 = arith.muli %add3A_116, %mul3A_239 : i32
      %add3A_241 = arith.constant 3 : i32
      %add3A_242 = arith.addi %mul3A_240, %add3A_241 : i32
      %dma_wait3A_243 = arith.constant 3 : i32
      %dma_wait3A_244 = arith.constant 0 : i32
      %dma_wait3A_245 = arith.constant 0 : i32
      %dma_wait3A_246 = tpu.memref_slice %arg10[%dma_wait3A_243, %dma_wait3A_244, %dma_wait3A_245] : memref<4x128x32xf32, #tpu.memory_space<vmem>> -> memref<1x128x32xf32, #tpu.memory_space<vmem>>
      %dma_wait3A_247 = tpu.memref_squeeze %dma_wait3A_246 : memref<1x128x32xf32, #tpu.memory_space<vmem>> -> memref<128x32xf32, #tpu.memory_space<vmem>>
      %dma_wait3A_248 = arith.constant 0 : i32
      %dma_wait3A_249 = tpu.memref_slice %arg7[%add3A_242, %dma_wait3A_248] : memref<160x128xi32, #tpu.memory_space<vmem>> -> memref<1x128xi32, #tpu.memory_space<vmem>>
      %dma_wait3A_250 = tpu.memref_squeeze %dma_wait3A_249 : memref<1x128xi32, #tpu.memory_space<vmem>> -> memref<128xi32, #tpu.memory_space<vmem>>
      %dma_wait3A_251 = arith.constant 0 : i32
      %dma_wait3A_252 = arith.constant 0 : i32
      %dma_wait3A_253 = tpu.memref_slice %arg13[%dma_wait3A_251, %dma_wait3A_252] : memref<10240x32xf32, #tpu.memory_space<vmem_shared>> -> memref<10240x32xf32, #tpu.memory_space<vmem_shared>>
      tpu.wait_indirect_dma semaphore(%arg17 : memref<!tpu.dma_semaphore, #tpu.memory_space<semaphore_mem>>) src(%dma_wait3A_253 : memref<10240x32xf32, #tpu.memory_space<vmem_shared>>) dst(%dma_wait3A_247 : memref<128x32xf32, #tpu.memory_space<vmem>>)
      %scan3A_254 = arith.constant 3 : i32
      %scan3A_255 = arith.constant 0 : i32
      %scan3A_256 = arith.constant 8 : i32
      %scan3A_257 = arith.addi %scan3A_255, %scan3A_256 : i32
      %scan3A_258 = arith.constant 1 : i32
      scf.for %scan3A_280 = %scan3A_255 to %scan3A_257 step %scan3A_258  : i32 {
        %mul3A_281 = arith.constant 1 : i32
        %mul3A_282 = arith.muli %scan3A_280, %mul3A_281 : i32
        %add3A_283 = arith.constant 0 : i32
        %add3A_284 = arith.addi %add3A_283, %mul3A_282 : i32
        %mul3A_285 = arith.constant 16 : i32
        %mul3A_286 = arith.muli %add3A_284, %mul3A_285 : i32
        %get3A = arith.index_cast %add3A_242 : i32 to index
        %get3A_287 = arith.index_cast %mul3A_286 : i32 to index
        %get3A_288 = tpu.vector_load %arg9[%get3A, %get3A_287] {strides = array<i32>} : memref<160x128xf32, #tpu.memory_space<vmem>>, vector<1x16xf32>,
        %get3A_289 = vector.shape_cast %get3A_288 : vector<1x16xf32> to vector<16xf32>
        %slice3A = vector.extract_strided_slice %get3A_289 {offsets = [0], sizes = [1], strides = [1]} : vector<16xf32> to vector<1xf32>
        %squeeze3A = vector.extract %slice3A[0] : f32 from vector<1xf32>
        %mul3A_290 = arith.constant 16 : i32
        %mul3A_291 = arith.muli %add3A_284, %mul3A_290 : i32
        %add3A_292 = arith.constant 0 : i32
        %add3A_293 = arith.addi %mul3A_291, %add3A_292 : i32
        %get3A_294 = arith.constant 0 : i32
        %get3A_295 = arith.constant 0 : i32
        %get3A_296 = tpu.memref_slice %arg10[%scan3A_254, %get3A_294, %get3A_295] : memref<4x128x32xf32, #tpu.memory_space<vmem>> -> memref<1x128x32xf32, #tpu.memory_space<vmem>>
        %get3A_297 = tpu.memref_squeeze %get3A_296 : memref<1x128x32xf32, #tpu.memory_space<vmem>> -> memref<128x32xf32, #tpu.memory_space<vmem>>
        %get3A_298 = arith.index_cast %add3A_293 : i32 to index
        %get3A_299 = arith.constant 0 : index
        %get3A_300 = tpu.vector_load %get3A_297[%get3A_298, %get3A_299] {strides = array<i32>} : memref<128x32xf32, #tpu.memory_space<vmem>>, vector<1x16xf32>,
        %get3A_301 = vector.shape_cast %get3A_300 : vector<1x16xf32> to vector<16xf32>
        %mul3A_302 = vector.broadcast %squeeze3A : f32 to vector<16xf32>
        %mul3A_303 = arith.mulf %get3A_301, %mul3A_302 : vector<16xf32>
        %swap3A = arith.constant 0 : i32
        %swap3A_304 = arith.constant 0 : i32
        %swap3A_305 = tpu.memref_slice %arg10[%scan3A_254, %swap3A, %swap3A_304] : memref<4x128x32xf32, #tpu.memory_space<vmem>> -> memref<1x128x32xf32, #tpu.memory_space<vmem>>
        %swap3A_306 = tpu.memref_squeeze %swap3A_305 : memref<1x128x32xf32, #tpu.memory_space<vmem>> -> memref<128x32xf32, #tpu.memory_space<vmem>>
        %swap3A_307 = arith.index_cast %add3A_293 : i32 to index
        %swap3A_308 = arith.constant 0 : index
        %swap3A_309 = tpu.vector_load %swap3A_306[%swap3A_307, %swap3A_308] {strides = array<i32>} : memref<128x32xf32, #tpu.memory_space<vmem>>, vector<1x16xf32>,
        %swap3A_310 = vector.shape_cast %swap3A_309 : vector<1x16xf32> to vector<16xf32>
        %swap3A_311 = vector.shape_cast %mul3A_303 : vector<16xf32> to vector<1x16xf32>
        tpu.vector_store %swap3A_306[%swap3A_307, %swap3A_308], %swap3A_311 {strides = array<i32>} : memref<128x32xf32, #tpu.memory_space<vmem>>, vector<1x16xf32>,
        %get3A_312 = arith.constant 0 : i32
        %get3A_313 = arith.constant 0 : i32
        %get3A_314 = tpu.memref_slice %arg10[%scan3A_254, %get3A_312, %get3A_313] : memref<4x128x32xf32, #tpu.memory_space<vmem>> -> memref<1x128x32xf32, #tpu.memory_space<vmem>>
        %get3A_315 = tpu.memref_squeeze %get3A_314 : memref<1x128x32xf32, #tpu.memory_space<vmem>> -> memref<128x32xf32, #tpu.memory_space<vmem>>
        %get3A_316 = arith.index_cast %add3A_293 : i32 to index
        %get3A_317 = arith.constant 16 : index
        %get3A_318 = tpu.vector_load %get3A_315[%get3A_316, %get3A_317] {strides = array<i32>} : memref<128x32xf32, #tpu.memory_space<vmem>>, vector<1x16xf32>,
        %get3A_319 = vector.shape_cast %get3A_318 : vector<1x16xf32> to vector<16xf32>
        %mul3A_320 = vector.broadcast %squeeze3A : f32 to vector<16xf32>
        %mul3A_321 = arith.mulf %get3A_319, %mul3A_320 : vector<16xf32>
        %swap3A_322 = arith.constant 0 : i32
        %swap3A_323 = arith.constant 0 : i32
        %swap3A_324 = tpu.memref_slice %arg10[%scan3A_254, %swap3A_322, %swap3A_323] : memref<4x128x32xf32, #tpu.memory_space<vmem>> -> memref<1x128x32xf32, #tpu.memory_space<vmem>>
        %swap3A_325 = tpu.memref_squeeze %swap3A_324 : memref<1x128x32xf32, #tpu.memory_space<vmem>> -> memref<128x32xf32, #tpu.memory_space<vmem>>
        %swap3A_326 = arith.index_cast %add3A_293 : i32 to index
        %swap3A_327 = arith.constant 16 : index
        %swap3A_328 = tpu.vector_load %swap3A_325[%swap3A_326, %swap3A_327] {strides = array<i32>} : memref<128x32xf32, #tpu.memory_space<vmem>>, vector<1x16xf32>,
        %swap3A_329 = vector.shape_cast %swap3A_328 : vector<1x16xf32> to vector<16xf32>
        %swap3A_330 = vector.shape_cast %mul3A_321 : vector<16xf32> to vector<1x16xf32>
        tpu.vector_store %swap3A_325[%swap3A_326, %swap3A_327], %swap3A_330 {strides = array<i32>} : memref<128x32xf32, #tpu.memory_space<vmem>>, vector<1x16xf32>,
        %slice3A_331 = vector.extract_strided_slice %get3A_289 {offsets = [1], sizes = [1], strides = [1]} : vector<16xf32> to vector<1xf32>
        %squeeze3A_332 = vector.extract %slice3A_331[0] : f32 from vector<1xf32>
        %mul3A_333 = arith.constant 16 : i32
        %mul3A_334 = arith.muli %add3A_284, %mul3A_333 : i32
        %add3A_335 = arith.constant 1 : i32
        %add3A_336 = arith.addi %mul3A_334, %add3A_335 : i32
        %get3A_337 = arith.constant 0 : i32
        %get3A_338 = arith.constant 0 : i32
        %get3A_339 = tpu.memref_slice %arg10[%scan3A_254, %get3A_337, %get3A_338] : memref<4x128x32xf32, #tpu.memory_space<vmem>> -> memref<1x128x32xf32, #tpu.memory_space<vmem>>
        %get3A_340 = tpu.memref_squeeze %get3A_339 : memref<1x128x32xf32, #tpu.memory_space<vmem>> -> memref<128x32xf32, #tpu.memory_space<vmem>>
        %get3A_341 = arith.index_cast %add3A_336 : i32 to index
        %get3A_342 = arith.constant 0 : index
        %get3A_343 = tpu.vector_load %get3A_340[%get3A_341, %get3A_342] {strides = array<i32>} : memref<128x32xf32, #tpu.memory_space<vmem>>, vector<1x16xf32>,
        %get3A_344 = vector.shape_cast %get3A_343 : vector<1x16xf32> to vector<16xf32>
        %mul3A_345 = vector.broadcast %squeeze3A_332 : f32 to vector<16xf32>
        %mul3A_346 = arith.mulf %get3A_344, %mul3A_345 : vector<16xf32>
        %swap3A_347 = arith.constant 0 : i32
        %swap3A_348 = arith.constant 0 : i32
        %swap3A_349 = tpu.memref_slice %arg10[%scan3A_254, %swap3A_347, %swap3A_348] : memref<4x128x32xf32, #tpu.memory_space<vmem>> -> memref<1x128x32xf32, #tpu.memory_space<vmem>>
        %swap3A_350 = tpu.memref_squeeze %swap3A_349 : memref<1x128x32xf32, #tpu.memory_space<vmem>> -> memref<128x32xf32, #tpu.memory_space<vmem>>
        %swap3A_351 = arith.index_cast %add3A_336 : i32 to index
        %swap3A_352 = arith.constant 0 : index
        %swap3A_353 = tpu.vector_load %swap3A_350[%swap3A_351, %swap3A_352] {strides = array<i32>} : memref<128x32xf32, #tpu.memory_space<vmem>>, vector<1x16xf32>,
        %swap3A_354 = vector.shape_cast %swap3A_353 : vector<1x16xf32> to vector<16xf32>
        %swap3A_355 = vector.shape_cast %mul3A_346 : vector<16xf32> to vector<1x16xf32>
        tpu.vector_store %swap3A_350[%swap3A_351, %swap3A_352], %swap3A_355 {strides = array<i32>} : memref<128x32xf32, #tpu.memory_space<vmem>>, vector<1x16xf32>,
        %get3A_356 = arith.constant 0 : i32
        %get3A_357 = arith.constant 0 : i32
        %get3A_358 = tpu.memref_slice %arg10[%scan3A_254, %get3A_356, %get3A_357] : memref<4x128x32xf32, #tpu.memory_space<vmem>> -> memref<1x128x32xf32, #tpu.memory_space<vmem>>
        %get3A_359 = tpu.memref_squeeze %get3A_358 : memref<1x128x32xf32, #tpu.memory_space<vmem>> -> memref<128x32xf32, #tpu.memory_space<vmem>>
        %get3A_360 = arith.index_cast %add3A_336 : i32 to index
        %get3A_361 = arith.constant 16 : index
        %get3A_362 = tpu.vector_load %get3A_359[%get3A_360, %get3A_361] {strides = array<i32>} : memref<128x32xf32, #tpu.memory_space<vmem>>, vector<1x16xf32>,
        %get3A_363 = vector.shape_cast %get3A_362 : vector<1x16xf32> to vector<16xf32>
        %mul3A_364 = vector.broadcast %squeeze3A_332 : f32 to vector<16xf32>
        %mul3A_365 = arith.mulf %get3A_363, %mul3A_364 : vector<16xf32>
        %swap3A_366 = arith.constant 0 : i32
        %swap3A_367 = arith.constant 0 : i32
        %swap3A_368 = tpu.memref_slice %arg10[%scan3A_254, %swap3A_366, %swap3A_367] : memref<4x128x32xf32, #tpu.memory_space<vmem>> -> memref<1x128x32xf32, #tpu.memory_space<vmem>>
        %swap3A_369 = tpu.memref_squeeze %swap3A_368 : memref<1x128x32xf32, #tpu.memory_space<vmem>> -> memref<128x32xf32, #tpu.memory_space<vmem>>
        %swap3A_370 = arith.index_cast %add3A_336 : i32 to index
        %swap3A_371 = arith.constant 16 : index
        %swap3A_372 = tpu.vector_load %swap3A_369[%swap3A_370, %swap3A_371] {strides = array<i32>} : memref<128x32xf32, #tpu.memory_space<vmem>>, vector<1x16xf32>,
        %swap3A_373 = vector.shape_cast %swap3A_372 : vector<1x16xf32> to vector<16xf32>
        %swap3A_374 = vector.shape_cast %mul3A_365 : vector<16xf32> to vector<1x16xf32>
        tpu.vector_store %swap3A_369[%swap3A_370, %swap3A_371], %swap3A_374 {strides = array<i32>} : memref<128x32xf32, #tpu.memory_space<vmem>>, vector<1x16xf32>,
        %slice3A_375 = vector.extract_strided_slice %get3A_289 {offsets = [2], sizes = [1], strides = [1]} : vector<16xf32> to vector<1xf32>
        %squeeze3A_376 = vector.extract %slice3A_375[0] : f32 from vector<1xf32>
        %mul3A_377 = arith.constant 16 : i32
        %mul3A_378 = arith.muli %add3A_284, %mul3A_377 : i32
        %add3A_379 = arith.constant 2 : i32
        %add3A_380 = arith.addi %mul3A_378, %add3A_379 : i32
        %get3A_381 = arith.constant 0 : i32
        %get3A_382 = arith.constant 0 : i32
        %get3A_383 = tpu.memref_slice %arg10[%scan3A_254, %get3A_381, %get3A_382] : memref<4x128x32xf32, #tpu.memory_space<vmem>> -> memref<1x128x32xf32, #tpu.memory_space<vmem>>
        %get3A_384 = tpu.memref_squeeze %get3A_383 : memref<1x128x32xf32, #tpu.memory_space<vmem>> -> memref<128x32xf32, #tpu.memory_space<vmem>>
        %get3A_385 = arith.index_cast %add3A_380 : i32 to index
        %get3A_386 = arith.constant 0 : index
        %get3A_387 = tpu.vector_load %get3A_384[%get3A_385, %get3A_386] {strides = array<i32>} : memref<128x32xf32, #tpu.memory_space<vmem>>, vector<1x16xf32>,
        %get3A_388 = vector.shape_cast %get3A_387 : vector<1x16xf32> to vector<16xf32>
        %mul3A_389 = vector.broadcast %squeeze3A_376 : f32 to vector<16xf32>
        %mul3A_390 = arith.mulf %get3A_388, %mul3A_389 : vector<16xf32>
        %swap3A_391 = arith.constant 0 : i32
        %swap3A_392 = arith.constant 0 : i32
        %swap3A_393 = tpu.memref_slice %arg10[%scan3A_254, %swap3A_391, %swap3A_392] : memref<4x128x32xf32, #tpu.memory_space<vmem>> -> memref<1x128x32xf32, #tpu.memory_space<vmem>>
        %swap3A_394 = tpu.memref_squeeze %swap3A_393 : memref<1x128x32xf32, #tpu.memory_space<vmem>> -> memref<128x32xf32, #tpu.memory_space<vmem>>
        %swap3A_395 = arith.index_cast %add3A_380 : i32 to index
        %swap3A_396 = arith.constant 0 : index
        %swap3A_397 = tpu.vector_load %swap3A_394[%swap3A_395, %swap3A_396] {strides = array<i32>} : memref<128x32xf32, #tpu.memory_space<vmem>>, vector<1x16xf32>,
        %swap3A_398 = vector.shape_cast %swap3A_397 : vector<1x16xf32> to vector<16xf32>
        %swap3A_399 = vector.shape_cast %mul3A_390 : vector<16xf32> to vector<1x16xf32>
        tpu.vector_store %swap3A_394[%swap3A_395, %swap3A_396], %swap3A_399 {strides = array<i32>} : memref<128x32xf32, #tpu.memory_space<vmem>>, vector<1x16xf32>,
        %get3A_400 = arith.constant 0 : i32
        %get3A_401 = arith.constant 0 : i32
        %get3A_402 = tpu.memref_slice %arg10[%scan3A_254, %get3A_400, %get3A_401] : memref<4x128x32xf32, #tpu.memory_space<vmem>> -> memref<1x128x32xf32, #tpu.memory_space<vmem>>
        %get3A_403 = tpu.memref_squeeze %get3A_402 : memref<1x128x32xf32, #tpu.memory_space<vmem>> -> memref<128x32xf32, #tpu.memory_space<vmem>>
        %get3A_404 = arith.index_cast %add3A_380 : i32 to index
        %get3A_405 = arith.constant 16 : index
        %get3A_406 = tpu.vector_load %get3A_403[%get3A_404, %get3A_405] {strides = array<i32>} : memref<128x32xf32, #tpu.memory_space<vmem>>, vector<1x16xf32>,
        %get3A_407 = vector.shape_cast %get3A_406 : vector<1x16xf32> to vector<16xf32>
        %mul3A_408 = vector.broadcast %squeeze3A_376 : f32 to vector<16xf32>
        %mul3A_409 = arith.mulf %get3A_407, %mul3A_408 : vector<16xf32>
        %swap3A_410 = arith.constant 0 : i32
        %swap3A_411 = arith.constant 0 : i32
        %swap3A_412 = tpu.memref_slice %arg10[%scan3A_254, %swap3A_410, %swap3A_411] : memref<4x128x32xf32, #tpu.memory_space<vmem>> -> memref<1x128x32xf32, #tpu.memory_space<vmem>>
        %swap3A_413 = tpu.memref_squeeze %swap3A_412 : memref<1x128x32xf32, #tpu.memory_space<vmem>> -> memref<128x32xf32, #tpu.memory_space<vmem>>
        %swap3A_414 = arith.index_cast %add3A_380 : i32 to index
        %swap3A_415 = arith.constant 16 : index
        %swap3A_416 = tpu.vector_load %swap3A_413[%swap3A_414, %swap3A_415] {strides = array<i32>} : memref<128x32xf32, #tpu.memory_space<vmem>>, vector<1x16xf32>,
        %swap3A_417 = vector.shape_cast %swap3A_416 : vector<1x16xf32> to vector<16xf32>
        %swap3A_418 = vector.shape_cast %mul3A_409 : vector<16xf32> to vector<1x16xf32>
        tpu.vector_store %swap3A_413[%swap3A_414, %swap3A_415], %swap3A_418 {strides = array<i32>} : memref<128x32xf32, #tpu.memory_space<vmem>>, vector<1x16xf32>,
        %slice3A_419 = vector.extract_strided_slice %get3A_289 {offsets = [3], sizes = [1], strides = [1]} : vector<16xf32> to vector<1xf32>
        %squeeze3A_420 = vector.extract %slice3A_419[0] : f32 from vector<1xf32>
        %mul3A_421 = arith.constant 16 : i32
        %mul3A_422 = arith.muli %add3A_284, %mul3A_421 : i32
        %add3A_423 = arith.constant 3 : i32
        %add3A_424 = arith.addi %mul3A_422, %add3A_423 : i32
        %get3A_425 = arith.constant 0 : i32
        %get3A_426 = arith.constant 0 : i32
        %get3A_427 = tpu.memref_slice %arg10[%scan3A_254, %get3A_425, %get3A_426] : memref<4x128x32xf32, #tpu.memory_space<vmem>> -> memref<1x128x32xf32, #tpu.memory_space<vmem>>
        %get3A_428 = tpu.memref_squeeze %get3A_427 : memref<1x128x32xf32, #tpu.memory_space<vmem>> -> memref<128x32xf32, #tpu.memory_space<vmem>>
        %get3A_429 = arith.index_cast %add3A_424 : i32 to index
        %get3A_430 = arith.constant 0 : index
        %get3A_431 = tpu.vector_load %get3A_428[%get3A_429, %get3A_430] {strides = array<i32>} : memref<128x32xf32, #tpu.memory_space<vmem>>, vector<1x16xf32>,
        %get3A_432 = vector.shape_cast %get3A_431 : vector<1x16xf32> to vector<16xf32>
        %mul3A_433 = vector.broadcast %squeeze3A_420 : f32 to vector<16xf32>
        %mul3A_434 = arith.mulf %get3A_432, %mul3A_433 : vector<16xf32>
        %swap3A_435 = arith.constant 0 : i32
        %swap3A_436 = arith.constant 0 : i32
        %swap3A_437 = tpu.memref_slice %arg10[%scan3A_254, %swap3A_435, %swap3A_436] : memref<4x128x32xf32, #tpu.memory_space<vmem>> -> memref<1x128x32xf32, #tpu.memory_space<vmem>>
        %swap3A_438 = tpu.memref_squeeze %swap3A_437 : memref<1x128x32xf32, #tpu.memory_space<vmem>> -> memref<128x32xf32, #tpu.memory_space<vmem>>
        %swap3A_439 = arith.index_cast %add3A_424 : i32 to index
        %swap3A_440 = arith.constant 0 : index
        %swap3A_441 = tpu.vector_load %swap3A_438[%swap3A_439, %swap3A_440] {strides = array<i32>} : memref<128x32xf32, #tpu.memory_space<vmem>>, vector<1x16xf32>,
        %swap3A_442 = vector.shape_cast %swap3A_441 : vector<1x16xf32> to vector<16xf32>
        %swap3A_443 = vector.shape_cast %mul3A_434 : vector<16xf32> to vector<1x16xf32>
        tpu.vector_store %swap3A_438[%swap3A_439, %swap3A_440], %swap3A_443 {strides = array<i32>} : memref<128x32xf32, #tpu.memory_space<vmem>>, vector<1x16xf32>,
        %get3A_444 = arith.constant 0 : i32
        %get3A_445 = arith.constant 0 : i32
        %get3A_446 = tpu.memref_slice %arg10[%scan3A_254, %get3A_444, %get3A_445] : memref<4x128x32xf32, #tpu.memory_space<vmem>> -> memref<1x128x32xf32, #tpu.memory_space<vmem>>
        %get3A_447 = tpu.memref_squeeze %get3A_446 : memref<1x128x32xf32, #tpu.memory_space<vmem>> -> memref<128x32xf32, #tpu.memory_space<vmem>>
        %get3A_448 = arith.index_cast %add3A_424 : i32 to index
        %get3A_449 = arith.constant 16 : index
        %get3A_450 = tpu.vector_load %get3A_447[%get3A_448, %get3A_449] {strides = array<i32>} : memref<128x32xf32, #tpu.memory_space<vmem>>, vector<1x16xf32>,
        %get3A_451 = vector.shape_cast %get3A_450 : vector<1x16xf32> to vector<16xf32>
        %mul3A_452 = vector.broadcast %squeeze3A_420 : f32 to vector<16xf32>
        %mul3A_453 = arith.mulf %get3A_451, %mul3A_452 : vector<16xf32>
        %swap3A_454 = arith.constant 0 : i32
        %swap3A_455 = arith.constant 0 : i32
        %swap3A_456 = tpu.memref_slice %arg10[%scan3A_254, %swap3A_454, %swap3A_455] : memref<4x128x32xf32, #tpu.memory_space<vmem>> -> memref<1x128x32xf32, #tpu.memory_space<vmem>>
        %swap3A_457 = tpu.memref_squeeze %swap3A_456 : memref<1x128x32xf32, #tpu.memory_space<vmem>> -> memref<128x32xf32, #tpu.memory_space<vmem>>
        %swap3A_458 = arith.index_cast %add3A_424 : i32 to index
        %swap3A_459 = arith.constant 16 : index
        %swap3A_460 = tpu.vector_load %swap3A_457[%swap3A_458, %swap3A_459] {strides = array<i32>} : memref<128x32xf32, #tpu.memory_space<vmem>>, vector<1x16xf32>,
        %swap3A_461 = vector.shape_cast %swap3A_460 : vector<1x16xf32> to vector<16xf32>
        %swap3A_462 = vector.shape_cast %mul3A_453 : vector<16xf32> to vector<1x16xf32>
        tpu.vector_store %swap3A_457[%swap3A_458, %swap3A_459], %swap3A_462 {strides = array<i32>} : memref<128x32xf32, #tpu.memory_space<vmem>>, vector<1x16xf32>,
        %slice3A_463 = vector.extract_strided_slice %get3A_289 {offsets = [4], sizes = [1], strides = [1]} : vector<16xf32> to vector<1xf32>
        %squeeze3A_464 = vector.extract %slice3A_463[0] : f32 from vector<1xf32>
        %mul3A_465 = arith.constant 16 : i32
        %mul3A_466 = arith.muli %add3A_284, %mul3A_465 : i32
        %add3A_467 = arith.constant 4 : i32
        %add3A_468 = arith.addi %mul3A_466, %add3A_467 : i32
        %get3A_469 = arith.constant 0 : i32
        %get3A_470 = arith.constant 0 : i32
        %get3A_471 = tpu.memref_slice %arg10[%scan3A_254, %get3A_469, %get3A_470] : memref<4x128x32xf32, #tpu.memory_space<vmem>> -> memref<1x128x32xf32, #tpu.memory_space<vmem>>
        %get3A_472 = tpu.memref_squeeze %get3A_471 : memref<1x128x32xf32, #tpu.memory_space<vmem>> -> memref<128x32xf32, #tpu.memory_space<vmem>>
        %get3A_473 = arith.index_cast %add3A_468 : i32 to index
        %get3A_474 = arith.constant 0 : index
        %get3A_475 = tpu.vector_load %get3A_472[%get3A_473, %get3A_474] {strides = array<i32>} : memref<128x32xf32, #tpu.memory_space<vmem>>, vector<1x16xf32>,
        %get3A_476 = vector.shape_cast %get3A_475 : vector<1x16xf32> to vector<16xf32>
        %mul3A_477 = vector.broadcast %squeeze3A_464 : f32 to vector<16xf32>
        %mul3A_478 = arith.mulf %get3A_476, %mul3A_477 : vector<16xf32>
        %swap3A_479 = arith.constant 0 : i32
        %swap3A_480 = arith.constant 0 : i32
        %swap3A_481 = tpu.memref_slice %arg10[%scan3A_254, %swap3A_479, %swap3A_480] : memref<4x128x32xf32, #tpu.memory_space<vmem>> -> memref<1x128x32xf32, #tpu.memory_space<vmem>>
        %swap3A_482 = tpu.memref_squeeze %swap3A_481 : memref<1x128x32xf32, #tpu.memory_space<vmem>> -> memref<128x32xf32, #tpu.memory_space<vmem>>
        %swap3A_483 = arith.index_cast %add3A_468 : i32 to index
        %swap3A_484 = arith.constant 0 : index
        %swap3A_485 = tpu.vector_load %swap3A_482[%swap3A_483, %swap3A_484] {strides = array<i32>} : memref<128x32xf32, #tpu.memory_space<vmem>>, vector<1x16xf32>,
        %swap3A_486 = vector.shape_cast %swap3A_485 : vector<1x16xf32> to vector<16xf32>
        %swap3A_487 = vector.shape_cast %mul3A_478 : vector<16xf32> to vector<1x16xf32>
        tpu.vector_store %swap3A_482[%swap3A_483, %swap3A_484], %swap3A_487 {strides = array<i32>} : memref<128x32xf32, #tpu.memory_space<vmem>>, vector<1x16xf32>,
        %get3A_488 = arith.constant 0 : i32
        %get3A_489 = arith.constant 0 : i32
        %get3A_490 = tpu.memref_slice %arg10[%scan3A_254, %get3A_488, %get3A_489] : memref<4x128x32xf32, #tpu.memory_space<vmem>> -> memref<1x128x32xf32, #tpu.memory_space<vmem>>
        %get3A_491 = tpu.memref_squeeze %get3A_490 : memref<1x128x32xf32, #tpu.memory_space<vmem>> -> memref<128x32xf32, #tpu.memory_space<vmem>>
        %get3A_492 = arith.index_cast %add3A_468 : i32 to index
        %get3A_493 = arith.constant 16 : index
        %get3A_494 = tpu.vector_load %get3A_491[%get3A_492, %get3A_493] {strides = array<i32>} : memref<128x32xf32, #tpu.memory_space<vmem>>, vector<1x16xf32>,
        %get3A_495 = vector.shape_cast %get3A_494 : vector<1x16xf32> to vector<16xf32>
        %mul3A_496 = vector.broadcast %squeeze3A_464 : f32 to vector<16xf32>
        %mul3A_497 = arith.mulf %get3A_495, %mul3A_496 : vector<16xf32>
        %swap3A_498 = arith.constant 0 : i32
        %swap3A_499 = arith.constant 0 : i32
        %swap3A_500 = tpu.memref_slice %arg10[%scan3A_254, %swap3A_498, %swap3A_499] : memref<4x128x32xf32, #tpu.memory_space<vmem>> -> memref<1x128x32xf32, #tpu.memory_space<vmem>>
        %swap3A_501 = tpu.memref_squeeze %swap3A_500 : memref<1x128x32xf32, #tpu.memory_space<vmem>> -> memref<128x32xf32, #tpu.memory_space<vmem>>
        %swap3A_502 = arith.index_cast %add3A_468 : i32 to index
        %swap3A_503 = arith.constant 16 : index
        %swap3A_504 = tpu.vector_load %swap3A_501[%swap3A_502, %swap3A_503] {strides = array<i32>} : memref<128x32xf32, #tpu.memory_space<vmem>>, vector<1x16xf32>,
        %swap3A_505 = vector.shape_cast %swap3A_504 : vector<1x16xf32> to vector<16xf32>
        %swap3A_506 = vector.shape_cast %mul3A_497 : vector<16xf32> to vector<1x16xf32>
        tpu.vector_store %swap3A_501[%swap3A_502, %swap3A_503], %swap3A_506 {strides = array<i32>} : memref<128x32xf32, #tpu.memory_space<vmem>>, vector<1x16xf32>,
        %slice3A_507 = vector.extract_strided_slice %get3A_289 {offsets = [5], sizes = [1], strides = [1]} : vector<16xf32> to vector<1xf32>
        %squeeze3A_508 = vector.extract %slice3A_507[0] : f32 from vector<1xf32>
        %mul3A_509 = arith.constant 16 : i32
        %mul3A_510 = arith.muli %add3A_284, %mul3A_509 : i32
        %add3A_511 = arith.constant 5 : i32
        %add3A_512 = arith.addi %mul3A_510, %add3A_511 : i32
        %get3A_513 = arith.constant 0 : i32
        %get3A_514 = arith.constant 0 : i32
        %get3A_515 = tpu.memref_slice %arg10[%scan3A_254, %get3A_513, %get3A_514] : memref<4x128x32xf32, #tpu.memory_space<vmem>> -> memref<1x128x32xf32, #tpu.memory_space<vmem>>
        %get3A_516 = tpu.memref_squeeze %get3A_515 : memref<1x128x32xf32, #tpu.memory_space<vmem>> -> memref<128x32xf32, #tpu.memory_space<vmem>>
        %get3A_517 = arith.index_cast %add3A_512 : i32 to index
        %get3A_518 = arith.constant 0 : index
        %get3A_519 = tpu.vector_load %get3A_516[%get3A_517, %get3A_518] {strides = array<i32>} : memref<128x32xf32, #tpu.memory_space<vmem>>, vector<1x16xf32>,
        %get3A_520 = vector.shape_cast %get3A_519 : vector<1x16xf32> to vector<16xf32>
        %mul3A_521 = vector.broadcast %squeeze3A_508 : f32 to vector<16xf32>
        %mul3A_522 = arith.mulf %get3A_520, %mul3A_521 : vector<16xf32>
        %swap3A_523 = arith.constant 0 : i32
        %swap3A_524 = arith.constant 0 : i32
        %swap3A_525 = tpu.memref_slice %arg10[%scan3A_254, %swap3A_523, %swap3A_524] : memref<4x128x32xf32, #tpu.memory_space<vmem>> -> memref<1x128x32xf32, #tpu.memory_space<vmem>>
        %swap3A_526 = tpu.memref_squeeze %swap3A_525 : memref<1x128x32xf32, #tpu.memory_space<vmem>> -> memref<128x32xf32, #tpu.memory_space<vmem>>
        %swap3A_527 = arith.index_cast %add3A_512 : i32 to index
        %swap3A_528 = arith.constant 0 : index
        %swap3A_529 = tpu.vector_load %swap3A_526[%swap3A_527, %swap3A_528] {strides = array<i32>} : memref<128x32xf32, #tpu.memory_space<vmem>>, vector<1x16xf32>,
        %swap3A_530 = vector.shape_cast %swap3A_529 : vector<1x16xf32> to vector<16xf32>
        %swap3A_531 = vector.shape_cast %mul3A_522 : vector<16xf32> to vector<1x16xf32>
        tpu.vector_store %swap3A_526[%swap3A_527, %swap3A_528], %swap3A_531 {strides = array<i32>} : memref<128x32xf32, #tpu.memory_space<vmem>>, vector<1x16xf32>,
        %get3A_532 = arith.constant 0 : i32
        %get3A_533 = arith.constant 0 : i32
        %get3A_534 = tpu.memref_slice %arg10[%scan3A_254, %get3A_532, %get3A_533] : memref<4x128x32xf32, #tpu.memory_space<vmem>> -> memref<1x128x32xf32, #tpu.memory_space<vmem>>
        %get3A_535 = tpu.memref_squeeze %get3A_534 : memref<1x128x32xf32, #tpu.memory_space<vmem>> -> memref<128x32xf32, #tpu.memory_space<vmem>>
        %get3A_536 = arith.index_cast %add3A_512 : i32 to index
        %get3A_537 = arith.constant 16 : index
        %get3A_538 = tpu.vector_load %get3A_535[%get3A_536, %get3A_537] {strides = array<i32>} : memref<128x32xf32, #tpu.memory_space<vmem>>, vector<1x16xf32>,
        %get3A_539 = vector.shape_cast %get3A_538 : vector<1x16xf32> to vector<16xf32>
        %mul3A_540 = vector.broadcast %squeeze3A_508 : f32 to vector<16xf32>
        %mul3A_541 = arith.mulf %get3A_539, %mul3A_540 : vector<16xf32>
        %swap3A_542 = arith.constant 0 : i32
        %swap3A_543 = arith.constant 0 : i32
        %swap3A_544 = tpu.memref_slice %arg10[%scan3A_254, %swap3A_542, %swap3A_543] : memref<4x128x32xf32, #tpu.memory_space<vmem>> -> memref<1x128x32xf32, #tpu.memory_space<vmem>>
        %swap3A_545 = tpu.memref_squeeze %swap3A_544 : memref<1x128x32xf32, #tpu.memory_space<vmem>> -> memref<128x32xf32, #tpu.memory_space<vmem>>
        %swap3A_546 = arith.index_cast %add3A_512 : i32 to index
        %swap3A_547 = arith.constant 16 : index
        %swap3A_548 = tpu.vector_load %swap3A_545[%swap3A_546, %swap3A_547] {strides = array<i32>} : memref<128x32xf32, #tpu.memory_space<vmem>>, vector<1x16xf32>,
        %swap3A_549 = vector.shape_cast %swap3A_548 : vector<1x16xf32> to vector<16xf32>
        %swap3A_550 = vector.shape_cast %mul3A_541 : vector<16xf32> to vector<1x16xf32>
        tpu.vector_store %swap3A_545[%swap3A_546, %swap3A_547], %swap3A_550 {strides = array<i32>} : memref<128x32xf32, #tpu.memory_space<vmem>>, vector<1x16xf32>,
        %slice3A_551 = vector.extract_strided_slice %get3A_289 {offsets = [6], sizes = [1], strides = [1]} : vector<16xf32> to vector<1xf32>
        %squeeze3A_552 = vector.extract %slice3A_551[0] : f32 from vector<1xf32>
        %mul3A_553 = arith.constant 16 : i32
        %mul3A_554 = arith.muli %add3A_284, %mul3A_553 : i32
        %add3A_555 = arith.constant 6 : i32
        %add3A_556 = arith.addi %mul3A_554, %add3A_555 : i32
        %get3A_557 = arith.constant 0 : i32
        %get3A_558 = arith.constant 0 : i32
        %get3A_559 = tpu.memref_slice %arg10[%scan3A_254, %get3A_557, %get3A_558] : memref<4x128x32xf32, #tpu.memory_space<vmem>> -> memref<1x128x32xf32, #tpu.memory_space<vmem>>
        %get3A_560 = tpu.memref_squeeze %get3A_559 : memref<1x128x32xf32, #tpu.memory_space<vmem>> -> memref<128x32xf32, #tpu.memory_space<vmem>>
        %get3A_561 = arith.index_cast %add3A_556 : i32 to index
        %get3A_562 = arith.constant 0 : index
        %get3A_563 = tpu.vector_load %get3A_560[%get3A_561, %get3A_562] {strides = array<i32>} : memref<128x32xf32, #tpu.memory_space<vmem>>, vector<1x16xf32>,
        %get3A_564 = vector.shape_cast %get3A_563 : vector<1x16xf32> to vector<16xf32>
        %mul3A_565 = vector.broadcast %squeeze3A_552 : f32 to vector<16xf32>
        %mul3A_566 = arith.mulf %get3A_564, %mul3A_565 : vector<16xf32>
        %swap3A_567 = arith.constant 0 : i32
        %swap3A_568 = arith.constant 0 : i32
        %swap3A_569 = tpu.memref_slice %arg10[%scan3A_254, %swap3A_567, %swap3A_568] : memref<4x128x32xf32, #tpu.memory_space<vmem>> -> memref<1x128x32xf32, #tpu.memory_space<vmem>>
        %swap3A_570 = tpu.memref_squeeze %swap3A_569 : memref<1x128x32xf32, #tpu.memory_space<vmem>> -> memref<128x32xf32, #tpu.memory_space<vmem>>
        %swap3A_571 = arith.index_cast %add3A_556 : i32 to index
        %swap3A_572 = arith.constant 0 : index
        %swap3A_573 = tpu.vector_load %swap3A_570[%swap3A_571, %swap3A_572] {strides = array<i32>} : memref<128x32xf32, #tpu.memory_space<vmem>>, vector<1x16xf32>,
        %swap3A_574 = vector.shape_cast %swap3A_573 : vector<1x16xf32> to vector<16xf32>
        %swap3A_575 = vector.shape_cast %mul3A_566 : vector<16xf32> to vector<1x16xf32>
        tpu.vector_store %swap3A_570[%swap3A_571, %swap3A_572], %swap3A_575 {strides = array<i32>} : memref<128x32xf32, #tpu.memory_space<vmem>>, vector<1x16xf32>,
        %get3A_576 = arith.constant 0 : i32
        %get3A_577 = arith.constant 0 : i32
        %get3A_578 = tpu.memref_slice %arg10[%scan3A_254, %get3A_576, %get3A_577] : memref<4x128x32xf32, #tpu.memory_space<vmem>> -> memref<1x128x32xf32, #tpu.memory_space<vmem>>
        %get3A_579 = tpu.memref_squeeze %get3A_578 : memref<1x128x32xf32, #tpu.memory_space<vmem>> -> memref<128x32xf32, #tpu.memory_space<vmem>>
        %get3A_580 = arith.index_cast %add3A_556 : i32 to index
        %get3A_581 = arith.constant 16 : index
        %get3A_582 = tpu.vector_load %get3A_579[%get3A_580, %get3A_581] {strides = array<i32>} : memref<128x32xf32, #tpu.memory_space<vmem>>, vector<1x16xf32>,
        %get3A_583 = vector.shape_cast %get3A_582 : vector<1x16xf32> to vector<16xf32>
        %mul3A_584 = vector.broadcast %squeeze3A_552 : f32 to vector<16xf32>
        %mul3A_585 = arith.mulf %get3A_583, %mul3A_584 : vector<16xf32>
        %swap3A_586 = arith.constant 0 : i32
        %swap3A_587 = arith.constant 0 : i32
        %swap3A_588 = tpu.memref_slice %arg10[%scan3A_254, %swap3A_586, %swap3A_587] : memref<4x128x32xf32, #tpu.memory_space<vmem>> -> memref<1x128x32xf32, #tpu.memory_space<vmem>>
        %swap3A_589 = tpu.memref_squeeze %swap3A_588 : memref<1x128x32xf32, #tpu.memory_space<vmem>> -> memref<128x32xf32, #tpu.memory_space<vmem>>
        %swap3A_590 = arith.index_cast %add3A_556 : i32 to index
        %swap3A_591 = arith.constant 16 : index
        %swap3A_592 = tpu.vector_load %swap3A_589[%swap3A_590, %swap3A_591] {strides = array<i32>} : memref<128x32xf32, #tpu.memory_space<vmem>>, vector<1x16xf32>,
        %swap3A_593 = vector.shape_cast %swap3A_592 : vector<1x16xf32> to vector<16xf32>
        %swap3A_594 = vector.shape_cast %mul3A_585 : vector<16xf32> to vector<1x16xf32>
        tpu.vector_store %swap3A_589[%swap3A_590, %swap3A_591], %swap3A_594 {strides = array<i32>} : memref<128x32xf32, #tpu.memory_space<vmem>>, vector<1x16xf32>,
        %slice3A_595 = vector.extract_strided_slice %get3A_289 {offsets = [7], sizes = [1], strides = [1]} : vector<16xf32> to vector<1xf32>
        %squeeze3A_596 = vector.extract %slice3A_595[0] : f32 from vector<1xf32>
        %mul3A_597 = arith.constant 16 : i32
        %mul3A_598 = arith.muli %add3A_284, %mul3A_597 : i32
        %add3A_599 = arith.constant 7 : i32
        %add3A_600 = arith.addi %mul3A_598, %add3A_599 : i32
        %get3A_601 = arith.constant 0 : i32
        %get3A_602 = arith.constant 0 : i32
        %get3A_603 = tpu.memref_slice %arg10[%scan3A_254, %get3A_601, %get3A_602] : memref<4x128x32xf32, #tpu.memory_space<vmem>> -> memref<1x128x32xf32, #tpu.memory_space<vmem>>
        %get3A_604 = tpu.memref_squeeze %get3A_603 : memref<1x128x32xf32, #tpu.memory_space<vmem>> -> memref<128x32xf32, #tpu.memory_space<vmem>>
        %get3A_605 = arith.index_cast %add3A_600 : i32 to index
        %get3A_606 = arith.constant 0 : index
        %get3A_607 = tpu.vector_load %get3A_604[%get3A_605, %get3A_606] {strides = array<i32>} : memref<128x32xf32, #tpu.memory_space<vmem>>, vector<1x16xf32>,
        %get3A_608 = vector.shape_cast %get3A_607 : vector<1x16xf32> to vector<16xf32>
        %mul3A_609 = vector.broadcast %squeeze3A_596 : f32 to vector<16xf32>
        %mul3A_610 = arith.mulf %get3A_608, %mul3A_609 : vector<16xf32>
        %swap3A_611 = arith.constant 0 : i32
        %swap3A_612 = arith.constant 0 : i32
        %swap3A_613 = tpu.memref_slice %arg10[%scan3A_254, %swap3A_611, %swap3A_612] : memref<4x128x32xf32, #tpu.memory_space<vmem>> -> memref<1x128x32xf32, #tpu.memory_space<vmem>>
        %swap3A_614 = tpu.memref_squeeze %swap3A_613 : memref<1x128x32xf32, #tpu.memory_space<vmem>> -> memref<128x32xf32, #tpu.memory_space<vmem>>
        %swap3A_615 = arith.index_cast %add3A_600 : i32 to index
        %swap3A_616 = arith.constant 0 : index
        %swap3A_617 = tpu.vector_load %swap3A_614[%swap3A_615, %swap3A_616] {strides = array<i32>} : memref<128x32xf32, #tpu.memory_space<vmem>>, vector<1x16xf32>,
        %swap3A_618 = vector.shape_cast %swap3A_617 : vector<1x16xf32> to vector<16xf32>
        %swap3A_619 = vector.shape_cast %mul3A_610 : vector<16xf32> to vector<1x16xf32>
        tpu.vector_store %swap3A_614[%swap3A_615, %swap3A_616], %swap3A_619 {strides = array<i32>} : memref<128x32xf32, #tpu.memory_space<vmem>>, vector<1x16xf32>,
        %get3A_620 = arith.constant 0 : i32
        %get3A_621 = arith.constant 0 : i32
        %get3A_622 = tpu.memref_slice %arg10[%scan3A_254, %get3A_620, %get3A_621] : memref<4x128x32xf32, #tpu.memory_space<vmem>> -> memref<1x128x32xf32, #tpu.memory_space<vmem>>
        %get3A_623 = tpu.memref_squeeze %get3A_622 : memref<1x128x32xf32, #tpu.memory_space<vmem>> -> memref<128x32xf32, #tpu.memory_space<vmem>>
        %get3A_624 = arith.index_cast %add3A_600 : i32 to index
        %get3A_625 = arith.constant 16 : index
        %get3A_626 = tpu.vector_load %get3A_623[%get3A_624, %get3A_625] {strides = array<i32>} : memref<128x32xf32, #tpu.memory_space<vmem>>, vector<1x16xf32>,
        %get3A_627 = vector.shape_cast %get3A_626 : vector<1x16xf32> to vector<16xf32>
        %mul3A_628 = vector.broadcast %squeeze3A_596 : f32 to vector<16xf32>
        %mul3A_629 = arith.mulf %get3A_627, %mul3A_628 : vector<16xf32>
        %swap3A_630 = arith.constant 0 : i32
        %swap3A_631 = arith.constant 0 : i32
        %swap3A_632 = tpu.memref_slice %arg10[%scan3A_254, %swap3A_630, %swap3A_631] : memref<4x128x32xf32, #tpu.memory_space<vmem>> -> memref<1x128x32xf32, #tpu.memory_space<vmem>>
        %swap3A_633 = tpu.memref_squeeze %swap3A_632 : memref<1x128x32xf32, #tpu.memory_space<vmem>> -> memref<128x32xf32, #tpu.memory_space<vmem>>
        %swap3A_634 = arith.index_cast %add3A_600 : i32 to index
        %swap3A_635 = arith.constant 16 : index
        %swap3A_636 = tpu.vector_load %swap3A_633[%swap3A_634, %swap3A_635] {strides = array<i32>} : memref<128x32xf32, #tpu.memory_space<vmem>>, vector<1x16xf32>,
        %swap3A_637 = vector.shape_cast %swap3A_636 : vector<1x16xf32> to vector<16xf32>
        %swap3A_638 = vector.shape_cast %mul3A_629 : vector<16xf32> to vector<1x16xf32>
        tpu.vector_store %swap3A_633[%swap3A_634, %swap3A_635], %swap3A_638 {strides = array<i32>} : memref<128x32xf32, #tpu.memory_space<vmem>>, vector<1x16xf32>,
        %slice3A_639 = vector.extract_strided_slice %get3A_289 {offsets = [8], sizes = [1], strides = [1]} : vector<16xf32> to vector<1xf32>
        %squeeze3A_640 = vector.extract %slice3A_639[0] : f32 from vector<1xf32>
        %mul3A_641 = arith.constant 16 : i32
        %mul3A_642 = arith.muli %add3A_284, %mul3A_641 : i32
        %add3A_643 = arith.constant 8 : i32
        %add3A_644 = arith.addi %mul3A_642, %add3A_643 : i32
        %get3A_645 = arith.constant 0 : i32
        %get3A_646 = arith.constant 0 : i32
        %get3A_647 = tpu.memref_slice %arg10[%scan3A_254, %get3A_645, %get3A_646] : memref<4x128x32xf32, #tpu.memory_space<vmem>> -> memref<1x128x32xf32, #tpu.memory_space<vmem>>
        %get3A_648 = tpu.memref_squeeze %get3A_647 : memref<1x128x32xf32, #tpu.memory_space<vmem>> -> memref<128x32xf32, #tpu.memory_space<vmem>>
        %get3A_649 = arith.index_cast %add3A_644 : i32 to index
        %get3A_650 = arith.constant 0 : index
        %get3A_651 = tpu.vector_load %get3A_648[%get3A_649, %get3A_650] {strides = array<i32>} : memref<128x32xf32, #tpu.memory_space<vmem>>, vector<1x16xf32>,
        %get3A_652 = vector.shape_cast %get3A_651 : vector<1x16xf32> to vector<16xf32>
        %mul3A_653 = vector.broadcast %squeeze3A_640 : f32 to vector<16xf32>
        %mul3A_654 = arith.mulf %get3A_652, %mul3A_653 : vector<16xf32>
        %swap3A_655 = arith.constant 0 : i32
        %swap3A_656 = arith.constant 0 : i32
        %swap3A_657 = tpu.memref_slice %arg10[%scan3A_254, %swap3A_655, %swap3A_656] : memref<4x128x32xf32, #tpu.memory_space<vmem>> -> memref<1x128x32xf32, #tpu.memory_space<vmem>>
        %swap3A_658 = tpu.memref_squeeze %swap3A_657 : memref<1x128x32xf32, #tpu.memory_space<vmem>> -> memref<128x32xf32, #tpu.memory_space<vmem>>
        %swap3A_659 = arith.index_cast %add3A_644 : i32 to index
        %swap3A_660 = arith.constant 0 : index
        %swap3A_661 = tpu.vector_load %swap3A_658[%swap3A_659, %swap3A_660] {strides = array<i32>} : memref<128x32xf32, #tpu.memory_space<vmem>>, vector<1x16xf32>,
        %swap3A_662 = vector.shape_cast %swap3A_661 : vector<1x16xf32> to vector<16xf32>
        %swap3A_663 = vector.shape_cast %mul3A_654 : vector<16xf32> to vector<1x16xf32>
        tpu.vector_store %swap3A_658[%swap3A_659, %swap3A_660], %swap3A_663 {strides = array<i32>} : memref<128x32xf32, #tpu.memory_space<vmem>>, vector<1x16xf32>,
        %get3A_664 = arith.constant 0 : i32
        %get3A_665 = arith.constant 0 : i32
        %get3A_666 = tpu.memref_slice %arg10[%scan3A_254, %get3A_664, %get3A_665] : memref<4x128x32xf32, #tpu.memory_space<vmem>> -> memref<1x128x32xf32, #tpu.memory_space<vmem>>
        %get3A_667 = tpu.memref_squeeze %get3A_666 : memref<1x128x32xf32, #tpu.memory_space<vmem>> -> memref<128x32xf32, #tpu.memory_space<vmem>>
        %get3A_668 = arith.index_cast %add3A_644 : i32 to index
        %get3A_669 = arith.constant 16 : index
        %get3A_670 = tpu.vector_load %get3A_667[%get3A_668, %get3A_669] {strides = array<i32>} : memref<128x32xf32, #tpu.memory_space<vmem>>, vector<1x16xf32>,
        %get3A_671 = vector.shape_cast %get3A_670 : vector<1x16xf32> to vector<16xf32>
        %mul3A_672 = vector.broadcast %squeeze3A_640 : f32 to vector<16xf32>
        %mul3A_673 = arith.mulf %get3A_671, %mul3A_672 : vector<16xf32>
        %swap3A_674 = arith.constant 0 : i32
        %swap3A_675 = arith.constant 0 : i32
        %swap3A_676 = tpu.memref_slice %arg10[%scan3A_254, %swap3A_674, %swap3A_675] : memref<4x128x32xf32, #tpu.memory_space<vmem>> -> memref<1x128x32xf32, #tpu.memory_space<vmem>>
        %swap3A_677 = tpu.memref_squeeze %swap3A_676 : memref<1x128x32xf32, #tpu.memory_space<vmem>> -> memref<128x32xf32, #tpu.memory_space<vmem>>
        %swap3A_678 = arith.index_cast %add3A_644 : i32 to index
        %swap3A_679 = arith.constant 16 : index
        %swap3A_680 = tpu.vector_load %swap3A_677[%swap3A_678, %swap3A_679] {strides = array<i32>} : memref<128x32xf32, #tpu.memory_space<vmem>>, vector<1x16xf32>,
        %swap3A_681 = vector.shape_cast %swap3A_680 : vector<1x16xf32> to vector<16xf32>
        %swap3A_682 = vector.shape_cast %mul3A_673 : vector<16xf32> to vector<1x16xf32>
        tpu.vector_store %swap3A_677[%swap3A_678, %swap3A_679], %swap3A_682 {strides = array<i32>} : memref<128x32xf32, #tpu.memory_space<vmem>>, vector<1x16xf32>,
        %slice3A_683 = vector.extract_strided_slice %get3A_289 {offsets = [9], sizes = [1], strides = [1]} : vector<16xf32> to vector<1xf32>
        %squeeze3A_684 = vector.extract %slice3A_683[0] : f32 from vector<1xf32>
        %mul3A_685 = arith.constant 16 : i32
        %mul3A_686 = arith.muli %add3A_284, %mul3A_685 : i32
        %add3A_687 = arith.constant 9 : i32
        %add3A_688 = arith.addi %mul3A_686, %add3A_687 : i32
        %get3A_689 = arith.constant 0 : i32
        %get3A_690 = arith.constant 0 : i32
        %get3A_691 = tpu.memref_slice %arg10[%scan3A_254, %get3A_689, %get3A_690] : memref<4x128x32xf32, #tpu.memory_space<vmem>> -> memref<1x128x32xf32, #tpu.memory_space<vmem>>
        %get3A_692 = tpu.memref_squeeze %get3A_691 : memref<1x128x32xf32, #tpu.memory_space<vmem>> -> memref<128x32xf32, #tpu.memory_space<vmem>>
        %get3A_693 = arith.index_cast %add3A_688 : i32 to index
        %get3A_694 = arith.constant 0 : index
        %get3A_695 = tpu.vector_load %get3A_692[%get3A_693, %get3A_694] {strides = array<i32>} : memref<128x32xf32, #tpu.memory_space<vmem>>, vector<1x16xf32>,
        %get3A_696 = vector.shape_cast %get3A_695 : vector<1x16xf32> to vector<16xf32>
        %mul3A_697 = vector.broadcast %squeeze3A_684 : f32 to vector<16xf32>
        %mul3A_698 = arith.mulf %get3A_696, %mul3A_697 : vector<16xf32>
        %swap3A_699 = arith.constant 0 : i32
        %swap3A_700 = arith.constant 0 : i32
        %swap3A_701 = tpu.memref_slice %arg10[%scan3A_254, %swap3A_699, %swap3A_700] : memref<4x128x32xf32, #tpu.memory_space<vmem>> -> memref<1x128x32xf32, #tpu.memory_space<vmem>>
        %swap3A_702 = tpu.memref_squeeze %swap3A_701 : memref<1x128x32xf32, #tpu.memory_space<vmem>> -> memref<128x32xf32, #tpu.memory_space<vmem>>
        %swap3A_703 = arith.index_cast %add3A_688 : i32 to index
        %swap3A_704 = arith.constant 0 : index
        %swap3A_705 = tpu.vector_load %swap3A_702[%swap3A_703, %swap3A_704] {strides = array<i32>} : memref<128x32xf32, #tpu.memory_space<vmem>>, vector<1x16xf32>,
        %swap3A_706 = vector.shape_cast %swap3A_705 : vector<1x16xf32> to vector<16xf32>
        %swap3A_707 = vector.shape_cast %mul3A_698 : vector<16xf32> to vector<1x16xf32>
        tpu.vector_store %swap3A_702[%swap3A_703, %swap3A_704], %swap3A_707 {strides = array<i32>} : memref<128x32xf32, #tpu.memory_space<vmem>>, vector<1x16xf32>,
        %get3A_708 = arith.constant 0 : i32
        %get3A_709 = arith.constant 0 : i32
        %get3A_710 = tpu.memref_slice %arg10[%scan3A_254, %get3A_708, %get3A_709] : memref<4x128x32xf32, #tpu.memory_space<vmem>> -> memref<1x128x32xf32, #tpu.memory_space<vmem>>
        %get3A_711 = tpu.memref_squeeze %get3A_710 : memref<1x128x32xf32, #tpu.memory_space<vmem>> -> memref<128x32xf32, #tpu.memory_space<vmem>>
        %get3A_712 = arith.index_cast %add3A_688 : i32 to index
        %get3A_713 = arith.constant 16 : index
        %get3A_714 = tpu.vector_load %get3A_711[%get3A_712, %get3A_713] {strides = array<i32>} : memref<128x32xf32, #tpu.memory_space<vmem>>, vector<1x16xf32>,
        %get3A_715 = vector.shape_cast %get3A_714 : vector<1x16xf32> to vector<16xf32>
        %mul3A_716 = vector.broadcast %squeeze3A_684 : f32 to vector<16xf32>
        %mul3A_717 = arith.mulf %get3A_715, %mul3A_716 : vector<16xf32>
        %swap3A_718 = arith.constant 0 : i32
        %swap3A_719 = arith.constant 0 : i32
        %swap3A_720 = tpu.memref_slice %arg10[%scan3A_254, %swap3A_718, %swap3A_719] : memref<4x128x32xf32, #tpu.memory_space<vmem>> -> memref<1x128x32xf32, #tpu.memory_space<vmem>>
        %swap3A_721 = tpu.memref_squeeze %swap3A_720 : memref<1x128x32xf32, #tpu.memory_space<vmem>> -> memref<128x32xf32, #tpu.memory_space<vmem>>
        %swap3A_722 = arith.index_cast %add3A_688 : i32 to index
        %swap3A_723 = arith.constant 16 : index
        %swap3A_724 = tpu.vector_load %swap3A_721[%swap3A_722, %swap3A_723] {strides = array<i32>} : memref<128x32xf32, #tpu.memory_space<vmem>>, vector<1x16xf32>,
        %swap3A_725 = vector.shape_cast %swap3A_724 : vector<1x16xf32> to vector<16xf32>
        %swap3A_726 = vector.shape_cast %mul3A_717 : vector<16xf32> to vector<1x16xf32>
        tpu.vector_store %swap3A_721[%swap3A_722, %swap3A_723], %swap3A_726 {strides = array<i32>} : memref<128x32xf32, #tpu.memory_space<vmem>>, vector<1x16xf32>,
        %slice3A_727 = vector.extract_strided_slice %get3A_289 {offsets = [10], sizes = [1], strides = [1]} : vector<16xf32> to vector<1xf32>
        %squeeze3A_728 = vector.extract %slice3A_727[0] : f32 from vector<1xf32>
        %mul3A_729 = arith.constant 16 : i32
        %mul3A_730 = arith.muli %add3A_284, %mul3A_729 : i32
        %add3A_731 = arith.constant 10 : i32
        %add3A_732 = arith.addi %mul3A_730, %add3A_731 : i32
        %get3A_733 = arith.constant 0 : i32
        %get3A_734 = arith.constant 0 : i32
        %get3A_735 = tpu.memref_slice %arg10[%scan3A_254, %get3A_733, %get3A_734] : memref<4x128x32xf32, #tpu.memory_space<vmem>> -> memref<1x128x32xf32, #tpu.memory_space<vmem>>
        %get3A_736 = tpu.memref_squeeze %get3A_735 : memref<1x128x32xf32, #tpu.memory_space<vmem>> -> memref<128x32xf32, #tpu.memory_space<vmem>>
        %get3A_737 = arith.index_cast %add3A_732 : i32 to index
        %get3A_738 = arith.constant 0 : index
        %get3A_739 = tpu.vector_load %get3A_736[%get3A_737, %get3A_738] {strides = array<i32>} : memref<128x32xf32, #tpu.memory_space<vmem>>, vector<1x16xf32>,
        %get3A_740 = vector.shape_cast %get3A_739 : vector<1x16xf32> to vector<16xf32>
        %mul3A_741 = vector.broadcast %squeeze3A_728 : f32 to vector<16xf32>
        %mul3A_742 = arith.mulf %get3A_740, %mul3A_741 : vector<16xf32>
        %swap3A_743 = arith.constant 0 : i32
        %swap3A_744 = arith.constant 0 : i32
        %swap3A_745 = tpu.memref_slice %arg10[%scan3A_254, %swap3A_743, %swap3A_744] : memref<4x128x32xf32, #tpu.memory_space<vmem>> -> memref<1x128x32xf32, #tpu.memory_space<vmem>>
        %swap3A_746 = tpu.memref_squeeze %swap3A_745 : memref<1x128x32xf32, #tpu.memory_space<vmem>> -> memref<128x32xf32, #tpu.memory_space<vmem>>
        %swap3A_747 = arith.index_cast %add3A_732 : i32 to index
        %swap3A_748 = arith.constant 0 : index
        %swap3A_749 = tpu.vector_load %swap3A_746[%swap3A_747, %swap3A_748] {strides = array<i32>} : memref<128x32xf32, #tpu.memory_space<vmem>>, vector<1x16xf32>,
        %swap3A_750 = vector.shape_cast %swap3A_749 : vector<1x16xf32> to vector<16xf32>
        %swap3A_751 = vector.shape_cast %mul3A_742 : vector<16xf32> to vector<1x16xf32>
        tpu.vector_store %swap3A_746[%swap3A_747, %swap3A_748], %swap3A_751 {strides = array<i32>} : memref<128x32xf32, #tpu.memory_space<vmem>>, vector<1x16xf32>,
        %get3A_752 = arith.constant 0 : i32
        %get3A_753 = arith.constant 0 : i32
        %get3A_754 = tpu.memref_slice %arg10[%scan3A_254, %get3A_752, %get3A_753] : memref<4x128x32xf32, #tpu.memory_space<vmem>> -> memref<1x128x32xf32, #tpu.memory_space<vmem>>
        %get3A_755 = tpu.memref_squeeze %get3A_754 : memref<1x128x32xf32, #tpu.memory_space<vmem>> -> memref<128x32xf32, #tpu.memory_space<vmem>>
        %get3A_756 = arith.index_cast %add3A_732 : i32 to index
        %get3A_757 = arith.constant 16 : index
        %get3A_758 = tpu.vector_load %get3A_755[%get3A_756, %get3A_757] {strides = array<i32>} : memref<128x32xf32, #tpu.memory_space<vmem>>, vector<1x16xf32>,
        %get3A_759 = vector.shape_cast %get3A_758 : vector<1x16xf32> to vector<16xf32>
        %mul3A_760 = vector.broadcast %squeeze3A_728 : f32 to vector<16xf32>
        %mul3A_761 = arith.mulf %get3A_759, %mul3A_760 : vector<16xf32>
        %swap3A_762 = arith.constant 0 : i32
        %swap3A_763 = arith.constant 0 : i32
        %swap3A_764 = tpu.memref_slice %arg10[%scan3A_254, %swap3A_762, %swap3A_763] : memref<4x128x32xf32, #tpu.memory_space<vmem>> -> memref<1x128x32xf32, #tpu.memory_space<vmem>>
        %swap3A_765 = tpu.memref_squeeze %swap3A_764 : memref<1x128x32xf32, #tpu.memory_space<vmem>> -> memref<128x32xf32, #tpu.memory_space<vmem>>
        %swap3A_766 = arith.index_cast %add3A_732 : i32 to index
        %swap3A_767 = arith.constant 16 : index
        %swap3A_768 = tpu.vector_load %swap3A_765[%swap3A_766, %swap3A_767] {strides = array<i32>} : memref<128x32xf32, #tpu.memory_space<vmem>>, vector<1x16xf32>,
        %swap3A_769 = vector.shape_cast %swap3A_768 : vector<1x16xf32> to vector<16xf32>
        %swap3A_770 = vector.shape_cast %mul3A_761 : vector<16xf32> to vector<1x16xf32>
        tpu.vector_store %swap3A_765[%swap3A_766, %swap3A_767], %swap3A_770 {strides = array<i32>} : memref<128x32xf32, #tpu.memory_space<vmem>>, vector<1x16xf32>,
        %slice3A_771 = vector.extract_strided_slice %get3A_289 {offsets = [11], sizes = [1], strides = [1]} : vector<16xf32> to vector<1xf32>
        %squeeze3A_772 = vector.extract %slice3A_771[0] : f32 from vector<1xf32>
        %mul3A_773 = arith.constant 16 : i32
        %mul3A_774 = arith.muli %add3A_284, %mul3A_773 : i32
        %add3A_775 = arith.constant 11 : i32
        %add3A_776 = arith.addi %mul3A_774, %add3A_775 : i32
        %get3A_777 = arith.constant 0 : i32
        %get3A_778 = arith.constant 0 : i32
        %get3A_779 = tpu.memref_slice %arg10[%scan3A_254, %get3A_777, %get3A_778] : memref<4x128x32xf32, #tpu.memory_space<vmem>> -> memref<1x128x32xf32, #tpu.memory_space<vmem>>
        %get3A_780 = tpu.memref_squeeze %get3A_779 : memref<1x128x32xf32, #tpu.memory_space<vmem>> -> memref<128x32xf32, #tpu.memory_space<vmem>>
        %get3A_781 = arith.index_cast %add3A_776 : i32 to index
        %get3A_782 = arith.constant 0 : index
        %get3A_783 = tpu.vector_load %get3A_780[%get3A_781, %get3A_782] {strides = array<i32>} : memref<128x32xf32, #tpu.memory_space<vmem>>, vector<1x16xf32>,
        %get3A_784 = vector.shape_cast %get3A_783 : vector<1x16xf32> to vector<16xf32>
        %mul3A_785 = vector.broadcast %squeeze3A_772 : f32 to vector<16xf32>
        %mul3A_786 = arith.mulf %get3A_784, %mul3A_785 : vector<16xf32>
        %swap3A_787 = arith.constant 0 : i32
        %swap3A_788 = arith.constant 0 : i32
        %swap3A_789 = tpu.memref_slice %arg10[%scan3A_254, %swap3A_787, %swap3A_788] : memref<4x128x32xf32, #tpu.memory_space<vmem>> -> memref<1x128x32xf32, #tpu.memory_space<vmem>>
        %swap3A_790 = tpu.memref_squeeze %swap3A_789 : memref<1x128x32xf32, #tpu.memory_space<vmem>> -> memref<128x32xf32, #tpu.memory_space<vmem>>
        %swap3A_791 = arith.index_cast %add3A_776 : i32 to index
        %swap3A_792 = arith.constant 0 : index
        %swap3A_793 = tpu.vector_load %swap3A_790[%swap3A_791, %swap3A_792] {strides = array<i32>} : memref<128x32xf32, #tpu.memory_space<vmem>>, vector<1x16xf32>,
        %swap3A_794 = vector.shape_cast %swap3A_793 : vector<1x16xf32> to vector<16xf32>
        %swap3A_795 = vector.shape_cast %mul3A_786 : vector<16xf32> to vector<1x16xf32>
        tpu.vector_store %swap3A_790[%swap3A_791, %swap3A_792], %swap3A_795 {strides = array<i32>} : memref<128x32xf32, #tpu.memory_space<vmem>>, vector<1x16xf32>,
        %get3A_796 = arith.constant 0 : i32
        %get3A_797 = arith.constant 0 : i32
        %get3A_798 = tpu.memref_slice %arg10[%scan3A_254, %get3A_796, %get3A_797] : memref<4x128x32xf32, #tpu.memory_space<vmem>> -> memref<1x128x32xf32, #tpu.memory_space<vmem>>
        %get3A_799 = tpu.memref_squeeze %get3A_798 : memref<1x128x32xf32, #tpu.memory_space<vmem>> -> memref<128x32xf32, #tpu.memory_space<vmem>>
        %get3A_800 = arith.index_cast %add3A_776 : i32 to index
        %get3A_801 = arith.constant 16 : index
        %get3A_802 = tpu.vector_load %get3A_799[%get3A_800, %get3A_801] {strides = array<i32>} : memref<128x32xf32, #tpu.memory_space<vmem>>, vector<1x16xf32>,
        %get3A_803 = vector.shape_cast %get3A_802 : vector<1x16xf32> to vector<16xf32>
        %mul3A_804 = vector.broadcast %squeeze3A_772 : f32 to vector<16xf32>
        %mul3A_805 = arith.mulf %get3A_803, %mul3A_804 : vector<16xf32>
        %swap3A_806 = arith.constant 0 : i32
        %swap3A_807 = arith.constant 0 : i32
        %swap3A_808 = tpu.memref_slice %arg10[%scan3A_254, %swap3A_806, %swap3A_807] : memref<4x128x32xf32, #tpu.memory_space<vmem>> -> memref<1x128x32xf32, #tpu.memory_space<vmem>>
        %swap3A_809 = tpu.memref_squeeze %swap3A_808 : memref<1x128x32xf32, #tpu.memory_space<vmem>> -> memref<128x32xf32, #tpu.memory_space<vmem>>
        %swap3A_810 = arith.index_cast %add3A_776 : i32 to index
        %swap3A_811 = arith.constant 16 : index
        %swap3A_812 = tpu.vector_load %swap3A_809[%swap3A_810, %swap3A_811] {strides = array<i32>} : memref<128x32xf32, #tpu.memory_space<vmem>>, vector<1x16xf32>,
        %swap3A_813 = vector.shape_cast %swap3A_812 : vector<1x16xf32> to vector<16xf32>
        %swap3A_814 = vector.shape_cast %mul3A_805 : vector<16xf32> to vector<1x16xf32>
        tpu.vector_store %swap3A_809[%swap3A_810, %swap3A_811], %swap3A_814 {strides = array<i32>} : memref<128x32xf32, #tpu.memory_space<vmem>>, vector<1x16xf32>,
        %slice3A_815 = vector.extract_strided_slice %get3A_289 {offsets = [12], sizes = [1], strides = [1]} : vector<16xf32> to vector<1xf32>
        %squeeze3A_816 = vector.extract %slice3A_815[0] : f32 from vector<1xf32>
        %mul3A_817 = arith.constant 16 : i32
        %mul3A_818 = arith.muli %add3A_284, %mul3A_817 : i32
        %add3A_819 = arith.constant 12 : i32
        %add3A_820 = arith.addi %mul3A_818, %add3A_819 : i32
        %get3A_821 = arith.constant 0 : i32
        %get3A_822 = arith.constant 0 : i32
        %get3A_823 = tpu.memref_slice %arg10[%scan3A_254, %get3A_821, %get3A_822] : memref<4x128x32xf32, #tpu.memory_space<vmem>> -> memref<1x128x32xf32, #tpu.memory_space<vmem>>
        %get3A_824 = tpu.memref_squeeze %get3A_823 : memref<1x128x32xf32, #tpu.memory_space<vmem>> -> memref<128x32xf32, #tpu.memory_space<vmem>>
        %get3A_825 = arith.index_cast %add3A_820 : i32 to index
        %get3A_826 = arith.constant 0 : index
        %get3A_827 = tpu.vector_load %get3A_824[%get3A_825, %get3A_826] {strides = array<i32>} : memref<128x32xf32, #tpu.memory_space<vmem>>, vector<1x16xf32>,
        %get3A_828 = vector.shape_cast %get3A_827 : vector<1x16xf32> to vector<16xf32>
        %mul3A_829 = vector.broadcast %squeeze3A_816 : f32 to vector<16xf32>
        %mul3A_830 = arith.mulf %get3A_828, %mul3A_829 : vector<16xf32>
        %swap3A_831 = arith.constant 0 : i32
        %swap3A_832 = arith.constant 0 : i32
        %swap3A_833 = tpu.memref_slice %arg10[%scan3A_254, %swap3A_831, %swap3A_832] : memref<4x128x32xf32, #tpu.memory_space<vmem>> -> memref<1x128x32xf32, #tpu.memory_space<vmem>>
        %swap3A_834 = tpu.memref_squeeze %swap3A_833 : memref<1x128x32xf32, #tpu.memory_space<vmem>> -> memref<128x32xf32, #tpu.memory_space<vmem>>
        %swap3A_835 = arith.index_cast %add3A_820 : i32 to index
        %swap3A_836 = arith.constant 0 : index
        %swap3A_837 = tpu.vector_load %swap3A_834[%swap3A_835, %swap3A_836] {strides = array<i32>} : memref<128x32xf32, #tpu.memory_space<vmem>>, vector<1x16xf32>,
        %swap3A_838 = vector.shape_cast %swap3A_837 : vector<1x16xf32> to vector<16xf32>
        %swap3A_839 = vector.shape_cast %mul3A_830 : vector<16xf32> to vector<1x16xf32>
        tpu.vector_store %swap3A_834[%swap3A_835, %swap3A_836], %swap3A_839 {strides = array<i32>} : memref<128x32xf32, #tpu.memory_space<vmem>>, vector<1x16xf32>,
        %get3A_840 = arith.constant 0 : i32
        %get3A_841 = arith.constant 0 : i32
        %get3A_842 = tpu.memref_slice %arg10[%scan3A_254, %get3A_840, %get3A_841] : memref<4x128x32xf32, #tpu.memory_space<vmem>> -> memref<1x128x32xf32, #tpu.memory_space<vmem>>
        %get3A_843 = tpu.memref_squeeze %get3A_842 : memref<1x128x32xf32, #tpu.memory_space<vmem>> -> memref<128x32xf32, #tpu.memory_space<vmem>>
        %get3A_844 = arith.index_cast %add3A_820 : i32 to index
        %get3A_845 = arith.constant 16 : index
        %get3A_846 = tpu.vector_load %get3A_843[%get3A_844, %get3A_845] {strides = array<i32>} : memref<128x32xf32, #tpu.memory_space<vmem>>, vector<1x16xf32>,
        %get3A_847 = vector.shape_cast %get3A_846 : vector<1x16xf32> to vector<16xf32>
        %mul3A_848 = vector.broadcast %squeeze3A_816 : f32 to vector<16xf32>
        %mul3A_849 = arith.mulf %get3A_847, %mul3A_848 : vector<16xf32>
        %swap3A_850 = arith.constant 0 : i32
        %swap3A_851 = arith.constant 0 : i32
        %swap3A_852 = tpu.memref_slice %arg10[%scan3A_254, %swap3A_850, %swap3A_851] : memref<4x128x32xf32, #tpu.memory_space<vmem>> -> memref<1x128x32xf32, #tpu.memory_space<vmem>>
        %swap3A_853 = tpu.memref_squeeze %swap3A_852 : memref<1x128x32xf32, #tpu.memory_space<vmem>> -> memref<128x32xf32, #tpu.memory_space<vmem>>
        %swap3A_854 = arith.index_cast %add3A_820 : i32 to index
        %swap3A_855 = arith.constant 16 : index
        %swap3A_856 = tpu.vector_load %swap3A_853[%swap3A_854, %swap3A_855] {strides = array<i32>} : memref<128x32xf32, #tpu.memory_space<vmem>>, vector<1x16xf32>,
        %swap3A_857 = vector.shape_cast %swap3A_856 : vector<1x16xf32> to vector<16xf32>
        %swap3A_858 = vector.shape_cast %mul3A_849 : vector<16xf32> to vector<1x16xf32>
        tpu.vector_store %swap3A_853[%swap3A_854, %swap3A_855], %swap3A_858 {strides = array<i32>} : memref<128x32xf32, #tpu.memory_space<vmem>>, vector<1x16xf32>,
        %slice3A_859 = vector.extract_strided_slice %get3A_289 {offsets = [13], sizes = [1], strides = [1]} : vector<16xf32> to vector<1xf32>
        %squeeze3A_860 = vector.extract %slice3A_859[0] : f32 from vector<1xf32>
        %mul3A_861 = arith.constant 16 : i32
        %mul3A_862 = arith.muli %add3A_284, %mul3A_861 : i32
        %add3A_863 = arith.constant 13 : i32
        %add3A_864 = arith.addi %mul3A_862, %add3A_863 : i32
        %get3A_865 = arith.constant 0 : i32
        %get3A_866 = arith.constant 0 : i32
        %get3A_867 = tpu.memref_slice %arg10[%scan3A_254, %get3A_865, %get3A_866] : memref<4x128x32xf32, #tpu.memory_space<vmem>> -> memref<1x128x32xf32, #tpu.memory_space<vmem>>
        %get3A_868 = tpu.memref_squeeze %get3A_867 : memref<1x128x32xf32, #tpu.memory_space<vmem>> -> memref<128x32xf32, #tpu.memory_space<vmem>>
        %get3A_869 = arith.index_cast %add3A_864 : i32 to index
        %get3A_870 = arith.constant 0 : index
        %get3A_871 = tpu.vector_load %get3A_868[%get3A_869, %get3A_870] {strides = array<i32>} : memref<128x32xf32, #tpu.memory_space<vmem>>, vector<1x16xf32>,
        %get3A_872 = vector.shape_cast %get3A_871 : vector<1x16xf32> to vector<16xf32>
        %mul3A_873 = vector.broadcast %squeeze3A_860 : f32 to vector<16xf32>
        %mul3A_874 = arith.mulf %get3A_872, %mul3A_873 : vector<16xf32>
        %swap3A_875 = arith.constant 0 : i32
        %swap3A_876 = arith.constant 0 : i32
        %swap3A_877 = tpu.memref_slice %arg10[%scan3A_254, %swap3A_875, %swap3A_876] : memref<4x128x32xf32, #tpu.memory_space<vmem>> -> memref<1x128x32xf32, #tpu.memory_space<vmem>>
        %swap3A_878 = tpu.memref_squeeze %swap3A_877 : memref<1x128x32xf32, #tpu.memory_space<vmem>> -> memref<128x32xf32, #tpu.memory_space<vmem>>
        %swap3A_879 = arith.index_cast %add3A_864 : i32 to index
        %swap3A_880 = arith.constant 0 : index
        %swap3A_881 = tpu.vector_load %swap3A_878[%swap3A_879, %swap3A_880] {strides = array<i32>} : memref<128x32xf32, #tpu.memory_space<vmem>>, vector<1x16xf32>,
        %swap3A_882 = vector.shape_cast %swap3A_881 : vector<1x16xf32> to vector<16xf32>
        %swap3A_883 = vector.shape_cast %mul3A_874 : vector<16xf32> to vector<1x16xf32>
        tpu.vector_store %swap3A_878[%swap3A_879, %swap3A_880], %swap3A_883 {strides = array<i32>} : memref<128x32xf32, #tpu.memory_space<vmem>>, vector<1x16xf32>,
        %get3A_884 = arith.constant 0 : i32
        %get3A_885 = arith.constant 0 : i32
        %get3A_886 = tpu.memref_slice %arg10[%scan3A_254, %get3A_884, %get3A_885] : memref<4x128x32xf32, #tpu.memory_space<vmem>> -> memref<1x128x32xf32, #tpu.memory_space<vmem>>
        %get3A_887 = tpu.memref_squeeze %get3A_886 : memref<1x128x32xf32, #tpu.memory_space<vmem>> -> memref<128x32xf32, #tpu.memory_space<vmem>>
        %get3A_888 = arith.index_cast %add3A_864 : i32 to index
        %get3A_889 = arith.constant 16 : index
        %get3A_890 = tpu.vector_load %get3A_887[%get3A_888, %get3A_889] {strides = array<i32>} : memref<128x32xf32, #tpu.memory_space<vmem>>, vector<1x16xf32>,
        %get3A_891 = vector.shape_cast %get3A_890 : vector<1x16xf32> to vector<16xf32>
        %mul3A_892 = vector.broadcast %squeeze3A_860 : f32 to vector<16xf32>
        %mul3A_893 = arith.mulf %get3A_891, %mul3A_892 : vector<16xf32>
        %swap3A_894 = arith.constant 0 : i32
        %swap3A_895 = arith.constant 0 : i32
        %swap3A_896 = tpu.memref_slice %arg10[%scan3A_254, %swap3A_894, %swap3A_895] : memref<4x128x32xf32, #tpu.memory_space<vmem>> -> memref<1x128x32xf32, #tpu.memory_space<vmem>>
        %swap3A_897 = tpu.memref_squeeze %swap3A_896 : memref<1x128x32xf32, #tpu.memory_space<vmem>> -> memref<128x32xf32, #tpu.memory_space<vmem>>
        %swap3A_898 = arith.index_cast %add3A_864 : i32 to index
        %swap3A_899 = arith.constant 16 : index
        %swap3A_900 = tpu.vector_load %swap3A_897[%swap3A_898, %swap3A_899] {strides = array<i32>} : memref<128x32xf32, #tpu.memory_space<vmem>>, vector<1x16xf32>,
        %swap3A_901 = vector.shape_cast %swap3A_900 : vector<1x16xf32> to vector<16xf32>
        %swap3A_902 = vector.shape_cast %mul3A_893 : vector<16xf32> to vector<1x16xf32>
        tpu.vector_store %swap3A_897[%swap3A_898, %swap3A_899], %swap3A_902 {strides = array<i32>} : memref<128x32xf32, #tpu.memory_space<vmem>>, vector<1x16xf32>,
        %slice3A_903 = vector.extract_strided_slice %get3A_289 {offsets = [14], sizes = [1], strides = [1]} : vector<16xf32> to vector<1xf32>
        %squeeze3A_904 = vector.extract %slice3A_903[0] : f32 from vector<1xf32>
        %mul3A_905 = arith.constant 16 : i32
        %mul3A_906 = arith.muli %add3A_284, %mul3A_905 : i32
        %add3A_907 = arith.constant 14 : i32
        %add3A_908 = arith.addi %mul3A_906, %add3A_907 : i32
        %get3A_909 = arith.constant 0 : i32
        %get3A_910 = arith.constant 0 : i32
        %get3A_911 = tpu.memref_slice %arg10[%scan3A_254, %get3A_909, %get3A_910] : memref<4x128x32xf32, #tpu.memory_space<vmem>> -> memref<1x128x32xf32, #tpu.memory_space<vmem>>
        %get3A_912 = tpu.memref_squeeze %get3A_911 : memref<1x128x32xf32, #tpu.memory_space<vmem>> -> memref<128x32xf32, #tpu.memory_space<vmem>>
        %get3A_913 = arith.index_cast %add3A_908 : i32 to index
        %get3A_914 = arith.constant 0 : index
        %get3A_915 = tpu.vector_load %get3A_912[%get3A_913, %get3A_914] {strides = array<i32>} : memref<128x32xf32, #tpu.memory_space<vmem>>, vector<1x16xf32>,
        %get3A_916 = vector.shape_cast %get3A_915 : vector<1x16xf32> to vector<16xf32>
        %mul3A_917 = vector.broadcast %squeeze3A_904 : f32 to vector<16xf32>
        %mul3A_918 = arith.mulf %get3A_916, %mul3A_917 : vector<16xf32>
        %swap3A_919 = arith.constant 0 : i32
        %swap3A_920 = arith.constant 0 : i32
        %swap3A_921 = tpu.memref_slice %arg10[%scan3A_254, %swap3A_919, %swap3A_920] : memref<4x128x32xf32, #tpu.memory_space<vmem>> -> memref<1x128x32xf32, #tpu.memory_space<vmem>>
        %swap3A_922 = tpu.memref_squeeze %swap3A_921 : memref<1x128x32xf32, #tpu.memory_space<vmem>> -> memref<128x32xf32, #tpu.memory_space<vmem>>
        %swap3A_923 = arith.index_cast %add3A_908 : i32 to index
        %swap3A_924 = arith.constant 0 : index
        %swap3A_925 = tpu.vector_load %swap3A_922[%swap3A_923, %swap3A_924] {strides = array<i32>} : memref<128x32xf32, #tpu.memory_space<vmem>>, vector<1x16xf32>,
        %swap3A_926 = vector.shape_cast %swap3A_925 : vector<1x16xf32> to vector<16xf32>
        %swap3A_927 = vector.shape_cast %mul3A_918 : vector<16xf32> to vector<1x16xf32>
        tpu.vector_store %swap3A_922[%swap3A_923, %swap3A_924], %swap3A_927 {strides = array<i32>} : memref<128x32xf32, #tpu.memory_space<vmem>>, vector<1x16xf32>,
        %get3A_928 = arith.constant 0 : i32
        %get3A_929 = arith.constant 0 : i32
        %get3A_930 = tpu.memref_slice %arg10[%scan3A_254, %get3A_928, %get3A_929] : memref<4x128x32xf32, #tpu.memory_space<vmem>> -> memref<1x128x32xf32, #tpu.memory_space<vmem>>
        %get3A_931 = tpu.memref_squeeze %get3A_930 : memref<1x128x32xf32, #tpu.memory_space<vmem>> -> memref<128x32xf32, #tpu.memory_space<vmem>>
        %get3A_932 = arith.index_cast %add3A_908 : i32 to index
        %get3A_933 = arith.constant 16 : index
        %get3A_934 = tpu.vector_load %get3A_931[%get3A_932, %get3A_933] {strides = array<i32>} : memref<128x32xf32, #tpu.memory_space<vmem>>, vector<1x16xf32>,
        %get3A_935 = vector.shape_cast %get3A_934 : vector<1x16xf32> to vector<16xf32>
        %mul3A_936 = vector.broadcast %squeeze3A_904 : f32 to vector<16xf32>
        %mul3A_937 = arith.mulf %get3A_935, %mul3A_936 : vector<16xf32>
        %swap3A_938 = arith.constant 0 : i32
        %swap3A_939 = arith.constant 0 : i32
        %swap3A_940 = tpu.memref_slice %arg10[%scan3A_254, %swap3A_938, %swap3A_939] : memref<4x128x32xf32, #tpu.memory_space<vmem>> -> memref<1x128x32xf32, #tpu.memory_space<vmem>>
        %swap3A_941 = tpu.memref_squeeze %swap3A_940 : memref<1x128x32xf32, #tpu.memory_space<vmem>> -> memref<128x32xf32, #tpu.memory_space<vmem>>
        %swap3A_942 = arith.index_cast %add3A_908 : i32 to index
        %swap3A_943 = arith.constant 16 : index
        %swap3A_944 = tpu.vector_load %swap3A_941[%swap3A_942, %swap3A_943] {strides = array<i32>} : memref<128x32xf32, #tpu.memory_space<vmem>>, vector<1x16xf32>,
        %swap3A_945 = vector.shape_cast %swap3A_944 : vector<1x16xf32> to vector<16xf32>
        %swap3A_946 = vector.shape_cast %mul3A_937 : vector<16xf32> to vector<1x16xf32>
        tpu.vector_store %swap3A_941[%swap3A_942, %swap3A_943], %swap3A_946 {strides = array<i32>} : memref<128x32xf32, #tpu.memory_space<vmem>>, vector<1x16xf32>,
        %slice3A_947 = vector.extract_strided_slice %get3A_289 {offsets = [15], sizes = [1], strides = [1]} : vector<16xf32> to vector<1xf32>
        %squeeze3A_948 = vector.extract %slice3A_947[0] : f32 from vector<1xf32>
        %mul3A_949 = arith.constant 16 : i32
        %mul3A_950 = arith.muli %add3A_284, %mul3A_949 : i32
        %add3A_951 = arith.constant 15 : i32
        %add3A_952 = arith.addi %mul3A_950, %add3A_951 : i32
        %get3A_953 = arith.constant 0 : i32
        %get3A_954 = arith.constant 0 : i32
        %get3A_955 = tpu.memref_slice %arg10[%scan3A_254, %get3A_953, %get3A_954] : memref<4x128x32xf32, #tpu.memory_space<vmem>> -> memref<1x128x32xf32, #tpu.memory_space<vmem>>
        %get3A_956 = tpu.memref_squeeze %get3A_955 : memref<1x128x32xf32, #tpu.memory_space<vmem>> -> memref<128x32xf32, #tpu.memory_space<vmem>>
        %get3A_957 = arith.index_cast %add3A_952 : i32 to index
        %get3A_958 = arith.constant 0 : index
        %get3A_959 = tpu.vector_load %get3A_956[%get3A_957, %get3A_958] {strides = array<i32>} : memref<128x32xf32, #tpu.memory_space<vmem>>, vector<1x16xf32>,
        %get3A_960 = vector.shape_cast %get3A_959 : vector<1x16xf32> to vector<16xf32>
        %mul3A_961 = vector.broadcast %squeeze3A_948 : f32 to vector<16xf32>
        %mul3A_962 = arith.mulf %get3A_960, %mul3A_961 : vector<16xf32>
        %swap3A_963 = arith.constant 0 : i32
        %swap3A_964 = arith.constant 0 : i32
        %swap3A_965 = tpu.memref_slice %arg10[%scan3A_254, %swap3A_963, %swap3A_964] : memref<4x128x32xf32, #tpu.memory_space<vmem>> -> memref<1x128x32xf32, #tpu.memory_space<vmem>>
        %swap3A_966 = tpu.memref_squeeze %swap3A_965 : memref<1x128x32xf32, #tpu.memory_space<vmem>> -> memref<128x32xf32, #tpu.memory_space<vmem>>
        %swap3A_967 = arith.index_cast %add3A_952 : i32 to index
        %swap3A_968 = arith.constant 0 : index
        %swap3A_969 = tpu.vector_load %swap3A_966[%swap3A_967, %swap3A_968] {strides = array<i32>} : memref<128x32xf32, #tpu.memory_space<vmem>>, vector<1x16xf32>,
        %swap3A_970 = vector.shape_cast %swap3A_969 : vector<1x16xf32> to vector<16xf32>
        %swap3A_971 = vector.shape_cast %mul3A_962 : vector<16xf32> to vector<1x16xf32>
        tpu.vector_store %swap3A_966[%swap3A_967, %swap3A_968], %swap3A_971 {strides = array<i32>} : memref<128x32xf32, #tpu.memory_space<vmem>>, vector<1x16xf32>,
        %get3A_972 = arith.constant 0 : i32
        %get3A_973 = arith.constant 0 : i32
        %get3A_974 = tpu.memref_slice %arg10[%scan3A_254, %get3A_972, %get3A_973] : memref<4x128x32xf32, #tpu.memory_space<vmem>> -> memref<1x128x32xf32, #tpu.memory_space<vmem>>
        %get3A_975 = tpu.memref_squeeze %get3A_974 : memref<1x128x32xf32, #tpu.memory_space<vmem>> -> memref<128x32xf32, #tpu.memory_space<vmem>>
        %get3A_976 = arith.index_cast %add3A_952 : i32 to index
        %get3A_977 = arith.constant 16 : index
        %get3A_978 = tpu.vector_load %get3A_975[%get3A_976, %get3A_977] {strides = array<i32>} : memref<128x32xf32, #tpu.memory_space<vmem>>, vector<1x16xf32>,
        %get3A_979 = vector.shape_cast %get3A_978 : vector<1x16xf32> to vector<16xf32>
        %mul3A_980 = vector.broadcast %squeeze3A_948 : f32 to vector<16xf32>
        %mul3A_981 = arith.mulf %get3A_979, %mul3A_980 : vector<16xf32>
        %swap3A_982 = arith.constant 0 : i32
        %swap3A_983 = arith.constant 0 : i32
        %swap3A_984 = tpu.memref_slice %arg10[%scan3A_254, %swap3A_982, %swap3A_983] : memref<4x128x32xf32, #tpu.memory_space<vmem>> -> memref<1x128x32xf32, #tpu.memory_space<vmem>>
        %swap3A_985 = tpu.memref_squeeze %swap3A_984 : memref<1x128x32xf32, #tpu.memory_space<vmem>> -> memref<128x32xf32, #tpu.memory_space<vmem>>
        %swap3A_986 = arith.index_cast %add3A_952 : i32 to index
        %swap3A_987 = arith.constant 16 : index
        %swap3A_988 = tpu.vector_load %swap3A_985[%swap3A_986, %swap3A_987] {strides = array<i32>} : memref<128x32xf32, #tpu.memory_space<vmem>>, vector<1x16xf32>,
        %swap3A_989 = vector.shape_cast %swap3A_988 : vector<1x16xf32> to vector<16xf32>
        %swap3A_990 = vector.shape_cast %mul3A_981 : vector<16xf32> to vector<1x16xf32>
        tpu.vector_store %swap3A_985[%swap3A_986, %swap3A_987], %swap3A_990 {strides = array<i32>} : memref<128x32xf32, #tpu.memory_space<vmem>>, vector<1x16xf32>,
      }
      %scan3A_259 = arith.constant 8 : i32
      %dma_start3A_260 = arith.constant 3 : i32
      %dma_start3A_261 = arith.constant 0 : i32
      %dma_start3A_262 = arith.constant 0 : i32
      %dma_start3A_263 = tpu.memref_slice %arg10[%dma_start3A_260, %dma_start3A_261, %dma_start3A_262] : memref<4x128x32xf32, #tpu.memory_space<vmem>> -> memref<1x128x32xf32, #tpu.memory_space<vmem>>
      %dma_start3A_264 = tpu.memref_squeeze %dma_start3A_263 : memref<1x128x32xf32, #tpu.memory_space<vmem>> -> memref<128x32xf32, #tpu.memory_space<vmem>>
      %dma_start3A_265 = arith.constant 0 : i32
      %dma_start3A_266 = tpu.memref_slice %arg8[%add3A_242, %dma_start3A_265] : memref<160x128xi32, #tpu.memory_space<vmem>> -> memref<1x128xi32, #tpu.memory_space<vmem>>
      %dma_start3A_267 = tpu.memref_squeeze %dma_start3A_266 : memref<1x128xi32, #tpu.memory_space<vmem>> -> memref<128xi32, #tpu.memory_space<vmem>>
      %dma_start3A_268 = arith.constant 0 : i32
      %dma_start3A_269 = arith.constant 0 : i32
      %dma_start3A_270 = tpu.memref_slice %arg12[%dma_start3A_268, %dma_start3A_269] : memref<10240x32xf32, #tpu.memory_space<vmem_shared>> -> memref<10240x32xf32, #tpu.memory_space<vmem_shared>>
      tpu.enqueue_indirect_dma source(%dma_start3A_264 : memref<128x32xf32, #tpu.memory_space<vmem>>) target(%dma_start3A_270 : memref<10240x32xf32, #tpu.memory_space<vmem_shared>>) offsets(%dma_start3A_267 : memref<128xi32, #tpu.memory_space<vmem>>) semaphore(%arg21 : memref<!tpu.dma_semaphore, #tpu.memory_space<semaphore_mem>>) {add = true}
      %add3A_271 = arith.constant 4 : i32
      %add3A_272 = arith.addi %add3A_242, %add3A_271 : i32
      %sub3A_273 = arith.constant 1 : i32
      %sub3A_274 = arith.subi %add3A_272, %sub3A_273 : i32
      %lt3A_275 = arith.constant 39 : i32
      %lt3A_276 = arith.cmpi slt, %add3A_116, %lt3A_275 : i32
      %convert_element_type3A_277 = arith.extui %lt3A_276 : i1 to i32
      %cond3A_278 = arith.constant 0 : i32
      %cond3A_279 = arith.cmpi ne, %convert_element_type3A_277, %cond3A_278 : i32
      scf.if %cond3A_279 {
        %sub3A_280 = arith.constant 4 : i32
        %sub3A_281 = arith.subi %sub3A_274, %sub3A_280 : i32
        %dma_wait3A_282 = arith.constant 2 : i32
        %dma_wait3A_283 = arith.constant 0 : i32
        %dma_wait3A_284 = arith.constant 0 : i32
        %dma_wait3A_285 = tpu.memref_slice %arg10[%dma_wait3A_282, %dma_wait3A_283, %dma_wait3A_284] : memref<4x128x32xf32, #tpu.memory_space<vmem>> -> memref<1x128x32xf32, #tpu.memory_space<vmem>>
        %dma_wait3A_286 = tpu.memref_squeeze %dma_wait3A_285 : memref<1x128x32xf32, #tpu.memory_space<vmem>> -> memref<128x32xf32, #tpu.memory_space<vmem>>
        %dma_wait3A_287 = arith.constant 0 : i32
        %dma_wait3A_288 = tpu.memref_slice %arg8[%sub3A_281, %dma_wait3A_287] : memref<160x128xi32, #tpu.memory_space<vmem>> -> memref<1x128xi32, #tpu.memory_space<vmem>>
        %dma_wait3A_289 = tpu.memref_squeeze %dma_wait3A_288 : memref<1x128xi32, #tpu.memory_space<vmem>> -> memref<128xi32, #tpu.memory_space<vmem>>
        %dma_wait3A_290 = arith.constant 0 : i32
        %dma_wait3A_291 = arith.constant 0 : i32
        %dma_wait3A_292 = tpu.memref_slice %arg12[%dma_wait3A_290, %dma_wait3A_291] : memref<10240x32xf32, #tpu.memory_space<vmem_shared>> -> memref<10240x32xf32, #tpu.memory_space<vmem_shared>>
        tpu.wait_indirect_dma semaphore(%arg20 : memref<!tpu.dma_semaphore, #tpu.memory_space<semaphore_mem>>) src(%dma_wait3A_286 : memref<128x32xf32, #tpu.memory_space<vmem>>) dst(%dma_wait3A_292 : memref<10240x32xf32, #tpu.memory_space<vmem_shared>>)
        %dma_start3A_293 = arith.constant 2 : i32
        %dma_start3A_294 = arith.constant 0 : i32
        %dma_start3A_295 = arith.constant 0 : i32
        %dma_start3A_296 = tpu.memref_slice %arg10[%dma_start3A_293, %dma_start3A_294, %dma_start3A_295] : memref<4x128x32xf32, #tpu.memory_space<vmem>> -> memref<1x128x32xf32, #tpu.memory_space<vmem>>
        %dma_start3A_297 = tpu.memref_squeeze %dma_start3A_296 : memref<1x128x32xf32, #tpu.memory_space<vmem>> -> memref<128x32xf32, #tpu.memory_space<vmem>>
        %dma_start3A_298 = arith.constant 0 : i32
        %dma_start3A_299 = tpu.memref_slice %arg7[%sub3A_274, %dma_start3A_298] : memref<160x128xi32, #tpu.memory_space<vmem>> -> memref<1x128xi32, #tpu.memory_space<vmem>>
        %dma_start3A_300 = tpu.memref_squeeze %dma_start3A_299 : memref<1x128xi32, #tpu.memory_space<vmem>> -> memref<128xi32, #tpu.memory_space<vmem>>
        %dma_start3A_301 = arith.constant 0 : i32
        %dma_start3A_302 = arith.constant 0 : i32
        %dma_start3A_303 = tpu.memref_slice %arg13[%dma_start3A_301, %dma_start3A_302] : memref<10240x32xf32, #tpu.memory_space<vmem_shared>> -> memref<10240x32xf32, #tpu.memory_space<vmem_shared>>
        tpu.enqueue_indirect_dma source(%dma_start3A_303 : memref<10240x32xf32, #tpu.memory_space<vmem_shared>>) target(%dma_start3A_297 : memref<128x32xf32, #tpu.memory_space<vmem>>) offsets(%dma_start3A_300 : memref<128xi32, #tpu.memory_space<vmem>>) semaphore(%arg16 : memref<!tpu.dma_semaphore, #tpu.memory_space<semaphore_mem>>)
      } else {
      }
    }
    %scan3A_53 = arith.constant 40 : i32
    %dma_wait3A = arith.constant 0 : i32
    %dma_wait3A_54 = arith.constant 156 : i32
    %dma_wait3A_55 = arith.constant 0 : i32
    %dma_wait3A_56 = arith.constant 0 : i32
    %dma_wait3A_57 = tpu.memref_slice %arg10[%dma_wait3A, %dma_wait3A_55, %dma_wait3A_56] : memref<4x128x32xf32, #tpu.memory_space<vmem>> -> memref<1x128x32xf32, #tpu.memory_space<vmem>>
    %dma_wait3A_58 = tpu.memref_squeeze %dma_wait3A_57 : memref<1x128x32xf32, #tpu.memory_space<vmem>> -> memref<128x32xf32, #tpu.memory_space<vmem>>
    %dma_wait3A_59 = arith.constant 0 : i32
    %dma_wait3A_60 = tpu.memref_slice %arg8[%dma_wait3A_54, %dma_wait3A_59] : memref<160x128xi32, #tpu.memory_space<vmem>> -> memref<1x128xi32, #tpu.memory_space<vmem>>
    %dma_wait3A_61 = tpu.memref_squeeze %dma_wait3A_60 : memref<1x128xi32, #tpu.memory_space<vmem>> -> memref<128xi32, #tpu.memory_space<vmem>>
    %dma_wait3A_62 = arith.constant 0 : i32
    %dma_wait3A_63 = arith.constant 0 : i32
    %dma_wait3A_64 = tpu.memref_slice %arg12[%dma_wait3A_62, %dma_wait3A_63] : memref<10240x32xf32, #tpu.memory_space<vmem_shared>> -> memref<10240x32xf32, #tpu.memory_space<vmem_shared>>
    tpu.wait_indirect_dma semaphore(%arg18 : memref<!tpu.dma_semaphore, #tpu.memory_space<semaphore_mem>>) src(%dma_wait3A_58 : memref<128x32xf32, #tpu.memory_space<vmem>>) dst(%dma_wait3A_64 : memref<10240x32xf32, #tpu.memory_space<vmem_shared>>)
    %dma_wait3A_65 = arith.constant 1 : i32
    %dma_wait3A_66 = arith.constant 157 : i32
    %dma_wait3A_67 = arith.constant 0 : i32
    %dma_wait3A_68 = arith.constant 0 : i32
    %dma_wait3A_69 = tpu.memref_slice %arg10[%dma_wait3A_65, %dma_wait3A_67, %dma_wait3A_68] : memref<4x128x32xf32, #tpu.memory_space<vmem>> -> memref<1x128x32xf32, #tpu.memory_space<vmem>>
    %dma_wait3A_70 = tpu.memref_squeeze %dma_wait3A_69 : memref<1x128x32xf32, #tpu.memory_space<vmem>> -> memref<128x32xf32, #tpu.memory_space<vmem>>
    %dma_wait3A_71 = arith.constant 0 : i32
    %dma_wait3A_72 = tpu.memref_slice %arg8[%dma_wait3A_66, %dma_wait3A_71] : memref<160x128xi32, #tpu.memory_space<vmem>> -> memref<1x128xi32, #tpu.memory_space<vmem>>
    %dma_wait3A_73 = tpu.memref_squeeze %dma_wait3A_72 : memref<1x128xi32, #tpu.memory_space<vmem>> -> memref<128xi32, #tpu.memory_space<vmem>>
    %dma_wait3A_74 = arith.constant 0 : i32
    %dma_wait3A_75 = arith.constant 0 : i32
    %dma_wait3A_76 = tpu.memref_slice %arg12[%dma_wait3A_74, %dma_wait3A_75] : memref<10240x32xf32, #tpu.memory_space<vmem_shared>> -> memref<10240x32xf32, #tpu.memory_space<vmem_shared>>
    tpu.wait_indirect_dma semaphore(%arg19 : memref<!tpu.dma_semaphore, #tpu.memory_space<semaphore_mem>>) src(%dma_wait3A_70 : memref<128x32xf32, #tpu.memory_space<vmem>>) dst(%dma_wait3A_76 : memref<10240x32xf32, #tpu.memory_space<vmem_shared>>)
    %dma_wait3A_77 = arith.constant 2 : i32
    %dma_wait3A_78 = arith.constant 158 : i32
    %dma_wait3A_79 = arith.constant 0 : i32
    %dma_wait3A_80 = arith.constant 0 : i32
    %dma_wait3A_81 = tpu.memref_slice %arg10[%dma_wait3A_77, %dma_wait3A_79, %dma_wait3A_80] : memref<4x128x32xf32, #tpu.memory_space<vmem>> -> memref<1x128x32xf32, #tpu.memory_space<vmem>>
    %dma_wait3A_82 = tpu.memref_squeeze %dma_wait3A_81 : memref<1x128x32xf32, #tpu.memory_space<vmem>> -> memref<128x32xf32, #tpu.memory_space<vmem>>
    %dma_wait3A_83 = arith.constant 0 : i32
    %dma_wait3A_84 = tpu.memref_slice %arg8[%dma_wait3A_78, %dma_wait3A_83] : memref<160x128xi32, #tpu.memory_space<vmem>> -> memref<1x128xi32, #tpu.memory_space<vmem>>
    %dma_wait3A_85 = tpu.memref_squeeze %dma_wait3A_84 : memref<1x128xi32, #tpu.memory_space<vmem>> -> memref<128xi32, #tpu.memory_space<vmem>>
    %dma_wait3A_86 = arith.constant 0 : i32
    %dma_wait3A_87 = arith.constant 0 : i32
    %dma_wait3A_88 = tpu.memref_slice %arg12[%dma_wait3A_86, %dma_wait3A_87] : memref<10240x32xf32, #tpu.memory_space<vmem_shared>> -> memref<10240x32xf32, #tpu.memory_space<vmem_shared>>
    tpu.wait_indirect_dma semaphore(%arg20 : memref<!tpu.dma_semaphore, #tpu.memory_space<semaphore_mem>>) src(%dma_wait3A_82 : memref<128x32xf32, #tpu.memory_space<vmem>>) dst(%dma_wait3A_88 : memref<10240x32xf32, #tpu.memory_space<vmem_shared>>)
    %dma_wait3A_89 = arith.constant 3 : i32
    %dma_wait3A_90 = arith.constant 159 : i32
    %dma_wait3A_91 = arith.constant 0 : i32
    %dma_wait3A_92 = arith.constant 0 : i32
    %dma_wait3A_93 = tpu.memref_slice %arg10[%dma_wait3A_89, %dma_wait3A_91, %dma_wait3A_92] : memref<4x128x32xf32, #tpu.memory_space<vmem>> -> memref<1x128x32xf32, #tpu.memory_space<vmem>>
    %dma_wait3A_94 = tpu.memref_squeeze %dma_wait3A_93 : memref<1x128x32xf32, #tpu.memory_space<vmem>> -> memref<128x32xf32, #tpu.memory_space<vmem>>
    %dma_wait3A_95 = arith.constant 0 : i32
    %dma_wait3A_96 = tpu.memref_slice %arg8[%dma_wait3A_90, %dma_wait3A_95] : memref<160x128xi32, #tpu.memory_space<vmem>> -> memref<1x128xi32, #tpu.memory_space<vmem>>
    %dma_wait3A_97 = tpu.memref_squeeze %dma_wait3A_96 : memref<1x128xi32, #tpu.memory_space<vmem>> -> memref<128xi32, #tpu.memory_space<vmem>>
    %dma_wait3A_98 = arith.constant 0 : i32
    %dma_wait3A_99 = arith.constant 0 : i32
    %dma_wait3A_100 = tpu.memref_slice %arg12[%dma_wait3A_98, %dma_wait3A_99] : memref<10240x32xf32, #tpu.memory_space<vmem_shared>> -> memref<10240x32xf32, #tpu.memory_space<vmem_shared>>
    tpu.wait_indirect_dma semaphore(%arg21 : memref<!tpu.dma_semaphore, #tpu.memory_space<semaphore_mem>>) src(%dma_wait3A_94 : memref<128x32xf32, #tpu.memory_space<vmem>>) dst(%dma_wait3A_100 : memref<10240x32xf32, #tpu.memory_space<vmem_shared>>)
    %barrier3A_101 = arith.constant 0 : index
    tpu.barrier barrier_id(%barrier3A_101)
    %add3A_102 = arith.constant 0 : i32
    %add3A_103 = arith.addi %mul3A_4, %add3A_102 : i32
    "tpu.region"() ({
      %run_scoped3A = tpu.sem_alloc : memref<!tpu.dma_semaphore, #tpu.memory_space<semaphore_mem>>
      %dma_start3A_112 = arith.constant 0 : i32
      %dma_start3A_113 = tpu.memref_slice %arg6[%arg0, %add3A_103, %dma_start3A_112] : memref<2x10240x32xf32, #tpu.memory_space<hbm>> -> memref<1x128x32xf32, #tpu.memory_space<hbm>>
      %dma_start3A_114 = tpu.memref_squeeze %dma_start3A_113 : memref<1x128x32xf32, #tpu.memory_space<hbm>> -> memref<128x32xf32, #tpu.memory_space<hbm>>
      %dma_start3A_115 = arith.constant 0 : i32
      %dma_start3A_116 = tpu.memref_slice %arg12[%add3A_103, %dma_start3A_115] : memref<10240x32xf32, #tpu.memory_space<vmem_shared>> -> memref<128x32xf32, #tpu.memory_space<vmem_shared>>
      tpu.enqueue_dma source(%dma_start3A_116 : memref<128x32xf32, #tpu.memory_space<vmem_shared>>) target(%dma_start3A_114 : memref<128x32xf32, #tpu.memory_space<hbm>>) target_semaphore(%run_scoped3A : memref<!tpu.dma_semaphore, #tpu.memory_space<semaphore_mem>>)
      %dma_wait3A_117 = arith.constant 0 : i32
      %dma_wait3A_118 = tpu.memref_slice %arg6[%arg0, %add3A_103, %dma_wait3A_117] : memref<2x10240x32xf32, #tpu.memory_space<hbm>> -> memref<1x128x32xf32, #tpu.memory_space<hbm>>
      %dma_wait3A_119 = tpu.memref_squeeze %dma_wait3A_118 : memref<1x128x32xf32, #tpu.memory_space<hbm>> -> memref<128x32xf32, #tpu.memory_space<hbm>>
      %dma_wait3A_120 = arith.constant 0 : i32
      %dma_wait3A_121 = tpu.memref_slice %arg12[%add3A_103, %dma_wait3A_120] : memref<10240x32xf32, #tpu.memory_space<vmem_shared>> -> memref<128x32xf32, #tpu.memory_space<vmem_shared>>
      tpu.wait_dma2 semaphore(%run_scoped3A : memref<!tpu.dma_semaphore, #tpu.memory_space<semaphore_mem>>) src(%dma_wait3A_121 : memref<128x32xf32, #tpu.memory_space<vmem_shared>>) dst(%dma_wait3A_119 : memref<128x32xf32, #tpu.memory_space<hbm>>)
      tpu.yield
    }) : () -> ()
    %add3A_104 = arith.constant 128 : i32
    %add3A_105 = arith.addi %mul3A_4, %add3A_104 : i32
    "tpu.region"() ({
      %run_scoped3A = tpu.sem_alloc : memref<!tpu.dma_semaphore, #tpu.memory_space<semaphore_mem>>
      %dma_start3A_112 = arith.constant 0 : i32
      %dma_start3A_113 = tpu.memref_slice %arg6[%arg0, %add3A_105, %dma_start3A_112] : memref<2x10240x32xf32, #tpu.memory_space<hbm>> -> memref<1x128x32xf32, #tpu.memory_space<hbm>>
      %dma_start3A_114 = tpu.memref_squeeze %dma_start3A_113 : memref<1x128x32xf32, #tpu.memory_space<hbm>> -> memref<128x32xf32, #tpu.memory_space<hbm>>
      %dma_start3A_115 = arith.constant 0 : i32
      %dma_start3A_116 = tpu.memref_slice %arg12[%add3A_105, %dma_start3A_115] : memref<10240x32xf32, #tpu.memory_space<vmem_shared>> -> memref<128x32xf32, #tpu.memory_space<vmem_shared>>
      tpu.enqueue_dma source(%dma_start3A_116 : memref<128x32xf32, #tpu.memory_space<vmem_shared>>) target(%dma_start3A_114 : memref<128x32xf32, #tpu.memory_space<hbm>>) target_semaphore(%run_scoped3A : memref<!tpu.dma_semaphore, #tpu.memory_space<semaphore_mem>>)
      %dma_wait3A_117 = arith.constant 0 : i32
      %dma_wait3A_118 = tpu.memref_slice %arg6[%arg0, %add3A_105, %dma_wait3A_117] : memref<2x10240x32xf32, #tpu.memory_space<hbm>> -> memref<1x128x32xf32, #tpu.memory_space<hbm>>
      %dma_wait3A_119 = tpu.memref_squeeze %dma_wait3A_118 : memref<1x128x32xf32, #tpu.memory_space<hbm>> -> memref<128x32xf32, #tpu.memory_space<hbm>>
      %dma_wait3A_120 = arith.constant 0 : i32
      %dma_wait3A_121 = tpu.memref_slice %arg12[%add3A_105, %dma_wait3A_120] : memref<10240x32xf32, #tpu.memory_space<vmem_shared>> -> memref<128x32xf32, #tpu.memory_space<vmem_shared>>
      tpu.wait_dma2 semaphore(%run_scoped3A : memref<!tpu.dma_semaphore, #tpu.memory_space<semaphore_mem>>) src(%dma_wait3A_121 : memref<128x32xf32, #tpu.memory_space<vmem_shared>>) dst(%dma_wait3A_119 : memref<128x32xf32, #tpu.memory_space<hbm>>)
      tpu.yield
    }) : () -> ()
    %add3A_106 = arith.constant 256 : i32
    %add3A_107 = arith.addi %mul3A_4, %add3A_106 : i32
    "tpu.region"() ({
      %run_scoped3A = tpu.sem_alloc : memref<!tpu.dma_semaphore, #tpu.memory_space<semaphore_mem>>
      %dma_start3A_112 = arith.constant 0 : i32
      %dma_start3A_113 = tpu.memref_slice %arg6[%arg0, %add3A_107, %dma_start3A_112] : memref<2x10240x32xf32, #tpu.memory_space<hbm>> -> memref<1x128x32xf32, #tpu.memory_space<hbm>>
      %dma_start3A_114 = tpu.memref_squeeze %dma_start3A_113 : memref<1x128x32xf32, #tpu.memory_space<hbm>> -> memref<128x32xf32, #tpu.memory_space<hbm>>
      %dma_start3A_115 = arith.constant 0 : i32
      %dma_start3A_116 = tpu.memref_slice %arg12[%add3A_107, %dma_start3A_115] : memref<10240x32xf32, #tpu.memory_space<vmem_shared>> -> memref<128x32xf32, #tpu.memory_space<vmem_shared>>
      tpu.enqueue_dma source(%dma_start3A_116 : memref<128x32xf32, #tpu.memory_space<vmem_shared>>) target(%dma_start3A_114 : memref<128x32xf32, #tpu.memory_space<hbm>>) target_semaphore(%run_scoped3A : memref<!tpu.dma_semaphore, #tpu.memory_space<semaphore_mem>>)
      %dma_wait3A_117 = arith.constant 0 : i32
      %dma_wait3A_118 = tpu.memref_slice %arg6[%arg0, %add3A_107, %dma_wait3A_117] : memref<2x10240x32xf32, #tpu.memory_space<hbm>> -> memref<1x128x32xf32, #tpu.memory_space<hbm>>
      %dma_wait3A_119 = tpu.memref_squeeze %dma_wait3A_118 : memref<1x128x32xf32, #tpu.memory_space<hbm>> -> memref<128x32xf32, #tpu.memory_space<hbm>>
      %dma_wait3A_120 = arith.constant 0 : i32
      %dma_wait3A_121 = tpu.memref_slice %arg12[%add3A_107, %dma_wait3A_120] : memref<10240x32xf32, #tpu.memory_space<vmem_shared>> -> memref<128x32xf32, #tpu.memory_space<vmem_shared>>
      tpu.wait_dma2 semaphore(%run_scoped3A : memref<!tpu.dma_semaphore, #tpu.memory_space<semaphore_mem>>) src(%dma_wait3A_121 : memref<128x32xf32, #tpu.memory_space<vmem_shared>>) dst(%dma_wait3A_119 : memref<128x32xf32, #tpu.memory_space<hbm>>)
      tpu.yield
    }) : () -> ()
    %add3A_108 = arith.constant 384 : i32
    %add3A_109 = arith.addi %mul3A_4, %add3A_108 : i32
    "tpu.region"() ({
      %run_scoped3A = tpu.sem_alloc : memref<!tpu.dma_semaphore, #tpu.memory_space<semaphore_mem>>
      %dma_start3A_112 = arith.constant 0 : i32
      %dma_start3A_113 = tpu.memref_slice %arg6[%arg0, %add3A_109, %dma_start3A_112] : memref<2x10240x32xf32, #tpu.memory_space<hbm>> -> memref<1x128x32xf32, #tpu.memory_space<hbm>>
      %dma_start3A_114 = tpu.memref_squeeze %dma_start3A_113 : memref<1x128x32xf32, #tpu.memory_space<hbm>> -> memref<128x32xf32, #tpu.memory_space<hbm>>
      %dma_start3A_115 = arith.constant 0 : i32
      %dma_start3A_116 = tpu.memref_slice %arg12[%add3A_109, %dma_start3A_115] : memref<10240x32xf32, #tpu.memory_space<vmem_shared>> -> memref<128x32xf32, #tpu.memory_space<vmem_shared>>
      tpu.enqueue_dma source(%dma_start3A_116 : memref<128x32xf32, #tpu.memory_space<vmem_shared>>) target(%dma_start3A_114 : memref<128x32xf32, #tpu.memory_space<hbm>>) target_semaphore(%run_scoped3A : memref<!tpu.dma_semaphore, #tpu.memory_space<semaphore_mem>>)
      %dma_wait3A_117 = arith.constant 0 : i32
      %dma_wait3A_118 = tpu.memref_slice %arg6[%arg0, %add3A_109, %dma_wait3A_117] : memref<2x10240x32xf32, #tpu.memory_space<hbm>> -> memref<1x128x32xf32, #tpu.memory_space<hbm>>
      %dma_wait3A_119 = tpu.memref_squeeze %dma_wait3A_118 : memref<1x128x32xf32, #tpu.memory_space<hbm>> -> memref<128x32xf32, #tpu.memory_space<hbm>>
      %dma_wait3A_120 = arith.constant 0 : i32
      %dma_wait3A_121 = tpu.memref_slice %arg12[%add3A_109, %dma_wait3A_120] : memref<10240x32xf32, #tpu.memory_space<vmem_shared>> -> memref<128x32xf32, #tpu.memory_space<vmem_shared>>
      tpu.wait_dma2 semaphore(%run_scoped3A : memref<!tpu.dma_semaphore, #tpu.memory_space<semaphore_mem>>) src(%dma_wait3A_121 : memref<128x32xf32, #tpu.memory_space<vmem_shared>>) dst(%dma_wait3A_119 : memref<128x32xf32, #tpu.memory_space<hbm>>)
      tpu.yield
    }) : () -> ()
    %add3A_110 = arith.constant 512 : i32
    %add3A_111 = arith.addi %mul3A_4, %add3A_110 : i32
    "tpu.region"() ({
      %run_scoped3A = tpu.sem_alloc : memref<!tpu.dma_semaphore, #tpu.memory_space<semaphore_mem>>
      %dma_start3A_112 = arith.constant 0 : i32
      %dma_start3A_113 = tpu.memref_slice %arg6[%arg0, %add3A_111, %dma_start3A_112] : memref<2x10240x32xf32, #tpu.memory_space<hbm>> -> memref<1x128x32xf32, #tpu.memory_space<hbm>>
      %dma_start3A_114 = tpu.memref_squeeze %dma_start3A_113 : memref<1x128x32xf32, #tpu.memory_space<hbm>> -> memref<128x32xf32, #tpu.memory_space<hbm>>
      %dma_start3A_115 = arith.constant 0 : i32
      %dma_start3A_116 = tpu.memref_slice %arg12[%add3A_111, %dma_start3A_115] : memref<10240x32xf32, #tpu.memory_space<vmem_shared>> -> memref<128x32xf32, #tpu.memory_space<vmem_shared>>
      tpu.enqueue_dma source(%dma_start3A_116 : memref<128x32xf32, #tpu.memory_space<vmem_shared>>) target(%dma_start3A_114 : memref<128x32xf32, #tpu.memory_space<hbm>>) target_semaphore(%run_scoped3A : memref<!tpu.dma_semaphore, #tpu.memory_space<semaphore_mem>>)
      %dma_wait3A_117 = arith.constant 0 : i32
      %dma_wait3A_118 = tpu.memref_slice %arg6[%arg0, %add3A_111, %dma_wait3A_117] : memref<2x10240x32xf32, #tpu.memory_space<hbm>> -> memref<1x128x32xf32, #tpu.memory_space<hbm>>
      %dma_wait3A_119 = tpu.memref_squeeze %dma_wait3A_118 : memref<1x128x32xf32, #tpu.memory_space<hbm>> -> memref<128x32xf32, #tpu.memory_space<hbm>>
      %dma_wait3A_120 = arith.constant 0 : i32
      %dma_wait3A_121 = tpu.memref_slice %arg12[%add3A_111, %dma_wait3A_120] : memref<10240x32xf32, #tpu.memory_space<vmem_shared>> -> memref<128x32xf32, #tpu.memory_space<vmem_shared>>
      tpu.wait_dma2 semaphore(%run_scoped3A : memref<!tpu.dma_semaphore, #tpu.memory_space<semaphore_mem>>) src(%dma_wait3A_121 : memref<128x32xf32, #tpu.memory_space<vmem_shared>>) dst(%dma_wait3A_119 : memref<128x32xf32, #tpu.memory_space<hbm>>)
      tpu.yield
    }) : () -> ()
    return
  }
}

module attributes {stable_mosaic.version = 14 : i64} {
  func.func @body(%arg0: memref<10000x128xf32, #tpu.memory_space<vmem>>, %arg1: memref<128x256xf32, #tpu.memory_space<vmem>>, %arg2: memref<1x256xf32, #tpu.memory_space<vmem>>, %arg3: memref<256x64xf32, #tpu.memory_space<vmem>>, %arg4: memref<2x10240x32xf32, #tpu.memory_space<vmem>>) attributes {dimension_semantics = [], scalar_prefetch = 0 : i64, scratch_operands = 0 : i64, tpu.core_type = #tpu.core_type<tc>} {
    %get3A = arith.constant 0 : index
    %get3A_0 = arith.constant 0 : index
    %get3A_1 = vector.load %arg1[%get3A, %get3A_0] : memref<128x256xf32, #tpu.memory_space<vmem>>, vector<128x256xf32>
    %get3A_2 = arith.constant 0 : index
    %get3A_3 = arith.constant 0 : index
    %get3A_4 = vector.load %arg3[%get3A_2, %get3A_3] : memref<256x64xf32, #tpu.memory_space<vmem>>, vector<256x64xf32>
    %dot_general3A = arith.constant dense<0.000000e+00> : vector<128x64xf32>
    %dot_general3A_5 = tpu.matmul %get3A_1, %get3A_4, %dot_general3A {dimension_numbers = #tpu.dot_dimension_numbers<[1], [0], [0], [1], [0, 0, 1, 1], [], []>, transpose_lhs_hint = false} : vector<128x256xf32>, vector<256x64xf32>, vector<128x64xf32> -> vector<128x64xf32>
    %get3A_6 = arith.constant 0 : index
    %get3A_7 = arith.constant 0 : index
    %get3A_8 = vector.load %arg2[%get3A_6, %get3A_7] : memref<1x256xf32, #tpu.memory_space<vmem>>, vector<1x256xf32>
    %get3A_9 = arith.constant 0 : index
    %get3A_10 = arith.constant 0 : index
    %get3A_11 = vector.load %arg3[%get3A_9, %get3A_10] : memref<256x64xf32, #tpu.memory_space<vmem>>, vector<256x64xf32>
    %dot_general3A_12 = arith.constant dense<0.000000e+00> : vector<1x64xf32>
    %dot_general3A_13 = tpu.matmul %get3A_8, %get3A_11, %dot_general3A_12 {dimension_numbers = #tpu.dot_dimension_numbers<[1], [0], [0], [1], [0, 0, 1, 1], [], []>, transpose_lhs_hint = false} : vector<1x256xf32>, vector<256x64xf32>, vector<1x64xf32> -> vector<1x64xf32>
    %get3A_14 = arith.constant 0 : index
    %get3A_15 = arith.constant 0 : index
    %get3A_16 = vector.load %arg0[%get3A_14, %get3A_15] : memref<10000x128xf32, #tpu.memory_space<vmem>>, vector<10000x128xf32>
    %dot_general3A_17 = arith.constant dense<0.000000e+00> : vector<10000x64xf32>
    %dot_general3A_18 = tpu.matmul %get3A_16, %dot_general3A_5, %dot_general3A_17 {dimension_numbers = #tpu.dot_dimension_numbers<[1], [0], [0], [1], [0, 0, 1, 1], [], []>, transpose_lhs_hint = false} : vector<10000x128xf32>, vector<128x64xf32>, vector<10000x64xf32> -> vector<10000x64xf32>
    %add3A = vector.broadcast %dot_general3A_13 : vector<1x64xf32> to vector<10000x64xf32>
    %add3A_19 = arith.addf %dot_general3A_18, %add3A : vector<10000x64xf32>
    %slice3A = vector.extract_strided_slice %add3A_19 {offsets = [0, 0], sizes = [10000, 32], strides = [1, 1]} : vector<10000x64xf32> to vector<10000x32xf32>
    %swap3A = arith.constant 0 : index
    %swap3A_20 = arith.constant 0 : index
    %swap3A_21 = arith.constant 0 : index
    %swap3A_22 = vector.load %arg4[%swap3A, %swap3A_20, %swap3A_21] : memref<2x10240x32xf32, #tpu.memory_space<vmem>>, vector<1x10000x32xf32>
    %swap3A_23 = vector.shape_cast %swap3A_22 : vector<1x10000x32xf32> to vector<10000x32xf32>
    %swap3A_24 = vector.shape_cast %slice3A : vector<10000x32xf32> to vector<1x10000x32xf32>
    tpu.vector_store %arg4[%swap3A, %swap3A_20, %swap3A_21], %swap3A_24 {strides = array<i32>} : memref<2x10240x32xf32, #tpu.memory_space<vmem>>, vector<1x10000x32xf32>,
    %slice3A_25 = vector.extract_strided_slice %add3A_19 {offsets = [0, 32], sizes = [10000, 32], strides = [1, 1]} : vector<10000x64xf32> to vector<10000x32xf32>
    %swap3A_26 = arith.constant 1 : index
    %swap3A_27 = arith.constant 0 : index
    %swap3A_28 = arith.constant 0 : index
    %swap3A_29 = vector.load %arg4[%swap3A_26, %swap3A_27, %swap3A_28] : memref<2x10240x32xf32, #tpu.memory_space<vmem>>, vector<1x10000x32xf32>
    %swap3A_30 = vector.shape_cast %swap3A_29 : vector<1x10000x32xf32> to vector<10000x32xf32>
    %swap3A_31 = vector.shape_cast %slice3A_25 : vector<10000x32xf32> to vector<1x10000x32xf32>
    tpu.vector_store %arg4[%swap3A_26, %swap3A_27, %swap3A_28], %swap3A_31 {strides = array<i32>} : memref<2x10240x32xf32, #tpu.memory_space<vmem>>, vector<1x10000x32xf32>,
    return
  }
}

module attributes {stable_mosaic.version = 14 : i64} {
  func.func @body(%arg0: memref<2x10240x32xf32, #tpu.memory_space<vmem>>, %arg1: memref<1x64xf32, #tpu.memory_space<vmem>>, %arg2: memref<10000x64xf32, #tpu.memory_space<vmem>>) attributes {dimension_semantics = [], scalar_prefetch = 0 : i64, scratch_operands = 0 : i64, tpu.core_type = #tpu.core_type<tc>} {
    %get3A = arith.constant 0 : index
    %get3A_0 = arith.constant 0 : index
    %get3A_1 = arith.constant 0 : index
    %get3A_2 = vector.load %arg0[%get3A, %get3A_0, %get3A_1] : memref<2x10240x32xf32, #tpu.memory_space<vmem>>, vector<1x10000x32xf32>
    %get3A_3 = vector.shape_cast %get3A_2 : vector<1x10000x32xf32> to vector<10000x32xf32>
    %get3A_4 = arith.constant 1 : index
    %get3A_5 = arith.constant 0 : index
    %get3A_6 = arith.constant 0 : index
    %get3A_7 = vector.load %arg0[%get3A_4, %get3A_5, %get3A_6] : memref<2x10240x32xf32, #tpu.memory_space<vmem>>, vector<1x10000x32xf32>
    %get3A_8 = vector.shape_cast %get3A_7 : vector<1x10000x32xf32> to vector<10000x32xf32>
    %concatenate3A = tpu.concatenate %get3A_3, %get3A_8 in 1 : vector<10000x32xf32>, vector<10000x32xf32> -> vector<10000x64xf32>
    %get3A_9 = arith.constant 0 : index
    %get3A_10 = arith.constant 0 : index
    %get3A_11 = vector.load %arg1[%get3A_9, %get3A_10] : memref<1x64xf32, #tpu.memory_space<vmem>>, vector<1x64xf32>
    %add3A = vector.broadcast %get3A_11 : vector<1x64xf32> to vector<10000x64xf32>
    %add3A_12 = arith.addf %concatenate3A, %add3A : vector<10000x64xf32>
    %swap3A = arith.constant 0 : index
    %swap3A_13 = arith.constant 0 : index
    %swap3A_14 = vector.load %arg2[%swap3A, %swap3A_13] : memref<10000x64xf32, #tpu.memory_space<vmem>>, vector<10000x64xf32>
    tpu.vector_store %arg2[%swap3A, %swap3A_13], %add3A_12 {strides = array<i32>} : memref<10000x64xf32, #tpu.memory_space<vmem>>, vector<10000x64xf32>,
    return
  }
}

</mosaic_0001>

<sc_bundles>
// kernel: kernel.5.cloned.1.call-start
scs
__scs_entry_jumppad:
0x0: {  	(pc) =	sbr.rel $0x88, $3  }
0x1: {  	(tag) =	ssettag $0x0;
	lr =	simm.s32 $0x1  }
0x2: {  	[smem:$0x3F9A] =	sst lr;
	_ =	strace $0xD0000000  }
0x3: {  	_ = 	snop  }
0x4: {  	_ = 	snop  }
0x5: {  	_ = 	snop  }
0x6: {  	_ = 	snop  }
0x7: {  	_ = 	snop  }
__scs_overlays_trampoline_lowered:
0x8: {  	[smem:$0x3FA9] =	sst s0  }
0x9: {  	[smem:$0x3FAA] =	sst s1  }
0xa: {  	[smem:$0x3FAB] =	sst s2  }
0xb: {  	[smem:$0x3FAC] =	sst s3  }
0xc: {  	[smem:$0x3FAD] =	sst s4  }
0xd: {  	[smem:$0x3FAE] =	sst s5  }
0xe: {  	[smem:$0x3FAF] =	sst s6  }
0xf: {  	[smem:$0x3FB0] =	sst s7  }
0x10: {  	[smem:$0x3FB1] =	sst s8  }
0x11: {  	[smem:$0x3FB2] =	sst s9;
	s0 =	simm.s32 @!p0 $0x0  }
0x12: {  	s1 =	sld [smem:$0x3F98];
	s0 =	simm.s32 @p0 $0x1  }
0x13: {  	[smem:$0x3FB3] =	sst s0;
	s0 =	simm.s32 @!p1 $0x0  }
0x14: {  	s2 =	sld [smem:$0x3F97];
	s0 =	simm.s32 @p1 $0x1  }
0x15: {  	[smem:$0x3FB4] =	sst s0;
	s0 =	simm.s32 @!p2 $0x0  }
0x16: {  	s3 =	sld [smem:$0x3FDB];
	s0 =	simm.s32 @p2 $0x1  }
0x17: {  	s4 =	simm.s32 $0x1BF5;
	[smem:$0x3FB6] =	sst s0  }
0x18: {  	s0 =	sld [smem:$0x3F99];
	_ =	swait.ge [sflag:s4], $0x0  }
0x19: {  	s7 =	sld [smem:$0x3F9A]  }
0x1a: {  	s8 =	sadd.s32 $0xFFFFE003, lr  }
0x1b: {  	s9 =	sadd.s32 $0xFFFFFEF7, lr;
	s5 =	simm.s32 $0xFFFFFFFF;
	p2 =	slt.u32 s8, $0xFFFFF086  }
0x1c: {  	p1 =	slt.u32 s9, $0xF7A;
	s5 =	simm.s32 @!p2 $0x0  }
0x1d: {  	s5 =	simm.s32 @p1 $0x1;
	p0 =	seq.s32 s7, s2  }
0x1e: {  	s7 =	smul.u32 @!p0 $0xF7A, s2;
	p2 =	seq.s32 @!p0 s5, $0x0  }
0x1f: {  	s9 =	smul.u32 $0xF7A, s1;
	s8 =	simm.s32 @!p0 $0x1BF5;
	p2 =	por !p2, p0  }
0x20: {  	[sflag:s8] =	ssyncset.s32 @!p0 $0xFFFFF086;
	s6 =	sadd.s32 @!p0 s3, s7;
	s7 =	simm.s32 @!p0 $0x108  }
0x21: {  	s3 =	sadd.s32 s3, s9;
	s6 =	sadd.s32 @!p0 $0x88, s6;
	s7 =	simm.s32 @p2 $0x1082  }
0x22: {  	[simem:s7], [sflag:s8] =	dma.local @!p0 [hbm:s6], $0xF7A  }
0x23: {  	s9 =	sor.u32 $0xD0000000, s2;
	s6 =	simm.s32 $0x108;
	_ =	swait.ge @!p0 [sflag:s8], $0x0  }
0x24: {  	s3 =	sadd.s32 $0x88, s3;
	s6 =	simm.s32 @!p1 $0x1082;
	[sflag:s4] =	ssyncset.s32 $0xFFFFF086  }
0x25: {  	[simem:s6], [sflag:s4] =	dma.local [hbm:s3], $0xF7A  }
0x26: {  	[smem:$0x3F9A] =	sst s1;
	(tag) =	ssettag s2;
	_ =	strace s9  }
0x27: {  	s1 =	sld [smem:$0x3FAA]  }
0x28: {  	s2 =	sld [smem:$0x3FAB]  }
0x29: {  	s4 =	sld [smem:$0x3FAD]  }
0x2a: {  	p0 =	seq.s32 s5, $0x0;
	s5 =	sld [smem:$0x3FAE]  }
0x2b: {  	s6 =	sld [smem:$0x3FAF]  }
0x2c: {  	s7 =	sld [smem:$0x3FB0]  }
0x2d: {  	s3 =	simm.s32 $0x108;
	s8 =	sld [smem:$0x3FB1]  }
0x2e: {  	s3 =	simm.s32 @!p0 $0x1082;
	s9 =	sld [smem:$0x3FB2]  }
0x2f: {  	lr =	sadd.s32 s0, s3;
	s0 =	sld [smem:$0x3FA9]  }
0x30: {  	s3 =	sld [smem:$0x3FAC]  }
0x31: {  	[smem:$0x3FB5] =	sst s10  }
0x32: {  	s10 =	sld [smem:$0x3FB3];
	_ =	sdelay $0x3  }
0x33: {  	p0 =	seq.s32 s10, $0x1;
	s10 =	sld [smem:$0x3FB5];
	_ =	sdelay $0x3  }
0x34: {  	[smem:$0x3FB5] =	sst s10  }
0x35: {  	s10 =	sld [smem:$0x3FB4];
	_ =	sdelay $0x3  }
0x36: {  	p1 =	seq.s32 s10, $0x1;
	s10 =	sld [smem:$0x3FB5];
	_ =	sdelay $0x3  }
0x37: {  	[smem:$0x3FB5] =	sst s10  }
0x38: {  	s10 =	sld [smem:$0x3FB6]  }
0x39: {  	_ = 	snop;
	(pc) =	sbr.ind lr, $3  }
0x3a: {  	_ = 	snop  }
0x3b: {  	_ = 	snop  }
0x3c: {  	p2 =	seq.s32 s10, $0x1;
	s10 =	sld [smem:$0x3FB5]  }
0x3d: {  	_ =	shalt  }
0x3e: {  	_ =	shalt  }
0x3f: {  	_ =	shalt  }
0x40: {  	_ =	shalt  }
0x41: {  	_ =	shalt  }
0x42: {  	_ =	shalt  }
0x43: {  	_ =	shalt  }
0x44: {  	_ =	shalt  }
0x45: {  	_ =	shalt  }
0x46: {  	_ =	shalt  }
0x47: {  	_ =	shalt  }
0x48: {  	_ =	shalt  }
0x49: {  	_ =	shalt  }
0x4a: {  	_ =	shalt  }
0x4b: {  	_ =	shalt  }
0x4c: {  	_ =	shalt  }
0x4d: {  	_ =	shalt  }
0x4e: {  	_ =	shalt  }
0x4f: {  	_ =	shalt  }
0x50: {  	_ =	shalt  }
0x51: {  	_ =	shalt  }
0x52: {  	_ =	shalt  }
0x53: {  	_ =	shalt  }
0x54: {  	_ =	shalt  }
0x55: {  	_ =	shalt  }
0x56: {  	_ =	shalt  }
0x57: {  	_ =	shalt  }
0x58: {  	_ =	shalt  }
0x59: {  	_ =	shalt  }
0x5a: {  	_ =	shalt  }
0x5b: {  	_ =	shalt  }
0x5c: {  	_ =	shalt  }
0x5d: {  	_ =	shalt  }
0x5e: {  	_ =	shalt  }
0x5f: {  	_ =	shalt  }
0x60: {  	_ =	shalt  }
0x61: {  	_ =	shalt  }
0x62: {  	_ =	shalt  }
0x63: {  	_ =	shalt  }
0x64: {  	_ =	shalt  }
0x65: {  	_ =	shalt  }
0x66: {  	_ =	shalt  }
0x67: {  	_ =	shalt  }
0x68: {  	_ =	shalt  }
0x69: {  	_ =	shalt  }
0x6a: {  	_ =	shalt  }
0x6b: {  	_ =	shalt  }
0x6c: {  	_ =	shalt  }
0x6d: {  	_ =	shalt  }
0x6e: {  	_ =	shalt  }
0x6f: {  	_ =	shalt  }
0x70: {  	_ =	shalt  }
0x71: {  	_ =	shalt  }
0x72: {  	_ =	shalt  }
0x73: {  	_ =	shalt  }
0x74: {  	_ =	shalt  }
0x75: {  	_ =	shalt  }
0x76: {  	_ =	shalt  }
0x77: {  	_ =	shalt  }
0x78: {  	_ =	shalt  }
0x79: {  	_ =	shalt  }
0x7a: {  	_ =	shalt  }
0x7b: {  	_ =	shalt  }
0x7c: {  	_ =	shalt  }
0x7d: {  	_ =	shalt  }
0x7e: {  	_ =	shalt  }
0x7f: {  	_ =	shalt  }
0x80: {  	_ =	shalt  }
0x81: {  	_ =	shalt  }
0x82: {  	_ =	shalt  }
0x83: {  	_ =	shalt  }
0x84: {  	_ =	shalt  }
0x85: {  	_ =	shalt  }
0x86: {  	_ =	shalt  }
0x87: {  	_ =	shalt  }
.Lfunc_end0:
.L_simem_size_0:
called_computation_lowered:
.L_overlay_start_0:
0x88: {  	s2 =	sld [smem:$0x3FD9]  }
0x89: {  	s3 =	sld [smem:$0x3FFE];
	_ =	sdelay $0x1  }
0x8a: {  	s1 =	srdreg.scid  }
0x8b: {  	s0 =	sand.u32 $0x1, s1  }
0x8c: {  	s17 =	sshll.u32 s0, $0xA;
	s2 =	sadd.s32 s3, s2  }
0x8d: {  	s2 =	sadd.s32 s2, s17  }
0x8e: {  	[smem:$0x3FC1] =	sst s2  }
0x8f: {  	_ = 	snop  }
0x90: {  	s2 =	sld [smem:$0x3FD0];
	(tm) =	ssettm $0x1  }
0x91: {  	s18 =	sld [smem:$0x3FFB];
	_ =	sdelay $0x3  }
0x92: {  	_ =	strace s18  }
0x93: {  	s3 =	sld [smem:$0x3FFC];
	_ =	sdelay $0x3  }
0x94: {  	_ =	strace s3  }
0x95: {  	s3 =	sld [smem:$0x3FFD];
	_ =	sdelay $0x3  }
0x96: {  	_ =	strace s3  }
0x97: {  	_ =	strace $0x8FFFFFFF  }
0x98: {  	s19 =	sld [smem:$0x3FDB];
	_ =	sdelay $0x1  }
0x99: {  	s4 =	simm.s32 $_scs_section_size  }
0x9a: {  	s5 =	simm.s32 $_size__tile_overlayer_lowered;
	s6 =	simm.s32 $_tile_overlayer_lowered  }
0x9b: {  	s22 =	simm.s32 $0x1BFF;
	s21 =	sshll.u32 s6, $0x1;
	s3 =	sadd.s32 s4, s19  }
0x9c: {  	s7 =	simm.s32 $0x0;
	s20 =	sshll.u32 s5, $0x1;
	s5 =	sadd.s32 s21, s3  }
0x9d: {  	[timem:s7], [sflag:s22] =	dma.local [hbm:s5], s20  }
0x9e: {  	_ =	swait.ge [sflag:s22], s20  }
0x9f: {  	s4 =	ssub.s32 $0x0, s20;
	[sflag:s22] =	ssyncset.done $0x0  }
0xa0: {  	[sflag:s22] =	ssyncadd.s32 s4;
	_ =	sdelay $0x1  }
0xa1: {  	s23 =	simm.s32 $0x1B8B  }
0xa2: {  	_ =	swait.ge [sflag:s23], $0x1  }
0xa3: {  	[sflag:s23] =	ssyncset.done $0x0  }
0xa4: {  	s25 =	simm.s32 $0x1B8E;
	s24 =	sld [smem:$0x3FFE];
	[sflag:s23] =	ssyncadd.s32 $0xFFFFFFFF  }
0xa5: {  	s26 =	simm.s32 $execute0_lowered;
	[smem:$0x3FD2] =	sst s25  }
0xa6: {  	s5 =	sshll.u32 s26, $0x1;
	_ =	strace $0x80000046;
	[dreg:$0x1] =	wrdreg $0xFFFFFFFF  }
0xa7: {  	s28 =	simm.s32 $_size_execute0_lowered;
	s3 =	sadd.s32 s3, s5;
	[dreg:$0x0] =	wrdreg $0x0  }
0xa8: {  	s5 =	sshll.u32 s28, $0x1;
	[dreg:$0x2] =	wrdreg s3  }
0xa9: {  	[dreg:$0x3] =	wrdreg s5  }
0xaa: {  	[dreg:$0x4] =	wrdreg $0xC0  }
0xab: {  	_ =	task [dreg:s7], $0x5FFFF  }
0xac: {  	[dreg:$0x1] =	wrdreg $0xFFFFFFFF  }
0xad: {  	[dreg:$0x0] =	wrdreg $0x60  }
0xae: {  	[dreg:$0x2] =	wrdreg s24  }
0xaf: {  	[dreg:$0x3] =	wrdreg s2  }
0xb0: {  	[dreg:$0x4] =	wrdreg $0x140000  }
0xb1: {  	[dreg:$0x5] =	wrdreg $0x190000  }
0xb2: {  	[dreg:$0x6] =	wrdreg $0x9  }
0xb3: {  	_ =	task.clear_ibuf [dreg:s7], $0x7FFFF;
	_ =	strace $0x90000046  }
0xb4: {  	s29 =	simm.s32 $0x9;
	_ =	strace $0x80000048  }
0xb5: {  	_ =	swait.ge [sflag:s29], $0x1  }
0xb6: {  	[sflag:s29] =	ssyncadd.s32 $0xFFFFFFFF  }
0xb7: {  	_ =	strace $0x90000048  }
0xb8: {  	_ =	sfence  }
0xb9: {  	s30 =	sld [smem:$0x0];
	_ =	sdelay $0x2  }
0xba: {  	s31 =	sshll.u32 s1, $0xD;
	s1 =	sshrl.u32 s1, $0x2  }
0xbb: {  	s3 =	sand.u32 $0x4000, s31;
	s1 =	sadd.s32 s1, s30  }
0xbc: {  	s0 =	sor.u32 s3, s0;
	s1 =	sshll.u32 s1, $0x11  }
0xbd: {  	s0 =	sor.u32 s1, s0  }
0xbe: {  	s0 =	sadd.s32 $0x8F2B, s0  }
0xbf: {  	[sflag:s0] =	ssyncadd.remote.s32 $0x1  }
0xc0: {  	_ =	sfence.sel $0xFFFF  }
0xc1: {  	[dreg:$0x0] =	wrdreg $0xFFFFFFFF;
	(pc) =	sbr.abs _section_cstart, $3  }
0xc2: {  	[dreg:$0x1] =	wrdreg $0xFFFFFFFF  }
0xc3: {  	_ =	task.clear_ibuf [dreg:s7], $0x2FFFF;
	_ =	strace $0x9FFFFFFF  }
0xc4: {  	(tm) =	ssettm $0x7FFFFFFF  }
0xc5: {  	_ =	shalt  }
tec
execute0_lowered:
.L_overlay_start_1:
0x0: {  	(tag) =	ssettag $0x1  }
0x1: {  	s0 =	rddreg [dreg:$0x0]  }
0x2: {  	s1 =	rddreg [dreg:$0x1];
	s3 =	srdreg.scid  }
0x3: {  	s9 =	stileid.u32;
	s2 =	rddreg [dreg:$0x2]  }
0x4: {  	s4 =	simm.s32 $0x0;
	s29 =	simm.s32 $0x11000;
	s30 =	simm.s32 $0x1  }
0x5: {  	s31 =	simm.s32 $0x12000;
	s28 =	simm.s32 $0x4;
	s6 =	smul.u32 $0x5000, s9  }
0x6: {  	s5 =	sand.u32 $0x1, s3;
	s3 =	rddreg [dreg:$0x3];
	s10 =	smul.u32 $0xA00, s9  }
0x7: {  	[smem:$0x7FF] =	sst s4;
	s7 =	smul.u32 $0x50000, s5;
	s5 =	ssub.s32 $0x2, s5  }
0x8: {  	_ =	strace $0x80000047;
	s13 =	sadd.s32 s10, s0;
	s23 =	sshrl.u32 s5, $0x1  }
0x9: {  	s14 =	sadd.s32 $0x1000, s6;
	s18 =	sadd.s32 s6, s2;
	s15 =	sadd.s32 $0x2000, s6  }
0xa: {  	s16 =	sadd.s32 $0x3000, s6;
	s17 =	sadd.s32 $0x4000, s6;
	s1 =	sadd.s32 s1, s10  }
0xb: {  	s8 =	sadd.s32 s6, s7;
	s5 =	ssub.s32 s5, s23;
	s19 =	sadd.s32 s14, s2  }
0xc: {  	s24 =	sadd.s32 s15, s2;
	s25 =	sadd.s32 s16, s2;
	[dreg:$0x9] =	wrdreg s1  }
0xd: {  	s26 =	sadd.s32 s17, s2;
	s6 =	sadd.s32 s6, s3;
	[dreg:$0x5] =	wrdreg s24  }
0xe: {  	s20 =	sadd.s32 $0x1E800, s13;
	s22 =	sadd.s32 s7, s15;
	[dreg:$0x6] =	wrdreg s25  }
0xf: {  	s23 =	sadd.s32 s7, s16;
	s11 =	sshrl.u32 s8, $0x3;
	[dreg:$0x7] =	wrdreg s26  }
0x10: {  	[dreg:$0xb] =	wrdreg s20;
	s24 =	sshrl.u32 s23, $0x3;
	s25 =	smax.u32 s5, $0x1  }
0x11: {  	s20 =	simm.s32 $0x13000;
	s26 =	sshrl.u32 s6, $0x3;
	s23 =	simm.s32 $0x3  }
0x12: {  	s12 =	sadd.s32 s11, s0;
	s0 =	sadd.s32 $0x28800, s0;
	[dreg:$0x11] =	wrdreg s25  }
0x13: {  	[dreg:$0x12] =	wrdreg s26;
	s25 =	simm.s32 $0xF000;
	s26 =	simm.s32 $0x10000  }
0x14: {  	s9 =	sadd.s32 $0x800, s12;
	s12 =	sadd.s32 s7, s14;
	s14 =	sadd.s32 $0x14800, s13  }
0x15: {  	s21 =	sadd.s32 s0, s11;
	[dreg:$0x8] =	wrdreg s9;
	s1 =	sshrl.u32 s12, $0x3  }
0x16: {  	s7 =	sadd.s32 s7, s17;
	[dreg:$0xa] =	wrdreg s14;
	s1 =	sadd.s32 s0, s1  }
.Ltmp0:
0x17: {  	[dreg:$0xd] =	wrdreg s1;
	s1 =	sshrl.u32 s22, $0x3;
	(pc) =	sbr.rel .LBB2_1-.Ltmp0, $4  }
0x18: {  	s11 =	simm.s32 $0x7;
	[dreg:$0xc] =	wrdreg s21;
	s1 =	sadd.s32 s0, s1  }
0x19: {  	s7 =	sshrl.u32 s7, $0x3;
	[dreg:$0xe] =	wrdreg s1;
	s1 =	sadd.s32 s0, s24  }
0x1a: {  	s21 =	simm.s32 $0x9;
	s0 =	sadd.s32 s0, s7;
	[dreg:$0xf] =	wrdreg s1  }
0x1b: {  	v0 =	vimm.f32 $0.0e+00;
	s24 =	simm.s32 $0x80;
	[dreg:$0x10] =	wrdreg s0;
	s1 =	simm.s32 $0x2  }
.LBB2_14:
0x1c: {  	s0 =	simm.s32 $0x5  }
0x1d: {  	_ =	swait.ge [sflag:s0], $0x1000  }
0x1e: {  	[sflag:s0] =	ssyncset.done $0x0  }
0x1f: {  	s5 =	simm.s32 $0x6;
	[sflag:s0] =	ssyncadd.s32 $0xFFFFF000  }
0x20: {  	_ =	swait.ge [sflag:s5], $0x1000  }
0x21: {  	[sflag:s5] =	ssyncset.done $0x0  }
0x22: {  	[sflag:s5] =	ssyncadd.s32 $0xFFFFF000  }
0x23: {  	_ =	swait.ge [sflag:s11], $0x1000  }
0x24: {  	[sflag:s11] =	ssyncset.done $0x0  }
0x25: {  	s6 =	simm.s32 $0x8;
	[sflag:s11] =	ssyncadd.s32 $0xFFFFF000  }
0x26: {  	_ =	swait.ge [sflag:s6], $0x1000  }
0x27: {  	[sflag:s6] =	ssyncset.done $0x0  }
0x28: {  	[sflag:s6] =	ssyncadd.s32 $0xFFFFF000  }
0x29: {  	[bflag:$0x0] =	sbarrier.arrive $0xFFFF  }
0x2a: {  	s7 =	sshrl.u32 s8, $0x3;
	s5 =	rddreg [dreg:$0xc]  }
0x2b: {  	[hbm:s5], [sflag:s13] =	dma.local [spmem:s7], $0x200  }
0x2c: {  	_ =	swait.ge [sflag:s21], $0x200  }
0x2d: {  	s18 =	smov.u32 s8;
	s19 =	smov.u32 s9;
	[sflag:s21] =	ssyncset.done $0x0  }
0x2e: {  	s8 =	sshrl.u32 s9, $0x3;
	s9 =	rddreg [dreg:$0xd];
	[sflag:s21] =	ssyncadd.s32 $0xFFFFFE00  }
0x2f: {  	[hbm:s9], [sflag:s13] =	dma.local [spmem:s8], $0x200  }
0x30: {  	_ =	swait.ge [sflag:s21], $0x200  }
0x31: {  	[sflag:s21] =	ssyncset.done $0x0;
	s10 =	rddreg [dreg:$0x5]  }
0x32: {  	s12 =	rddreg [dreg:$0xe];
	[sflag:s21] =	ssyncadd.s32 $0xFFFFFE00;
	s0 =	sshrl.u32 s10, $0x3  }
0x33: {  	[hbm:s12], [sflag:s13] =	dma.local [spmem:s0], $0x200  }
0x34: {  	_ =	swait.ge [sflag:s21], $0x200  }
0x35: {  	[sflag:s21] =	ssyncset.done $0x0;
	s14 =	rddreg [dreg:$0x6]  }
0x36: {  	s15 =	rddreg [dreg:$0xf];
	[sflag:s21] =	ssyncadd.s32 $0xFFFFFE00;
	s0 =	sshrl.u32 s14, $0x3  }
0x37: {  	[hbm:s15], [sflag:s13] =	dma.local [spmem:s0], $0x200  }
0x38: {  	_ =	swait.ge [sflag:s21], $0x200  }
0x39: {  	[sflag:s21] =	ssyncset.done $0x0;
	s16 =	rddreg [dreg:$0x7]  }
0x3a: {  	s17 =	rddreg [dreg:$0x10];
	[sflag:s21] =	ssyncadd.s32 $0xFFFFFE00;
	s0 =	sshrl.u32 s16, $0x3  }
0x3b: {  	[hbm:s17], [sflag:s13] =	dma.local [spmem:s0], $0x200  }
0x3c: {  	_ =	swait.ge [sflag:s21], $0x200  }
0x3d: {  	s4 =	sadd.s32 $0x1, s4;
	s22 =	rddreg [dreg:$0x11]  }
0x3e: {  	p0 =	sne.s32 s4, s22  }
.Ltmp1:
0x3f: {  	_ = 	snop;
	(pc) =	sbr.rel @!p0 .LBB2_15-.Ltmp1, $3  }
0x40: {  	_ =	sdelay $0x1  }
0x41: {  	[sflag:s21] =	ssyncset.done $0x0  }
0x42: {  	[sflag:s21] =	ssyncadd.s32 $0xFFFFFE00  }
.LBB2_1:
0x43: {  	s0 =	simm.s32 $0x80;
	s5 =	simm.s32 $0x0  }
.LBB2_2:
0x44: {  	p0 =	sne.s32 s0, $0x3F80;
	[tilespmem:s5+$0x13000] =	vst v0;
	s6 =	smov.u32 s0;
	s0 =	sadd.s32 $0x80, s0  }
.Ltmp2:
0x45: {  	[tilespmem:s5+$0x13010] =	vst v0;
	(pc) =	sbr.rel @p0 .LBB2_2-.Ltmp2, $2  }
0x46: {  	_ =	sdelay $0x2  }
0x47: {  	s5 =	sshra.s32 s6, $0x2  }
0x48: {  	[tilespmem:s5+$0x13000] =	vst v0  }
0x49: {  	[tilespmem:s5+$0x13010] =	vst v0  }
0x4a: {  	[spmem:s18] =	stream.linear.scatter [tilespmem:s20], [sflag:$0x9], $0x1000, $0x38;
	[tilespmem:$0x1E000] =	vst v63  }
0x4b: {  	_ =	swait.ge [sflag:s21], $0x1000  }
0x4c: {  	[sflag:s21] =	ssyncset.done $0x0  }
0x4d: {  	[sflag:s21] =	ssyncadd.s32 $0xFFFFF000  }
0x4e: {  	[spmem:s19] =	stream.linear.scatter [tilespmem:s20], [sflag:$0x9], $0x1000, $0x38;
	[tilespmem:$0x1E000] =	vst v63  }
0x4f: {  	_ =	swait.ge [sflag:s21], $0x1000  }
0x50: {  	[sflag:s21] =	ssyncset.done $0x0  }
0x51: {  	s0 =	rddreg [dreg:$0x5];
	[sflag:s21] =	ssyncadd.s32 $0xFFFFF000  }
0x52: {  	[spmem:s0] =	stream.linear.scatter [tilespmem:s20], [sflag:$0x9], $0x1000, $0x38;
	[tilespmem:$0x1E000] =	vst v63  }
0x53: {  	_ =	swait.ge [sflag:s21], $0x1000  }
0x54: {  	[sflag:s21] =	ssyncset.done $0x0  }
0x55: {  	s10 =	rddreg [dreg:$0x6];
	[sflag:s21] =	ssyncadd.s32 $0xFFFFF000  }
0x56: {  	[spmem:s10] =	stream.linear.scatter [tilespmem:s20], [sflag:$0x9], $0x1000, $0x38;
	[tilespmem:$0x1E000] =	vst v63  }
0x57: {  	_ =	swait.ge [sflag:s21], $0x1000  }
0x58: {  	[sflag:s21] =	ssyncset.done $0x0  }
0x59: {  	s12 =	rddreg [dreg:$0x7];
	[sflag:s21] =	ssyncadd.s32 $0xFFFFF000  }
0x5a: {  	[spmem:s12] =	stream.linear.scatter [tilespmem:s20], [sflag:$0x9], $0x1000, $0x38;
	[tilespmem:$0x1E000] =	vst v63  }
0x5b: {  	s13 =	stileid.u32;
	_ =	swait.ge [sflag:s21], $0x1000  }
0x5c: {  	s0 =	sshll.u32 s13, $0x6;
	[sflag:s21] =	ssyncset.done $0x0;
	s14 =	rddreg [dreg:$0x8]  }
0x5d: {  	s13 =	sor.u32 $0x1C09, s0;
	s15 =	rddreg [dreg:$0x12];
	[sflag:s21] =	ssyncadd.s32 $0xFFFFF000  }
0x5e: {  	[spmem:s15], [sflag:s13] =	dma.local [hbm:s14], $0xA00  }
0x5f: {  	_ =	swait.ge [sflag:s21], $0xA00  }
0x60: {  	[sflag:s21] =	ssyncset.done $0x0  }
0x61: {  	[sflag:s21] =	ssyncadd.s32 $0xFFFFF600  }
0x62: {  	[bflag:$0x0] =	sbarrier.arrive $0xFFFF  }
0x63: {  	s14 =	simm.s32 $0x0;
	s16 =	rddreg [dreg:$0x9]  }
0x64: {  	[tilespmem:s14], [sflag:$0x9] =	stream.linear.gather [hbm4b:s16+s14], $0x5000, $0x38;
	[tilespmem:$0x1E000] =	vst v63  }
0x65: {  	_ =	swait.ge [sflag:s21], $0x5000  }
0x66: {  	s8 =	smov.u32 s18;
	[sflag:s21] =	ssyncset.done $0x0  }
0x67: {  	s18 =	simm.s32 $0x5000;
	s17 =	rddreg [dreg:$0xa];
	[sflag:s21] =	ssyncadd.s32 $0xFFFFB000  }
0x68: {  	[tilespmem:s18], [sflag:$0x9] =	stream.linear.gather [hbm4b:s17+s14], $0x5000, $0x38;
	[tilespmem:$0x1E000] =	vst v63  }
0x69: {  	_ =	swait.ge [sflag:s21], $0x5000  }
0x6a: {  	s9 =	smov.u32 s19;
	[sflag:s21] =	ssyncset.done $0x0  }
0x6b: {  	s15 =	simm.s32 $0xA000;
	s19 =	rddreg [dreg:$0xb];
	[sflag:s21] =	ssyncadd.s32 $0xFFFFB000  }
0x6c: {  	[tilespmem:s15], [sflag:$0x9] =	stream.linear.gather [hbm4b:s19+s14], $0x5000, $0x38;
	[tilespmem:$0x1E000] =	vst v63  }
0x6d: {  	_ =	swait.ge [sflag:s21], $0x5000  }
0x6e: {  	[sflag:s21] =	ssyncset.done $0x0  }
0x6f: {  	[sflag:s21] =	ssyncadd.s32 $0xFFFFB000  }
0x70: {  	[tilespmem:s25], [sflag:$0x1] =	stream.indirect.gather [spmem:s3], $0x20, s14, s24, $0xb8;
	[tilespmem:$0x1E000] =	vst v63  }
0x71: {  	s22 =	simm.s32 $0x100  }
0x72: {  	[tilespmem:s26], [sflag:$0x2] =	stream.indirect.gather [spmem:s3], $0x20, s24, s24, $0xb8;
	[tilespmem:$0x1E000] =	vst v63  }
0x73: {  	s16 =	simm.s32 $0xA080;
	s17 =	simm.s32 $0xA100;
	s18 =	simm.s32 $0xA180  }
0x74: {  	[tilespmem:s29], [sflag:$0x3] =	stream.indirect.gather [spmem:s3], $0x20, s22, s24, $0xb8;
	[tilespmem:$0x1E000] =	vst v63  }
.LBB2_4:
0x75: {  	_ =	swait.ge [sflag:s30], $0x1000  }
0x76: {  	[sflag:s30] =	ssyncset.done $0x0  }
0x77: {  	s10 =	simm.s32 $0xF100;
	[sflag:s30] =	ssyncadd.s32 $0xFFFFF000  }
0x78: {  	v7 =	vld [tilespmem:s10+$0xFFFFFFA0]  }
0x79: {  	v4 =	vld [tilespmem:s10+$0xFFFFFFF0]  }
0x7a: {  	v1 =	vld [tilespmem:s10+$0xFFFFFF60]  }
0x7b: {  	v8 =	vld [tilespmem:s10+$0xFFFFFFD0]  }
0x7c: {  	v5 =	vmov s15;
	v9 =	vld [tilespmem:s10+$0x80]  }
0x7d: {  	v12 =	vld [tilespmem:s10+$0xFFFFFF10]  }
0x7e: {  	v16 =	vld [tilespmem:s10+$0xE0]  }
0x7f: {  	v11 =	vld [tilespmem:s10+$0xFFFFFF40]  }
0x80: {  	s0 =	simm.s32 $0x0;
	v3 =	vld [tilespmem:s10+$0xFFFFFF90]  }
0x81: {  	v2 =	vld.idx.msk [tilespmem:v5+s0+$0x0 ss:$0x1], $0xffff  }
0x82: {  	v10 =	vld [tilespmem:s10+$0xFFFFFFC0]  }
0x83: {  	v13 =	vld [tilespmem:s10+$0xFFFFFF00]  }
0x84: {  	v14 =	vld [tilespmem:s10+$0xD0]  }
0x85: {  	v23 =	vld [tilespmem:s10+$0xC0]  }
0x86: {  	v21 =	vld [tilespmem:s10+$0x90];
	v19 =	vbroadcast v2, $0x0;
	v6 =	vbroadcast v2, $0xF  }
0x87: {  	v22 =	vld [tilespmem:s10+$0xFFFFFF50];
	v20 =	vbroadcast v2, $0x2;
	v18 =	vbroadcast v2, $0xE  }
0x88: {  	v17 =	vld [tilespmem:s10+$0xB0];
	v15 =	vbroadcast v2, $0xC;
	v25 =	vmul.f32 v19, v13  }
0x89: {  	s12 =	simm.s32 $0x40;
	s5 =	simm.s32 $0xF100;
	s0 =	sshll.u32 s14, $0xB;
	v13 =	vbroadcast v2, $0xD;
	v24 =	vmul.f32 v11, v20;
	v11 =	vld [tilespmem:s10+$0x60]  }
.LBB2_5:
0x8a: {  	p0 =	sne.s32 s12, $0x1C0  }
0x8b: {  	[tilespmem:s10+$0xFFFFFF00] =	vst v25;
	v25 =	vld [tilespmem:s10+$0xFFFFFFB0];
	v23 =	vmul.f32 v23, v18;
	v16 =	vmul.f32 v16, v6;
	s5 =	sadd.s32 $0x200, s5;
	s6 =	smov.u32 s12;
	s12 =	sadd.s32 $0x40, s12  }
0x8c: {  	[tilespmem:s10+$0xFFFFFF40] =	vst v24;
	v24 =	vbroadcast v2, $0xA;
	v21 =	vmul.f32 v21, v15;
	v26 =	vld [tilespmem:s10+$0xA0]  }
0x8d: {  	v12 =	vmul.f32 v12, v19;
	v19 =	vmul.f32 v22, v20;
	v20 =	vld [tilespmem:s10+$0x70];
	[tilespmem:s10+$0xE0] =	vst v16  }
0x8e: {  	v16 =	vbroadcast v2, $0x5;
	v22 =	vld [tilespmem:s10+$0xFFFFFFE0];
	v17 =	vmul.f32 v17, v13;
	[tilespmem:s10+$0xC0] =	vst v23  }
0x8f: {  	v14 =	vmul.f32 v14, v18;
	[tilespmem:s10+$0xFFFFFF10] =	vst v12;
	v12 =	vbroadcast v2, $0x6;
	v23 =	vld [tilespmem:s10+$0x40]  }
0x90: {  	v27 =	vbroadcast v2, $0xB;
	v7 =	vmul.f32 v7, v16;
	v18 =	vld [tilespmem:s10+$0xFFFFFF20];
	[tilespmem:s10+$0x90] =	vst v21  }
0x91: {  	v21 =	vbroadcast v2, $0x9;
	[tilespmem:s10+$0xFFFFFF50] =	vst v19;
	v19 =	vld [tilespmem:s10+$0x20];
	v13 =	vmul.f32 v26, v13  }
0x92: {  	v16 =	vmul.f32 v25, v16;
	v25 =	vld [tilespmem:s10+$0x50];
	v20 =	vmul.f32 v20, v27;
	[tilespmem:s10+$0xD0] =	vst v14  }
0x93: {  	v9 =	vmul.f32 v9, v15;
	v14 =	vbroadcast v2, $0x7;
	v26 =	vld [tilespmem:s10+$0x30];
	[tilespmem:s10+$0xA0] =	vst v13  }
0x94: {  	v10 =	vmul.f32 v10, v12;
	v13 =	vbroadcast v2, $0x3;
	v15 =	vld [tilespmem:s10+$0x0];
	[tilespmem:s10+$0x70] =	vst v20  }
0x95: {  	v11 =	vmul.f32 v11, v27;
	v8 =	vmul.f32 v8, v12;
	v12 =	vld [tilespmem:s10+$0x10];
	[tilespmem:s10+$0x80] =	vst v9  }
0x96: {  	v20 =	vbroadcast v2, $0x8;
	v23 =	vmul.f32 v23, v24;
	v9 =	vld [tilespmem:s10+$0xFFFFFF30];
	[tilespmem:s10+$0xB0] =	vst v17  }
0x97: {  	v17 =	vbroadcast v2, $0x1;
	v27 =	vld [tilespmem:s10+$0xFFFFFF70];
	[tilespmem:s10+$0xFFFFFFD0] =	vst v8;
	v24 =	vmul.f32 v25, v24  }
0x98: {  	v4 =	vmul.f32 v4, v14;
	v8 =	vmul.f32 v22, v14;
	[tilespmem:s10+$0xFFFFFFC0] =	vst v10;
	v10 =	vld [tilespmem:s10+$0xF0]  }
0x99: {  	v22 =	vmul.f32 v26, v21;
	v14 =	vld [tilespmem:s10+$0xFFFFFF80];
	[tilespmem:s10+$0xFFFFFFA0] =	vst v7;
	v15 =	vmul.f32 v15, v20  }
0x9a: {  	v7 =	vld [tilespmem:s5+$0xFFFFFFA0];
	[tilespmem:s10+$0xFFFFFFF0] =	vst v4;
	v20 =	vmul.f32 v12, v20;
	v12 =	vmul.f32 v19, v21  }
0x9b: {  	v4 =	vmul.f32 v18, v17;
	v17 =	vmul.f32 v9, v17;
	[tilespmem:s10+$0x60] =	vst v11  }
0x9c: {  	v1 =	vmul.f32 v1, v13;
	v9 =	vmul.f32 v27, v13;
	[tilespmem:s10+$0xFFFFFFB0] =	vst v16  }
0x9d: {  	v2 =	vbroadcast v2, $0x4;
	[tilespmem:s10+$0xFFFFFF20] =	vst v4;
	v4 =	vmul.f32 v10, v6  }
0x9e: {  	[tilespmem:s10+$0xFFFFFF60] =	vst v1  }
0x9f: {  	v6 =	vmul.f32 v14, v2;
	v1 =	vmul.f32 v3, v2;
	[tilespmem:s10+$0x40] =	vst v23  }
0xa0: {  	[tilespmem:s10+$0xFFFFFFE0] =	vst v8  }
0xa1: {  	[tilespmem:s10+$0xF0] =	vst v4  }
0xa2: {  	[tilespmem:s10+$0xFFFFFF90] =	vst v1  }
0xa3: {  	[tilespmem:s10+$0xFFFFFF70] =	vst v9  }
0xa4: {  	v4 =	vld [tilespmem:s5+$0xFFFFFFF0];
	[tilespmem:s10+$0x20] =	vst v12  }
0xa5: {  	v1 =	vld [tilespmem:s5+$0xFFFFFF60];
	[tilespmem:s10+$0x30] =	vst v22  }
0xa6: {  	v8 =	vld [tilespmem:s5+$0xFFFFFFD0];
	[tilespmem:s10+$0xFFFFFF80] =	vst v6  }
0xa7: {  	v9 =	vld [tilespmem:s5+$0x80];
	[tilespmem:s10+$0x50] =	vst v24  }
0xa8: {  	v12 =	vld [tilespmem:s5+$0xFFFFFF10];
	[tilespmem:s10+$0x0] =	vst v15  }
0xa9: {  	v16 =	vld [tilespmem:s5+$0xE0];
	[tilespmem:s10+$0xFFFFFF30] =	vst v17  }
0xaa: {  	s6 =	sshra.s32 s6, $0x2;
	v11 =	vld [tilespmem:s5+$0xFFFFFF40];
	[tilespmem:s10+$0x10] =	vst v20;
	s10 =	smov.u32 s5  }
0xab: {  	v2 =	vld.idx.msk [tilespmem:v5+s6+$0x0 ss:$0x1], $0xffff  }
0xac: {  	v3 =	vld [tilespmem:s5+$0xFFFFFF90]  }
0xad: {  	v10 =	vld [tilespmem:s5+$0xFFFFFFC0]  }
0xae: {  	v13 =	vld [tilespmem:s5+$0xFFFFFF00]  }
0xaf: {  	v14 =	vld [tilespmem:s5+$0xD0]  }
.Ltmp3:
0xb0: {  	v23 =	vld [tilespmem:s5+$0xC0];
	(pc) =	sbr.rel @p0 .LBB2_5-.Ltmp3, $4  }
0xb1: {  	v19 =	vbroadcast v2, $0x0;
	v6 =	vbroadcast v2, $0xF;
	v21 =	vld [tilespmem:s5+$0x90]  }
0xb2: {  	v20 =	vbroadcast v2, $0x2;
	v18 =	vbroadcast v2, $0xE;
	v22 =	vld [tilespmem:s5+$0xFFFFFF50]  }
0xb3: {  	v25 =	vmul.f32 v19, v13;
	v13 =	vbroadcast v2, $0xD;
	v17 =	vld [tilespmem:s5+$0xB0]  }
0xb4: {  	v15 =	vbroadcast v2, $0xC;
	v24 =	vmul.f32 v11, v20;
	v11 =	vld [tilespmem:s5+$0x60]  }
0xb5: {  	[tilespmem:s10+$0xFFFFFF00] =	vst v25;
	v5 =	vmul.f32 v16, v6  }
0xb6: {  	v16 =	vmul.f32 v23, v18;
	[tilespmem:s10+$0xFFFFFF40] =	vst v24  }
0xb7: {  	v12 =	vmul.f32 v12, v19;
	[tilespmem:s10+$0xE0] =	vst v5  }
0xb8: {  	v23 =	vld [tilespmem:s10+$0xA0];
	v9 =	vmul.f32 v9, v15;
	[tilespmem:s10+$0xC0] =	vst v16  }
0xb9: {  	v19 =	vld [tilespmem:s10+$0x70];
	v5 =	vmul.f32 v21, v15;
	v20 =	vmul.f32 v22, v20;
	[tilespmem:s10+$0xFFFFFF10] =	vst v12  }
0xba: {  	v12 =	vmul.f32 v14, v18;
	v18 =	vbroadcast v2, $0xB;
	[tilespmem:s10+$0x80] =	vst v9  }
0xbb: {  	[tilespmem:s10+$0x90] =	vst v5  }
0xbc: {  	[tilespmem:s10+$0xFFFFFF50] =	vst v20;
	v11 =	vmul.f32 v11, v18  }
0xbd: {  	[tilespmem:s10+$0xD0] =	vst v12;
	v20 =	vmul.f32 v23, v13  }
0xbe: {  	v9 =	vbroadcast v2, $0x7;
	v19 =	vmul.f32 v19, v18;
	[tilespmem:s10+$0x60] =	vst v11  }
0xbf: {  	v14 =	vld [tilespmem:s10+$0xFFFFFF20];
	v12 =	vbroadcast v2, $0x6;
	v13 =	vmul.f32 v17, v13;
	[tilespmem:s10+$0xA0] =	vst v20  }
0xc0: {  	v16 =	vld [tilespmem:s10+$0xFFFFFFB0];
	v4 =	vmul.f32 v4, v9;
	[tilespmem:s10+$0x70] =	vst v19  }
0xc1: {  	v5 =	vld [tilespmem:s10+$0xFFFFFFE0];
	v17 =	vbroadcast v2, $0x5;
	v8 =	vmul.f32 v8, v12;
	[tilespmem:s10+$0xB0] =	vst v13  }
0xc2: {  	v18 =	vbroadcast v2, $0x1;
	v10 =	vmul.f32 v10, v12;
	[tilespmem:s10+$0xFFFFFFF0] =	vst v4  }
0xc3: {  	v21 =	vld [tilespmem:s10+$0x40];
	v7 =	vmul.f32 v7, v17;
	[tilespmem:s10+$0xFFFFFFD0] =	vst v8  }
0xc4: {  	v14 =	vmul.f32 v14, v18;
	[tilespmem:s10+$0xFFFFFFC0] =	vst v10  }
0xc5: {  	v13 =	vld [tilespmem:s10+$0xFFFFFF70];
	[tilespmem:s10+$0xFFFFFFA0] =	vst v7;
	v7 =	vmul.f32 v16, v17;
	v16 =	vbroadcast v2, $0x3  }
0xc6: {  	v4 =	vbroadcast v2, $0xA;
	v17 =	vld [tilespmem:s10+$0xF0];
	[tilespmem:s10+$0xFFFFFF20] =	vst v14;
	v5 =	vmul.f32 v5, v9  }
0xc7: {  	v8 =	vld [tilespmem:s10+$0xFFFFFF80];
	v9 =	vbroadcast v2, $0x4;
	v1 =	vmul.f32 v1, v16;
	[tilespmem:s10+$0xFFFFFFB0] =	vst v7  }
0xc8: {  	v15 =	vld [tilespmem:s10+$0x20];
	v7 =	vmul.f32 v21, v4;
	[tilespmem:s10+$0xFFFFFFE0] =	vst v5  }
0xc9: {  	v19 =	vld [tilespmem:s10+$0x30];
	v3 =	vmul.f32 v3, v9;
	[tilespmem:s10+$0xFFFFFF60] =	vst v1  }
0xca: {  	v22 =	vld [tilespmem:s10+$0x50];
	v5 =	vmul.f32 v13, v16;
	[tilespmem:s10+$0x40] =	vst v7  }
0xcb: {  	v12 =	vld [tilespmem:s10+$0x0];
	[tilespmem:s10+$0xFFFFFF90] =	vst v3;
	v1 =	vmul.f32 v17, v6;
	v6 =	vbroadcast v2, $0x9  }
0xcc: {  	v11 =	vld [tilespmem:s10+$0xFFFFFF30];
	[tilespmem:s10+$0xFFFFFF70] =	vst v5;
	v5 =	vmul.f32 v8, v9  }
0xcd: {  	v10 =	vld [tilespmem:s10+$0x10];
	[tilespmem:s10+$0xF0] =	vst v1;
	v1 =	vmul.f32 v15, v6  }
0xce: {  	v2 =	vbroadcast v2, $0x8;
	v3 =	vmul.f32 v19, v6;
	[tilespmem:s10+$0xFFFFFF80] =	vst v5  }
0xcf: {  	[tilespmem:s10+$0x20] =	vst v1;
	v1 =	vmul.f32 v22, v4  }
0xd0: {  	[tilespmem:s10+$0x30] =	vst v3;
	v3 =	vmul.f32 v12, v2  }
0xd1: {  	v4 =	vmul.f32 v11, v18;
	[tilespmem:s10+$0x50] =	vst v1  }
0xd2: {  	v1 =	vmul.f32 v10, v2;
	[tilespmem:s10+$0x0] =	vst v3  }
0xd3: {  	s19 =	sshrl.u32 s0, $0x2;
	[tilespmem:s10+$0xFFFFFF30] =	vst v4  }
0xd4: {  	p0 =	seq.s32 s14, $0x0;
	s5 =	sadd.s32 $0x5000, s19;
	[tilespmem:s10+$0x10] =	vst v1  }
0xd5: {  	[spmem:s2] =	stream.indirect.scatter.add.f32 [tilespmem:s25], [sflag:$0x5], $0x20, s5, s24, $0xb8;
	[tilespmem:$0x1E000] =	vst v63  }
0xd6: {  	s22 =	sshllo.u32 s14, $0x2;
	s5 =	simm.s32 @!p0 $0x8  }
0xd7: {  	s6 =	sshll.u32 @!p0 s22, $0x7;
	_ =	swait.ge @!p0 [sflag:s5], $0x1000  }
0xd8: {  	s6 =	sand.u32 @!p0 $0x3FFFFF80, s6;
	[sflag:s5] =	ssyncset.done @!p0 $0x0  }
0xd9: {  	s6 =	simm.s32 @p0 $0x180;
	[sflag:s5] =	ssyncadd.s32 @!p0 $0xFFFFF000  }
0xda: {  	[tilespmem:s31], [sflag:$0x4] =	stream.indirect.gather [spmem:s3], $0x20, s6, s24, $0xb8;
	[tilespmem:$0x1E000] =	vst v63  }
0xdb: {  	_ =	swait.ge [sflag:s1], $0x1000  }
0xdc: {  	[sflag:s1] =	ssyncset.done $0x0  }
0xdd: {  	s10 =	simm.s32 $0x101F0;
	[sflag:s1] =	ssyncadd.s32 $0xFFFFF000  }
0xde: {  	v7 =	vld [tilespmem:s10+$0xFFFFFEB0]  }
0xdf: {  	v12 =	vld [tilespmem:s10+$0xFFFFFFF0]  }
0xe0: {  	v1 =	vld [tilespmem:s10+$0xFFFFFE70]  }
0xe1: {  	v4 =	vmov s16;
	v5 =	vld [tilespmem:s10+$0xFFFFFF00]  }
0xe2: {  	v8 =	vld [tilespmem:s10+$0xFFFFFEE0]  }
0xe3: {  	v9 =	vld [tilespmem:s10+$0xFFFFFF90]  }
0xe4: {  	v13 =	vld [tilespmem:s10+$0xFFFFFE20]  }
0xe5: {  	s12 =	simm.s32 $0x0;
	v11 =	vld [tilespmem:s10+$0xFFFFFE50]  }
0xe6: {  	v2 =	vld.idx.msk [tilespmem:v4+s12+$0x0 ss:$0x1], $0xffff  }
0xe7: {  	v3 =	vld [tilespmem:s10+$0xFFFFFEA0]  }
0xe8: {  	v10 =	vld [tilespmem:s10+$0xFFFFFED0]  }
0xe9: {  	v14 =	vld [tilespmem:s10+$0xFFFFFE10]  }
0xea: {  	v15 =	vld [tilespmem:s10+$0xFFFFFFE0]  }
0xeb: {  	v23 =	vld [tilespmem:s10+$0xFFFFFFD0]  }
0xec: {  	v21 =	vld [tilespmem:s10+$0xFFFFFFA0];
	v19 =	vbroadcast v2, $0x0;
	v6 =	vbroadcast v2, $0xF  }
0xed: {  	v22 =	vld [tilespmem:s10+$0xFFFFFE60];
	v20 =	vbroadcast v2, $0x2;
	v18 =	vbroadcast v2, $0xE  }
0xee: {  	v17 =	vld [tilespmem:s10+$0xFFFFFFC0];
	v16 =	vbroadcast v2, $0xC;
	v25 =	vmul.f32 v19, v14  }
0xef: {  	s5 =	simm.s32 $0x40;
	s6 =	simm.s32 $0x101F0;
	s12 =	sor.u32 $0x200, s0;
	v14 =	vbroadcast v2, $0xD;
	v24 =	vmul.f32 v11, v20;
	v11 =	vld [tilespmem:s10+$0xFFFFFF70]  }
.LBB2_7:
0xf0: {  	p0 =	sne.s32 s5, $0x1C0  }
0xf1: {  	[tilespmem:s10+$0xFFFFFE10] =	vst v25;
	v25 =	vld [tilespmem:s10+$0xFFFFFEC0];
	v23 =	vmul.f32 v23, v18;
	v12 =	vmul.f32 v12, v6;
	s6 =	sadd.s32 $0x200, s6;
	s7 =	smov.u32 s5;
	s5 =	sadd.s32 $0x40, s5  }
0xf2: {  	[tilespmem:s10+$0xFFFFFE50] =	vst v24;
	v24 =	vbroadcast v2, $0xA;
	v21 =	vmul.f32 v21, v16;
	v26 =	vld [tilespmem:s10+$0xFFFFFFB0]  }
0xf3: {  	v13 =	vmul.f32 v13, v19;
	v19 =	vmul.f32 v22, v20;
	v20 =	vld [tilespmem:s10+$0xFFFFFF80];
	[tilespmem:s10+$0xFFFFFFF0] =	vst v12  }
0xf4: {  	v12 =	vbroadcast v2, $0x5;
	v22 =	vld [tilespmem:s10+$0xFFFFFEF0];
	v17 =	vmul.f32 v17, v14;
	[tilespmem:s10+$0xFFFFFFD0] =	vst v23  }
0xf5: {  	v15 =	vmul.f32 v15, v18;
	[tilespmem:s10+$0xFFFFFE20] =	vst v13;
	v13 =	vbroadcast v2, $0x6;
	v23 =	vld [tilespmem:s10+$0xFFFFFF50]  }
0xf6: {  	v27 =	vbroadcast v2, $0xB;
	v7 =	vmul.f32 v7, v12;
	v18 =	vld [tilespmem:s10+$0xFFFFFE30];
	[tilespmem:s10+$0xFFFFFFA0] =	vst v21  }
0xf7: {  	v21 =	vbroadcast v2, $0x9;
	[tilespmem:s10+$0xFFFFFE60] =	vst v19;
	v19 =	vld [tilespmem:s10+$0xFFFFFF30];
	v14 =	vmul.f32 v26, v14  }
0xf8: {  	v12 =	vmul.f32 v25, v12;
	v25 =	vld [tilespmem:s10+$0xFFFFFF60];
	v20 =	vmul.f32 v20, v27;
	[tilespmem:s10+$0xFFFFFFE0] =	vst v15  }
0xf9: {  	v9 =	vmul.f32 v9, v16;
	v15 =	vbroadcast v2, $0x7;
	v26 =	vld [tilespmem:s10+$0xFFFFFF40];
	[tilespmem:s10+$0xFFFFFFB0] =	vst v14  }
0xfa: {  	v10 =	vmul.f32 v10, v13;
	v14 =	vbroadcast v2, $0x3;
	v16 =	vld [tilespmem:s10+$0xFFFFFF10];
	[tilespmem:s10+$0xFFFFFF80] =	vst v20  }
0xfb: {  	v11 =	vmul.f32 v11, v27;
	v8 =	vmul.f32 v8, v13;
	v13 =	vld [tilespmem:s10+$0xFFFFFF20];
	[tilespmem:s10+$0xFFFFFF90] =	vst v9  }
0xfc: {  	v20 =	vbroadcast v2, $0x8;
	v23 =	vmul.f32 v23, v24;
	v9 =	vld [tilespmem:s10+$0xFFFFFE40];
	[tilespmem:s10+$0xFFFFFFC0] =	vst v17  }
0xfd: {  	v17 =	vbroadcast v2, $0x1;
	v27 =	vld [tilespmem:s10+$0xFFFFFE80];
	[tilespmem:s10+$0xFFFFFEE0] =	vst v8;
	v24 =	vmul.f32 v25, v24  }
0xfe: {  	v5 =	vmul.f32 v5, v15;
	v8 =	vmul.f32 v22, v15;
	[tilespmem:s10+$0xFFFFFED0] =	vst v10;
	v10 =	vld [tilespmem:s10+$0x0]  }
0xff: {  	v22 =	vmul.f32 v26, v21;
	v15 =	vld [tilespmem:s10+$0xFFFFFE90];
	[tilespmem:s10+$0xFFFFFEB0] =	vst v7;
	v16 =	vmul.f32 v16, v20  }
0x100: {  	v7 =	vld [tilespmem:s6+$0xFFFFFEB0];
	[tilespmem:s10+$0xFFFFFF00] =	vst v5;
	v20 =	vmul.f32 v13, v20;
	v5 =	vmul.f32 v19, v21  }
0x101: {  	v13 =	vmul.f32 v18, v17;
	v17 =	vmul.f32 v9, v17;
	[tilespmem:s10+$0xFFFFFF70] =	vst v11  }
0x102: {  	v1 =	vmul.f32 v1, v14;
	v9 =	vmul.f32 v27, v14;
	[tilespmem:s10+$0xFFFFFEC0] =	vst v12  }
0x103: {  	v2 =	vbroadcast v2, $0x4;
	[tilespmem:s10+$0xFFFFFE30] =	vst v13;
	v6 =	vmul.f32 v10, v6  }
0x104: {  	[tilespmem:s10+$0xFFFFFE70] =	vst v1  }
0x105: {  	v10 =	vmul.f32 v15, v2;
	v1 =	vmul.f32 v3, v2;
	[tilespmem:s10+$0xFFFFFF50] =	vst v23  }
0x106: {  	[tilespmem:s10+$0xFFFFFEF0] =	vst v8  }
0x107: {  	[tilespmem:s10+$0x0] =	vst v6  }
0x108: {  	[tilespmem:s10+$0xFFFFFEA0] =	vst v1  }
0x109: {  	[tilespmem:s10+$0xFFFFFE80] =	vst v9  }
0x10a: {  	v12 =	vld [tilespmem:s6+$0xFFFFFFF0];
	[tilespmem:s10+$0xFFFFFF30] =	vst v5  }
0x10b: {  	v1 =	vld [tilespmem:s6+$0xFFFFFE70];
	[tilespmem:s10+$0xFFFFFF40] =	vst v22  }
0x10c: {  	v5 =	vld [tilespmem:s6+$0xFFFFFF00];
	[tilespmem:s10+$0xFFFFFE90] =	vst v10  }
0x10d: {  	v8 =	vld [tilespmem:s6+$0xFFFFFEE0];
	[tilespmem:s10+$0xFFFFFF60] =	vst v24  }
0x10e: {  	v9 =	vld [tilespmem:s6+$0xFFFFFF90];
	[tilespmem:s10+$0xFFFFFF10] =	vst v16  }
0x10f: {  	v13 =	vld [tilespmem:s6+$0xFFFFFE20];
	[tilespmem:s10+$0xFFFFFE40] =	vst v17  }
0x110: {  	s7 =	sshra.s32 s7, $0x2;
	v11 =	vld [tilespmem:s6+$0xFFFFFE50];
	[tilespmem:s10+$0xFFFFFF20] =	vst v20;
	s10 =	smov.u32 s6  }
0x111: {  	v2 =	vld.idx.msk [tilespmem:v4+s7+$0x0 ss:$0x1], $0xffff  }
0x112: {  	v3 =	vld [tilespmem:s6+$0xFFFFFEA0]  }
0x113: {  	v10 =	vld [tilespmem:s6+$0xFFFFFED0]  }
0x114: {  	v14 =	vld [tilespmem:s6+$0xFFFFFE10]  }
0x115: {  	v15 =	vld [tilespmem:s6+$0xFFFFFFE0]  }
.Ltmp4:
0x116: {  	v23 =	vld [tilespmem:s6+$0xFFFFFFD0];
	(pc) =	sbr.rel @p0 .LBB2_7-.Ltmp4, $4  }
0x117: {  	v19 =	vbroadcast v2, $0x0;
	v6 =	vbroadcast v2, $0xF;
	v21 =	vld [tilespmem:s6+$0xFFFFFFA0]  }
0x118: {  	v20 =	vbroadcast v2, $0x2;
	v18 =	vbroadcast v2, $0xE;
	v22 =	vld [tilespmem:s6+$0xFFFFFE60]  }
0x119: {  	v25 =	vmul.f32 v19, v14;
	v14 =	vbroadcast v2, $0xD;
	v17 =	vld [tilespmem:s6+$0xFFFFFFC0]  }
0x11a: {  	v16 =	vbroadcast v2, $0xC;
	v24 =	vmul.f32 v11, v20;
	v11 =	vld [tilespmem:s6+$0xFFFFFF70]  }
0x11b: {  	[tilespmem:s10+$0xFFFFFE10] =	vst v25;
	v4 =	vmul.f32 v12, v6  }
0x11c: {  	v12 =	vmul.f32 v23, v18;
	[tilespmem:s10+$0xFFFFFE50] =	vst v24  }
0x11d: {  	v13 =	vmul.f32 v13, v19;
	[tilespmem:s10+$0xFFFFFFF0] =	vst v4  }
0x11e: {  	v23 =	vld [tilespmem:s10+$0xFFFFFFB0];
	v9 =	vmul.f32 v9, v16;
	[tilespmem:s10+$0xFFFFFFD0] =	vst v12  }
0x11f: {  	v19 =	vld [tilespmem:s10+$0xFFFFFF80];
	v4 =	vmul.f32 v21, v16;
	v20 =	vmul.f32 v22, v20;
	[tilespmem:s10+$0xFFFFFE20] =	vst v13  }
0x120: {  	v13 =	vmul.f32 v15, v18;
	v18 =	vbroadcast v2, $0xB;
	[tilespmem:s10+$0xFFFFFF90] =	vst v9  }
0x121: {  	[tilespmem:s10+$0xFFFFFFA0] =	vst v4  }
0x122: {  	[tilespmem:s10+$0xFFFFFE60] =	vst v20;
	v11 =	vmul.f32 v11, v18  }
0x123: {  	[tilespmem:s10+$0xFFFFFFE0] =	vst v13;
	v20 =	vmul.f32 v23, v14  }
0x124: {  	v9 =	vbroadcast v2, $0x7;
	v19 =	vmul.f32 v19, v18;
	[tilespmem:s10+$0xFFFFFF70] =	vst v11  }
0x125: {  	v15 =	vld [tilespmem:s10+$0xFFFFFE30];
	v13 =	vbroadcast v2, $0x6;
	v14 =	vmul.f32 v17, v14;
	[tilespmem:s10+$0xFFFFFFB0] =	vst v20  }
0x126: {  	v12 =	vld [tilespmem:s10+$0xFFFFFEC0];
	v5 =	vmul.f32 v5, v9;
	[tilespmem:s10+$0xFFFFFF80] =	vst v19  }
0x127: {  	v4 =	vld [tilespmem:s10+$0xFFFFFEF0];
	v17 =	vbroadcast v2, $0x5;
	v8 =	vmul.f32 v8, v13;
	[tilespmem:s10+$0xFFFFFFC0] =	vst v14  }
0x128: {  	v18 =	vbroadcast v2, $0x1;
	v10 =	vmul.f32 v10, v13;
	[tilespmem:s10+$0xFFFFFF00] =	vst v5  }
0x129: {  	v21 =	vld [tilespmem:s10+$0xFFFFFF50];
	v7 =	vmul.f32 v7, v17;
	[tilespmem:s10+$0xFFFFFEE0] =	vst v8  }
0x12a: {  	v15 =	vmul.f32 v15, v18;
	[tilespmem:s10+$0xFFFFFED0] =	vst v10  }
0x12b: {  	v14 =	vld [tilespmem:s10+$0xFFFFFE80];
	[tilespmem:s10+$0xFFFFFEB0] =	vst v7;
	v7 =	vmul.f32 v12, v17;
	v12 =	vbroadcast v2, $0x3  }
0x12c: {  	v5 =	vbroadcast v2, $0xA;
	v17 =	vld [tilespmem:s10+$0x0];
	[tilespmem:s10+$0xFFFFFE30] =	vst v15;
	v4 =	vmul.f32 v4, v9  }
0x12d: {  	v8 =	vld [tilespmem:s10+$0xFFFFFE90];
	v9 =	vbroadcast v2, $0x4;
	v1 =	vmul.f32 v1, v12;
	[tilespmem:s10+$0xFFFFFEC0] =	vst v7  }
0x12e: {  	v16 =	vld [tilespmem:s10+$0xFFFFFF30];
	v7 =	vmul.f32 v21, v5;
	[tilespmem:s10+$0xFFFFFEF0] =	vst v4  }
0x12f: {  	v19 =	vld [tilespmem:s10+$0xFFFFFF40];
	v3 =	vmul.f32 v3, v9;
	[tilespmem:s10+$0xFFFFFE70] =	vst v1  }
0x130: {  	v11 =	vld [tilespmem:s10+$0xFFFFFE40];
	v4 =	vmul.f32 v14, v12;
	[tilespmem:s10+$0xFFFFFF50] =	vst v7  }
0x131: {  	v22 =	vld [tilespmem:s10+$0xFFFFFF60];
	[tilespmem:s10+$0xFFFFFEA0] =	vst v3;
	v1 =	vmul.f32 v17, v6;
	v6 =	vbroadcast v2, $0x9  }
0x132: {  	v13 =	vld [tilespmem:s10+$0xFFFFFF10];
	[tilespmem:s10+$0xFFFFFE80] =	vst v4;
	v4 =	vmul.f32 v8, v9  }
0x133: {  	v10 =	vld [tilespmem:s10+$0xFFFFFF20];
	[tilespmem:s10+$0x0] =	vst v1;
	v1 =	vmul.f32 v16, v6  }
0x134: {  	v3 =	vmul.f32 v19, v6;
	[tilespmem:s10+$0xFFFFFE90] =	vst v4  }
0x135: {  	v2 =	vbroadcast v2, $0x8;
	v4 =	vmul.f32 v11, v18;
	[tilespmem:s10+$0xFFFFFF30] =	vst v1  }
0x136: {  	v1 =	vmul.f32 v22, v5;
	[tilespmem:s10+$0xFFFFFF40] =	vst v3  }
0x137: {  	v3 =	vmul.f32 v13, v2;
	[tilespmem:s10+$0xFFFFFE40] =	vst v4  }
0x138: {  	[tilespmem:s10+$0xFFFFFF60] =	vst v1;
	v1 =	vmul.f32 v10, v2  }
0x139: {  	s5 =	sshrl.u32 s12, $0x2;
	[tilespmem:s10+$0xFFFFFF10] =	vst v3  }
0x13a: {  	p0 =	seq.s32 s14, $0x27;
	s5 =	sadd.s32 $0x5000, s5;
	[tilespmem:s10+$0xFFFFFF20] =	vst v1  }
0x13b: {  	[spmem:s2] =	stream.indirect.scatter.add.f32 [tilespmem:s26], [sflag:$0x6], $0x20, s5, s24, $0xb8;
	[tilespmem:$0x1E000] =	vst v63  }
0x13c: {  	s5 =	simm.s32 @!p0 $0x5  }
0x13d: {  	_ =	swait.ge @!p0 [sflag:s5], $0x1000  }
0x13e: {  	s6 =	simm.s32 @!p0 $0x80;
	s10 =	sshrl.u32 @!p0 s0, $0x2;
	[sflag:s5] =	ssyncset.done @!p0 $0x0  }
0x13f: {  	s7 =	simm.s32 @!p0 $0xF000;
	[sflag:s5] =	ssyncadd.s32 @!p0 $0xFFFFF000;
	s5 =	sadd.s32 @!p0 $0x200, s10  }
0x140: {  	[tilespmem:s7], [sflag:$0x1] =	stream.indirect.gather @!p0 [spmem:s3], $0x20, s5, s6, $0xb8;
	[tilespmem:$0x1E000] =	vst v63  }
0x141: {  	_ =	swait.ge [sflag:s23], $0x1000  }
0x142: {  	[sflag:s23] =	ssyncset.done $0x0  }
0x143: {  	s12 =	simm.s32 $0x111F0;
	[sflag:s23] =	ssyncadd.s32 $0xFFFFF000  }
0x144: {  	v7 =	vld [tilespmem:s12+$0xFFFFFEB0]  }
0x145: {  	v12 =	vld [tilespmem:s12+$0xFFFFFFF0]  }
0x146: {  	v1 =	vld [tilespmem:s12+$0xFFFFFE70]  }
0x147: {  	v4 =	vmov s17;
	v5 =	vld [tilespmem:s12+$0xFFFFFF00]  }
0x148: {  	v8 =	vld [tilespmem:s12+$0xFFFFFEE0]  }
0x149: {  	v9 =	vld [tilespmem:s12+$0xFFFFFF90]  }
0x14a: {  	v13 =	vld [tilespmem:s12+$0xFFFFFE20]  }
0x14b: {  	s7 =	simm.s32 $0x0;
	v11 =	vld [tilespmem:s12+$0xFFFFFE50]  }
0x14c: {  	v2 =	vld.idx.msk [tilespmem:v4+s7+$0x0 ss:$0x1], $0xffff  }
0x14d: {  	v3 =	vld [tilespmem:s12+$0xFFFFFEA0]  }
0x14e: {  	v10 =	vld [tilespmem:s12+$0xFFFFFED0]  }
0x14f: {  	v14 =	vld [tilespmem:s12+$0xFFFFFE10]  }
0x150: {  	v15 =	vld [tilespmem:s12+$0xFFFFFFE0]  }
0x151: {  	v23 =	vld [tilespmem:s12+$0xFFFFFFD0]  }
0x152: {  	v21 =	vld [tilespmem:s12+$0xFFFFFFA0];
	v19 =	vbroadcast v2, $0x0;
	v6 =	vbroadcast v2, $0xF  }
0x153: {  	v22 =	vld [tilespmem:s12+$0xFFFFFE60];
	v20 =	vbroadcast v2, $0x2;
	v18 =	vbroadcast v2, $0xE  }
0x154: {  	v17 =	vld [tilespmem:s12+$0xFFFFFFC0];
	v16 =	vbroadcast v2, $0xC;
	v25 =	vmul.f32 v19, v14  }
0x155: {  	s0 =	sor.u32 $0x400, s0;
	s5 =	simm.s32 $0x40;
	s6 =	simm.s32 $0x111F0;
	v14 =	vbroadcast v2, $0xD;
	v24 =	vmul.f32 v11, v20;
	v11 =	vld [tilespmem:s12+$0xFFFFFF70]  }
.LBB2_9:
0x156: {  	p1 =	sne.s32 s5, $0x1C0  }
0x157: {  	[tilespmem:s12+$0xFFFFFE10] =	vst v25;
	v25 =	vld [tilespmem:s12+$0xFFFFFEC0];
	v23 =	vmul.f32 v23, v18;
	v12 =	vmul.f32 v12, v6;
	s6 =	sadd.s32 $0x200, s6;
	s7 =	smov.u32 s5;
	s5 =	sadd.s32 $0x40, s5  }
0x158: {  	[tilespmem:s12+$0xFFFFFE50] =	vst v24;
	v24 =	vbroadcast v2, $0xA;
	v21 =	vmul.f32 v21, v16;
	v26 =	vld [tilespmem:s12+$0xFFFFFFB0]  }
0x159: {  	v13 =	vmul.f32 v13, v19;
	v19 =	vmul.f32 v22, v20;
	v20 =	vld [tilespmem:s12+$0xFFFFFF80];
	[tilespmem:s12+$0xFFFFFFF0] =	vst v12  }
0x15a: {  	v12 =	vbroadcast v2, $0x5;
	v22 =	vld [tilespmem:s12+$0xFFFFFEF0];
	v17 =	vmul.f32 v17, v14;
	[tilespmem:s12+$0xFFFFFFD0] =	vst v23  }
0x15b: {  	v15 =	vmul.f32 v15, v18;
	[tilespmem:s12+$0xFFFFFE20] =	vst v13;
	v13 =	vbroadcast v2, $0x6;
	v23 =	vld [tilespmem:s12+$0xFFFFFF50]  }
0x15c: {  	v27 =	vbroadcast v2, $0xB;
	v7 =	vmul.f32 v7, v12;
	v18 =	vld [tilespmem:s12+$0xFFFFFE30];
	[tilespmem:s12+$0xFFFFFFA0] =	vst v21  }
0x15d: {  	v21 =	vbroadcast v2, $0x9;
	[tilespmem:s12+$0xFFFFFE60] =	vst v19;
	v19 =	vld [tilespmem:s12+$0xFFFFFF30];
	v14 =	vmul.f32 v26, v14  }
0x15e: {  	v12 =	vmul.f32 v25, v12;
	v25 =	vld [tilespmem:s12+$0xFFFFFF60];
	v20 =	vmul.f32 v20, v27;
	[tilespmem:s12+$0xFFFFFFE0] =	vst v15  }
0x15f: {  	v9 =	vmul.f32 v9, v16;
	v15 =	vbroadcast v2, $0x7;
	v26 =	vld [tilespmem:s12+$0xFFFFFF40];
	[tilespmem:s12+$0xFFFFFFB0] =	vst v14  }
0x160: {  	v10 =	vmul.f32 v10, v13;
	v14 =	vbroadcast v2, $0x3;
	v16 =	vld [tilespmem:s12+$0xFFFFFF10];
	[tilespmem:s12+$0xFFFFFF80] =	vst v20  }
0x161: {  	v11 =	vmul.f32 v11, v27;
	v8 =	vmul.f32 v8, v13;
	v13 =	vld [tilespmem:s12+$0xFFFFFF20];
	[tilespmem:s12+$0xFFFFFF90] =	vst v9  }
0x162: {  	v20 =	vbroadcast v2, $0x8;
	v23 =	vmul.f32 v23, v24;
	v9 =	vld [tilespmem:s12+$0xFFFFFE40];
	[tilespmem:s12+$0xFFFFFFC0] =	vst v17  }
0x163: {  	v17 =	vbroadcast v2, $0x1;
	v27 =	vld [tilespmem:s12+$0xFFFFFE80];
	[tilespmem:s12+$0xFFFFFEE0] =	vst v8;
	v24 =	vmul.f32 v25, v24  }
0x164: {  	v5 =	vmul.f32 v5, v15;
	v8 =	vmul.f32 v22, v15;
	[tilespmem:s12+$0xFFFFFED0] =	vst v10;
	v10 =	vld [tilespmem:s12+$0x0]  }
0x165: {  	v22 =	vmul.f32 v26, v21;
	v15 =	vld [tilespmem:s12+$0xFFFFFE90];
	[tilespmem:s12+$0xFFFFFEB0] =	vst v7;
	v16 =	vmul.f32 v16, v20  }
0x166: {  	v7 =	vld [tilespmem:s6+$0xFFFFFEB0];
	[tilespmem:s12+$0xFFFFFF00] =	vst v5;
	v20 =	vmul.f32 v13, v20;
	v5 =	vmul.f32 v19, v21  }
0x167: {  	v13 =	vmul.f32 v18, v17;
	v17 =	vmul.f32 v9, v17;
	[tilespmem:s12+$0xFFFFFF70] =	vst v11  }
0x168: {  	v1 =	vmul.f32 v1, v14;
	v9 =	vmul.f32 v27, v14;
	[tilespmem:s12+$0xFFFFFEC0] =	vst v12  }
0x169: {  	v2 =	vbroadcast v2, $0x4;
	[tilespmem:s12+$0xFFFFFE30] =	vst v13;
	v6 =	vmul.f32 v10, v6  }
0x16a: {  	[tilespmem:s12+$0xFFFFFE70] =	vst v1  }
0x16b: {  	v10 =	vmul.f32 v15, v2;
	v1 =	vmul.f32 v3, v2;
	[tilespmem:s12+$0xFFFFFF50] =	vst v23  }
0x16c: {  	[tilespmem:s12+$0xFFFFFEF0] =	vst v8  }
0x16d: {  	[tilespmem:s12+$0x0] =	vst v6  }
0x16e: {  	[tilespmem:s12+$0xFFFFFEA0] =	vst v1  }
0x16f: {  	[tilespmem:s12+$0xFFFFFE80] =	vst v9  }
0x170: {  	v12 =	vld [tilespmem:s6+$0xFFFFFFF0];
	[tilespmem:s12+$0xFFFFFF30] =	vst v5  }
0x171: {  	v1 =	vld [tilespmem:s6+$0xFFFFFE70];
	[tilespmem:s12+$0xFFFFFF40] =	vst v22  }
0x172: {  	v5 =	vld [tilespmem:s6+$0xFFFFFF00];
	[tilespmem:s12+$0xFFFFFE90] =	vst v10  }
0x173: {  	v8 =	vld [tilespmem:s6+$0xFFFFFEE0];
	[tilespmem:s12+$0xFFFFFF60] =	vst v24  }
0x174: {  	v9 =	vld [tilespmem:s6+$0xFFFFFF90];
	[tilespmem:s12+$0xFFFFFF10] =	vst v16  }
0x175: {  	v13 =	vld [tilespmem:s6+$0xFFFFFE20];
	[tilespmem:s12+$0xFFFFFE40] =	vst v17  }
0x176: {  	s7 =	sshra.s32 s7, $0x2;
	v11 =	vld [tilespmem:s6+$0xFFFFFE50];
	[tilespmem:s12+$0xFFFFFF20] =	vst v20;
	s12 =	smov.u32 s6  }
0x177: {  	v2 =	vld.idx.msk [tilespmem:v4+s7+$0x0 ss:$0x1], $0xffff  }
0x178: {  	v3 =	vld [tilespmem:s6+$0xFFFFFEA0]  }
0x179: {  	v10 =	vld [tilespmem:s6+$0xFFFFFED0]  }
0x17a: {  	v14 =	vld [tilespmem:s6+$0xFFFFFE10]  }
0x17b: {  	v15 =	vld [tilespmem:s6+$0xFFFFFFE0]  }
.Ltmp5:
0x17c: {  	v23 =	vld [tilespmem:s6+$0xFFFFFFD0];
	(pc) =	sbr.rel @p1 .LBB2_9-.Ltmp5, $4  }
0x17d: {  	v19 =	vbroadcast v2, $0x0;
	v6 =	vbroadcast v2, $0xF;
	v21 =	vld [tilespmem:s6+$0xFFFFFFA0]  }
0x17e: {  	v20 =	vbroadcast v2, $0x2;
	v18 =	vbroadcast v2, $0xE;
	v22 =	vld [tilespmem:s6+$0xFFFFFE60]  }
0x17f: {  	v25 =	vmul.f32 v19, v14;
	v14 =	vbroadcast v2, $0xD;
	v17 =	vld [tilespmem:s6+$0xFFFFFFC0]  }
0x180: {  	v16 =	vbroadcast v2, $0xC;
	v24 =	vmul.f32 v11, v20;
	v11 =	vld [tilespmem:s6+$0xFFFFFF70]  }
0x181: {  	[tilespmem:s12+$0xFFFFFE10] =	vst v25;
	v4 =	vmul.f32 v12, v6  }
0x182: {  	v12 =	vmul.f32 v23, v18;
	[tilespmem:s12+$0xFFFFFE50] =	vst v24  }
0x183: {  	v13 =	vmul.f32 v13, v19;
	[tilespmem:s12+$0xFFFFFFF0] =	vst v4  }
0x184: {  	v23 =	vld [tilespmem:s12+$0xFFFFFFB0];
	v9 =	vmul.f32 v9, v16;
	[tilespmem:s12+$0xFFFFFFD0] =	vst v12  }
0x185: {  	v19 =	vld [tilespmem:s12+$0xFFFFFF80];
	v4 =	vmul.f32 v21, v16;
	v20 =	vmul.f32 v22, v20;
	[tilespmem:s12+$0xFFFFFE20] =	vst v13  }
0x186: {  	v13 =	vmul.f32 v15, v18;
	v18 =	vbroadcast v2, $0xB;
	[tilespmem:s12+$0xFFFFFF90] =	vst v9  }
0x187: {  	[tilespmem:s12+$0xFFFFFFA0] =	vst v4  }
0x188: {  	[tilespmem:s12+$0xFFFFFE60] =	vst v20;
	v11 =	vmul.f32 v11, v18  }
0x189: {  	[tilespmem:s12+$0xFFFFFFE0] =	vst v13;
	v20 =	vmul.f32 v23, v14  }
0x18a: {  	v9 =	vbroadcast v2, $0x7;
	v19 =	vmul.f32 v19, v18;
	[tilespmem:s12+$0xFFFFFF70] =	vst v11  }
0x18b: {  	v15 =	vld [tilespmem:s12+$0xFFFFFE30];
	v13 =	vbroadcast v2, $0x6;
	v14 =	vmul.f32 v17, v14;
	[tilespmem:s12+$0xFFFFFFB0] =	vst v20  }
0x18c: {  	v12 =	vld [tilespmem:s12+$0xFFFFFEC0];
	v5 =	vmul.f32 v5, v9;
	[tilespmem:s12+$0xFFFFFF80] =	vst v19  }
0x18d: {  	v4 =	vld [tilespmem:s12+$0xFFFFFEF0];
	v17 =	vbroadcast v2, $0x5;
	v8 =	vmul.f32 v8, v13;
	[tilespmem:s12+$0xFFFFFFC0] =	vst v14  }
0x18e: {  	v18 =	vbroadcast v2, $0x1;
	v10 =	vmul.f32 v10, v13;
	[tilespmem:s12+$0xFFFFFF00] =	vst v5  }
0x18f: {  	v21 =	vld [tilespmem:s12+$0xFFFFFF50];
	v7 =	vmul.f32 v7, v17;
	[tilespmem:s12+$0xFFFFFEE0] =	vst v8  }
0x190: {  	v15 =	vmul.f32 v15, v18;
	[tilespmem:s12+$0xFFFFFED0] =	vst v10  }
0x191: {  	v14 =	vld [tilespmem:s12+$0xFFFFFE80];
	[tilespmem:s12+$0xFFFFFEB0] =	vst v7;
	v7 =	vmul.f32 v12, v17;
	v12 =	vbroadcast v2, $0x3  }
0x192: {  	v5 =	vbroadcast v2, $0xA;
	v17 =	vld [tilespmem:s12+$0x0];
	[tilespmem:s12+$0xFFFFFE30] =	vst v15;
	v4 =	vmul.f32 v4, v9  }
0x193: {  	v8 =	vld [tilespmem:s12+$0xFFFFFE90];
	v9 =	vbroadcast v2, $0x4;
	v1 =	vmul.f32 v1, v12;
	[tilespmem:s12+$0xFFFFFEC0] =	vst v7  }
0x194: {  	v16 =	vld [tilespmem:s12+$0xFFFFFF30];
	v7 =	vmul.f32 v21, v5;
	[tilespmem:s12+$0xFFFFFEF0] =	vst v4  }
0x195: {  	v19 =	vld [tilespmem:s12+$0xFFFFFF40];
	v3 =	vmul.f32 v3, v9;
	[tilespmem:s12+$0xFFFFFE70] =	vst v1  }
0x196: {  	v11 =	vld [tilespmem:s12+$0xFFFFFE40];
	v4 =	vmul.f32 v14, v12;
	[tilespmem:s12+$0xFFFFFF50] =	vst v7  }
0x197: {  	v22 =	vld [tilespmem:s12+$0xFFFFFF60];
	[tilespmem:s12+$0xFFFFFEA0] =	vst v3;
	v1 =	vmul.f32 v17, v6;
	v6 =	vbroadcast v2, $0x9  }
0x198: {  	v13 =	vld [tilespmem:s12+$0xFFFFFF10];
	[tilespmem:s12+$0xFFFFFE80] =	vst v4;
	v4 =	vmul.f32 v8, v9  }
0x199: {  	v10 =	vld [tilespmem:s12+$0xFFFFFF20];
	[tilespmem:s12+$0x0] =	vst v1;
	v1 =	vmul.f32 v16, v6  }
0x19a: {  	v3 =	vmul.f32 v19, v6;
	[tilespmem:s12+$0xFFFFFE90] =	vst v4  }
0x19b: {  	v2 =	vbroadcast v2, $0x8;
	v4 =	vmul.f32 v11, v18;
	[tilespmem:s12+$0xFFFFFF30] =	vst v1  }
0x19c: {  	v1 =	vmul.f32 v22, v5;
	[tilespmem:s12+$0xFFFFFF40] =	vst v3  }
0x19d: {  	v3 =	vmul.f32 v13, v2;
	[tilespmem:s12+$0xFFFFFE40] =	vst v4  }
0x19e: {  	[tilespmem:s12+$0xFFFFFF60] =	vst v1;
	v1 =	vmul.f32 v10, v2  }
0x19f: {  	s0 =	sshrl.u32 s0, $0x2;
	[tilespmem:s12+$0xFFFFFF10] =	vst v3  }
0x1a0: {  	s0 =	sadd.s32 $0x5000, s0;
	[tilespmem:s12+$0xFFFFFF20] =	vst v1  }
0x1a1: {  	[spmem:s2] =	stream.indirect.scatter.add.f32 [tilespmem:s29], [sflag:$0x7], $0x20, s0, s24, $0xb8;
	[tilespmem:$0x1E000] =	vst v63  }
0x1a2: {  	s0 =	simm.s32 @!p0 $0x6  }
0x1a3: {  	_ =	swait.ge @!p0 [sflag:s0], $0x1000  }
0x1a4: {  	s5 =	simm.s32 @!p0 $0x80;
	[sflag:s0] =	ssyncset.done @!p0 $0x0  }
0x1a5: {  	s6 =	simm.s32 @!p0 $0x10000;
	[sflag:s0] =	ssyncadd.s32 @!p0 $0xFFFFF000;
	s0 =	sadd.s32 @!p0 $0x280, s10  }
0x1a6: {  	[tilespmem:s6], [sflag:$0x2] =	stream.indirect.gather @!p0 [spmem:s3], $0x20, s0, s5, $0xb8;
	[tilespmem:$0x1E000] =	vst v63  }
0x1a7: {  	_ =	swait.ge [sflag:s28], $0x1000  }
0x1a8: {  	[sflag:s28] =	ssyncset.done $0x0  }
0x1a9: {  	s0 =	simm.s32 $0x121F0;
	[sflag:s28] =	ssyncadd.s32 $0xFFFFF000  }
0x1aa: {  	v7 =	vld [tilespmem:s0+$0xFFFFFEB0]  }
0x1ab: {  	v12 =	vld [tilespmem:s0+$0xFFFFFFF0]  }
0x1ac: {  	v1 =	vld [tilespmem:s0+$0xFFFFFE70]  }
0x1ad: {  	v4 =	vmov s18;
	v5 =	vld [tilespmem:s0+$0xFFFFFF00]  }
0x1ae: {  	v8 =	vld [tilespmem:s0+$0xFFFFFEE0]  }
0x1af: {  	v9 =	vld [tilespmem:s0+$0xFFFFFF90]  }
0x1b0: {  	v13 =	vld [tilespmem:s0+$0xFFFFFE20]  }
0x1b1: {  	s12 =	simm.s32 $0x0;
	v11 =	vld [tilespmem:s0+$0xFFFFFE50]  }
0x1b2: {  	v2 =	vld.idx.msk [tilespmem:v4+s12+$0x0 ss:$0x1], $0xffff  }
0x1b3: {  	v3 =	vld [tilespmem:s0+$0xFFFFFEA0]  }
0x1b4: {  	v10 =	vld [tilespmem:s0+$0xFFFFFED0]  }
0x1b5: {  	v14 =	vld [tilespmem:s0+$0xFFFFFE10]  }
0x1b6: {  	v15 =	vld [tilespmem:s0+$0xFFFFFFE0]  }
0x1b7: {  	v23 =	vld [tilespmem:s0+$0xFFFFFFD0]  }
0x1b8: {  	v21 =	vld [tilespmem:s0+$0xFFFFFFA0];
	v19 =	vbroadcast v2, $0x0;
	v6 =	vbroadcast v2, $0xF  }
0x1b9: {  	v22 =	vld [tilespmem:s0+$0xFFFFFE60];
	v20 =	vbroadcast v2, $0x2;
	v18 =	vbroadcast v2, $0xE  }
0x1ba: {  	v17 =	vld [tilespmem:s0+$0xFFFFFFC0];
	v16 =	vbroadcast v2, $0xC;
	v25 =	vmul.f32 v19, v14  }
0x1bb: {  	s10 =	sshll.u32 s22, $0x9;
	s5 =	simm.s32 $0x40;
	s6 =	simm.s32 $0x121F0;
	v14 =	vbroadcast v2, $0xD;
	v24 =	vmul.f32 v11, v20;
	v11 =	vld [tilespmem:s0+$0xFFFFFF70]  }
.LBB2_11:
0x1bc: {  	p1 =	sne.s32 s5, $0x1C0  }
0x1bd: {  	[tilespmem:s0+$0xFFFFFE10] =	vst v25;
	v25 =	vld [tilespmem:s0+$0xFFFFFEC0];
	v23 =	vmul.f32 v23, v18;
	v12 =	vmul.f32 v12, v6;
	s6 =	sadd.s32 $0x200, s6;
	s7 =	smov.u32 s5;
	s5 =	sadd.s32 $0x40, s5  }
0x1be: {  	[tilespmem:s0+$0xFFFFFE50] =	vst v24;
	v24 =	vbroadcast v2, $0xA;
	v21 =	vmul.f32 v21, v16;
	v26 =	vld [tilespmem:s0+$0xFFFFFFB0]  }
0x1bf: {  	v13 =	vmul.f32 v13, v19;
	v19 =	vmul.f32 v22, v20;
	v20 =	vld [tilespmem:s0+$0xFFFFFF80];
	[tilespmem:s0+$0xFFFFFFF0] =	vst v12  }
0x1c0: {  	v12 =	vbroadcast v2, $0x5;
	v22 =	vld [tilespmem:s0+$0xFFFFFEF0];
	v17 =	vmul.f32 v17, v14;
	[tilespmem:s0+$0xFFFFFFD0] =	vst v23  }
0x1c1: {  	v15 =	vmul.f32 v15, v18;
	[tilespmem:s0+$0xFFFFFE20] =	vst v13;
	v13 =	vbroadcast v2, $0x6;
	v23 =	vld [tilespmem:s0+$0xFFFFFF50]  }
0x1c2: {  	v27 =	vbroadcast v2, $0xB;
	v7 =	vmul.f32 v7, v12;
	v18 =	vld [tilespmem:s0+$0xFFFFFE30];
	[tilespmem:s0+$0xFFFFFFA0] =	vst v21  }
0x1c3: {  	v21 =	vbroadcast v2, $0x9;
	[tilespmem:s0+$0xFFFFFE60] =	vst v19;
	v19 =	vld [tilespmem:s0+$0xFFFFFF30];
	v14 =	vmul.f32 v26, v14  }
0x1c4: {  	v12 =	vmul.f32 v25, v12;
	v25 =	vld [tilespmem:s0+$0xFFFFFF60];
	v20 =	vmul.f32 v20, v27;
	[tilespmem:s0+$0xFFFFFFE0] =	vst v15  }
0x1c5: {  	v9 =	vmul.f32 v9, v16;
	v15 =	vbroadcast v2, $0x7;
	v26 =	vld [tilespmem:s0+$0xFFFFFF40];
	[tilespmem:s0+$0xFFFFFFB0] =	vst v14  }
0x1c6: {  	v10 =	vmul.f32 v10, v13;
	v14 =	vbroadcast v2, $0x3;
	v16 =	vld [tilespmem:s0+$0xFFFFFF10];
	[tilespmem:s0+$0xFFFFFF80] =	vst v20  }
0x1c7: {  	v11 =	vmul.f32 v11, v27;
	v8 =	vmul.f32 v8, v13;
	v13 =	vld [tilespmem:s0+$0xFFFFFF20];
	[tilespmem:s0+$0xFFFFFF90] =	vst v9  }
0x1c8: {  	v20 =	vbroadcast v2, $0x8;
	v23 =	vmul.f32 v23, v24;
	v9 =	vld [tilespmem:s0+$0xFFFFFE40];
	[tilespmem:s0+$0xFFFFFFC0] =	vst v17  }
0x1c9: {  	v17 =	vbroadcast v2, $0x1;
	v27 =	vld [tilespmem:s0+$0xFFFFFE80];
	[tilespmem:s0+$0xFFFFFEE0] =	vst v8;
	v24 =	vmul.f32 v25, v24  }
0x1ca: {  	v5 =	vmul.f32 v5, v15;
	v8 =	vmul.f32 v22, v15;
	[tilespmem:s0+$0xFFFFFED0] =	vst v10;
	v10 =	vld [tilespmem:s0+$0x0]  }
0x1cb: {  	v22 =	vmul.f32 v26, v21;
	v15 =	vld [tilespmem:s0+$0xFFFFFE90];
	[tilespmem:s0+$0xFFFFFEB0] =	vst v7;
	v16 =	vmul.f32 v16, v20  }
0x1cc: {  	v7 =	vld [tilespmem:s6+$0xFFFFFEB0];
	[tilespmem:s0+$0xFFFFFF00] =	vst v5;
	v20 =	vmul.f32 v13, v20;
	v5 =	vmul.f32 v19, v21  }
0x1cd: {  	v13 =	vmul.f32 v18, v17;
	v17 =	vmul.f32 v9, v17;
	[tilespmem:s0+$0xFFFFFF70] =	vst v11  }
0x1ce: {  	v1 =	vmul.f32 v1, v14;
	v9 =	vmul.f32 v27, v14;
	[tilespmem:s0+$0xFFFFFEC0] =	vst v12  }
0x1cf: {  	v2 =	vbroadcast v2, $0x4;
	[tilespmem:s0+$0xFFFFFE30] =	vst v13;
	v6 =	vmul.f32 v10, v6  }
0x1d0: {  	[tilespmem:s0+$0xFFFFFE70] =	vst v1  }
0x1d1: {  	v10 =	vmul.f32 v15, v2;
	v1 =	vmul.f32 v3, v2;
	[tilespmem:s0+$0xFFFFFF50] =	vst v23  }
0x1d2: {  	[tilespmem:s0+$0xFFFFFEF0] =	vst v8  }
0x1d3: {  	[tilespmem:s0+$0x0] =	vst v6  }
0x1d4: {  	[tilespmem:s0+$0xFFFFFEA0] =	vst v1  }
0x1d5: {  	[tilespmem:s0+$0xFFFFFE80] =	vst v9  }
0x1d6: {  	v12 =	vld [tilespmem:s6+$0xFFFFFFF0];
	[tilespmem:s0+$0xFFFFFF30] =	vst v5  }
0x1d7: {  	v1 =	vld [tilespmem:s6+$0xFFFFFE70];
	[tilespmem:s0+$0xFFFFFF40] =	vst v22  }
0x1d8: {  	v5 =	vld [tilespmem:s6+$0xFFFFFF00];
	[tilespmem:s0+$0xFFFFFE90] =	vst v10  }
0x1d9: {  	v8 =	vld [tilespmem:s6+$0xFFFFFEE0];
	[tilespmem:s0+$0xFFFFFF60] =	vst v24  }
0x1da: {  	v9 =	vld [tilespmem:s6+$0xFFFFFF90];
	[tilespmem:s0+$0xFFFFFF10] =	vst v16  }
0x1db: {  	v13 =	vld [tilespmem:s6+$0xFFFFFE20];
	[tilespmem:s0+$0xFFFFFE40] =	vst v17  }
0x1dc: {  	s7 =	sshra.s32 s7, $0x2;
	v11 =	vld [tilespmem:s6+$0xFFFFFE50];
	[tilespmem:s0+$0xFFFFFF20] =	vst v20;
	s0 =	smov.u32 s6  }
0x1dd: {  	v2 =	vld.idx.msk [tilespmem:v4+s7+$0x0 ss:$0x1], $0xffff  }
0x1de: {  	v3 =	vld [tilespmem:s6+$0xFFFFFEA0]  }
0x1df: {  	v10 =	vld [tilespmem:s6+$0xFFFFFED0]  }
0x1e0: {  	v14 =	vld [tilespmem:s6+$0xFFFFFE10]  }
0x1e1: {  	v15 =	vld [tilespmem:s6+$0xFFFFFFE0]  }
.Ltmp6:
0x1e2: {  	v23 =	vld [tilespmem:s6+$0xFFFFFFD0];
	(pc) =	sbr.rel @p1 .LBB2_11-.Ltmp6, $4  }
0x1e3: {  	v19 =	vbroadcast v2, $0x0;
	v6 =	vbroadcast v2, $0xF;
	v21 =	vld [tilespmem:s6+$0xFFFFFFA0]  }
0x1e4: {  	v20 =	vbroadcast v2, $0x2;
	v18 =	vbroadcast v2, $0xE;
	v22 =	vld [tilespmem:s6+$0xFFFFFE60]  }
0x1e5: {  	v25 =	vmul.f32 v19, v14;
	v14 =	vbroadcast v2, $0xD;
	v17 =	vld [tilespmem:s6+$0xFFFFFFC0]  }
0x1e6: {  	v16 =	vbroadcast v2, $0xC;
	v24 =	vmul.f32 v11, v20;
	v11 =	vld [tilespmem:s6+$0xFFFFFF70]  }
0x1e7: {  	[tilespmem:s0+$0xFFFFFE10] =	vst v25;
	v4 =	vmul.f32 v12, v6  }
0x1e8: {  	v30 =	vmul.f32 v23, v18;
	[tilespmem:s0+$0xFFFFFE50] =	vst v24  }
0x1e9: {  	v13 =	vmul.f32 v13, v19;
	[tilespmem:s0+$0xFFFFFFF0] =	vst v4  }
0x1ea: {  	v35 =	vmul.f32 v15, v18;
	[tilespmem:s0+$0xFFFFFFD0] =	vst v30  }
0x1eb: {  	v33 =	vmul.f32 v21, v16;
	[tilespmem:s0+$0xFFFFFE20] =	vst v13  }
0x1ec: {  	v41 =	vbroadcast v2, $0x6;
	v9 =	vmul.f32 v9, v16;
	[tilespmem:s0+$0xFFFFFFE0] =	vst v35  }
0x1ed: {  	v20 =	vmul.f32 v22, v20;
	[tilespmem:s0+$0xFFFFFFA0] =	vst v33  }
0x1ee: {  	v45 =	vbroadcast v2, $0x5;
	v8 =	vmul.f32 v8, v41;
	[tilespmem:s0+$0xFFFFFF90] =	vst v9  }
0x1ef: {  	v47 =	vbroadcast v2, $0x7;
	v10 =	vmul.f32 v10, v41;
	[tilespmem:s0+$0xFFFFFE60] =	vst v20  }
0x1f0: {  	v54 =	vbroadcast v2, $0x3;
	v7 =	vmul.f32 v7, v45;
	[tilespmem:s0+$0xFFFFFEE0] =	vst v8  }
0x1f1: {  	v31 =	vld [tilespmem:s0+$0xFFFFFFB0];
	v59 =	vbroadcast v2, $0x4;
	v5 =	vmul.f32 v5, v47;
	[tilespmem:s0+$0xFFFFFED0] =	vst v10  }
0x1f2: {  	v32 =	vld [tilespmem:s0+$0xFFFFFF80];
	v1 =	vmul.f32 v1, v54;
	[tilespmem:s0+$0xFFFFFEB0] =	vst v7  }
0x1f3: {  	v34 =	vld [tilespmem:s0+$0xFFFFFEC0];
	v37 =	vbroadcast v2, $0xB;
	v3 =	vmul.f32 v3, v59;
	[tilespmem:s0+$0xFFFFFF00] =	vst v5  }
0x1f4: {  	v36 =	vld [tilespmem:s0+$0xFFFFFE30];
	v43 =	vmul.f32 v17, v14;
	[tilespmem:s0+$0xFFFFFE70] =	vst v1  }
0x1f5: {  	v40 =	vld [tilespmem:s0+$0xFFFFFF50];
	v11 =	vmul.f32 v11, v37;
	[tilespmem:s0+$0xFFFFFEA0] =	vst v3  }
0x1f6: {  	v38 =	vld [tilespmem:s0+$0xFFFFFEF0];
	v39 =	vmul.f32 v31, v14;
	[tilespmem:s0+$0xFFFFFFC0] =	vst v43  }
0x1f7: {  	v52 =	vbroadcast v2, $0x1;
	v55 =	vld [tilespmem:s0+$0x0];
	v19 =	vmul.f32 v32, v37;
	[tilespmem:s0+$0xFFFFFF70] =	vst v11  }
0x1f8: {  	v49 =	vld [tilespmem:s0+$0xFFFFFE80];
	v56 =	vbroadcast v2, $0xA;
	v53 =	vmul.f32 v34, v45;
	[tilespmem:s0+$0xFFFFFFB0] =	vst v39  }
0x1f9: {  	v46 =	vld [tilespmem:s0+$0xFFFFFF40];
	v15 =	vmul.f32 v36, v52;
	[tilespmem:s0+$0xFFFFFF80] =	vst v19  }
0x1fa: {  	v50 =	vld [tilespmem:s0+$0xFFFFFE90];
	v58 =	vmul.f32 v40, v56;
	[tilespmem:s0+$0xFFFFFEC0] =	vst v53  }
0x1fb: {  	v44 =	vld [tilespmem:s0+$0xFFFFFF30];
	v4 =	vmul.f32 v38, v47;
	[tilespmem:s0+$0xFFFFFE30] =	vst v15  }
0x1fc: {  	v57 =	vld [tilespmem:s0+$0xFFFFFE40];
	v60 =	vbroadcast v2, $0x9;
	v1 =	vmul.f32 v55, v6;
	[tilespmem:s0+$0xFFFFFF50] =	vst v58  }
0x1fd: {  	v42 =	vld [tilespmem:s0+$0xFFFFFF60];
	v61 =	vmul.f32 v49, v54;
	[tilespmem:s0+$0xFFFFFEF0] =	vst v4  }
0x1fe: {  	v48 =	vld [tilespmem:s0+$0xFFFFFF10];
	v3 =	vmul.f32 v46, v60;
	[tilespmem:s0+$0x0] =	vst v1  }
0x1ff: {  	v51 =	vld [tilespmem:s0+$0xFFFFFF20];
	v62 =	vmul.f32 v50, v59;
	[tilespmem:s0+$0xFFFFFE80] =	vst v61  }
0x200: {  	v1 =	vmul.f32 v44, v60;
	[tilespmem:s0+$0xFFFFFF40] =	vst v3  }
0x201: {  	v2 =	vbroadcast v2, $0x8;
	v63 =	vmul.f32 v57, v52;
	[tilespmem:s0+$0xFFFFFE90] =	vst v62  }
0x202: {  	[tilespmem:s0+$0xFFFFFF30] =	vst v1;
	v1 =	vmul.f32 v42, v56  }
.Ltmp7:
0x203: {  	v3 =	vmul.f32 v48, v2;
	[tilespmem:s0+$0xFFFFFE40] =	vst v63;
	(pc) =	sbr.rel @p0 .LBB2_14-.Ltmp7, $4  }
0x204: {  	[tilespmem:s0+$0xFFFFFF60] =	vst v1;
	v1 =	vmul.f32 v51, v2  }
0x205: {  	s5 =	sshrl.u32 s10, $0x2;
	[tilespmem:s0+$0xFFFFFF10] =	vst v3  }
0x206: {  	s22 =	sadd.s32 $0x5000, s5;
	[tilespmem:s0+$0xFFFFFF20] =	vst v1  }
0x207: {  	[spmem:s2] =	stream.indirect.scatter.add.f32 [tilespmem:s31], [sflag:$0x8], $0x20, s22, s24, $0xb8;
	[tilespmem:$0x1E000] =	vst v63  }
.Ltmp8:
0x208: {  	(pc) =	sbr.rel .LBB2_4-.Ltmp8, $4  }
0x209: {  	_ =	swait.ge [sflag:s11], $0x1000;
	s0 =	sadd.s32 $0x300, s19;
	s14 =	sadd.s32 $0x1, s14  }
0x20a: {  	s15 =	sadd.s32 $0x200, s15;
	s16 =	sadd.s32 $0x200, s16;
	[sflag:s11] =	ssyncset.done $0x0  }
0x20b: {  	s17 =	sadd.s32 $0x200, s17;
	s18 =	sadd.s32 $0x200, s18;
	[sflag:s11] =	ssyncadd.s32 $0xFFFFF000  }
0x20c: {  	[tilespmem:s29], [sflag:$0x3] =	stream.indirect.gather [spmem:s3], $0x20, s0, s24, $0xb8;
	[tilespmem:$0x1E000] =	vst v63  }
.LBB2_15:
0x20d: {  	_ =	sfence.sel $0x180000  }
0x20e: {  	[bflag:$0x0] =	sbarrier.arrive $0xFFFF  }
0x20f: {  	_ =	strace $0x90000047  }
0x210: {  	s0 =	stileid.u32;
	[bflag:$0x2] =	sbarrier.arrive $0xFFFF  }
0x211: {  	p0 =	sne.s32 s0, $0x0;
	s0 =	rddreg [dreg:$0x4]  }
0x212: {  	s0 =	sadd.s32 @!p0 $0x100000, s0  }
0x213: {  	[sflag:s0] =	ssyncadd.tile.s32 @!p0 $0x1;
	_ =	shalt  }
.Lfunc_end2:
_tile_overlayer_lowered:
.L_overlay_start_2:
0x214: {  	(tag) =	ssettag $0x2  }
0x215: {  	s0 =	rddreg [dreg:$0x0];
	s2 =	stileid.u32  }
0x216: {  	s1 =	rddreg [dreg:$0x1];
	p0 =	sne.s32 s2, $0x0  }
0x217: {  	s3 =	rddreg [dreg:$0x2];
	[bflag:$0x3] =	sbarrier.arrive $0xFFFF;
	s2 =	simm.s32 @!p0 $0x1C09  }
0x218: {  	[timem:s3], [sflag:s2] =	dma.local @!p0 [hbm:s0], s1  }
0x219: {  	s0 =	simm.s32 @!p0 $0x9  }
0x21a: {  	_ =	swait.ge @!p0 [sflag:s0], s1  }
0x21b: {  	s1 =	ssub.s32 @!p0 $0x0, s1;
	[sflag:s0] =	ssyncset.done @!p0 $0x0  }
0x21c: {  	[sflag:s0] =	ssyncadd.s32 @!p0 s1  }
0x21d: {  	[bflag:$0x3] =	sbarrier.arrive $0xFFFF  }
0x21e: {  	_ =	shalt  }

</sc_bundles>
